<compile_context>
chip_gen: v7x
topology: tpu7x:2x2x1
jax: 0.10.2.dev20260603
libtpu: 0.0.44.dev20260713+nightly
codegen_flags: <defaults>
</compile_context>

<pallas_src>
import functools

import jax
import jax.numpy as jnp
from jax import lax
from jax.experimental import pallas as pl
from jax.experimental.pallas import tpu as pltpu
from jax.experimental.pallas import tpu_sc as plsc

HARTREE = 2625.4996394798254
NC, NS, L = 2, 16, 16
NW = NC * NS
D = 64


def _sc_body(sp_hbm, c_hbm, q_hbm, tm_hbm, w1t_hbm, wbt_hbm,
             w17_hbm, wc0_hbm, ae_hbm, out_hbm, spo_hbm, sp_v, x_v, y_v,
             z_v, q_v, tm_v, w1t_v, wbt_v, w17_v, wc0_v, ae_v, ev_v, sem,
             chunk, last, n):
    wid = lax.axis_index("s") * NC + lax.axis_index("c")
    base = wid * chunk
    is_last = wid == NW - 1

    cps = [
        pltpu.async_copy(w17_hbm, w17_v, sem),
        pltpu.async_copy(wc0_hbm, wc0_v, sem),
        pltpu.async_copy(tm_hbm, tm_v, sem),
        pltpu.async_copy(w1t_hbm, w1t_v, sem),
        pltpu.async_copy(wbt_hbm, wbt_v, sem),
        pltpu.async_copy(ae_hbm, ae_v, sem),
    ]

    @pl.when(jnp.logical_not(is_last))
    def _():
        cps2 = [
            pltpu.async_copy(sp_hbm.at[pl.ds(base, chunk)], sp_v, sem),
            pltpu.async_copy(c_hbm.at[pl.ds(base, chunk)], x_v, sem),
            pltpu.async_copy(c_hbm.at[pl.ds(n + base, chunk)], y_v, sem),
            pltpu.async_copy(c_hbm.at[pl.ds(2 * n + base, chunk)], z_v, sem),
            pltpu.async_copy(q_hbm.at[pl.ds(base, chunk)], q_v, sem),
        ]
        for c in cps2:
            c.wait()
        pltpu.sync_copy(sp_v, spo_hbm.at[pl.ds(base, chunk)])

    @pl.when(is_last)
    def _():
        cps2 = [
            pltpu.async_copy(sp_hbm.at[pl.ds(base, last)],
                             sp_v.at[pl.ds(0, last)], sem),
            pltpu.async_copy(c_hbm.at[pl.ds(base, last)],
                             x_v.at[pl.ds(0, last)], sem),
            pltpu.async_copy(c_hbm.at[pl.ds(n + base, last)],
                             y_v.at[pl.ds(0, last)], sem),
            pltpu.async_copy(c_hbm.at[pl.ds(2 * n + base, last)],
                             z_v.at[pl.ds(0, last)], sem),
            pltpu.async_copy(q_hbm.at[pl.ds(base, last)],
                             q_v.at[pl.ds(0, last)], sem),
        ]
        for c in cps2:
            c.wait()
        pltpu.sync_copy(sp_v.at[pl.ds(0, last)],
                        spo_hbm.at[pl.ds(base, last)])

    for c in cps:
        c.wait()

    zero = jnp.zeros((L,), jnp.float32)

    def group(b16, acc0, acc1, acc2, acc3, e_acc):
        sp16 = sp_v[pl.ds(b16, L)]
        t16 = jnp.maximum(plsc.load_gather(tm_v, [sp16]), 0)
        q16 = q_v[pl.ds(b16, L)]
        x16 = x_v[pl.ds(b16, L)]
        y16 = y_v[pl.ds(b16, L)]
        z16 = z_v[pl.ds(b16, L)]
        e_acc = e_acc + plsc.load_gather(ae_v, [t16])
        w17c = [w17_v[pl.ds(c * L, L)] for c in range(4)]
        wc0c = [wc0_v[pl.ds(c * L, L)] for c in range(4)]
        gacc = [zero, zero, zero, zero]
        for j in range(L):
            for c in range(4):
                d = c * L + j
                w1d = plsc.load_gather(w1t_v.at[pl.ds(d * 32, 32)], [t16])
                wc1b = wbt_v[pl.ds(d * 48, L)]
                wc2b = wbt_v[pl.ds(d * 48 + L, L)]
                w2b = wbt_v[pl.ds(d * 48 + 2 * L, L)]
                gv = (w1d + q16 * w17c[c][j] + x16 * wc0c[c][j] + y16 * wc1b
                      + z16 * wc2b)
                gacc[c] = gacc[c] + jnp.maximum(gv, 0.0) * w2b
        return (acc0 + gacc[0], acc1 + gacc[1], acc2 + gacc[2],
                acc3 + gacc[3], e_acc)

    def body(grp, carry):
        return group(grp * L, *carry)

    ngroups = jnp.where(is_last, last // L, chunk // L)
    acc0, acc1, acc2, acc3, e_acc = lax.fori_loop(
        0, ngroups, body, (zero, zero, zero, zero, zero))

    ev = acc0 + acc1 + acc2 + acc3 + e_acc
    ev_v[...] = ev * jnp.float32(1.0 / HARTREE)
    pltpu.sync_copy(ev_v, out_hbm.at[wid])


def _tc_reduce_body(p_ref, o_ref):
    o_ref[0, 0] = jnp.sum(p_ref[...])


@jax.jit
def kernel(species, coords, atomic_charges, types_map, W1, Wc, b1, w2,
           atomic_energies):
    n = species.shape[1]
    chunk = ((n + NW - 1) // NW + 15) // 16 * 16
    last = n - (NW - 1) * chunk

    def rb(x):
        return x.astype(jnp.bfloat16).astype(jnp.float32)

    cpl = rb(jnp.transpose(coords, (0, 2, 1)) * 0.1).reshape(-1)
    atomic_charges = rb(atomic_charges)
    tmp = jnp.pad(types_map, (0, 128 - types_map.shape[0]))
    w1b = rb(W1[:17]) + b1
    w1t = jnp.pad(w1b.T, ((0, 0), (0, 32 - 17))).reshape(-1)
    wbt = jnp.broadcast_to(
        jnp.stack([rb(Wc[1]), rb(Wc[2]), rb(w2)], axis=1)[:, :, None],
        (D, 3, L)).reshape(-1)
    w17 = rb(W1[17])
    wc0 = rb(Wc[0])
    aep = jnp.pad(atomic_energies, (0, 32 - atomic_energies.shape[0]))

    mesh = plsc.VectorSubcoreMesh(core_axis_name="c", subcore_axis_name="s",
                                  num_cores=NC, num_subcores=NS)
    sc_call = pl.kernel(
        functools.partial(_sc_body, chunk=chunk, last=last, n=n),
        out_type=(jax.ShapeDtypeStruct((NW, L), jnp.float32),
                  jax.ShapeDtypeStruct((n,), jnp.int32)),
        mesh=mesh,
        compiler_params=pltpu.CompilerParams(needs_layout_passes=False),
        scratch_types=[
            pltpu.VMEM((chunk,), jnp.int32),
            pltpu.VMEM((chunk,), jnp.float32),
            pltpu.VMEM((chunk,), jnp.float32),
            pltpu.VMEM((chunk,), jnp.float32),
            pltpu.VMEM((chunk,), jnp.float32),
            pltpu.VMEM((128,), jnp.int32),
            pltpu.VMEM((D * 32,), jnp.float32),
            pltpu.VMEM((D * 3 * L,), jnp.float32),
            pltpu.VMEM((D,), jnp.float32),
            pltpu.VMEM((D,), jnp.float32),
            pltpu.VMEM((32,), jnp.float32),
            pltpu.VMEM((L,), jnp.float32),
            pltpu.SemaphoreType.DMA,
        ],
    )
    partials, sp_out = sc_call(species.reshape(-1), cpl,
                               atomic_charges, tmp, w1t, wbt, w17, wc0, aep)

    energy = pl.pallas_call(
        _tc_reduce_body,
        out_shape=jax.ShapeDtypeStruct((1, 1), jnp.float32),
        in_specs=[pl.BlockSpec(memory_space=pltpu.VMEM)],
        out_specs=pl.BlockSpec(memory_space=pltpu.SMEM),
    )(partials)

    return sp_out, energy.reshape(1)

# --- scband reference (transcript-rebuilt; emitter-appended) ---
"""Pipeline reference for scband-nutmeg-wrapper-28089086115943 (READ-ONLY COPY).

The authoritative reference and input builder live on the scoring server;
editing this copy changes nothing except your own understanding.
"""

import jax, jax.numpy as jnp
import numpy as np

HARTREE_TO_KJOULEPERMOL = 2625.4996394798254
_ZNUM_IDX_MAP = {1: 0, 3: 1, 5: 2, 6: 3, 7: 4, 8: 5, 9: 6, 11: 7, 12: 8, 14: 9, 15: 10, 16: 11, 17: 12, 19: 13, 20: 14, 35: 15, 53: 16}
N_ATOMS = 100000
D_HIDDEN = 64


def _build_types_map():
    m = np.full((118,), -1, dtype=np.int32)
    for k, v in _ZNUM_IDX_MAP.items():
        m[k] = v
    return jnp.asarray(m)


def setup_inputs(seed: int = 0) -> dict:
    key = jax.random.key(seed)
    ks = jax.random.split(key, 8)
    species = jnp.ones((1, N_ATOMS), dtype=jnp.int32)
    coords = jax.random.normal(ks[0], (1, N_ATOMS, 3), dtype=jnp.float32)
    atomic_charges = 0.1 * jax.random.normal(ks[1], (N_ATOMS,), dtype=jnp.float32)
    W1 = 0.1 * jax.random.normal(ks[2], (18, D_HIDDEN), dtype=jnp.float32)
    Wc = 0.1 * jax.random.normal(ks[3], (3, D_HIDDEN), dtype=jnp.float32)
    b1 = jnp.zeros((D_HIDDEN,), dtype=jnp.float32)
    w2 = 0.1 * jax.random.normal(ks[4], (D_HIDDEN,), dtype=jnp.float32)
    atomic_energies = 0.1 * jax.random.normal(ks[5], (17,), dtype=jnp.float32)
    types_map = _build_types_map()
    return {"species": species, "coords": coords, "atomic_charges": atomic_charges, "types_map": types_map, "W1": W1, "Wc": Wc, "b1": b1, "w2": w2, "atomic_energies": atomic_energies}


def _model(coords, types, node_attrs, W1, Wc, b1, w2, atomic_energies):
    h = jax.nn.relu(node_attrs @ W1 + coords @ Wc + b1)
    e_atom = h @ w2 + jnp.take(atomic_energies, types, axis=0)
    return jnp.sum(e_atom)


def reference(species, coords, atomic_charges, types_map, W1, Wc, b1, w2, atomic_energies):
    sp = jnp.squeeze(species, 0)
    xyz = jnp.squeeze(coords, 0) * 0.1
    atom_types = jnp.take(types_map, sp, axis=0)
    one_hot_z = jax.nn.one_hot(atom_types, 17, dtype=xyz.dtype)
    node_attrs = jnp.concatenate([one_hot_z, atomic_charges.reshape(-1, 1)], axis=1)
    energy = _model(xyz, atom_types, node_attrs, W1, Wc, b1, w2, atomic_energies).reshape(1)
    return sp, energy * (1.0 / HARTREE_TO_KJOULEPERMOL)

if __name__ == "__main__":
    import jax
    _d = setup_inputs()
    print(jax.jit(kernel)(*tuple(_d.values())))

</pallas_src>

<mosaic_0001>
#map = affine_map<(d0, d1) -> (0)>
#map1 = affine_map<(d0, d1) -> (0, 0)>
module attributes {stable_mosaic.version = 14 : i64} {
  func.func @_sc_body(%arg0: i32, %arg1: i32, %arg2: memref<100000xi32, #tpu.memory_space<hbm>>, %arg3: memref<300000xf32, #tpu.memory_space<hbm>>, %arg4: memref<100000xf32, #tpu.memory_space<hbm>>, %arg5: memref<128xi32, #tpu.memory_space<hbm>>, %arg6: memref<2048xf32, #tpu.memory_space<hbm>>, %arg7: memref<3072xf32, #tpu.memory_space<hbm>>, %arg8: memref<64xf32, #tpu.memory_space<hbm>>, %arg9: memref<64xf32, #tpu.memory_space<hbm>>, %arg10: memref<32xf32, #tpu.memory_space<hbm>>, %arg11: memref<32x16xf32, #tpu.memory_space<hbm>>, %arg12: memref<100000xi32, #tpu.memory_space<hbm>>, %arg13: memref<3136xi32, #tpu.memory_space<vmem>>, %arg14: memref<3136xf32, #tpu.memory_space<vmem>>, %arg15: memref<3136xf32, #tpu.memory_space<vmem>>, %arg16: memref<3136xf32, #tpu.memory_space<vmem>>, %arg17: memref<3136xf32, #tpu.memory_space<vmem>>, %arg18: memref<128xi32, #tpu.memory_space<vmem>>, %arg19: memref<2048xf32, #tpu.memory_space<vmem>>, %arg20: memref<3072xf32, #tpu.memory_space<vmem>>, %arg21: memref<64xf32, #tpu.memory_space<vmem>>, %arg22: memref<64xf32, #tpu.memory_space<vmem>>, %arg23: memref<32xf32, #tpu.memory_space<vmem>>, %arg24: memref<16xf32, #tpu.memory_space<vmem>>, %arg25: memref<!tpu.dma_semaphore, #tpu.memory_space<semaphore_mem>>) attributes {dimension_semantics = [#tpu.dimension_semantics<core_parallel>, #tpu.dimension_semantics<subcore_parallel>], iteration_bounds = array<i64: 2, 16>, scalar_prefetch = 0 : i64, scratch_operands = 13 : i64, tpu.core_type = #tpu.core_type<sc_vector_subcore>, window_params = [{transform_indices = #map}, {transform_indices = #map}, {transform_indices = #map}, {transform_indices = #map}, {transform_indices = #map}, {transform_indices = #map}, {transform_indices = #map}, {transform_indices = #map}, {transform_indices = #map}, {transform_indices = #map1}, {transform_indices = #map}]} {
    %mul3A = arith.constant 2 : i32
    %mul3A_0 = arith.muli %arg1, %mul3A : i32
    %add3A = arith.addi %mul3A_0, %arg0 : i32
    %mul3A_1 = arith.constant 3136 : i32
    %mul3A_2 = arith.muli %add3A, %mul3A_1 : i32
    %eq3A = arith.constant 31 : i32
    %eq3A_3 = arith.cmpi eq, %add3A, %eq3A : i32
    tpu.enqueue_dma source(%arg8 : memref<64xf32, #tpu.memory_space<hbm>>) target(%arg21 : memref<64xf32, #tpu.memory_space<vmem>>) target_semaphore(%arg25 : memref<!tpu.dma_semaphore, #tpu.memory_space<semaphore_mem>>)
    tpu.enqueue_dma source(%arg9 : memref<64xf32, #tpu.memory_space<hbm>>) target(%arg22 : memref<64xf32, #tpu.memory_space<vmem>>) target_semaphore(%arg25 : memref<!tpu.dma_semaphore, #tpu.memory_space<semaphore_mem>>)
    tpu.enqueue_dma source(%arg5 : memref<128xi32, #tpu.memory_space<hbm>>) target(%arg18 : memref<128xi32, #tpu.memory_space<vmem>>) target_semaphore(%arg25 : memref<!tpu.dma_semaphore, #tpu.memory_space<semaphore_mem>>)
    tpu.enqueue_dma source(%arg6 : memref<2048xf32, #tpu.memory_space<hbm>>) target(%arg19 : memref<2048xf32, #tpu.memory_space<vmem>>) target_semaphore(%arg25 : memref<!tpu.dma_semaphore, #tpu.memory_space<semaphore_mem>>)
    tpu.enqueue_dma source(%arg7 : memref<3072xf32, #tpu.memory_space<hbm>>) target(%arg20 : memref<3072xf32, #tpu.memory_space<vmem>>) target_semaphore(%arg25 : memref<!tpu.dma_semaphore, #tpu.memory_space<semaphore_mem>>)
    tpu.enqueue_dma source(%arg10 : memref<32xf32, #tpu.memory_space<hbm>>) target(%arg23 : memref<32xf32, #tpu.memory_space<vmem>>) target_semaphore(%arg25 : memref<!tpu.dma_semaphore, #tpu.memory_space<semaphore_mem>>)
    %not3A = arith.constant true
    %not3A_4 = arith.xori %eq3A_3, %not3A : i1
    %convert_element_type3A = arith.extui %not3A_4 : i1 to i32
    %cond3A = arith.constant 0 : i32
    %cond3A_5 = arith.cmpi ne, %convert_element_type3A, %cond3A : i32
    scf.if %cond3A_5 {
      %dma_start3A = tpu.memref_slice %arg2[%mul3A_2] : memref<100000xi32, #tpu.memory_space<hbm>> -> memref<3136xi32, #tpu.memory_space<hbm>>
      %dma_start3A_29 = tpu.memref_slice %arg2[%mul3A_2] : memref<100000xi32, #tpu.memory_space<hbm>> -> memref<3136xi32, #tpu.memory_space<hbm>>
      tpu.enqueue_dma source(%dma_start3A_29 : memref<3136xi32, #tpu.memory_space<hbm>>) target(%arg13 : memref<3136xi32, #tpu.memory_space<vmem>>) target_semaphore(%arg25 : memref<!tpu.dma_semaphore, #tpu.memory_space<semaphore_mem>>)
      %dma_start3A_30 = tpu.memref_slice %arg3[%mul3A_2] : memref<300000xf32, #tpu.memory_space<hbm>> -> memref<3136xf32, #tpu.memory_space<hbm>>
      %dma_start3A_31 = tpu.memref_slice %arg3[%mul3A_2] : memref<300000xf32, #tpu.memory_space<hbm>> -> memref<3136xf32, #tpu.memory_space<hbm>>
      tpu.enqueue_dma source(%dma_start3A_31 : memref<3136xf32, #tpu.memory_space<hbm>>) target(%arg14 : memref<3136xf32, #tpu.memory_space<vmem>>) target_semaphore(%arg25 : memref<!tpu.dma_semaphore, #tpu.memory_space<semaphore_mem>>)
      %add3A_32 = arith.constant 100000 : i32
      %add3A_33 = arith.addi %add3A_32, %mul3A_2 : i32
      %dma_start3A_34 = tpu.memref_slice %arg3[%add3A_33] : memref<300000xf32, #tpu.memory_space<hbm>> -> memref<3136xf32, #tpu.memory_space<hbm>>
      %dma_start3A_35 = tpu.memref_slice %arg3[%add3A_33] : memref<300000xf32, #tpu.memory_space<hbm>> -> memref<3136xf32, #tpu.memory_space<hbm>>
      tpu.enqueue_dma source(%dma_start3A_35 : memref<3136xf32, #tpu.memory_space<hbm>>) target(%arg15 : memref<3136xf32, #tpu.memory_space<vmem>>) target_semaphore(%arg25 : memref<!tpu.dma_semaphore, #tpu.memory_space<semaphore_mem>>)
      %add3A_36 = arith.constant 200000 : i32
      %add3A_37 = arith.addi %add3A_36, %mul3A_2 : i32
      %dma_start3A_38 = tpu.memref_slice %arg3[%add3A_37] : memref<300000xf32, #tpu.memory_space<hbm>> -> memref<3136xf32, #tpu.memory_space<hbm>>
      %dma_start3A_39 = tpu.memref_slice %arg3[%add3A_37] : memref<300000xf32, #tpu.memory_space<hbm>> -> memref<3136xf32, #tpu.memory_space<hbm>>
      tpu.enqueue_dma source(%dma_start3A_39 : memref<3136xf32, #tpu.memory_space<hbm>>) target(%arg16 : memref<3136xf32, #tpu.memory_space<vmem>>) target_semaphore(%arg25 : memref<!tpu.dma_semaphore, #tpu.memory_space<semaphore_mem>>)
      %dma_start3A_40 = tpu.memref_slice %arg4[%mul3A_2] : memref<100000xf32, #tpu.memory_space<hbm>> -> memref<3136xf32, #tpu.memory_space<hbm>>
      %dma_start3A_41 = tpu.memref_slice %arg4[%mul3A_2] : memref<100000xf32, #tpu.memory_space<hbm>> -> memref<3136xf32, #tpu.memory_space<hbm>>
      tpu.enqueue_dma source(%dma_start3A_41 : memref<3136xf32, #tpu.memory_space<hbm>>) target(%arg17 : memref<3136xf32, #tpu.memory_space<vmem>>) target_semaphore(%arg25 : memref<!tpu.dma_semaphore, #tpu.memory_space<semaphore_mem>>)
      %dma_wait3A = tpu.memref_slice %arg2[%mul3A_2] : memref<100000xi32, #tpu.memory_space<hbm>> -> memref<3136xi32, #tpu.memory_space<hbm>>
      %dma_wait3A_42 = tpu.memref_slice %arg2[%mul3A_2] : memref<100000xi32, #tpu.memory_space<hbm>> -> memref<3136xi32, #tpu.memory_space<hbm>>
      tpu.wait_dma2 semaphore(%arg25 : memref<!tpu.dma_semaphore, #tpu.memory_space<semaphore_mem>>) src(%dma_wait3A_42 : memref<3136xi32, #tpu.memory_space<hbm>>) dst(%arg13 : memref<3136xi32, #tpu.memory_space<vmem>>)
      %dma_wait3A_43 = tpu.memref_slice %arg3[%mul3A_2] : memref<300000xf32, #tpu.memory_space<hbm>> -> memref<3136xf32, #tpu.memory_space<hbm>>
      %dma_wait3A_44 = tpu.memref_slice %arg3[%mul3A_2] : memref<300000xf32, #tpu.memory_space<hbm>> -> memref<3136xf32, #tpu.memory_space<hbm>>
      tpu.wait_dma2 semaphore(%arg25 : memref<!tpu.dma_semaphore, #tpu.memory_space<semaphore_mem>>) src(%dma_wait3A_44 : memref<3136xf32, #tpu.memory_space<hbm>>) dst(%arg14 : memref<3136xf32, #tpu.memory_space<vmem>>)
      %dma_wait3A_45 = tpu.memref_slice %arg3[%add3A_33] : memref<300000xf32, #tpu.memory_space<hbm>> -> memref<3136xf32, #tpu.memory_space<hbm>>
      %dma_wait3A_46 = tpu.memref_slice %arg3[%add3A_33] : memref<300000xf32, #tpu.memory_space<hbm>> -> memref<3136xf32, #tpu.memory_space<hbm>>
      tpu.wait_dma2 semaphore(%arg25 : memref<!tpu.dma_semaphore, #tpu.memory_space<semaphore_mem>>) src(%dma_wait3A_46 : memref<3136xf32, #tpu.memory_space<hbm>>) dst(%arg15 : memref<3136xf32, #tpu.memory_space<vmem>>)
      %dma_wait3A_47 = tpu.memref_slice %arg3[%add3A_37] : memref<300000xf32, #tpu.memory_space<hbm>> -> memref<3136xf32, #tpu.memory_space<hbm>>
      %dma_wait3A_48 = tpu.memref_slice %arg3[%add3A_37] : memref<300000xf32, #tpu.memory_space<hbm>> -> memref<3136xf32, #tpu.memory_space<hbm>>
      tpu.wait_dma2 semaphore(%arg25 : memref<!tpu.dma_semaphore, #tpu.memory_space<semaphore_mem>>) src(%dma_wait3A_48 : memref<3136xf32, #tpu.memory_space<hbm>>) dst(%arg16 : memref<3136xf32, #tpu.memory_space<vmem>>)
      %dma_wait3A_49 = tpu.memref_slice %arg4[%mul3A_2] : memref<100000xf32, #tpu.memory_space<hbm>> -> memref<3136xf32, #tpu.memory_space<hbm>>
      %dma_wait3A_50 = tpu.memref_slice %arg4[%mul3A_2] : memref<100000xf32, #tpu.memory_space<hbm>> -> memref<3136xf32, #tpu.memory_space<hbm>>
      tpu.wait_dma2 semaphore(%arg25 : memref<!tpu.dma_semaphore, #tpu.memory_space<semaphore_mem>>) src(%dma_wait3A_50 : memref<3136xf32, #tpu.memory_space<hbm>>) dst(%arg17 : memref<3136xf32, #tpu.memory_space<vmem>>)
      "tpu.region"() ({
        %run_scoped3A = tpu.sem_alloc : memref<!tpu.dma_semaphore, #tpu.memory_space<semaphore_mem>>
        %dma_start3A_51 = tpu.memref_slice %arg12[%mul3A_2] : memref<100000xi32, #tpu.memory_space<hbm>> -> memref<3136xi32, #tpu.memory_space<hbm>>
        %dma_start3A_52 = tpu.memref_slice %arg12[%mul3A_2] : memref<100000xi32, #tpu.memory_space<hbm>> -> memref<3136xi32, #tpu.memory_space<hbm>>
        tpu.enqueue_dma source(%arg13 : memref<3136xi32, #tpu.memory_space<vmem>>) target(%dma_start3A_52 : memref<3136xi32, #tpu.memory_space<hbm>>) target_semaphore(%run_scoped3A : memref<!tpu.dma_semaphore, #tpu.memory_space<semaphore_mem>>)
        %dma_wait3A_53 = tpu.memref_slice %arg12[%mul3A_2] : memref<100000xi32, #tpu.memory_space<hbm>> -> memref<3136xi32, #tpu.memory_space<hbm>>
        %dma_wait3A_54 = tpu.memref_slice %arg12[%mul3A_2] : memref<100000xi32, #tpu.memory_space<hbm>> -> memref<3136xi32, #tpu.memory_space<hbm>>
        tpu.wait_dma2 semaphore(%run_scoped3A : memref<!tpu.dma_semaphore, #tpu.memory_space<semaphore_mem>>) src(%arg13 : memref<3136xi32, #tpu.memory_space<vmem>>) dst(%dma_wait3A_54 : memref<3136xi32, #tpu.memory_space<hbm>>)
        tpu.yield
      }) : () -> ()
    } else {
    }
    %convert_element_type3A_6 = arith.extui %eq3A_3 : i1 to i32
    %cond3A_7 = arith.constant 0 : i32
    %cond3A_8 = arith.cmpi ne, %convert_element_type3A_6, %cond3A_7 : i32
    scf.if %cond3A_8 {
      %dma_start3A = arith.constant 0 : i32
      %dma_start3A_29 = tpu.memref_slice %arg13[%dma_start3A] : memref<3136xi32, #tpu.memory_space<vmem>> -> memref<2784xi32, #tpu.memory_space<vmem>>
      %dma_start3A_30 = tpu.memref_slice %arg2[%mul3A_2] : memref<100000xi32, #tpu.memory_space<hbm>> -> memref<2784xi32, #tpu.memory_space<hbm>>
      %dma_start3A_31 = arith.constant 0 : i32
      %dma_start3A_32 = tpu.memref_slice %arg13[%dma_start3A_31] : memref<3136xi32, #tpu.memory_space<vmem>> -> memref<2784xi32, #tpu.memory_space<vmem>>
      %dma_start3A_33 = tpu.memref_slice %arg2[%mul3A_2] : memref<100000xi32, #tpu.memory_space<hbm>> -> memref<2784xi32, #tpu.memory_space<hbm>>
      tpu.enqueue_dma source(%dma_start3A_33 : memref<2784xi32, #tpu.memory_space<hbm>>) target(%dma_start3A_32 : memref<2784xi32, #tpu.memory_space<vmem>>) target_semaphore(%arg25 : memref<!tpu.dma_semaphore, #tpu.memory_space<semaphore_mem>>)
      %dma_start3A_34 = arith.constant 0 : i32
      %dma_start3A_35 = tpu.memref_slice %arg14[%dma_start3A_34] : memref<3136xf32, #tpu.memory_space<vmem>> -> memref<2784xf32, #tpu.memory_space<vmem>>
      %dma_start3A_36 = tpu.memref_slice %arg3[%mul3A_2] : memref<300000xf32, #tpu.memory_space<hbm>> -> memref<2784xf32, #tpu.memory_space<hbm>>
      %dma_start3A_37 = arith.constant 0 : i32
      %dma_start3A_38 = tpu.memref_slice %arg14[%dma_start3A_37] : memref<3136xf32, #tpu.memory_space<vmem>> -> memref<2784xf32, #tpu.memory_space<vmem>>
      %dma_start3A_39 = tpu.memref_slice %arg3[%mul3A_2] : memref<300000xf32, #tpu.memory_space<hbm>> -> memref<2784xf32, #tpu.memory_space<hbm>>
      tpu.enqueue_dma source(%dma_start3A_39 : memref<2784xf32, #tpu.memory_space<hbm>>) target(%dma_start3A_38 : memref<2784xf32, #tpu.memory_space<vmem>>) target_semaphore(%arg25 : memref<!tpu.dma_semaphore, #tpu.memory_space<semaphore_mem>>)
      %add3A_40 = arith.constant 100000 : i32
      %add3A_41 = arith.addi %add3A_40, %mul3A_2 : i32
      %dma_start3A_42 = arith.constant 0 : i32
      %dma_start3A_43 = tpu.memref_slice %arg15[%dma_start3A_42] : memref<3136xf32, #tpu.memory_space<vmem>> -> memref<2784xf32, #tpu.memory_space<vmem>>
      %dma_start3A_44 = tpu.memref_slice %arg3[%add3A_41] : memref<300000xf32, #tpu.memory_space<hbm>> -> memref<2784xf32, #tpu.memory_space<hbm>>
      %dma_start3A_45 = arith.constant 0 : i32
      %dma_start3A_46 = tpu.memref_slice %arg15[%dma_start3A_45] : memref<3136xf32, #tpu.memory_space<vmem>> -> memref<2784xf32, #tpu.memory_space<vmem>>
      %dma_start3A_47 = tpu.memref_slice %arg3[%add3A_41] : memref<300000xf32, #tpu.memory_space<hbm>> -> memref<2784xf32, #tpu.memory_space<hbm>>
      tpu.enqueue_dma source(%dma_start3A_47 : memref<2784xf32, #tpu.memory_space<hbm>>) target(%dma_start3A_46 : memref<2784xf32, #tpu.memory_space<vmem>>) target_semaphore(%arg25 : memref<!tpu.dma_semaphore, #tpu.memory_space<semaphore_mem>>)
      %add3A_48 = arith.constant 200000 : i32
      %add3A_49 = arith.addi %add3A_48, %mul3A_2 : i32
      %dma_start3A_50 = arith.constant 0 : i32
      %dma_start3A_51 = tpu.memref_slice %arg16[%dma_start3A_50] : memref<3136xf32, #tpu.memory_space<vmem>> -> memref<2784xf32, #tpu.memory_space<vmem>>
      %dma_start3A_52 = tpu.memref_slice %arg3[%add3A_49] : memref<300000xf32, #tpu.memory_space<hbm>> -> memref<2784xf32, #tpu.memory_space<hbm>>
      %dma_start3A_53 = arith.constant 0 : i32
      %dma_start3A_54 = tpu.memref_slice %arg16[%dma_start3A_53] : memref<3136xf32, #tpu.memory_space<vmem>> -> memref<2784xf32, #tpu.memory_space<vmem>>
      %dma_start3A_55 = tpu.memref_slice %arg3[%add3A_49] : memref<300000xf32, #tpu.memory_space<hbm>> -> memref<2784xf32, #tpu.memory_space<hbm>>
      tpu.enqueue_dma source(%dma_start3A_55 : memref<2784xf32, #tpu.memory_space<hbm>>) target(%dma_start3A_54 : memref<2784xf32, #tpu.memory_space<vmem>>) target_semaphore(%arg25 : memref<!tpu.dma_semaphore, #tpu.memory_space<semaphore_mem>>)
      %dma_start3A_56 = arith.constant 0 : i32
      %dma_start3A_57 = tpu.memref_slice %arg17[%dma_start3A_56] : memref<3136xf32, #tpu.memory_space<vmem>> -> memref<2784xf32, #tpu.memory_space<vmem>>
      %dma_start3A_58 = tpu.memref_slice %arg4[%mul3A_2] : memref<100000xf32, #tpu.memory_space<hbm>> -> memref<2784xf32, #tpu.memory_space<hbm>>
      %dma_start3A_59 = arith.constant 0 : i32
      %dma_start3A_60 = tpu.memref_slice %arg17[%dma_start3A_59] : memref<3136xf32, #tpu.memory_space<vmem>> -> memref<2784xf32, #tpu.memory_space<vmem>>
      %dma_start3A_61 = tpu.memref_slice %arg4[%mul3A_2] : memref<100000xf32, #tpu.memory_space<hbm>> -> memref<2784xf32, #tpu.memory_space<hbm>>
      tpu.enqueue_dma source(%dma_start3A_61 : memref<2784xf32, #tpu.memory_space<hbm>>) target(%dma_start3A_60 : memref<2784xf32, #tpu.memory_space<vmem>>) target_semaphore(%arg25 : memref<!tpu.dma_semaphore, #tpu.memory_space<semaphore_mem>>)
      %dma_wait3A = arith.constant 0 : i32
      %dma_wait3A_62 = tpu.memref_slice %arg13[%dma_wait3A] : memref<3136xi32, #tpu.memory_space<vmem>> -> memref<2784xi32, #tpu.memory_space<vmem>>
      %dma_wait3A_63 = tpu.memref_slice %arg2[%mul3A_2] : memref<100000xi32, #tpu.memory_space<hbm>> -> memref<2784xi32, #tpu.memory_space<hbm>>
      %dma_wait3A_64 = arith.constant 0 : i32
      %dma_wait3A_65 = tpu.memref_slice %arg13[%dma_wait3A_64] : memref<3136xi32, #tpu.memory_space<vmem>> -> memref<2784xi32, #tpu.memory_space<vmem>>
      %dma_wait3A_66 = tpu.memref_slice %arg2[%mul3A_2] : memref<100000xi32, #tpu.memory_space<hbm>> -> memref<2784xi32, #tpu.memory_space<hbm>>
      tpu.wait_dma2 semaphore(%arg25 : memref<!tpu.dma_semaphore, #tpu.memory_space<semaphore_mem>>) src(%dma_wait3A_66 : memref<2784xi32, #tpu.memory_space<hbm>>) dst(%dma_wait3A_65 : memref<2784xi32, #tpu.memory_space<vmem>>)
      %dma_wait3A_67 = arith.constant 0 : i32
      %dma_wait3A_68 = tpu.memref_slice %arg14[%dma_wait3A_67] : memref<3136xf32, #tpu.memory_space<vmem>> -> memref<2784xf32, #tpu.memory_space<vmem>>
      %dma_wait3A_69 = tpu.memref_slice %arg3[%mul3A_2] : memref<300000xf32, #tpu.memory_space<hbm>> -> memref<2784xf32, #tpu.memory_space<hbm>>
      %dma_wait3A_70 = arith.constant 0 : i32
      %dma_wait3A_71 = tpu.memref_slice %arg14[%dma_wait3A_70] : memref<3136xf32, #tpu.memory_space<vmem>> -> memref<2784xf32, #tpu.memory_space<vmem>>
      %dma_wait3A_72 = tpu.memref_slice %arg3[%mul3A_2] : memref<300000xf32, #tpu.memory_space<hbm>> -> memref<2784xf32, #tpu.memory_space<hbm>>
      tpu.wait_dma2 semaphore(%arg25 : memref<!tpu.dma_semaphore, #tpu.memory_space<semaphore_mem>>) src(%dma_wait3A_72 : memref<2784xf32, #tpu.memory_space<hbm>>) dst(%dma_wait3A_71 : memref<2784xf32, #tpu.memory_space<vmem>>)
      %dma_wait3A_73 = arith.constant 0 : i32
      %dma_wait3A_74 = tpu.memref_slice %arg15[%dma_wait3A_73] : memref<3136xf32, #tpu.memory_space<vmem>> -> memref<2784xf32, #tpu.memory_space<vmem>>
      %dma_wait3A_75 = tpu.memref_slice %arg3[%add3A_41] : memref<300000xf32, #tpu.memory_space<hbm>> -> memref<2784xf32, #tpu.memory_space<hbm>>
      %dma_wait3A_76 = arith.constant 0 : i32
      %dma_wait3A_77 = tpu.memref_slice %arg15[%dma_wait3A_76] : memref<3136xf32, #tpu.memory_space<vmem>> -> memref<2784xf32, #tpu.memory_space<vmem>>
      %dma_wait3A_78 = tpu.memref_slice %arg3[%add3A_41] : memref<300000xf32, #tpu.memory_space<hbm>> -> memref<2784xf32, #tpu.memory_space<hbm>>
      tpu.wait_dma2 semaphore(%arg25 : memref<!tpu.dma_semaphore, #tpu.memory_space<semaphore_mem>>) src(%dma_wait3A_78 : memref<2784xf32, #tpu.memory_space<hbm>>) dst(%dma_wait3A_77 : memref<2784xf32, #tpu.memory_space<vmem>>)
      %dma_wait3A_79 = arith.constant 0 : i32
      %dma_wait3A_80 = tpu.memref_slice %arg16[%dma_wait3A_79] : memref<3136xf32, #tpu.memory_space<vmem>> -> memref<2784xf32, #tpu.memory_space<vmem>>
      %dma_wait3A_81 = tpu.memref_slice %arg3[%add3A_49] : memref<300000xf32, #tpu.memory_space<hbm>> -> memref<2784xf32, #tpu.memory_space<hbm>>
      %dma_wait3A_82 = arith.constant 0 : i32
      %dma_wait3A_83 = tpu.memref_slice %arg16[%dma_wait3A_82] : memref<3136xf32, #tpu.memory_space<vmem>> -> memref<2784xf32, #tpu.memory_space<vmem>>
      %dma_wait3A_84 = tpu.memref_slice %arg3[%add3A_49] : memref<300000xf32, #tpu.memory_space<hbm>> -> memref<2784xf32, #tpu.memory_space<hbm>>
      tpu.wait_dma2 semaphore(%arg25 : memref<!tpu.dma_semaphore, #tpu.memory_space<semaphore_mem>>) src(%dma_wait3A_84 : memref<2784xf32, #tpu.memory_space<hbm>>) dst(%dma_wait3A_83 : memref<2784xf32, #tpu.memory_space<vmem>>)
      %dma_wait3A_85 = arith.constant 0 : i32
      %dma_wait3A_86 = tpu.memref_slice %arg17[%dma_wait3A_85] : memref<3136xf32, #tpu.memory_space<vmem>> -> memref<2784xf32, #tpu.memory_space<vmem>>
      %dma_wait3A_87 = tpu.memref_slice %arg4[%mul3A_2] : memref<100000xf32, #tpu.memory_space<hbm>> -> memref<2784xf32, #tpu.memory_space<hbm>>
      %dma_wait3A_88 = arith.constant 0 : i32
      %dma_wait3A_89 = tpu.memref_slice %arg17[%dma_wait3A_88] : memref<3136xf32, #tpu.memory_space<vmem>> -> memref<2784xf32, #tpu.memory_space<vmem>>
      %dma_wait3A_90 = tpu.memref_slice %arg4[%mul3A_2] : memref<100000xf32, #tpu.memory_space<hbm>> -> memref<2784xf32, #tpu.memory_space<hbm>>
      tpu.wait_dma2 semaphore(%arg25 : memref<!tpu.dma_semaphore, #tpu.memory_space<semaphore_mem>>) src(%dma_wait3A_90 : memref<2784xf32, #tpu.memory_space<hbm>>) dst(%dma_wait3A_89 : memref<2784xf32, #tpu.memory_space<vmem>>)
      "tpu.region"() ({
        %run_scoped3A = tpu.sem_alloc : memref<!tpu.dma_semaphore, #tpu.memory_space<semaphore_mem>>
        %dma_start3A_91 = arith.constant 0 : i32
        %dma_start3A_92 = tpu.memref_slice %arg13[%dma_start3A_91] : memref<3136xi32, #tpu.memory_space<vmem>> -> memref<2784xi32, #tpu.memory_space<vmem>>
        %dma_start3A_93 = tpu.memref_slice %arg12[%mul3A_2] : memref<100000xi32, #tpu.memory_space<hbm>> -> memref<2784xi32, #tpu.memory_space<hbm>>
        %dma_start3A_94 = tpu.memref_slice %arg12[%mul3A_2] : memref<100000xi32, #tpu.memory_space<hbm>> -> memref<2784xi32, #tpu.memory_space<hbm>>
        %dma_start3A_95 = arith.constant 0 : i32
        %dma_start3A_96 = tpu.memref_slice %arg13[%dma_start3A_95] : memref<3136xi32, #tpu.memory_space<vmem>> -> memref<2784xi32, #tpu.memory_space<vmem>>
        tpu.enqueue_dma source(%dma_start3A_96 : memref<2784xi32, #tpu.memory_space<vmem>>) target(%dma_start3A_94 : memref<2784xi32, #tpu.memory_space<hbm>>) target_semaphore(%run_scoped3A : memref<!tpu.dma_semaphore, #tpu.memory_space<semaphore_mem>>)
        %dma_wait3A_97 = arith.constant 0 : i32
        %dma_wait3A_98 = tpu.memref_slice %arg13[%dma_wait3A_97] : memref<3136xi32, #tpu.memory_space<vmem>> -> memref<2784xi32, #tpu.memory_space<vmem>>
        %dma_wait3A_99 = tpu.memref_slice %arg12[%mul3A_2] : memref<100000xi32, #tpu.memory_space<hbm>> -> memref<2784xi32, #tpu.memory_space<hbm>>
        %dma_wait3A_100 = tpu.memref_slice %arg12[%mul3A_2] : memref<100000xi32, #tpu.memory_space<hbm>> -> memref<2784xi32, #tpu.memory_space<hbm>>
        %dma_wait3A_101 = arith.constant 0 : i32
        %dma_wait3A_102 = tpu.memref_slice %arg13[%dma_wait3A_101] : memref<3136xi32, #tpu.memory_space<vmem>> -> memref<2784xi32, #tpu.memory_space<vmem>>
        tpu.wait_dma2 semaphore(%run_scoped3A : memref<!tpu.dma_semaphore, #tpu.memory_space<semaphore_mem>>) src(%dma_wait3A_102 : memref<2784xi32, #tpu.memory_space<vmem>>) dst(%dma_wait3A_100 : memref<2784xi32, #tpu.memory_space<hbm>>)
        tpu.yield
      }) : () -> ()
    } else {
    }
    tpu.wait_dma2 semaphore(%arg25 : memref<!tpu.dma_semaphore, #tpu.memory_space<semaphore_mem>>) src(%arg8 : memref<64xf32, #tpu.memory_space<hbm>>) dst(%arg21 : memref<64xf32, #tpu.memory_space<vmem>>)
    tpu.wait_dma2 semaphore(%arg25 : memref<!tpu.dma_semaphore, #tpu.memory_space<semaphore_mem>>) src(%arg9 : memref<64xf32, #tpu.memory_space<hbm>>) dst(%arg22 : memref<64xf32, #tpu.memory_space<vmem>>)
    tpu.wait_dma2 semaphore(%arg25 : memref<!tpu.dma_semaphore, #tpu.memory_space<semaphore_mem>>) src(%arg5 : memref<128xi32, #tpu.memory_space<hbm>>) dst(%arg18 : memref<128xi32, #tpu.memory_space<vmem>>)
    tpu.wait_dma2 semaphore(%arg25 : memref<!tpu.dma_semaphore, #tpu.memory_space<semaphore_mem>>) src(%arg6 : memref<2048xf32, #tpu.memory_space<hbm>>) dst(%arg19 : memref<2048xf32, #tpu.memory_space<vmem>>)
    tpu.wait_dma2 semaphore(%arg25 : memref<!tpu.dma_semaphore, #tpu.memory_space<semaphore_mem>>) src(%arg7 : memref<3072xf32, #tpu.memory_space<hbm>>) dst(%arg20 : memref<3072xf32, #tpu.memory_space<vmem>>)
    tpu.wait_dma2 semaphore(%arg25 : memref<!tpu.dma_semaphore, #tpu.memory_space<semaphore_mem>>) src(%arg10 : memref<32xf32, #tpu.memory_space<hbm>>) dst(%arg23 : memref<32xf32, #tpu.memory_space<vmem>>)
    %broadcast_in_dim3A = arith.constant 0.000000e+00 : f32
    %broadcast_in_dim3A_9 = vector.broadcast %broadcast_in_dim3A : f32 to vector<16xf32>
    %jit3A = arith.constant 174 : i32
    %jit3A_10 = arith.constant 196 : i32
    %select_n3A = arith.select %eq3A_3, %jit3A, %jit3A_10 : i32
    %while3A = arith.constant 0 : i32
    %while3A_11 = arith.subi %select_n3A, %while3A : i32
    %while3A_12 = arith.addi %while3A, %while3A_11 : i32
    %while3A_13 = arith.constant 1 : i32
    %while3A_14 = arith.divsi %while3A_11, %while3A_13 : i32
    %while3A_15 = arith.muli %while3A_14, %while3A_13 : i32
    %while3A_16 = arith.addi %while3A, %while3A_15 : i32
    %while3A_17 = arith.constant 1 : i32
    %while3A_18:5 = scf.for %while3A_29 = %while3A to %while3A_16 step %while3A_17 iter_args(%while3A_30 = %broadcast_in_dim3A_9, %while3A_31 = %broadcast_in_dim3A_9, %while3A_32 = %broadcast_in_dim3A_9, %while3A_33 = %broadcast_in_dim3A_9, %while3A_34 = %broadcast_in_dim3A_9) -> (vector<16xf32>, vector<16xf32>, vector<16xf32>, vector<16xf32>, vector<16xf32>)  : i32 {
      %mul3A_35 = arith.constant 16 : i32
      %mul3A_36 = arith.muli %while3A_29, %mul3A_35 : i32
      %get3A = arith.index_cast %mul3A_36 : i32 to index
      %get3A_37 = tpu.vector_load %arg13[%get3A] {strides = array<i32>} : memref<3136xi32, #tpu.memory_space<vmem>>, vector<16xi32>,
      %gather3A = tpu.vector_load_idx %arg18[%get3A_37] : memref<128xi32, #tpu.memory_space<vmem>>[vector<16xi32>], vector<16xi32>,
      %max3A = arith.constant 0 : i32
      %max3A_38 = vector.broadcast %max3A : i32 to vector<16xi32>
      %max3A_39 = arith.maxsi %gather3A, %max3A_38 : vector<16xi32>
      %get3A_40 = arith.index_cast %mul3A_36 : i32 to index
      %get3A_41 = tpu.vector_load %arg17[%get3A_40] {strides = array<i32>} : memref<3136xf32, #tpu.memory_space<vmem>>, vector<16xf32>,
      %get3A_42 = arith.index_cast %mul3A_36 : i32 to index
      %get3A_43 = tpu.vector_load %arg14[%get3A_42] {strides = array<i32>} : memref<3136xf32, #tpu.memory_space<vmem>>, vector<16xf32>,
      %get3A_44 = arith.index_cast %mul3A_36 : i32 to index
      %get3A_45 = tpu.vector_load %arg15[%get3A_44] {strides = array<i32>} : memref<3136xf32, #tpu.memory_space<vmem>>, vector<16xf32>,
      %get3A_46 = arith.index_cast %mul3A_36 : i32 to index
      %get3A_47 = tpu.vector_load %arg16[%get3A_46] {strides = array<i32>} : memref<3136xf32, #tpu.memory_space<vmem>>, vector<16xf32>,
      %gather3A_48 = tpu.vector_load_idx %arg23[%max3A_39] : memref<32xf32, #tpu.memory_space<vmem>>[vector<16xi32>], vector<16xf32>,
      %add3A_49 = arith.addf %while3A_34, %gather3A_48 : vector<16xf32>
      %get3A_50 = arith.constant 0 : index
      %get3A_51 = tpu.vector_load %arg21[%get3A_50] {strides = array<i32>} : memref<64xf32, #tpu.memory_space<vmem>>, vector<16xf32>,
      %get3A_52 = arith.constant 16 : index
      %get3A_53 = tpu.vector_load %arg21[%get3A_52] {strides = array<i32>} : memref<64xf32, #tpu.memory_space<vmem>>, vector<16xf32>,
      %get3A_54 = arith.constant 32 : index
      %get3A_55 = tpu.vector_load %arg21[%get3A_54] {strides = array<i32>} : memref<64xf32, #tpu.memory_space<vmem>>, vector<16xf32>,
      %get3A_56 = arith.constant 48 : index
      %get3A_57 = tpu.vector_load %arg21[%get3A_56] {strides = array<i32>} : memref<64xf32, #tpu.memory_space<vmem>>, vector<16xf32>,
      %get3A_58 = arith.constant 0 : index
      %get3A_59 = tpu.vector_load %arg22[%get3A_58] {strides = array<i32>} : memref<64xf32, #tpu.memory_space<vmem>>, vector<16xf32>,
      %get3A_60 = arith.constant 16 : index
      %get3A_61 = tpu.vector_load %arg22[%get3A_60] {strides = array<i32>} : memref<64xf32, #tpu.memory_space<vmem>>, vector<16xf32>,
      %get3A_62 = arith.constant 32 : index
      %get3A_63 = tpu.vector_load %arg22[%get3A_62] {strides = array<i32>} : memref<64xf32, #tpu.memory_space<vmem>>, vector<16xf32>,
      %get3A_64 = arith.constant 48 : index
      %get3A_65 = tpu.vector_load %arg22[%get3A_64] {strides = array<i32>} : memref<64xf32, #tpu.memory_space<vmem>>, vector<16xf32>,
      %gather3A_66 = arith.constant 0 : i32
      %gather3A_67 = tpu.memref_slice %arg19[%gather3A_66] : memref<2048xf32, #tpu.memory_space<vmem>> -> memref<32xf32, #tpu.memory_space<vmem>>
      %gather3A_68 = tpu.vector_load_idx %gather3A_67[%max3A_39] : memref<32xf32, #tpu.memory_space<vmem>>[vector<16xi32>], vector<16xf32>,
      %get3A_69 = arith.constant 0 : index
      %get3A_70 = tpu.vector_load %arg20[%get3A_69] {strides = array<i32>} : memref<3072xf32, #tpu.memory_space<vmem>>, vector<16xf32>,
      %get3A_71 = arith.constant 16 : index
      %get3A_72 = tpu.vector_load %arg20[%get3A_71] {strides = array<i32>} : memref<3072xf32, #tpu.memory_space<vmem>>, vector<16xf32>,
      %get3A_73 = arith.constant 32 : index
      %get3A_74 = tpu.vector_load %arg20[%get3A_73] {strides = array<i32>} : memref<3072xf32, #tpu.memory_space<vmem>>, vector<16xf32>,
      %slice3A = vector.extract_strided_slice %get3A_51 {offsets = [0], sizes = [1], strides = [1]} : vector<16xf32> to vector<1xf32>
      %squeeze3A = vector.extract %slice3A[0] : f32 from vector<1xf32>
      %mul3A_75 = vector.broadcast %squeeze3A : f32 to vector<16xf32>
      %mul3A_76 = arith.mulf %get3A_41, %mul3A_75 : vector<16xf32>
      %add3A_77 = arith.addf %gather3A_68, %mul3A_76 : vector<16xf32>
      %slice3A_78 = vector.extract_strided_slice %get3A_59 {offsets = [0], sizes = [1], strides = [1]} : vector<16xf32> to vector<1xf32>
      %squeeze3A_79 = vector.extract %slice3A_78[0] : f32 from vector<1xf32>
      %mul3A_80 = vector.broadcast %squeeze3A_79 : f32 to vector<16xf32>
      %mul3A_81 = arith.mulf %get3A_43, %mul3A_80 : vector<16xf32>
      %add3A_82 = arith.addf %add3A_77, %mul3A_81 : vector<16xf32>
      %mul3A_83 = arith.mulf %get3A_45, %get3A_70 : vector<16xf32>
      %add3A_84 = arith.addf %add3A_82, %mul3A_83 : vector<16xf32>
      %mul3A_85 = arith.mulf %get3A_47, %get3A_72 : vector<16xf32>
      %add3A_86 = arith.addf %add3A_84, %mul3A_85 : vector<16xf32>
      %max3A_87 = arith.constant 0.000000e+00 : f32
      %max3A_88 = vector.broadcast %max3A_87 : f32 to vector<16xf32>
      %max3A_89 = arith.maximumf %add3A_86, %max3A_88 : vector<16xf32>
      %mul3A_90 = arith.mulf %max3A_89, %get3A_74 : vector<16xf32>
      %add3A_91 = arith.addf %broadcast_in_dim3A_9, %mul3A_90 : vector<16xf32>
      %gather3A_92 = arith.constant 512 : i32
      %gather3A_93 = tpu.memref_slice %arg19[%gather3A_92] : memref<2048xf32, #tpu.memory_space<vmem>> -> memref<32xf32, #tpu.memory_space<vmem>>
      %gather3A_94 = tpu.vector_load_idx %gather3A_93[%max3A_39] : memref<32xf32, #tpu.memory_space<vmem>>[vector<16xi32>], vector<16xf32>,
      %get3A_95 = arith.constant 768 : index
      %get3A_96 = tpu.vector_load %arg20[%get3A_95] {strides = array<i32>} : memref<3072xf32, #tpu.memory_space<vmem>>, vector<16xf32>,
      %get3A_97 = arith.constant 784 : index
      %get3A_98 = tpu.vector_load %arg20[%get3A_97] {strides = array<i32>} : memref<3072xf32, #tpu.memory_space<vmem>>, vector<16xf32>,
      %get3A_99 = arith.constant 800 : index
      %get3A_100 = tpu.vector_load %arg20[%get3A_99] {strides = array<i32>} : memref<3072xf32, #tpu.memory_space<vmem>>, vector<16xf32>,
      %slice3A_101 = vector.extract_strided_slice %get3A_53 {offsets = [0], sizes = [1], strides = [1]} : vector<16xf32> to vector<1xf32>
      %squeeze3A_102 = vector.extract %slice3A_101[0] : f32 from vector<1xf32>
      %mul3A_103 = vector.broadcast %squeeze3A_102 : f32 to vector<16xf32>
      %mul3A_104 = arith.mulf %get3A_41, %mul3A_103 : vector<16xf32>
      %add3A_105 = arith.addf %gather3A_94, %mul3A_104 : vector<16xf32>
      %slice3A_106 = vector.extract_strided_slice %get3A_61 {offsets = [0], sizes = [1], strides = [1]} : vector<16xf32> to vector<1xf32>
      %squeeze3A_107 = vector.extract %slice3A_106[0] : f32 from vector<1xf32>
      %mul3A_108 = vector.broadcast %squeeze3A_107 : f32 to vector<16xf32>
      %mul3A_109 = arith.mulf %get3A_43, %mul3A_108 : vector<16xf32>
      %add3A_110 = arith.addf %add3A_105, %mul3A_109 : vector<16xf32>
      %mul3A_111 = arith.mulf %get3A_45, %get3A_96 : vector<16xf32>
      %add3A_112 = arith.addf %add3A_110, %mul3A_111 : vector<16xf32>
      %mul3A_113 = arith.mulf %get3A_47, %get3A_98 : vector<16xf32>
      %add3A_114 = arith.addf %add3A_112, %mul3A_113 : vector<16xf32>
      %max3A_115 = arith.constant 0.000000e+00 : f32
      %max3A_116 = vector.broadcast %max3A_115 : f32 to vector<16xf32>
      %max3A_117 = arith.maximumf %add3A_114, %max3A_116 : vector<16xf32>
      %mul3A_118 = arith.mulf %max3A_117, %get3A_100 : vector<16xf32>
      %add3A_119 = arith.addf %broadcast_in_dim3A_9, %mul3A_118 : vector<16xf32>
      %gather3A_120 = arith.constant 1024 : i32
      %gather3A_121 = tpu.memref_slice %arg19[%gather3A_120] : memref<2048xf32, #tpu.memory_space<vmem>> -> memref<32xf32, #tpu.memory_space<vmem>>
      %gather3A_122 = tpu.vector_load_idx %gather3A_121[%max3A_39] : memref<32xf32, #tpu.memory_space<vmem>>[vector<16xi32>], vector<16xf32>,
      %get3A_123 = arith.constant 1536 : index
      %get3A_124 = tpu.vector_load %arg20[%get3A_123] {strides = array<i32>} : memref<3072xf32, #tpu.memory_space<vmem>>, vector<16xf32>,
      %get3A_125 = arith.constant 1552 : index
      %get3A_126 = tpu.vector_load %arg20[%get3A_125] {strides = array<i32>} : memref<3072xf32, #tpu.memory_space<vmem>>, vector<16xf32>,
      %get3A_127 = arith.constant 1568 : index
      %get3A_128 = tpu.vector_load %arg20[%get3A_127] {strides = array<i32>} : memref<3072xf32, #tpu.memory_space<vmem>>, vector<16xf32>,
      %slice3A_129 = vector.extract_strided_slice %get3A_55 {offsets = [0], sizes = [1], strides = [1]} : vector<16xf32> to vector<1xf32>
      %squeeze3A_130 = vector.extract %slice3A_129[0] : f32 from vector<1xf32>
      %mul3A_131 = vector.broadcast %squeeze3A_130 : f32 to vector<16xf32>
      %mul3A_132 = arith.mulf %get3A_41, %mul3A_131 : vector<16xf32>
      %add3A_133 = arith.addf %gather3A_122, %mul3A_132 : vector<16xf32>
      %slice3A_134 = vector.extract_strided_slice %get3A_63 {offsets = [0], sizes = [1], strides = [1]} : vector<16xf32> to vector<1xf32>
      %squeeze3A_135 = vector.extract %slice3A_134[0] : f32 from vector<1xf32>
      %mul3A_136 = vector.broadcast %squeeze3A_135 : f32 to vector<16xf32>
      %mul3A_137 = arith.mulf %get3A_43, %mul3A_136 : vector<16xf32>
      %add3A_138 = arith.addf %add3A_133, %mul3A_137 : vector<16xf32>
      %mul3A_139 = arith.mulf %get3A_45, %get3A_124 : vector<16xf32>
      %add3A_140 = arith.addf %add3A_138, %mul3A_139 : vector<16xf32>
      %mul3A_141 = arith.mulf %get3A_47, %get3A_126 : vector<16xf32>
      %add3A_142 = arith.addf %add3A_140, %mul3A_141 : vector<16xf32>
      %max3A_143 = arith.constant 0.000000e+00 : f32
      %max3A_144 = vector.broadcast %max3A_143 : f32 to vector<16xf32>
      %max3A_145 = arith.maximumf %add3A_142, %max3A_144 : vector<16xf32>
      %mul3A_146 = arith.mulf %max3A_145, %get3A_128 : vector<16xf32>
      %add3A_147 = arith.addf %broadcast_in_dim3A_9, %mul3A_146 : vector<16xf32>
      %gather3A_148 = arith.constant 1536 : i32
      %gather3A_149 = tpu.memref_slice %arg19[%gather3A_148] : memref<2048xf32, #tpu.memory_space<vmem>> -> memref<32xf32, #tpu.memory_space<vmem>>
      %gather3A_150 = tpu.vector_load_idx %gather3A_149[%max3A_39] : memref<32xf32, #tpu.memory_space<vmem>>[vector<16xi32>], vector<16xf32>,
      %get3A_151 = arith.constant 2304 : index
      %get3A_152 = tpu.vector_load %arg20[%get3A_151] {strides = array<i32>} : memref<3072xf32, #tpu.memory_space<vmem>>, vector<16xf32>,
      %get3A_153 = arith.constant 2320 : index
      %get3A_154 = tpu.vector_load %arg20[%get3A_153] {strides = array<i32>} : memref<3072xf32, #tpu.memory_space<vmem>>, vector<16xf32>,
      %get3A_155 = arith.constant 2336 : index
      %get3A_156 = tpu.vector_load %arg20[%get3A_155] {strides = array<i32>} : memref<3072xf32, #tpu.memory_space<vmem>>, vector<16xf32>,
      %slice3A_157 = vector.extract_strided_slice %get3A_57 {offsets = [0], sizes = [1], strides = [1]} : vector<16xf32> to vector<1xf32>
      %squeeze3A_158 = vector.extract %slice3A_157[0] : f32 from vector<1xf32>
      %mul3A_159 = vector.broadcast %squeeze3A_158 : f32 to vector<16xf32>
      %mul3A_160 = arith.mulf %get3A_41, %mul3A_159 : vector<16xf32>
      %add3A_161 = arith.addf %gather3A_150, %mul3A_160 : vector<16xf32>
      %slice3A_162 = vector.extract_strided_slice %get3A_65 {offsets = [0], sizes = [1], strides = [1]} : vector<16xf32> to vector<1xf32>
      %squeeze3A_163 = vector.extract %slice3A_162[0] : f32 from vector<1xf32>
      %mul3A_164 = vector.broadcast %squeeze3A_163 : f32 to vector<16xf32>
      %mul3A_165 = arith.mulf %get3A_43, %mul3A_164 : vector<16xf32>
      %add3A_166 = arith.addf %add3A_161, %mul3A_165 : vector<16xf32>
      %mul3A_167 = arith.mulf %get3A_45, %get3A_152 : vector<16xf32>
      %add3A_168 = arith.addf %add3A_166, %mul3A_167 : vector<16xf32>
      %mul3A_169 = arith.mulf %get3A_47, %get3A_154 : vector<16xf32>
      %add3A_170 = arith.addf %add3A_168, %mul3A_169 : vector<16xf32>
      %max3A_171 = arith.constant 0.000000e+00 : f32
      %max3A_172 = vector.broadcast %max3A_171 : f32 to vector<16xf32>
      %max3A_173 = arith.maximumf %add3A_170, %max3A_172 : vector<16xf32>
      %mul3A_174 = arith.mulf %max3A_173, %get3A_156 : vector<16xf32>
      %add3A_175 = arith.addf %broadcast_in_dim3A_9, %mul3A_174 : vector<16xf32>
      %gather3A_176 = arith.constant 32 : i32
      %gather3A_177 = tpu.memref_slice %arg19[%gather3A_176] : memref<2048xf32, #tpu.memory_space<vmem>> -> memref<32xf32, #tpu.memory_space<vmem>>
      %gather3A_178 = tpu.vector_load_idx %gather3A_177[%max3A_39] : memref<32xf32, #tpu.memory_space<vmem>>[vector<16xi32>], vector<16xf32>,
      %get3A_179 = arith.constant 48 : index
      %get3A_180 = tpu.vector_load %arg20[%get3A_179] {strides = array<i32>} : memref<3072xf32, #tpu.memory_space<vmem>>, vector<16xf32>,
      %get3A_181 = arith.constant 64 : index
      %get3A_182 = tpu.vector_load %arg20[%get3A_181] {strides = array<i32>} : memref<3072xf32, #tpu.memory_space<vmem>>, vector<16xf32>,
      %get3A_183 = arith.constant 80 : index
      %get3A_184 = tpu.vector_load %arg20[%get3A_183] {strides = array<i32>} : memref<3072xf32, #tpu.memory_space<vmem>>, vector<16xf32>,
      %slice3A_185 = vector.extract_strided_slice %get3A_51 {offsets = [1], sizes = [1], strides = [1]} : vector<16xf32> to vector<1xf32>
      %squeeze3A_186 = vector.extract %slice3A_185[0] : f32 from vector<1xf32>
      %mul3A_187 = vector.broadcast %squeeze3A_186 : f32 to vector<16xf32>
      %mul3A_188 = arith.mulf %get3A_41, %mul3A_187 : vector<16xf32>
      %add3A_189 = arith.addf %gather3A_178, %mul3A_188 : vector<16xf32>
      %slice3A_190 = vector.extract_strided_slice %get3A_59 {offsets = [1], sizes = [1], strides = [1]} : vector<16xf32> to vector<1xf32>
      %squeeze3A_191 = vector.extract %slice3A_190[0] : f32 from vector<1xf32>
      %mul3A_192 = vector.broadcast %squeeze3A_191 : f32 to vector<16xf32>
      %mul3A_193 = arith.mulf %get3A_43, %mul3A_192 : vector<16xf32>
      %add3A_194 = arith.addf %add3A_189, %mul3A_193 : vector<16xf32>
      %mul3A_195 = arith.mulf %get3A_45, %get3A_180 : vector<16xf32>
      %add3A_196 = arith.addf %add3A_194, %mul3A_195 : vector<16xf32>
      %mul3A_197 = arith.mulf %get3A_47, %get3A_182 : vector<16xf32>
      %add3A_198 = arith.addf %add3A_196, %mul3A_197 : vector<16xf32>
      %max3A_199 = arith.constant 0.000000e+00 : f32
      %max3A_200 = vector.broadcast %max3A_199 : f32 to vector<16xf32>
      %max3A_201 = arith.maximumf %add3A_198, %max3A_200 : vector<16xf32>
      %mul3A_202 = arith.mulf %max3A_201, %get3A_184 : vector<16xf32>
      %add3A_203 = arith.addf %add3A_91, %mul3A_202 : vector<16xf32>
      %gather3A_204 = arith.constant 544 : i32
      %gather3A_205 = tpu.memref_slice %arg19[%gather3A_204] : memref<2048xf32, #tpu.memory_space<vmem>> -> memref<32xf32, #tpu.memory_space<vmem>>
      %gather3A_206 = tpu.vector_load_idx %gather3A_205[%max3A_39] : memref<32xf32, #tpu.memory_space<vmem>>[vector<16xi32>], vector<16xf32>,
      %get3A_207 = arith.constant 816 : index
      %get3A_208 = tpu.vector_load %arg20[%get3A_207] {strides = array<i32>} : memref<3072xf32, #tpu.memory_space<vmem>>, vector<16xf32>,
      %get3A_209 = arith.constant 832 : index
      %get3A_210 = tpu.vector_load %arg20[%get3A_209] {strides = array<i32>} : memref<3072xf32, #tpu.memory_space<vmem>>, vector<16xf32>,
      %get3A_211 = arith.constant 848 : index
      %get3A_212 = tpu.vector_load %arg20[%get3A_211] {strides = array<i32>} : memref<3072xf32, #tpu.memory_space<vmem>>, vector<16xf32>,
      %slice3A_213 = vector.extract_strided_slice %get3A_53 {offsets = [1], sizes = [1], strides = [1]} : vector<16xf32> to vector<1xf32>
      %squeeze3A_214 = vector.extract %slice3A_213[0] : f32 from vector<1xf32>
      %mul3A_215 = vector.broadcast %squeeze3A_214 : f32 to vector<16xf32>
      %mul3A_216 = arith.mulf %get3A_41, %mul3A_215 : vector<16xf32>
      %add3A_217 = arith.addf %gather3A_206, %mul3A_216 : vector<16xf32>
      %slice3A_218 = vector.extract_strided_slice %get3A_61 {offsets = [1], sizes = [1], strides = [1]} : vector<16xf32> to vector<1xf32>
      %squeeze3A_219 = vector.extract %slice3A_218[0] : f32 from vector<1xf32>
      %mul3A_220 = vector.broadcast %squeeze3A_219 : f32 to vector<16xf32>
      %mul3A_221 = arith.mulf %get3A_43, %mul3A_220 : vector<16xf32>
      %add3A_222 = arith.addf %add3A_217, %mul3A_221 : vector<16xf32>
      %mul3A_223 = arith.mulf %get3A_45, %get3A_208 : vector<16xf32>
      %add3A_224 = arith.addf %add3A_222, %mul3A_223 : vector<16xf32>
      %mul3A_225 = arith.mulf %get3A_47, %get3A_210 : vector<16xf32>
      %add3A_226 = arith.addf %add3A_224, %mul3A_225 : vector<16xf32>
      %max3A_227 = arith.constant 0.000000e+00 : f32
      %max3A_228 = vector.broadcast %max3A_227 : f32 to vector<16xf32>
      %max3A_229 = arith.maximumf %add3A_226, %max3A_228 : vector<16xf32>
      %mul3A_230 = arith.mulf %max3A_229, %get3A_212 : vector<16xf32>
      %add3A_231 = arith.addf %add3A_119, %mul3A_230 : vector<16xf32>
      %gather3A_232 = arith.constant 1056 : i32
      %gather3A_233 = tpu.memref_slice %arg19[%gather3A_232] : memref<2048xf32, #tpu.memory_space<vmem>> -> memref<32xf32, #tpu.memory_space<vmem>>
      %gather3A_234 = tpu.vector_load_idx %gather3A_233[%max3A_39] : memref<32xf32, #tpu.memory_space<vmem>>[vector<16xi32>], vector<16xf32>,
      %get3A_235 = arith.constant 1584 : index
      %get3A_236 = tpu.vector_load %arg20[%get3A_235] {strides = array<i32>} : memref<3072xf32, #tpu.memory_space<vmem>>, vector<16xf32>,
      %get3A_237 = arith.constant 1600 : index
      %get3A_238 = tpu.vector_load %arg20[%get3A_237] {strides = array<i32>} : memref<3072xf32, #tpu.memory_space<vmem>>, vector<16xf32>,
      %get3A_239 = arith.constant 1616 : index
      %get3A_240 = tpu.vector_load %arg20[%get3A_239] {strides = array<i32>} : memref<3072xf32, #tpu.memory_space<vmem>>, vector<16xf32>,
      %slice3A_241 = vector.extract_strided_slice %get3A_55 {offsets = [1], sizes = [1], strides = [1]} : vector<16xf32> to vector<1xf32>
      %squeeze3A_242 = vector.extract %slice3A_241[0] : f32 from vector<1xf32>
      %mul3A_243 = vector.broadcast %squeeze3A_242 : f32 to vector<16xf32>
      %mul3A_244 = arith.mulf %get3A_41, %mul3A_243 : vector<16xf32>
      %add3A_245 = arith.addf %gather3A_234, %mul3A_244 : vector<16xf32>
      %slice3A_246 = vector.extract_strided_slice %get3A_63 {offsets = [1], sizes = [1], strides = [1]} : vector<16xf32> to vector<1xf32>
      %squeeze3A_247 = vector.extract %slice3A_246[0] : f32 from vector<1xf32>
      %mul3A_248 = vector.broadcast %squeeze3A_247 : f32 to vector<16xf32>
      %mul3A_249 = arith.mulf %get3A_43, %mul3A_248 : vector<16xf32>
      %add3A_250 = arith.addf %add3A_245, %mul3A_249 : vector<16xf32>
      %mul3A_251 = arith.mulf %get3A_45, %get3A_236 : vector<16xf32>
      %add3A_252 = arith.addf %add3A_250, %mul3A_251 : vector<16xf32>
      %mul3A_253 = arith.mulf %get3A_47, %get3A_238 : vector<16xf32>
      %add3A_254 = arith.addf %add3A_252, %mul3A_253 : vector<16xf32>
      %max3A_255 = arith.constant 0.000000e+00 : f32
      %max3A_256 = vector.broadcast %max3A_255 : f32 to vector<16xf32>
      %max3A_257 = arith.maximumf %add3A_254, %max3A_256 : vector<16xf32>
      %mul3A_258 = arith.mulf %max3A_257, %get3A_240 : vector<16xf32>
      %add3A_259 = arith.addf %add3A_147, %mul3A_258 : vector<16xf32>
      %gather3A_260 = arith.constant 1568 : i32
      %gather3A_261 = tpu.memref_slice %arg19[%gather3A_260] : memref<2048xf32, #tpu.memory_space<vmem>> -> memref<32xf32, #tpu.memory_space<vmem>>
      %gather3A_262 = tpu.vector_load_idx %gather3A_261[%max3A_39] : memref<32xf32, #tpu.memory_space<vmem>>[vector<16xi32>], vector<16xf32>,
      %get3A_263 = arith.constant 2352 : index
      %get3A_264 = tpu.vector_load %arg20[%get3A_263] {strides = array<i32>} : memref<3072xf32, #tpu.memory_space<vmem>>, vector<16xf32>,
      %get3A_265 = arith.constant 2368 : index
      %get3A_266 = tpu.vector_load %arg20[%get3A_265] {strides = array<i32>} : memref<3072xf32, #tpu.memory_space<vmem>>, vector<16xf32>,
      %get3A_267 = arith.constant 2384 : index
      %get3A_268 = tpu.vector_load %arg20[%get3A_267] {strides = array<i32>} : memref<3072xf32, #tpu.memory_space<vmem>>, vector<16xf32>,
      %slice3A_269 = vector.extract_strided_slice %get3A_57 {offsets = [1], sizes = [1], strides = [1]} : vector<16xf32> to vector<1xf32>
      %squeeze3A_270 = vector.extract %slice3A_269[0] : f32 from vector<1xf32>
      %mul3A_271 = vector.broadcast %squeeze3A_270 : f32 to vector<16xf32>
      %mul3A_272 = arith.mulf %get3A_41, %mul3A_271 : vector<16xf32>
      %add3A_273 = arith.addf %gather3A_262, %mul3A_272 : vector<16xf32>
      %slice3A_274 = vector.extract_strided_slice %get3A_65 {offsets = [1], sizes = [1], strides = [1]} : vector<16xf32> to vector<1xf32>
      %squeeze3A_275 = vector.extract %slice3A_274[0] : f32 from vector<1xf32>
      %mul3A_276 = vector.broadcast %squeeze3A_275 : f32 to vector<16xf32>
      %mul3A_277 = arith.mulf %get3A_43, %mul3A_276 : vector<16xf32>
      %add3A_278 = arith.addf %add3A_273, %mul3A_277 : vector<16xf32>
      %mul3A_279 = arith.mulf %get3A_45, %get3A_264 : vector<16xf32>
      %add3A_280 = arith.addf %add3A_278, %mul3A_279 : vector<16xf32>
      %mul3A_281 = arith.mulf %get3A_47, %get3A_266 : vector<16xf32>
      %add3A_282 = arith.addf %add3A_280, %mul3A_281 : vector<16xf32>
      %max3A_283 = arith.constant 0.000000e+00 : f32
      %max3A_284 = vector.broadcast %max3A_283 : f32 to vector<16xf32>
      %max3A_285 = arith.maximumf %add3A_282, %max3A_284 : vector<16xf32>
      %mul3A_286 = arith.mulf %max3A_285, %get3A_268 : vector<16xf32>
      %add3A_287 = arith.addf %add3A_175, %mul3A_286 : vector<16xf32>
      %gather3A_288 = arith.constant 64 : i32
      %gather3A_289 = tpu.memref_slice %arg19[%gather3A_288] : memref<2048xf32, #tpu.memory_space<vmem>> -> memref<32xf32, #tpu.memory_space<vmem>>
      %gather3A_290 = tpu.vector_load_idx %gather3A_289[%max3A_39] : memref<32xf32, #tpu.memory_space<vmem>>[vector<16xi32>], vector<16xf32>,
      %get3A_291 = arith.constant 96 : index
      %get3A_292 = tpu.vector_load %arg20[%get3A_291] {strides = array<i32>} : memref<3072xf32, #tpu.memory_space<vmem>>, vector<16xf32>,
      %get3A_293 = arith.constant 112 : index
      %get3A_294 = tpu.vector_load %arg20[%get3A_293] {strides = array<i32>} : memref<3072xf32, #tpu.memory_space<vmem>>, vector<16xf32>,
      %get3A_295 = arith.constant 128 : index
      %get3A_296 = tpu.vector_load %arg20[%get3A_295] {strides = array<i32>} : memref<3072xf32, #tpu.memory_space<vmem>>, vector<16xf32>,
      %slice3A_297 = vector.extract_strided_slice %get3A_51 {offsets = [2], sizes = [1], strides = [1]} : vector<16xf32> to vector<1xf32>
      %squeeze3A_298 = vector.extract %slice3A_297[0] : f32 from vector<1xf32>
      %mul3A_299 = vector.broadcast %squeeze3A_298 : f32 to vector<16xf32>
      %mul3A_300 = arith.mulf %get3A_41, %mul3A_299 : vector<16xf32>
      %add3A_301 = arith.addf %gather3A_290, %mul3A_300 : vector<16xf32>
      %slice3A_302 = vector.extract_strided_slice %get3A_59 {offsets = [2], sizes = [1], strides = [1]} : vector<16xf32> to vector<1xf32>
      %squeeze3A_303 = vector.extract %slice3A_302[0] : f32 from vector<1xf32>
      %mul3A_304 = vector.broadcast %squeeze3A_303 : f32 to vector<16xf32>
      %mul3A_305 = arith.mulf %get3A_43, %mul3A_304 : vector<16xf32>
      %add3A_306 = arith.addf %add3A_301, %mul3A_305 : vector<16xf32>
      %mul3A_307 = arith.mulf %get3A_45, %get3A_292 : vector<16xf32>
      %add3A_308 = arith.addf %add3A_306, %mul3A_307 : vector<16xf32>
      %mul3A_309 = arith.mulf %get3A_47, %get3A_294 : vector<16xf32>
      %add3A_310 = arith.addf %add3A_308, %mul3A_309 : vector<16xf32>
      %max3A_311 = arith.constant 0.000000e+00 : f32
      %max3A_312 = vector.broadcast %max3A_311 : f32 to vector<16xf32>
      %max3A_313 = arith.maximumf %add3A_310, %max3A_312 : vector<16xf32>
      %mul3A_314 = arith.mulf %max3A_313, %get3A_296 : vector<16xf32>
      %add3A_315 = arith.addf %add3A_203, %mul3A_314 : vector<16xf32>
      %gather3A_316 = arith.constant 576 : i32
      %gather3A_317 = tpu.memref_slice %arg19[%gather3A_316] : memref<2048xf32, #tpu.memory_space<vmem>> -> memref<32xf32, #tpu.memory_space<vmem>>
      %gather3A_318 = tpu.vector_load_idx %gather3A_317[%max3A_39] : memref<32xf32, #tpu.memory_space<vmem>>[vector<16xi32>], vector<16xf32>,
      %get3A_319 = arith.constant 864 : index
      %get3A_320 = tpu.vector_load %arg20[%get3A_319] {strides = array<i32>} : memref<3072xf32, #tpu.memory_space<vmem>>, vector<16xf32>,
      %get3A_321 = arith.constant 880 : index
      %get3A_322 = tpu.vector_load %arg20[%get3A_321] {strides = array<i32>} : memref<3072xf32, #tpu.memory_space<vmem>>, vector<16xf32>,
      %get3A_323 = arith.constant 896 : index
      %get3A_324 = tpu.vector_load %arg20[%get3A_323] {strides = array<i32>} : memref<3072xf32, #tpu.memory_space<vmem>>, vector<16xf32>,
      %slice3A_325 = vector.extract_strided_slice %get3A_53 {offsets = [2], sizes = [1], strides = [1]} : vector<16xf32> to vector<1xf32>
      %squeeze3A_326 = vector.extract %slice3A_325[0] : f32 from vector<1xf32>
      %mul3A_327 = vector.broadcast %squeeze3A_326 : f32 to vector<16xf32>
      %mul3A_328 = arith.mulf %get3A_41, %mul3A_327 : vector<16xf32>
      %add3A_329 = arith.addf %gather3A_318, %mul3A_328 : vector<16xf32>
      %slice3A_330 = vector.extract_strided_slice %get3A_61 {offsets = [2], sizes = [1], strides = [1]} : vector<16xf32> to vector<1xf32>
      %squeeze3A_331 = vector.extract %slice3A_330[0] : f32 from vector<1xf32>
      %mul3A_332 = vector.broadcast %squeeze3A_331 : f32 to vector<16xf32>
      %mul3A_333 = arith.mulf %get3A_43, %mul3A_332 : vector<16xf32>
      %add3A_334 = arith.addf %add3A_329, %mul3A_333 : vector<16xf32>
      %mul3A_335 = arith.mulf %get3A_45, %get3A_320 : vector<16xf32>
      %add3A_336 = arith.addf %add3A_334, %mul3A_335 : vector<16xf32>
      %mul3A_337 = arith.mulf %get3A_47, %get3A_322 : vector<16xf32>
      %add3A_338 = arith.addf %add3A_336, %mul3A_337 : vector<16xf32>
      %max3A_339 = arith.constant 0.000000e+00 : f32
      %max3A_340 = vector.broadcast %max3A_339 : f32 to vector<16xf32>
      %max3A_341 = arith.maximumf %add3A_338, %max3A_340 : vector<16xf32>
      %mul3A_342 = arith.mulf %max3A_341, %get3A_324 : vector<16xf32>
      %add3A_343 = arith.addf %add3A_231, %mul3A_342 : vector<16xf32>
      %gather3A_344 = arith.constant 1088 : i32
      %gather3A_345 = tpu.memref_slice %arg19[%gather3A_344] : memref<2048xf32, #tpu.memory_space<vmem>> -> memref<32xf32, #tpu.memory_space<vmem>>
      %gather3A_346 = tpu.vector_load_idx %gather3A_345[%max3A_39] : memref<32xf32, #tpu.memory_space<vmem>>[vector<16xi32>], vector<16xf32>,
      %get3A_347 = arith.constant 1632 : index
      %get3A_348 = tpu.vector_load %arg20[%get3A_347] {strides = array<i32>} : memref<3072xf32, #tpu.memory_space<vmem>>, vector<16xf32>,
      %get3A_349 = arith.constant 1648 : index
      %get3A_350 = tpu.vector_load %arg20[%get3A_349] {strides = array<i32>} : memref<3072xf32, #tpu.memory_space<vmem>>, vector<16xf32>,
      %get3A_351 = arith.constant 1664 : index
      %get3A_352 = tpu.vector_load %arg20[%get3A_351] {strides = array<i32>} : memref<3072xf32, #tpu.memory_space<vmem>>, vector<16xf32>,
      %slice3A_353 = vector.extract_strided_slice %get3A_55 {offsets = [2], sizes = [1], strides = [1]} : vector<16xf32> to vector<1xf32>
      %squeeze3A_354 = vector.extract %slice3A_353[0] : f32 from vector<1xf32>
      %mul3A_355 = vector.broadcast %squeeze3A_354 : f32 to vector<16xf32>
      %mul3A_356 = arith.mulf %get3A_41, %mul3A_355 : vector<16xf32>
      %add3A_357 = arith.addf %gather3A_346, %mul3A_356 : vector<16xf32>
      %slice3A_358 = vector.extract_strided_slice %get3A_63 {offsets = [2], sizes = [1], strides = [1]} : vector<16xf32> to vector<1xf32>
      %squeeze3A_359 = vector.extract %slice3A_358[0] : f32 from vector<1xf32>
      %mul3A_360 = vector.broadcast %squeeze3A_359 : f32 to vector<16xf32>
      %mul3A_361 = arith.mulf %get3A_43, %mul3A_360 : vector<16xf32>
      %add3A_362 = arith.addf %add3A_357, %mul3A_361 : vector<16xf32>
      %mul3A_363 = arith.mulf %get3A_45, %get3A_348 : vector<16xf32>
      %add3A_364 = arith.addf %add3A_362, %mul3A_363 : vector<16xf32>
      %mul3A_365 = arith.mulf %get3A_47, %get3A_350 : vector<16xf32>
      %add3A_366 = arith.addf %add3A_364, %mul3A_365 : vector<16xf32>
      %max3A_367 = arith.constant 0.000000e+00 : f32
      %max3A_368 = vector.broadcast %max3A_367 : f32 to vector<16xf32>
      %max3A_369 = arith.maximumf %add3A_366, %max3A_368 : vector<16xf32>
      %mul3A_370 = arith.mulf %max3A_369, %get3A_352 : vector<16xf32>
      %add3A_371 = arith.addf %add3A_259, %mul3A_370 : vector<16xf32>
      %gather3A_372 = arith.constant 1600 : i32
      %gather3A_373 = tpu.memref_slice %arg19[%gather3A_372] : memref<2048xf32, #tpu.memory_space<vmem>> -> memref<32xf32, #tpu.memory_space<vmem>>
      %gather3A_374 = tpu.vector_load_idx %gather3A_373[%max3A_39] : memref<32xf32, #tpu.memory_space<vmem>>[vector<16xi32>], vector<16xf32>,
      %get3A_375 = arith.constant 2400 : index
      %get3A_376 = tpu.vector_load %arg20[%get3A_375] {strides = array<i32>} : memref<3072xf32, #tpu.memory_space<vmem>>, vector<16xf32>,
      %get3A_377 = arith.constant 2416 : index
      %get3A_378 = tpu.vector_load %arg20[%get3A_377] {strides = array<i32>} : memref<3072xf32, #tpu.memory_space<vmem>>, vector<16xf32>,
      %get3A_379 = arith.constant 2432 : index
      %get3A_380 = tpu.vector_load %arg20[%get3A_379] {strides = array<i32>} : memref<3072xf32, #tpu.memory_space<vmem>>, vector<16xf32>,
      %slice3A_381 = vector.extract_strided_slice %get3A_57 {offsets = [2], sizes = [1], strides = [1]} : vector<16xf32> to vector<1xf32>
      %squeeze3A_382 = vector.extract %slice3A_381[0] : f32 from vector<1xf32>
      %mul3A_383 = vector.broadcast %squeeze3A_382 : f32 to vector<16xf32>
      %mul3A_384 = arith.mulf %get3A_41, %mul3A_383 : vector<16xf32>
      %add3A_385 = arith.addf %gather3A_374, %mul3A_384 : vector<16xf32>
      %slice3A_386 = vector.extract_strided_slice %get3A_65 {offsets = [2], sizes = [1], strides = [1]} : vector<16xf32> to vector<1xf32>
      %squeeze3A_387 = vector.extract %slice3A_386[0] : f32 from vector<1xf32>
      %mul3A_388 = vector.broadcast %squeeze3A_387 : f32 to vector<16xf32>
      %mul3A_389 = arith.mulf %get3A_43, %mul3A_388 : vector<16xf32>
      %add3A_390 = arith.addf %add3A_385, %mul3A_389 : vector<16xf32>
      %mul3A_391 = arith.mulf %get3A_45, %get3A_376 : vector<16xf32>
      %add3A_392 = arith.addf %add3A_390, %mul3A_391 : vector<16xf32>
      %mul3A_393 = arith.mulf %get3A_47, %get3A_378 : vector<16xf32>
      %add3A_394 = arith.addf %add3A_392, %mul3A_393 : vector<16xf32>
      %max3A_395 = arith.constant 0.000000e+00 : f32
      %max3A_396 = vector.broadcast %max3A_395 : f32 to vector<16xf32>
      %max3A_397 = arith.maximumf %add3A_394, %max3A_396 : vector<16xf32>
      %mul3A_398 = arith.mulf %max3A_397, %get3A_380 : vector<16xf32>
      %add3A_399 = arith.addf %add3A_287, %mul3A_398 : vector<16xf32>
      %gather3A_400 = arith.constant 96 : i32
      %gather3A_401 = tpu.memref_slice %arg19[%gather3A_400] : memref<2048xf32, #tpu.memory_space<vmem>> -> memref<32xf32, #tpu.memory_space<vmem>>
      %gather3A_402 = tpu.vector_load_idx %gather3A_401[%max3A_39] : memref<32xf32, #tpu.memory_space<vmem>>[vector<16xi32>], vector<16xf32>,
      %get3A_403 = arith.constant 144 : index
      %get3A_404 = tpu.vector_load %arg20[%get3A_403] {strides = array<i32>} : memref<3072xf32, #tpu.memory_space<vmem>>, vector<16xf32>,
      %get3A_405 = arith.constant 160 : index
      %get3A_406 = tpu.vector_load %arg20[%get3A_405] {strides = array<i32>} : memref<3072xf32, #tpu.memory_space<vmem>>, vector<16xf32>,
      %get3A_407 = arith.constant 176 : index
      %get3A_408 = tpu.vector_load %arg20[%get3A_407] {strides = array<i32>} : memref<3072xf32, #tpu.memory_space<vmem>>, vector<16xf32>,
      %slice3A_409 = vector.extract_strided_slice %get3A_51 {offsets = [3], sizes = [1], strides = [1]} : vector<16xf32> to vector<1xf32>
      %squeeze3A_410 = vector.extract %slice3A_409[0] : f32 from vector<1xf32>
      %mul3A_411 = vector.broadcast %squeeze3A_410 : f32 to vector<16xf32>
      %mul3A_412 = arith.mulf %get3A_41, %mul3A_411 : vector<16xf32>
      %add3A_413 = arith.addf %gather3A_402, %mul3A_412 : vector<16xf32>
      %slice3A_414 = vector.extract_strided_slice %get3A_59 {offsets = [3], sizes = [1], strides = [1]} : vector<16xf32> to vector<1xf32>
      %squeeze3A_415 = vector.extract %slice3A_414[0] : f32 from vector<1xf32>
      %mul3A_416 = vector.broadcast %squeeze3A_415 : f32 to vector<16xf32>
      %mul3A_417 = arith.mulf %get3A_43, %mul3A_416 : vector<16xf32>
      %add3A_418 = arith.addf %add3A_413, %mul3A_417 : vector<16xf32>
      %mul3A_419 = arith.mulf %get3A_45, %get3A_404 : vector<16xf32>
      %add3A_420 = arith.addf %add3A_418, %mul3A_419 : vector<16xf32>
      %mul3A_421 = arith.mulf %get3A_47, %get3A_406 : vector<16xf32>
      %add3A_422 = arith.addf %add3A_420, %mul3A_421 : vector<16xf32>
      %max3A_423 = arith.constant 0.000000e+00 : f32
      %max3A_424 = vector.broadcast %max3A_423 : f32 to vector<16xf32>
      %max3A_425 = arith.maximumf %add3A_422, %max3A_424 : vector<16xf32>
      %mul3A_426 = arith.mulf %max3A_425, %get3A_408 : vector<16xf32>
      %add3A_427 = arith.addf %add3A_315, %mul3A_426 : vector<16xf32>
      %gather3A_428 = arith.constant 608 : i32
      %gather3A_429 = tpu.memref_slice %arg19[%gather3A_428] : memref<2048xf32, #tpu.memory_space<vmem>> -> memref<32xf32, #tpu.memory_space<vmem>>
      %gather3A_430 = tpu.vector_load_idx %gather3A_429[%max3A_39] : memref<32xf32, #tpu.memory_space<vmem>>[vector<16xi32>], vector<16xf32>,
      %get3A_431 = arith.constant 912 : index
      %get3A_432 = tpu.vector_load %arg20[%get3A_431] {strides = array<i32>} : memref<3072xf32, #tpu.memory_space<vmem>>, vector<16xf32>,
      %get3A_433 = arith.constant 928 : index
      %get3A_434 = tpu.vector_load %arg20[%get3A_433] {strides = array<i32>} : memref<3072xf32, #tpu.memory_space<vmem>>, vector<16xf32>,
      %get3A_435 = arith.constant 944 : index
      %get3A_436 = tpu.vector_load %arg20[%get3A_435] {strides = array<i32>} : memref<3072xf32, #tpu.memory_space<vmem>>, vector<16xf32>,
      %slice3A_437 = vector.extract_strided_slice %get3A_53 {offsets = [3], sizes = [1], strides = [1]} : vector<16xf32> to vector<1xf32>
      %squeeze3A_438 = vector.extract %slice3A_437[0] : f32 from vector<1xf32>
      %mul3A_439 = vector.broadcast %squeeze3A_438 : f32 to vector<16xf32>
      %mul3A_440 = arith.mulf %get3A_41, %mul3A_439 : vector<16xf32>
      %add3A_441 = arith.addf %gather3A_430, %mul3A_440 : vector<16xf32>
      %slice3A_442 = vector.extract_strided_slice %get3A_61 {offsets = [3], sizes = [1], strides = [1]} : vector<16xf32> to vector<1xf32>
      %squeeze3A_443 = vector.extract %slice3A_442[0] : f32 from vector<1xf32>
      %mul3A_444 = vector.broadcast %squeeze3A_443 : f32 to vector<16xf32>
      %mul3A_445 = arith.mulf %get3A_43, %mul3A_444 : vector<16xf32>
      %add3A_446 = arith.addf %add3A_441, %mul3A_445 : vector<16xf32>
      %mul3A_447 = arith.mulf %get3A_45, %get3A_432 : vector<16xf32>
      %add3A_448 = arith.addf %add3A_446, %mul3A_447 : vector<16xf32>
      %mul3A_449 = arith.mulf %get3A_47, %get3A_434 : vector<16xf32>
      %add3A_450 = arith.addf %add3A_448, %mul3A_449 : vector<16xf32>
      %max3A_451 = arith.constant 0.000000e+00 : f32
      %max3A_452 = vector.broadcast %max3A_451 : f32 to vector<16xf32>
      %max3A_453 = arith.maximumf %add3A_450, %max3A_452 : vector<16xf32>
      %mul3A_454 = arith.mulf %max3A_453, %get3A_436 : vector<16xf32>
      %add3A_455 = arith.addf %add3A_343, %mul3A_454 : vector<16xf32>
      %gather3A_456 = arith.constant 1120 : i32
      %gather3A_457 = tpu.memref_slice %arg19[%gather3A_456] : memref<2048xf32, #tpu.memory_space<vmem>> -> memref<32xf32, #tpu.memory_space<vmem>>
      %gather3A_458 = tpu.vector_load_idx %gather3A_457[%max3A_39] : memref<32xf32, #tpu.memory_space<vmem>>[vector<16xi32>], vector<16xf32>,
      %get3A_459 = arith.constant 1680 : index
      %get3A_460 = tpu.vector_load %arg20[%get3A_459] {strides = array<i32>} : memref<3072xf32, #tpu.memory_space<vmem>>, vector<16xf32>,
      %get3A_461 = arith.constant 1696 : index
      %get3A_462 = tpu.vector_load %arg20[%get3A_461] {strides = array<i32>} : memref<3072xf32, #tpu.memory_space<vmem>>, vector<16xf32>,
      %get3A_463 = arith.constant 1712 : index
      %get3A_464 = tpu.vector_load %arg20[%get3A_463] {strides = array<i32>} : memref<3072xf32, #tpu.memory_space<vmem>>, vector<16xf32>,
      %slice3A_465 = vector.extract_strided_slice %get3A_55 {offsets = [3], sizes = [1], strides = [1]} : vector<16xf32> to vector<1xf32>
      %squeeze3A_466 = vector.extract %slice3A_465[0] : f32 from vector<1xf32>
      %mul3A_467 = vector.broadcast %squeeze3A_466 : f32 to vector<16xf32>
      %mul3A_468 = arith.mulf %get3A_41, %mul3A_467 : vector<16xf32>
      %add3A_469 = arith.addf %gather3A_458, %mul3A_468 : vector<16xf32>
      %slice3A_470 = vector.extract_strided_slice %get3A_63 {offsets = [3], sizes = [1], strides = [1]} : vector<16xf32> to vector<1xf32>
      %squeeze3A_471 = vector.extract %slice3A_470[0] : f32 from vector<1xf32>
      %mul3A_472 = vector.broadcast %squeeze3A_471 : f32 to vector<16xf32>
      %mul3A_473 = arith.mulf %get3A_43, %mul3A_472 : vector<16xf32>
      %add3A_474 = arith.addf %add3A_469, %mul3A_473 : vector<16xf32>
      %mul3A_475 = arith.mulf %get3A_45, %get3A_460 : vector<16xf32>
      %add3A_476 = arith.addf %add3A_474, %mul3A_475 : vector<16xf32>
      %mul3A_477 = arith.mulf %get3A_47, %get3A_462 : vector<16xf32>
      %add3A_478 = arith.addf %add3A_476, %mul3A_477 : vector<16xf32>
      %max3A_479 = arith.constant 0.000000e+00 : f32
      %max3A_480 = vector.broadcast %max3A_479 : f32 to vector<16xf32>
      %max3A_481 = arith.maximumf %add3A_478, %max3A_480 : vector<16xf32>
      %mul3A_482 = arith.mulf %max3A_481, %get3A_464 : vector<16xf32>
      %add3A_483 = arith.addf %add3A_371, %mul3A_482 : vector<16xf32>
      %gather3A_484 = arith.constant 1632 : i32
      %gather3A_485 = tpu.memref_slice %arg19[%gather3A_484] : memref<2048xf32, #tpu.memory_space<vmem>> -> memref<32xf32, #tpu.memory_space<vmem>>
      %gather3A_486 = tpu.vector_load_idx %gather3A_485[%max3A_39] : memref<32xf32, #tpu.memory_space<vmem>>[vector<16xi32>], vector<16xf32>,
      %get3A_487 = arith.constant 2448 : index
      %get3A_488 = tpu.vector_load %arg20[%get3A_487] {strides = array<i32>} : memref<3072xf32, #tpu.memory_space<vmem>>, vector<16xf32>,
      %get3A_489 = arith.constant 2464 : index
      %get3A_490 = tpu.vector_load %arg20[%get3A_489] {strides = array<i32>} : memref<3072xf32, #tpu.memory_space<vmem>>, vector<16xf32>,
      %get3A_491 = arith.constant 2480 : index
      %get3A_492 = tpu.vector_load %arg20[%get3A_491] {strides = array<i32>} : memref<3072xf32, #tpu.memory_space<vmem>>, vector<16xf32>,
      %slice3A_493 = vector.extract_strided_slice %get3A_57 {offsets = [3], sizes = [1], strides = [1]} : vector<16xf32> to vector<1xf32>
      %squeeze3A_494 = vector.extract %slice3A_493[0] : f32 from vector<1xf32>
      %mul3A_495 = vector.broadcast %squeeze3A_494 : f32 to vector<16xf32>
      %mul3A_496 = arith.mulf %get3A_41, %mul3A_495 : vector<16xf32>
      %add3A_497 = arith.addf %gather3A_486, %mul3A_496 : vector<16xf32>
      %slice3A_498 = vector.extract_strided_slice %get3A_65 {offsets = [3], sizes = [1], strides = [1]} : vector<16xf32> to vector<1xf32>
      %squeeze3A_499 = vector.extract %slice3A_498[0] : f32 from vector<1xf32>
      %mul3A_500 = vector.broadcast %squeeze3A_499 : f32 to vector<16xf32>
      %mul3A_501 = arith.mulf %get3A_43, %mul3A_500 : vector<16xf32>
      %add3A_502 = arith.addf %add3A_497, %mul3A_501 : vector<16xf32>
      %mul3A_503 = arith.mulf %get3A_45, %get3A_488 : vector<16xf32>
      %add3A_504 = arith.addf %add3A_502, %mul3A_503 : vector<16xf32>
      %mul3A_505 = arith.mulf %get3A_47, %get3A_490 : vector<16xf32>
      %add3A_506 = arith.addf %add3A_504, %mul3A_505 : vector<16xf32>
      %max3A_507 = arith.constant 0.000000e+00 : f32
      %max3A_508 = vector.broadcast %max3A_507 : f32 to vector<16xf32>
      %max3A_509 = arith.maximumf %add3A_506, %max3A_508 : vector<16xf32>
      %mul3A_510 = arith.mulf %max3A_509, %get3A_492 : vector<16xf32>
      %add3A_511 = arith.addf %add3A_399, %mul3A_510 : vector<16xf32>
      %gather3A_512 = arith.constant 128 : i32
      %gather3A_513 = tpu.memref_slice %arg19[%gather3A_512] : memref<2048xf32, #tpu.memory_space<vmem>> -> memref<32xf32, #tpu.memory_space<vmem>>
      %gather3A_514 = tpu.vector_load_idx %gather3A_513[%max3A_39] : memref<32xf32, #tpu.memory_space<vmem>>[vector<16xi32>], vector<16xf32>,
      %get3A_515 = arith.constant 192 : index
      %get3A_516 = tpu.vector_load %arg20[%get3A_515] {strides = array<i32>} : memref<3072xf32, #tpu.memory_space<vmem>>, vector<16xf32>,
      %get3A_517 = arith.constant 208 : index
      %get3A_518 = tpu.vector_load %arg20[%get3A_517] {strides = array<i32>} : memref<3072xf32, #tpu.memory_space<vmem>>, vector<16xf32>,
      %get3A_519 = arith.constant 224 : index
      %get3A_520 = tpu.vector_load %arg20[%get3A_519] {strides = array<i32>} : memref<3072xf32, #tpu.memory_space<vmem>>, vector<16xf32>,
      %slice3A_521 = vector.extract_strided_slice %get3A_51 {offsets = [4], sizes = [1], strides = [1]} : vector<16xf32> to vector<1xf32>
      %squeeze3A_522 = vector.extract %slice3A_521[0] : f32 from vector<1xf32>
      %mul3A_523 = vector.broadcast %squeeze3A_522 : f32 to vector<16xf32>
      %mul3A_524 = arith.mulf %get3A_41, %mul3A_523 : vector<16xf32>
      %add3A_525 = arith.addf %gather3A_514, %mul3A_524 : vector<16xf32>
      %slice3A_526 = vector.extract_strided_slice %get3A_59 {offsets = [4], sizes = [1], strides = [1]} : vector<16xf32> to vector<1xf32>
      %squeeze3A_527 = vector.extract %slice3A_526[0] : f32 from vector<1xf32>
      %mul3A_528 = vector.broadcast %squeeze3A_527 : f32 to vector<16xf32>
      %mul3A_529 = arith.mulf %get3A_43, %mul3A_528 : vector<16xf32>
      %add3A_530 = arith.addf %add3A_525, %mul3A_529 : vector<16xf32>
      %mul3A_531 = arith.mulf %get3A_45, %get3A_516 : vector<16xf32>
      %add3A_532 = arith.addf %add3A_530, %mul3A_531 : vector<16xf32>
      %mul3A_533 = arith.mulf %get3A_47, %get3A_518 : vector<16xf32>
      %add3A_534 = arith.addf %add3A_532, %mul3A_533 : vector<16xf32>
      %max3A_535 = arith.constant 0.000000e+00 : f32
      %max3A_536 = vector.broadcast %max3A_535 : f32 to vector<16xf32>
      %max3A_537 = arith.maximumf %add3A_534, %max3A_536 : vector<16xf32>
      %mul3A_538 = arith.mulf %max3A_537, %get3A_520 : vector<16xf32>
      %add3A_539 = arith.addf %add3A_427, %mul3A_538 : vector<16xf32>
      %gather3A_540 = arith.constant 640 : i32
      %gather3A_541 = tpu.memref_slice %arg19[%gather3A_540] : memref<2048xf32, #tpu.memory_space<vmem>> -> memref<32xf32, #tpu.memory_space<vmem>>
      %gather3A_542 = tpu.vector_load_idx %gather3A_541[%max3A_39] : memref<32xf32, #tpu.memory_space<vmem>>[vector<16xi32>], vector<16xf32>,
      %get3A_543 = arith.constant 960 : index
      %get3A_544 = tpu.vector_load %arg20[%get3A_543] {strides = array<i32>} : memref<3072xf32, #tpu.memory_space<vmem>>, vector<16xf32>,
      %get3A_545 = arith.constant 976 : index
      %get3A_546 = tpu.vector_load %arg20[%get3A_545] {strides = array<i32>} : memref<3072xf32, #tpu.memory_space<vmem>>, vector<16xf32>,
      %get3A_547 = arith.constant 992 : index
      %get3A_548 = tpu.vector_load %arg20[%get3A_547] {strides = array<i32>} : memref<3072xf32, #tpu.memory_space<vmem>>, vector<16xf32>,
      %slice3A_549 = vector.extract_strided_slice %get3A_53 {offsets = [4], sizes = [1], strides = [1]} : vector<16xf32> to vector<1xf32>
      %squeeze3A_550 = vector.extract %slice3A_549[0] : f32 from vector<1xf32>
      %mul3A_551 = vector.broadcast %squeeze3A_550 : f32 to vector<16xf32>
      %mul3A_552 = arith.mulf %get3A_41, %mul3A_551 : vector<16xf32>
      %add3A_553 = arith.addf %gather3A_542, %mul3A_552 : vector<16xf32>
      %slice3A_554 = vector.extract_strided_slice %get3A_61 {offsets = [4], sizes = [1], strides = [1]} : vector<16xf32> to vector<1xf32>
      %squeeze3A_555 = vector.extract %slice3A_554[0] : f32 from vector<1xf32>
      %mul3A_556 = vector.broadcast %squeeze3A_555 : f32 to vector<16xf32>
      %mul3A_557 = arith.mulf %get3A_43, %mul3A_556 : vector<16xf32>
      %add3A_558 = arith.addf %add3A_553, %mul3A_557 : vector<16xf32>
      %mul3A_559 = arith.mulf %get3A_45, %get3A_544 : vector<16xf32>
      %add3A_560 = arith.addf %add3A_558, %mul3A_559 : vector<16xf32>
      %mul3A_561 = arith.mulf %get3A_47, %get3A_546 : vector<16xf32>
      %add3A_562 = arith.addf %add3A_560, %mul3A_561 : vector<16xf32>
      %max3A_563 = arith.constant 0.000000e+00 : f32
      %max3A_564 = vector.broadcast %max3A_563 : f32 to vector<16xf32>
      %max3A_565 = arith.maximumf %add3A_562, %max3A_564 : vector<16xf32>
      %mul3A_566 = arith.mulf %max3A_565, %get3A_548 : vector<16xf32>
      %add3A_567 = arith.addf %add3A_455, %mul3A_566 : vector<16xf32>
      %gather3A_568 = arith.constant 1152 : i32
      %gather3A_569 = tpu.memref_slice %arg19[%gather3A_568] : memref<2048xf32, #tpu.memory_space<vmem>> -> memref<32xf32, #tpu.memory_space<vmem>>
      %gather3A_570 = tpu.vector_load_idx %gather3A_569[%max3A_39] : memref<32xf32, #tpu.memory_space<vmem>>[vector<16xi32>], vector<16xf32>,
      %get3A_571 = arith.constant 1728 : index
      %get3A_572 = tpu.vector_load %arg20[%get3A_571] {strides = array<i32>} : memref<3072xf32, #tpu.memory_space<vmem>>, vector<16xf32>,
      %get3A_573 = arith.constant 1744 : index
      %get3A_574 = tpu.vector_load %arg20[%get3A_573] {strides = array<i32>} : memref<3072xf32, #tpu.memory_space<vmem>>, vector<16xf32>,
      %get3A_575 = arith.constant 1760 : index
      %get3A_576 = tpu.vector_load %arg20[%get3A_575] {strides = array<i32>} : memref<3072xf32, #tpu.memory_space<vmem>>, vector<16xf32>,
      %slice3A_577 = vector.extract_strided_slice %get3A_55 {offsets = [4], sizes = [1], strides = [1]} : vector<16xf32> to vector<1xf32>
      %squeeze3A_578 = vector.extract %slice3A_577[0] : f32 from vector<1xf32>
      %mul3A_579 = vector.broadcast %squeeze3A_578 : f32 to vector<16xf32>
      %mul3A_580 = arith.mulf %get3A_41, %mul3A_579 : vector<16xf32>
      %add3A_581 = arith.addf %gather3A_570, %mul3A_580 : vector<16xf32>
      %slice3A_582 = vector.extract_strided_slice %get3A_63 {offsets = [4], sizes = [1], strides = [1]} : vector<16xf32> to vector<1xf32>
      %squeeze3A_583 = vector.extract %slice3A_582[0] : f32 from vector<1xf32>
      %mul3A_584 = vector.broadcast %squeeze3A_583 : f32 to vector<16xf32>
      %mul3A_585 = arith.mulf %get3A_43, %mul3A_584 : vector<16xf32>
      %add3A_586 = arith.addf %add3A_581, %mul3A_585 : vector<16xf32>
      %mul3A_587 = arith.mulf %get3A_45, %get3A_572 : vector<16xf32>
      %add3A_588 = arith.addf %add3A_586, %mul3A_587 : vector<16xf32>
      %mul3A_589 = arith.mulf %get3A_47, %get3A_574 : vector<16xf32>
      %add3A_590 = arith.addf %add3A_588, %mul3A_589 : vector<16xf32>
      %max3A_591 = arith.constant 0.000000e+00 : f32
      %max3A_592 = vector.broadcast %max3A_591 : f32 to vector<16xf32>
      %max3A_593 = arith.maximumf %add3A_590, %max3A_592 : vector<16xf32>
      %mul3A_594 = arith.mulf %max3A_593, %get3A_576 : vector<16xf32>
      %add3A_595 = arith.addf %add3A_483, %mul3A_594 : vector<16xf32>
      %gather3A_596 = arith.constant 1664 : i32
      %gather3A_597 = tpu.memref_slice %arg19[%gather3A_596] : memref<2048xf32, #tpu.memory_space<vmem>> -> memref<32xf32, #tpu.memory_space<vmem>>
      %gather3A_598 = tpu.vector_load_idx %gather3A_597[%max3A_39] : memref<32xf32, #tpu.memory_space<vmem>>[vector<16xi32>], vector<16xf32>,
      %get3A_599 = arith.constant 2496 : index
      %get3A_600 = tpu.vector_load %arg20[%get3A_599] {strides = array<i32>} : memref<3072xf32, #tpu.memory_space<vmem>>, vector<16xf32>,
      %get3A_601 = arith.constant 2512 : index
      %get3A_602 = tpu.vector_load %arg20[%get3A_601] {strides = array<i32>} : memref<3072xf32, #tpu.memory_space<vmem>>, vector<16xf32>,
      %get3A_603 = arith.constant 2528 : index
      %get3A_604 = tpu.vector_load %arg20[%get3A_603] {strides = array<i32>} : memref<3072xf32, #tpu.memory_space<vmem>>, vector<16xf32>,
      %slice3A_605 = vector.extract_strided_slice %get3A_57 {offsets = [4], sizes = [1], strides = [1]} : vector<16xf32> to vector<1xf32>
      %squeeze3A_606 = vector.extract %slice3A_605[0] : f32 from vector<1xf32>
      %mul3A_607 = vector.broadcast %squeeze3A_606 : f32 to vector<16xf32>
      %mul3A_608 = arith.mulf %get3A_41, %mul3A_607 : vector<16xf32>
      %add3A_609 = arith.addf %gather3A_598, %mul3A_608 : vector<16xf32>
      %slice3A_610 = vector.extract_strided_slice %get3A_65 {offsets = [4], sizes = [1], strides = [1]} : vector<16xf32> to vector<1xf32>
      %squeeze3A_611 = vector.extract %slice3A_610[0] : f32 from vector<1xf32>
      %mul3A_612 = vector.broadcast %squeeze3A_611 : f32 to vector<16xf32>
      %mul3A_613 = arith.mulf %get3A_43, %mul3A_612 : vector<16xf32>
      %add3A_614 = arith.addf %add3A_609, %mul3A_613 : vector<16xf32>
      %mul3A_615 = arith.mulf %get3A_45, %get3A_600 : vector<16xf32>
      %add3A_616 = arith.addf %add3A_614, %mul3A_615 : vector<16xf32>
      %mul3A_617 = arith.mulf %get3A_47, %get3A_602 : vector<16xf32>
      %add3A_618 = arith.addf %add3A_616, %mul3A_617 : vector<16xf32>
      %max3A_619 = arith.constant 0.000000e+00 : f32
      %max3A_620 = vector.broadcast %max3A_619 : f32 to vector<16xf32>
      %max3A_621 = arith.maximumf %add3A_618, %max3A_620 : vector<16xf32>
      %mul3A_622 = arith.mulf %max3A_621, %get3A_604 : vector<16xf32>
      %add3A_623 = arith.addf %add3A_511, %mul3A_622 : vector<16xf32>
      %gather3A_624 = arith.constant 160 : i32
      %gather3A_625 = tpu.memref_slice %arg19[%gather3A_624] : memref<2048xf32, #tpu.memory_space<vmem>> -> memref<32xf32, #tpu.memory_space<vmem>>
      %gather3A_626 = tpu.vector_load_idx %gather3A_625[%max3A_39] : memref<32xf32, #tpu.memory_space<vmem>>[vector<16xi32>], vector<16xf32>,
      %get3A_627 = arith.constant 240 : index
      %get3A_628 = tpu.vector_load %arg20[%get3A_627] {strides = array<i32>} : memref<3072xf32, #tpu.memory_space<vmem>>, vector<16xf32>,
      %get3A_629 = arith.constant 256 : index
      %get3A_630 = tpu.vector_load %arg20[%get3A_629] {strides = array<i32>} : memref<3072xf32, #tpu.memory_space<vmem>>, vector<16xf32>,
      %get3A_631 = arith.constant 272 : index
      %get3A_632 = tpu.vector_load %arg20[%get3A_631] {strides = array<i32>} : memref<3072xf32, #tpu.memory_space<vmem>>, vector<16xf32>,
      %slice3A_633 = vector.extract_strided_slice %get3A_51 {offsets = [5], sizes = [1], strides = [1]} : vector<16xf32> to vector<1xf32>
      %squeeze3A_634 = vector.extract %slice3A_633[0] : f32 from vector<1xf32>
      %mul3A_635 = vector.broadcast %squeeze3A_634 : f32 to vector<16xf32>
      %mul3A_636 = arith.mulf %get3A_41, %mul3A_635 : vector<16xf32>
      %add3A_637 = arith.addf %gather3A_626, %mul3A_636 : vector<16xf32>
      %slice3A_638 = vector.extract_strided_slice %get3A_59 {offsets = [5], sizes = [1], strides = [1]} : vector<16xf32> to vector<1xf32>
      %squeeze3A_639 = vector.extract %slice3A_638[0] : f32 from vector<1xf32>
      %mul3A_640 = vector.broadcast %squeeze3A_639 : f32 to vector<16xf32>
      %mul3A_641 = arith.mulf %get3A_43, %mul3A_640 : vector<16xf32>
      %add3A_642 = arith.addf %add3A_637, %mul3A_641 : vector<16xf32>
      %mul3A_643 = arith.mulf %get3A_45, %get3A_628 : vector<16xf32>
      %add3A_644 = arith.addf %add3A_642, %mul3A_643 : vector<16xf32>
      %mul3A_645 = arith.mulf %get3A_47, %get3A_630 : vector<16xf32>
      %add3A_646 = arith.addf %add3A_644, %mul3A_645 : vector<16xf32>
      %max3A_647 = arith.constant 0.000000e+00 : f32
      %max3A_648 = vector.broadcast %max3A_647 : f32 to vector<16xf32>
      %max3A_649 = arith.maximumf %add3A_646, %max3A_648 : vector<16xf32>
      %mul3A_650 = arith.mulf %max3A_649, %get3A_632 : vector<16xf32>
      %add3A_651 = arith.addf %add3A_539, %mul3A_650 : vector<16xf32>
      %gather3A_652 = arith.constant 672 : i32
      %gather3A_653 = tpu.memref_slice %arg19[%gather3A_652] : memref<2048xf32, #tpu.memory_space<vmem>> -> memref<32xf32, #tpu.memory_space<vmem>>
      %gather3A_654 = tpu.vector_load_idx %gather3A_653[%max3A_39] : memref<32xf32, #tpu.memory_space<vmem>>[vector<16xi32>], vector<16xf32>,
      %get3A_655 = arith.constant 1008 : index
      %get3A_656 = tpu.vector_load %arg20[%get3A_655] {strides = array<i32>} : memref<3072xf32, #tpu.memory_space<vmem>>, vector<16xf32>,
      %get3A_657 = arith.constant 1024 : index
      %get3A_658 = tpu.vector_load %arg20[%get3A_657] {strides = array<i32>} : memref<3072xf32, #tpu.memory_space<vmem>>, vector<16xf32>,
      %get3A_659 = arith.constant 1040 : index
      %get3A_660 = tpu.vector_load %arg20[%get3A_659] {strides = array<i32>} : memref<3072xf32, #tpu.memory_space<vmem>>, vector<16xf32>,
      %slice3A_661 = vector.extract_strided_slice %get3A_53 {offsets = [5], sizes = [1], strides = [1]} : vector<16xf32> to vector<1xf32>
      %squeeze3A_662 = vector.extract %slice3A_661[0] : f32 from vector<1xf32>
      %mul3A_663 = vector.broadcast %squeeze3A_662 : f32 to vector<16xf32>
      %mul3A_664 = arith.mulf %get3A_41, %mul3A_663 : vector<16xf32>
      %add3A_665 = arith.addf %gather3A_654, %mul3A_664 : vector<16xf32>
      %slice3A_666 = vector.extract_strided_slice %get3A_61 {offsets = [5], sizes = [1], strides = [1]} : vector<16xf32> to vector<1xf32>
      %squeeze3A_667 = vector.extract %slice3A_666[0] : f32 from vector<1xf32>
      %mul3A_668 = vector.broadcast %squeeze3A_667 : f32 to vector<16xf32>
      %mul3A_669 = arith.mulf %get3A_43, %mul3A_668 : vector<16xf32>
      %add3A_670 = arith.addf %add3A_665, %mul3A_669 : vector<16xf32>
      %mul3A_671 = arith.mulf %get3A_45, %get3A_656 : vector<16xf32>
      %add3A_672 = arith.addf %add3A_670, %mul3A_671 : vector<16xf32>
      %mul3A_673 = arith.mulf %get3A_47, %get3A_658 : vector<16xf32>
      %add3A_674 = arith.addf %add3A_672, %mul3A_673 : vector<16xf32>
      %max3A_675 = arith.constant 0.000000e+00 : f32
      %max3A_676 = vector.broadcast %max3A_675 : f32 to vector<16xf32>
      %max3A_677 = arith.maximumf %add3A_674, %max3A_676 : vector<16xf32>
      %mul3A_678 = arith.mulf %max3A_677, %get3A_660 : vector<16xf32>
      %add3A_679 = arith.addf %add3A_567, %mul3A_678 : vector<16xf32>
      %gather3A_680 = arith.constant 1184 : i32
      %gather3A_681 = tpu.memref_slice %arg19[%gather3A_680] : memref<2048xf32, #tpu.memory_space<vmem>> -> memref<32xf32, #tpu.memory_space<vmem>>
      %gather3A_682 = tpu.vector_load_idx %gather3A_681[%max3A_39] : memref<32xf32, #tpu.memory_space<vmem>>[vector<16xi32>], vector<16xf32>,
      %get3A_683 = arith.constant 1776 : index
      %get3A_684 = tpu.vector_load %arg20[%get3A_683] {strides = array<i32>} : memref<3072xf32, #tpu.memory_space<vmem>>, vector<16xf32>,
      %get3A_685 = arith.constant 1792 : index
      %get3A_686 = tpu.vector_load %arg20[%get3A_685] {strides = array<i32>} : memref<3072xf32, #tpu.memory_space<vmem>>, vector<16xf32>,
      %get3A_687 = arith.constant 1808 : index
      %get3A_688 = tpu.vector_load %arg20[%get3A_687] {strides = array<i32>} : memref<3072xf32, #tpu.memory_space<vmem>>, vector<16xf32>,
      %slice3A_689 = vector.extract_strided_slice %get3A_55 {offsets = [5], sizes = [1], strides = [1]} : vector<16xf32> to vector<1xf32>
      %squeeze3A_690 = vector.extract %slice3A_689[0] : f32 from vector<1xf32>
      %mul3A_691 = vector.broadcast %squeeze3A_690 : f32 to vector<16xf32>
      %mul3A_692 = arith.mulf %get3A_41, %mul3A_691 : vector<16xf32>
      %add3A_693 = arith.addf %gather3A_682, %mul3A_692 : vector<16xf32>
      %slice3A_694 = vector.extract_strided_slice %get3A_63 {offsets = [5], sizes = [1], strides = [1]} : vector<16xf32> to vector<1xf32>
      %squeeze3A_695 = vector.extract %slice3A_694[0] : f32 from vector<1xf32>
      %mul3A_696 = vector.broadcast %squeeze3A_695 : f32 to vector<16xf32>
      %mul3A_697 = arith.mulf %get3A_43, %mul3A_696 : vector<16xf32>
      %add3A_698 = arith.addf %add3A_693, %mul3A_697 : vector<16xf32>
      %mul3A_699 = arith.mulf %get3A_45, %get3A_684 : vector<16xf32>
      %add3A_700 = arith.addf %add3A_698, %mul3A_699 : vector<16xf32>
      %mul3A_701 = arith.mulf %get3A_47, %get3A_686 : vector<16xf32>
      %add3A_702 = arith.addf %add3A_700, %mul3A_701 : vector<16xf32>
      %max3A_703 = arith.constant 0.000000e+00 : f32
      %max3A_704 = vector.broadcast %max3A_703 : f32 to vector<16xf32>
      %max3A_705 = arith.maximumf %add3A_702, %max3A_704 : vector<16xf32>
      %mul3A_706 = arith.mulf %max3A_705, %get3A_688 : vector<16xf32>
      %add3A_707 = arith.addf %add3A_595, %mul3A_706 : vector<16xf32>
      %gather3A_708 = arith.constant 1696 : i32
      %gather3A_709 = tpu.memref_slice %arg19[%gather3A_708] : memref<2048xf32, #tpu.memory_space<vmem>> -> memref<32xf32, #tpu.memory_space<vmem>>
      %gather3A_710 = tpu.vector_load_idx %gather3A_709[%max3A_39] : memref<32xf32, #tpu.memory_space<vmem>>[vector<16xi32>], vector<16xf32>,
      %get3A_711 = arith.constant 2544 : index
      %get3A_712 = tpu.vector_load %arg20[%get3A_711] {strides = array<i32>} : memref<3072xf32, #tpu.memory_space<vmem>>, vector<16xf32>,
      %get3A_713 = arith.constant 2560 : index
      %get3A_714 = tpu.vector_load %arg20[%get3A_713] {strides = array<i32>} : memref<3072xf32, #tpu.memory_space<vmem>>, vector<16xf32>,
      %get3A_715 = arith.constant 2576 : index
      %get3A_716 = tpu.vector_load %arg20[%get3A_715] {strides = array<i32>} : memref<3072xf32, #tpu.memory_space<vmem>>, vector<16xf32>,
      %slice3A_717 = vector.extract_strided_slice %get3A_57 {offsets = [5], sizes = [1], strides = [1]} : vector<16xf32> to vector<1xf32>
      %squeeze3A_718 = vector.extract %slice3A_717[0] : f32 from vector<1xf32>
      %mul3A_719 = vector.broadcast %squeeze3A_718 : f32 to vector<16xf32>
      %mul3A_720 = arith.mulf %get3A_41, %mul3A_719 : vector<16xf32>
      %add3A_721 = arith.addf %gather3A_710, %mul3A_720 : vector<16xf32>
      %slice3A_722 = vector.extract_strided_slice %get3A_65 {offsets = [5], sizes = [1], strides = [1]} : vector<16xf32> to vector<1xf32>
      %squeeze3A_723 = vector.extract %slice3A_722[0] : f32 from vector<1xf32>
      %mul3A_724 = vector.broadcast %squeeze3A_723 : f32 to vector<16xf32>
      %mul3A_725 = arith.mulf %get3A_43, %mul3A_724 : vector<16xf32>
      %add3A_726 = arith.addf %add3A_721, %mul3A_725 : vector<16xf32>
      %mul3A_727 = arith.mulf %get3A_45, %get3A_712 : vector<16xf32>
      %add3A_728 = arith.addf %add3A_726, %mul3A_727 : vector<16xf32>
      %mul3A_729 = arith.mulf %get3A_47, %get3A_714 : vector<16xf32>
      %add3A_730 = arith.addf %add3A_728, %mul3A_729 : vector<16xf32>
      %max3A_731 = arith.constant 0.000000e+00 : f32
      %max3A_732 = vector.broadcast %max3A_731 : f32 to vector<16xf32>
      %max3A_733 = arith.maximumf %add3A_730, %max3A_732 : vector<16xf32>
      %mul3A_734 = arith.mulf %max3A_733, %get3A_716 : vector<16xf32>
      %add3A_735 = arith.addf %add3A_623, %mul3A_734 : vector<16xf32>
      %gather3A_736 = arith.constant 192 : i32
      %gather3A_737 = tpu.memref_slice %arg19[%gather3A_736] : memref<2048xf32, #tpu.memory_space<vmem>> -> memref<32xf32, #tpu.memory_space<vmem>>
      %gather3A_738 = tpu.vector_load_idx %gather3A_737[%max3A_39] : memref<32xf32, #tpu.memory_space<vmem>>[vector<16xi32>], vector<16xf32>,
      %get3A_739 = arith.constant 288 : index
      %get3A_740 = tpu.vector_load %arg20[%get3A_739] {strides = array<i32>} : memref<3072xf32, #tpu.memory_space<vmem>>, vector<16xf32>,
      %get3A_741 = arith.constant 304 : index
      %get3A_742 = tpu.vector_load %arg20[%get3A_741] {strides = array<i32>} : memref<3072xf32, #tpu.memory_space<vmem>>, vector<16xf32>,
      %get3A_743 = arith.constant 320 : index
      %get3A_744 = tpu.vector_load %arg20[%get3A_743] {strides = array<i32>} : memref<3072xf32, #tpu.memory_space<vmem>>, vector<16xf32>,
      %slice3A_745 = vector.extract_strided_slice %get3A_51 {offsets = [6], sizes = [1], strides = [1]} : vector<16xf32> to vector<1xf32>
      %squeeze3A_746 = vector.extract %slice3A_745[0] : f32 from vector<1xf32>
      %mul3A_747 = vector.broadcast %squeeze3A_746 : f32 to vector<16xf32>
      %mul3A_748 = arith.mulf %get3A_41, %mul3A_747 : vector<16xf32>
      %add3A_749 = arith.addf %gather3A_738, %mul3A_748 : vector<16xf32>
      %slice3A_750 = vector.extract_strided_slice %get3A_59 {offsets = [6], sizes = [1], strides = [1]} : vector<16xf32> to vector<1xf32>
      %squeeze3A_751 = vector.extract %slice3A_750[0] : f32 from vector<1xf32>
      %mul3A_752 = vector.broadcast %squeeze3A_751 : f32 to vector<16xf32>
      %mul3A_753 = arith.mulf %get3A_43, %mul3A_752 : vector<16xf32>
      %add3A_754 = arith.addf %add3A_749, %mul3A_753 : vector<16xf32>
      %mul3A_755 = arith.mulf %get3A_45, %get3A_740 : vector<16xf32>
      %add3A_756 = arith.addf %add3A_754, %mul3A_755 : vector<16xf32>
      %mul3A_757 = arith.mulf %get3A_47, %get3A_742 : vector<16xf32>
      %add3A_758 = arith.addf %add3A_756, %mul3A_757 : vector<16xf32>
      %max3A_759 = arith.constant 0.000000e+00 : f32
      %max3A_760 = vector.broadcast %max3A_759 : f32 to vector<16xf32>
      %max3A_761 = arith.maximumf %add3A_758, %max3A_760 : vector<16xf32>
      %mul3A_762 = arith.mulf %max3A_761, %get3A_744 : vector<16xf32>
      %add3A_763 = arith.addf %add3A_651, %mul3A_762 : vector<16xf32>
      %gather3A_764 = arith.constant 704 : i32
      %gather3A_765 = tpu.memref_slice %arg19[%gather3A_764] : memref<2048xf32, #tpu.memory_space<vmem>> -> memref<32xf32, #tpu.memory_space<vmem>>
      %gather3A_766 = tpu.vector_load_idx %gather3A_765[%max3A_39] : memref<32xf32, #tpu.memory_space<vmem>>[vector<16xi32>], vector<16xf32>,
      %get3A_767 = arith.constant 1056 : index
      %get3A_768 = tpu.vector_load %arg20[%get3A_767] {strides = array<i32>} : memref<3072xf32, #tpu.memory_space<vmem>>, vector<16xf32>,
      %get3A_769 = arith.constant 1072 : index
      %get3A_770 = tpu.vector_load %arg20[%get3A_769] {strides = array<i32>} : memref<3072xf32, #tpu.memory_space<vmem>>, vector<16xf32>,
      %get3A_771 = arith.constant 1088 : index
      %get3A_772 = tpu.vector_load %arg20[%get3A_771] {strides = array<i32>} : memref<3072xf32, #tpu.memory_space<vmem>>, vector<16xf32>,
      %slice3A_773 = vector.extract_strided_slice %get3A_53 {offsets = [6], sizes = [1], strides = [1]} : vector<16xf32> to vector<1xf32>
      %squeeze3A_774 = vector.extract %slice3A_773[0] : f32 from vector<1xf32>
      %mul3A_775 = vector.broadcast %squeeze3A_774 : f32 to vector<16xf32>
      %mul3A_776 = arith.mulf %get3A_41, %mul3A_775 : vector<16xf32>
      %add3A_777 = arith.addf %gather3A_766, %mul3A_776 : vector<16xf32>
      %slice3A_778 = vector.extract_strided_slice %get3A_61 {offsets = [6], sizes = [1], strides = [1]} : vector<16xf32> to vector<1xf32>
      %squeeze3A_779 = vector.extract %slice3A_778[0] : f32 from vector<1xf32>
      %mul3A_780 = vector.broadcast %squeeze3A_779 : f32 to vector<16xf32>
      %mul3A_781 = arith.mulf %get3A_43, %mul3A_780 : vector<16xf32>
      %add3A_782 = arith.addf %add3A_777, %mul3A_781 : vector<16xf32>
      %mul3A_783 = arith.mulf %get3A_45, %get3A_768 : vector<16xf32>
      %add3A_784 = arith.addf %add3A_782, %mul3A_783 : vector<16xf32>
      %mul3A_785 = arith.mulf %get3A_47, %get3A_770 : vector<16xf32>
      %add3A_786 = arith.addf %add3A_784, %mul3A_785 : vector<16xf32>
      %max3A_787 = arith.constant 0.000000e+00 : f32
      %max3A_788 = vector.broadcast %max3A_787 : f32 to vector<16xf32>
      %max3A_789 = arith.maximumf %add3A_786, %max3A_788 : vector<16xf32>
      %mul3A_790 = arith.mulf %max3A_789, %get3A_772 : vector<16xf32>
      %add3A_791 = arith.addf %add3A_679, %mul3A_790 : vector<16xf32>
      %gather3A_792 = arith.constant 1216 : i32
      %gather3A_793 = tpu.memref_slice %arg19[%gather3A_792] : memref<2048xf32, #tpu.memory_space<vmem>> -> memref<32xf32, #tpu.memory_space<vmem>>
      %gather3A_794 = tpu.vector_load_idx %gather3A_793[%max3A_39] : memref<32xf32, #tpu.memory_space<vmem>>[vector<16xi32>], vector<16xf32>,
      %get3A_795 = arith.constant 1824 : index
      %get3A_796 = tpu.vector_load %arg20[%get3A_795] {strides = array<i32>} : memref<3072xf32, #tpu.memory_space<vmem>>, vector<16xf32>,
      %get3A_797 = arith.constant 1840 : index
      %get3A_798 = tpu.vector_load %arg20[%get3A_797] {strides = array<i32>} : memref<3072xf32, #tpu.memory_space<vmem>>, vector<16xf32>,
      %get3A_799 = arith.constant 1856 : index
      %get3A_800 = tpu.vector_load %arg20[%get3A_799] {strides = array<i32>} : memref<3072xf32, #tpu.memory_space<vmem>>, vector<16xf32>,
      %slice3A_801 = vector.extract_strided_slice %get3A_55 {offsets = [6], sizes = [1], strides = [1]} : vector<16xf32> to vector<1xf32>
      %squeeze3A_802 = vector.extract %slice3A_801[0] : f32 from vector<1xf32>
      %mul3A_803 = vector.broadcast %squeeze3A_802 : f32 to vector<16xf32>
      %mul3A_804 = arith.mulf %get3A_41, %mul3A_803 : vector<16xf32>
      %add3A_805 = arith.addf %gather3A_794, %mul3A_804 : vector<16xf32>
      %slice3A_806 = vector.extract_strided_slice %get3A_63 {offsets = [6], sizes = [1], strides = [1]} : vector<16xf32> to vector<1xf32>
      %squeeze3A_807 = vector.extract %slice3A_806[0] : f32 from vector<1xf32>
      %mul3A_808 = vector.broadcast %squeeze3A_807 : f32 to vector<16xf32>
      %mul3A_809 = arith.mulf %get3A_43, %mul3A_808 : vector<16xf32>
      %add3A_810 = arith.addf %add3A_805, %mul3A_809 : vector<16xf32>
      %mul3A_811 = arith.mulf %get3A_45, %get3A_796 : vector<16xf32>
      %add3A_812 = arith.addf %add3A_810, %mul3A_811 : vector<16xf32>
      %mul3A_813 = arith.mulf %get3A_47, %get3A_798 : vector<16xf32>
      %add3A_814 = arith.addf %add3A_812, %mul3A_813 : vector<16xf32>
      %max3A_815 = arith.constant 0.000000e+00 : f32
      %max3A_816 = vector.broadcast %max3A_815 : f32 to vector<16xf32>
      %max3A_817 = arith.maximumf %add3A_814, %max3A_816 : vector<16xf32>
      %mul3A_818 = arith.mulf %max3A_817, %get3A_800 : vector<16xf32>
      %add3A_819 = arith.addf %add3A_707, %mul3A_818 : vector<16xf32>
      %gather3A_820 = arith.constant 1728 : i32
      %gather3A_821 = tpu.memref_slice %arg19[%gather3A_820] : memref<2048xf32, #tpu.memory_space<vmem>> -> memref<32xf32, #tpu.memory_space<vmem>>
      %gather3A_822 = tpu.vector_load_idx %gather3A_821[%max3A_39] : memref<32xf32, #tpu.memory_space<vmem>>[vector<16xi32>], vector<16xf32>,
      %get3A_823 = arith.constant 2592 : index
      %get3A_824 = tpu.vector_load %arg20[%get3A_823] {strides = array<i32>} : memref<3072xf32, #tpu.memory_space<vmem>>, vector<16xf32>,
      %get3A_825 = arith.constant 2608 : index
      %get3A_826 = tpu.vector_load %arg20[%get3A_825] {strides = array<i32>} : memref<3072xf32, #tpu.memory_space<vmem>>, vector<16xf32>,
      %get3A_827 = arith.constant 2624 : index
      %get3A_828 = tpu.vector_load %arg20[%get3A_827] {strides = array<i32>} : memref<3072xf32, #tpu.memory_space<vmem>>, vector<16xf32>,
      %slice3A_829 = vector.extract_strided_slice %get3A_57 {offsets = [6], sizes = [1], strides = [1]} : vector<16xf32> to vector<1xf32>
      %squeeze3A_830 = vector.extract %slice3A_829[0] : f32 from vector<1xf32>
      %mul3A_831 = vector.broadcast %squeeze3A_830 : f32 to vector<16xf32>
      %mul3A_832 = arith.mulf %get3A_41, %mul3A_831 : vector<16xf32>
      %add3A_833 = arith.addf %gather3A_822, %mul3A_832 : vector<16xf32>
      %slice3A_834 = vector.extract_strided_slice %get3A_65 {offsets = [6], sizes = [1], strides = [1]} : vector<16xf32> to vector<1xf32>
      %squeeze3A_835 = vector.extract %slice3A_834[0] : f32 from vector<1xf32>
      %mul3A_836 = vector.broadcast %squeeze3A_835 : f32 to vector<16xf32>
      %mul3A_837 = arith.mulf %get3A_43, %mul3A_836 : vector<16xf32>
      %add3A_838 = arith.addf %add3A_833, %mul3A_837 : vector<16xf32>
      %mul3A_839 = arith.mulf %get3A_45, %get3A_824 : vector<16xf32>
      %add3A_840 = arith.addf %add3A_838, %mul3A_839 : vector<16xf32>
      %mul3A_841 = arith.mulf %get3A_47, %get3A_826 : vector<16xf32>
      %add3A_842 = arith.addf %add3A_840, %mul3A_841 : vector<16xf32>
      %max3A_843 = arith.constant 0.000000e+00 : f32
      %max3A_844 = vector.broadcast %max3A_843 : f32 to vector<16xf32>
      %max3A_845 = arith.maximumf %add3A_842, %max3A_844 : vector<16xf32>
      %mul3A_846 = arith.mulf %max3A_845, %get3A_828 : vector<16xf32>
      %add3A_847 = arith.addf %add3A_735, %mul3A_846 : vector<16xf32>
      %gather3A_848 = arith.constant 224 : i32
      %gather3A_849 = tpu.memref_slice %arg19[%gather3A_848] : memref<2048xf32, #tpu.memory_space<vmem>> -> memref<32xf32, #tpu.memory_space<vmem>>
      %gather3A_850 = tpu.vector_load_idx %gather3A_849[%max3A_39] : memref<32xf32, #tpu.memory_space<vmem>>[vector<16xi32>], vector<16xf32>,
      %get3A_851 = arith.constant 336 : index
      %get3A_852 = tpu.vector_load %arg20[%get3A_851] {strides = array<i32>} : memref<3072xf32, #tpu.memory_space<vmem>>, vector<16xf32>,
      %get3A_853 = arith.constant 352 : index
      %get3A_854 = tpu.vector_load %arg20[%get3A_853] {strides = array<i32>} : memref<3072xf32, #tpu.memory_space<vmem>>, vector<16xf32>,
      %get3A_855 = arith.constant 368 : index
      %get3A_856 = tpu.vector_load %arg20[%get3A_855] {strides = array<i32>} : memref<3072xf32, #tpu.memory_space<vmem>>, vector<16xf32>,
      %slice3A_857 = vector.extract_strided_slice %get3A_51 {offsets = [7], sizes = [1], strides = [1]} : vector<16xf32> to vector<1xf32>
      %squeeze3A_858 = vector.extract %slice3A_857[0] : f32 from vector<1xf32>
      %mul3A_859 = vector.broadcast %squeeze3A_858 : f32 to vector<16xf32>
      %mul3A_860 = arith.mulf %get3A_41, %mul3A_859 : vector<16xf32>
      %add3A_861 = arith.addf %gather3A_850, %mul3A_860 : vector<16xf32>
      %slice3A_862 = vector.extract_strided_slice %get3A_59 {offsets = [7], sizes = [1], strides = [1]} : vector<16xf32> to vector<1xf32>
      %squeeze3A_863 = vector.extract %slice3A_862[0] : f32 from vector<1xf32>
      %mul3A_864 = vector.broadcast %squeeze3A_863 : f32 to vector<16xf32>
      %mul3A_865 = arith.mulf %get3A_43, %mul3A_864 : vector<16xf32>
      %add3A_866 = arith.addf %add3A_861, %mul3A_865 : vector<16xf32>
      %mul3A_867 = arith.mulf %get3A_45, %get3A_852 : vector<16xf32>
      %add3A_868 = arith.addf %add3A_866, %mul3A_867 : vector<16xf32>
      %mul3A_869 = arith.mulf %get3A_47, %get3A_854 : vector<16xf32>
      %add3A_870 = arith.addf %add3A_868, %mul3A_869 : vector<16xf32>
      %max3A_871 = arith.constant 0.000000e+00 : f32
      %max3A_872 = vector.broadcast %max3A_871 : f32 to vector<16xf32>
      %max3A_873 = arith.maximumf %add3A_870, %max3A_872 : vector<16xf32>
      %mul3A_874 = arith.mulf %max3A_873, %get3A_856 : vector<16xf32>
      %add3A_875 = arith.addf %add3A_763, %mul3A_874 : vector<16xf32>
      %gather3A_876 = arith.constant 736 : i32
      %gather3A_877 = tpu.memref_slice %arg19[%gather3A_876] : memref<2048xf32, #tpu.memory_space<vmem>> -> memref<32xf32, #tpu.memory_space<vmem>>
      %gather3A_878 = tpu.vector_load_idx %gather3A_877[%max3A_39] : memref<32xf32, #tpu.memory_space<vmem>>[vector<16xi32>], vector<16xf32>,
      %get3A_879 = arith.constant 1104 : index
      %get3A_880 = tpu.vector_load %arg20[%get3A_879] {strides = array<i32>} : memref<3072xf32, #tpu.memory_space<vmem>>, vector<16xf32>,
      %get3A_881 = arith.constant 1120 : index
      %get3A_882 = tpu.vector_load %arg20[%get3A_881] {strides = array<i32>} : memref<3072xf32, #tpu.memory_space<vmem>>, vector<16xf32>,
      %get3A_883 = arith.constant 1136 : index
      %get3A_884 = tpu.vector_load %arg20[%get3A_883] {strides = array<i32>} : memref<3072xf32, #tpu.memory_space<vmem>>, vector<16xf32>,
      %slice3A_885 = vector.extract_strided_slice %get3A_53 {offsets = [7], sizes = [1], strides = [1]} : vector<16xf32> to vector<1xf32>
      %squeeze3A_886 = vector.extract %slice3A_885[0] : f32 from vector<1xf32>
      %mul3A_887 = vector.broadcast %squeeze3A_886 : f32 to vector<16xf32>
      %mul3A_888 = arith.mulf %get3A_41, %mul3A_887 : vector<16xf32>
      %add3A_889 = arith.addf %gather3A_878, %mul3A_888 : vector<16xf32>
      %slice3A_890 = vector.extract_strided_slice %get3A_61 {offsets = [7], sizes = [1], strides = [1]} : vector<16xf32> to vector<1xf32>
      %squeeze3A_891 = vector.extract %slice3A_890[0] : f32 from vector<1xf32>
      %mul3A_892 = vector.broadcast %squeeze3A_891 : f32 to vector<16xf32>
      %mul3A_893 = arith.mulf %get3A_43, %mul3A_892 : vector<16xf32>
      %add3A_894 = arith.addf %add3A_889, %mul3A_893 : vector<16xf32>
      %mul3A_895 = arith.mulf %get3A_45, %get3A_880 : vector<16xf32>
      %add3A_896 = arith.addf %add3A_894, %mul3A_895 : vector<16xf32>
      %mul3A_897 = arith.mulf %get3A_47, %get3A_882 : vector<16xf32>
      %add3A_898 = arith.addf %add3A_896, %mul3A_897 : vector<16xf32>
      %max3A_899 = arith.constant 0.000000e+00 : f32
      %max3A_900 = vector.broadcast %max3A_899 : f32 to vector<16xf32>
      %max3A_901 = arith.maximumf %add3A_898, %max3A_900 : vector<16xf32>
      %mul3A_902 = arith.mulf %max3A_901, %get3A_884 : vector<16xf32>
      %add3A_903 = arith.addf %add3A_791, %mul3A_902 : vector<16xf32>
      %gather3A_904 = arith.constant 1248 : i32
      %gather3A_905 = tpu.memref_slice %arg19[%gather3A_904] : memref<2048xf32, #tpu.memory_space<vmem>> -> memref<32xf32, #tpu.memory_space<vmem>>
      %gather3A_906 = tpu.vector_load_idx %gather3A_905[%max3A_39] : memref<32xf32, #tpu.memory_space<vmem>>[vector<16xi32>], vector<16xf32>,
      %get3A_907 = arith.constant 1872 : index
      %get3A_908 = tpu.vector_load %arg20[%get3A_907] {strides = array<i32>} : memref<3072xf32, #tpu.memory_space<vmem>>, vector<16xf32>,
      %get3A_909 = arith.constant 1888 : index
      %get3A_910 = tpu.vector_load %arg20[%get3A_909] {strides = array<i32>} : memref<3072xf32, #tpu.memory_space<vmem>>, vector<16xf32>,
      %get3A_911 = arith.constant 1904 : index
      %get3A_912 = tpu.vector_load %arg20[%get3A_911] {strides = array<i32>} : memref<3072xf32, #tpu.memory_space<vmem>>, vector<16xf32>,
      %slice3A_913 = vector.extract_strided_slice %get3A_55 {offsets = [7], sizes = [1], strides = [1]} : vector<16xf32> to vector<1xf32>
      %squeeze3A_914 = vector.extract %slice3A_913[0] : f32 from vector<1xf32>
      %mul3A_915 = vector.broadcast %squeeze3A_914 : f32 to vector<16xf32>
      %mul3A_916 = arith.mulf %get3A_41, %mul3A_915 : vector<16xf32>
      %add3A_917 = arith.addf %gather3A_906, %mul3A_916 : vector<16xf32>
      %slice3A_918 = vector.extract_strided_slice %get3A_63 {offsets = [7], sizes = [1], strides = [1]} : vector<16xf32> to vector<1xf32>
      %squeeze3A_919 = vector.extract %slice3A_918[0] : f32 from vector<1xf32>
      %mul3A_920 = vector.broadcast %squeeze3A_919 : f32 to vector<16xf32>
      %mul3A_921 = arith.mulf %get3A_43, %mul3A_920 : vector<16xf32>
      %add3A_922 = arith.addf %add3A_917, %mul3A_921 : vector<16xf32>
      %mul3A_923 = arith.mulf %get3A_45, %get3A_908 : vector<16xf32>
      %add3A_924 = arith.addf %add3A_922, %mul3A_923 : vector<16xf32>
      %mul3A_925 = arith.mulf %get3A_47, %get3A_910 : vector<16xf32>
      %add3A_926 = arith.addf %add3A_924, %mul3A_925 : vector<16xf32>
      %max3A_927 = arith.constant 0.000000e+00 : f32
      %max3A_928 = vector.broadcast %max3A_927 : f32 to vector<16xf32>
      %max3A_929 = arith.maximumf %add3A_926, %max3A_928 : vector<16xf32>
      %mul3A_930 = arith.mulf %max3A_929, %get3A_912 : vector<16xf32>
      %add3A_931 = arith.addf %add3A_819, %mul3A_930 : vector<16xf32>
      %gather3A_932 = arith.constant 1760 : i32
      %gather3A_933 = tpu.memref_slice %arg19[%gather3A_932] : memref<2048xf32, #tpu.memory_space<vmem>> -> memref<32xf32, #tpu.memory_space<vmem>>
      %gather3A_934 = tpu.vector_load_idx %gather3A_933[%max3A_39] : memref<32xf32, #tpu.memory_space<vmem>>[vector<16xi32>], vector<16xf32>,
      %get3A_935 = arith.constant 2640 : index
      %get3A_936 = tpu.vector_load %arg20[%get3A_935] {strides = array<i32>} : memref<3072xf32, #tpu.memory_space<vmem>>, vector<16xf32>,
      %get3A_937 = arith.constant 2656 : index
      %get3A_938 = tpu.vector_load %arg20[%get3A_937] {strides = array<i32>} : memref<3072xf32, #tpu.memory_space<vmem>>, vector<16xf32>,
      %get3A_939 = arith.constant 2672 : index
      %get3A_940 = tpu.vector_load %arg20[%get3A_939] {strides = array<i32>} : memref<3072xf32, #tpu.memory_space<vmem>>, vector<16xf32>,
      %slice3A_941 = vector.extract_strided_slice %get3A_57 {offsets = [7], sizes = [1], strides = [1]} : vector<16xf32> to vector<1xf32>
      %squeeze3A_942 = vector.extract %slice3A_941[0] : f32 from vector<1xf32>
      %mul3A_943 = vector.broadcast %squeeze3A_942 : f32 to vector<16xf32>
      %mul3A_944 = arith.mulf %get3A_41, %mul3A_943 : vector<16xf32>
      %add3A_945 = arith.addf %gather3A_934, %mul3A_944 : vector<16xf32>
      %slice3A_946 = vector.extract_strided_slice %get3A_65 {offsets = [7], sizes = [1], strides = [1]} : vector<16xf32> to vector<1xf32>
      %squeeze3A_947 = vector.extract %slice3A_946[0] : f32 from vector<1xf32>
      %mul3A_948 = vector.broadcast %squeeze3A_947 : f32 to vector<16xf32>
      %mul3A_949 = arith.mulf %get3A_43, %mul3A_948 : vector<16xf32>
      %add3A_950 = arith.addf %add3A_945, %mul3A_949 : vector<16xf32>
      %mul3A_951 = arith.mulf %get3A_45, %get3A_936 : vector<16xf32>
      %add3A_952 = arith.addf %add3A_950, %mul3A_951 : vector<16xf32>
      %mul3A_953 = arith.mulf %get3A_47, %get3A_938 : vector<16xf32>
      %add3A_954 = arith.addf %add3A_952, %mul3A_953 : vector<16xf32>
      %max3A_955 = arith.constant 0.000000e+00 : f32
      %max3A_956 = vector.broadcast %max3A_955 : f32 to vector<16xf32>
      %max3A_957 = arith.maximumf %add3A_954, %max3A_956 : vector<16xf32>
      %mul3A_958 = arith.mulf %max3A_957, %get3A_940 : vector<16xf32>
      %add3A_959 = arith.addf %add3A_847, %mul3A_958 : vector<16xf32>
      %gather3A_960 = arith.constant 256 : i32
      %gather3A_961 = tpu.memref_slice %arg19[%gather3A_960] : memref<2048xf32, #tpu.memory_space<vmem>> -> memref<32xf32, #tpu.memory_space<vmem>>
      %gather3A_962 = tpu.vector_load_idx %gather3A_961[%max3A_39] : memref<32xf32, #tpu.memory_space<vmem>>[vector<16xi32>], vector<16xf32>,
      %get3A_963 = arith.constant 384 : index
      %get3A_964 = tpu.vector_load %arg20[%get3A_963] {strides = array<i32>} : memref<3072xf32, #tpu.memory_space<vmem>>, vector<16xf32>,
      %get3A_965 = arith.constant 400 : index
      %get3A_966 = tpu.vector_load %arg20[%get3A_965] {strides = array<i32>} : memref<3072xf32, #tpu.memory_space<vmem>>, vector<16xf32>,
      %get3A_967 = arith.constant 416 : index
      %get3A_968 = tpu.vector_load %arg20[%get3A_967] {strides = array<i32>} : memref<3072xf32, #tpu.memory_space<vmem>>, vector<16xf32>,
      %slice3A_969 = vector.extract_strided_slice %get3A_51 {offsets = [8], sizes = [1], strides = [1]} : vector<16xf32> to vector<1xf32>
      %squeeze3A_970 = vector.extract %slice3A_969[0] : f32 from vector<1xf32>
      %mul3A_971 = vector.broadcast %squeeze3A_970 : f32 to vector<16xf32>
      %mul3A_972 = arith.mulf %get3A_41, %mul3A_971 : vector<16xf32>
      %add3A_973 = arith.addf %gather3A_962, %mul3A_972 : vector<16xf32>
      %slice3A_974 = vector.extract_strided_slice %get3A_59 {offsets = [8], sizes = [1], strides = [1]} : vector<16xf32> to vector<1xf32>
      %squeeze3A_975 = vector.extract %slice3A_974[0] : f32 from vector<1xf32>
      %mul3A_976 = vector.broadcast %squeeze3A_975 : f32 to vector<16xf32>
      %mul3A_977 = arith.mulf %get3A_43, %mul3A_976 : vector<16xf32>
      %add3A_978 = arith.addf %add3A_973, %mul3A_977 : vector<16xf32>
      %mul3A_979 = arith.mulf %get3A_45, %get3A_964 : vector<16xf32>
      %add3A_980 = arith.addf %add3A_978, %mul3A_979 : vector<16xf32>
      %mul3A_981 = arith.mulf %get3A_47, %get3A_966 : vector<16xf32>
      %add3A_982 = arith.addf %add3A_980, %mul3A_981 : vector<16xf32>
      %max3A_983 = arith.constant 0.000000e+00 : f32
      %max3A_984 = vector.broadcast %max3A_983 : f32 to vector<16xf32>
      %max3A_985 = arith.maximumf %add3A_982, %max3A_984 : vector<16xf32>
      %mul3A_986 = arith.mulf %max3A_985, %get3A_968 : vector<16xf32>
      %add3A_987 = arith.addf %add3A_875, %mul3A_986 : vector<16xf32>
      %gather3A_988 = arith.constant 768 : i32
      %gather3A_989 = tpu.memref_slice %arg19[%gather3A_988] : memref<2048xf32, #tpu.memory_space<vmem>> -> memref<32xf32, #tpu.memory_space<vmem>>
      %gather3A_990 = tpu.vector_load_idx %gather3A_989[%max3A_39] : memref<32xf32, #tpu.memory_space<vmem>>[vector<16xi32>], vector<16xf32>,
      %get3A_991 = arith.constant 1152 : index
      %get3A_992 = tpu.vector_load %arg20[%get3A_991] {strides = array<i32>} : memref<3072xf32, #tpu.memory_space<vmem>>, vector<16xf32>,
      %get3A_993 = arith.constant 1168 : index
      %get3A_994 = tpu.vector_load %arg20[%get3A_993] {strides = array<i32>} : memref<3072xf32, #tpu.memory_space<vmem>>, vector<16xf32>,
      %get3A_995 = arith.constant 1184 : index
      %get3A_996 = tpu.vector_load %arg20[%get3A_995] {strides = array<i32>} : memref<3072xf32, #tpu.memory_space<vmem>>, vector<16xf32>,
      %slice3A_997 = vector.extract_strided_slice %get3A_53 {offsets = [8], sizes = [1], strides = [1]} : vector<16xf32> to vector<1xf32>
      %squeeze3A_998 = vector.extract %slice3A_997[0] : f32 from vector<1xf32>
      %mul3A_999 = vector.broadcast %squeeze3A_998 : f32 to vector<16xf32>
      %mul3A_1000 = arith.mulf %get3A_41, %mul3A_999 : vector<16xf32>
      %add3A_1001 = arith.addf %gather3A_990, %mul3A_1000 : vector<16xf32>
      %slice3A_1002 = vector.extract_strided_slice %get3A_61 {offsets = [8], sizes = [1], strides = [1]} : vector<16xf32> to vector<1xf32>
      %squeeze3A_1003 = vector.extract %slice3A_1002[0] : f32 from vector<1xf32>
      %mul3A_1004 = vector.broadcast %squeeze3A_1003 : f32 to vector<16xf32>
      %mul3A_1005 = arith.mulf %get3A_43, %mul3A_1004 : vector<16xf32>
      %add3A_1006 = arith.addf %add3A_1001, %mul3A_1005 : vector<16xf32>
      %mul3A_1007 = arith.mulf %get3A_45, %get3A_992 : vector<16xf32>
      %add3A_1008 = arith.addf %add3A_1006, %mul3A_1007 : vector<16xf32>
      %mul3A_1009 = arith.mulf %get3A_47, %get3A_994 : vector<16xf32>
      %add3A_1010 = arith.addf %add3A_1008, %mul3A_1009 : vector<16xf32>
      %max3A_1011 = arith.constant 0.000000e+00 : f32
      %max3A_1012 = vector.broadcast %max3A_1011 : f32 to vector<16xf32>
      %max3A_1013 = arith.maximumf %add3A_1010, %max3A_1012 : vector<16xf32>
      %mul3A_1014 = arith.mulf %max3A_1013, %get3A_996 : vector<16xf32>
      %add3A_1015 = arith.addf %add3A_903, %mul3A_1014 : vector<16xf32>
      %gather3A_1016 = arith.constant 1280 : i32
      %gather3A_1017 = tpu.memref_slice %arg19[%gather3A_1016] : memref<2048xf32, #tpu.memory_space<vmem>> -> memref<32xf32, #tpu.memory_space<vmem>>
      %gather3A_1018 = tpu.vector_load_idx %gather3A_1017[%max3A_39] : memref<32xf32, #tpu.memory_space<vmem>>[vector<16xi32>], vector<16xf32>,
      %get3A_1019 = arith.constant 1920 : index
      %get3A_1020 = tpu.vector_load %arg20[%get3A_1019] {strides = array<i32>} : memref<3072xf32, #tpu.memory_space<vmem>>, vector<16xf32>,
      %get3A_1021 = arith.constant 1936 : index
      %get3A_1022 = tpu.vector_load %arg20[%get3A_1021] {strides = array<i32>} : memref<3072xf32, #tpu.memory_space<vmem>>, vector<16xf32>,
      %get3A_1023 = arith.constant 1952 : index
      %get3A_1024 = tpu.vector_load %arg20[%get3A_1023] {strides = array<i32>} : memref<3072xf32, #tpu.memory_space<vmem>>, vector<16xf32>,
      %slice3A_1025 = vector.extract_strided_slice %get3A_55 {offsets = [8], sizes = [1], strides = [1]} : vector<16xf32> to vector<1xf32>
      %squeeze3A_1026 = vector.extract %slice3A_1025[0] : f32 from vector<1xf32>
      %mul3A_1027 = vector.broadcast %squeeze3A_1026 : f32 to vector<16xf32>
      %mul3A_1028 = arith.mulf %get3A_41, %mul3A_1027 : vector<16xf32>
      %add3A_1029 = arith.addf %gather3A_1018, %mul3A_1028 : vector<16xf32>
      %slice3A_1030 = vector.extract_strided_slice %get3A_63 {offsets = [8], sizes = [1], strides = [1]} : vector<16xf32> to vector<1xf32>
      %squeeze3A_1031 = vector.extract %slice3A_1030[0] : f32 from vector<1xf32>
      %mul3A_1032 = vector.broadcast %squeeze3A_1031 : f32 to vector<16xf32>
      %mul3A_1033 = arith.mulf %get3A_43, %mul3A_1032 : vector<16xf32>
      %add3A_1034 = arith.addf %add3A_1029, %mul3A_1033 : vector<16xf32>
      %mul3A_1035 = arith.mulf %get3A_45, %get3A_1020 : vector<16xf32>
      %add3A_1036 = arith.addf %add3A_1034, %mul3A_1035 : vector<16xf32>
      %mul3A_1037 = arith.mulf %get3A_47, %get3A_1022 : vector<16xf32>
      %add3A_1038 = arith.addf %add3A_1036, %mul3A_1037 : vector<16xf32>
      %max3A_1039 = arith.constant 0.000000e+00 : f32
      %max3A_1040 = vector.broadcast %max3A_1039 : f32 to vector<16xf32>
      %max3A_1041 = arith.maximumf %add3A_1038, %max3A_1040 : vector<16xf32>
      %mul3A_1042 = arith.mulf %max3A_1041, %get3A_1024 : vector<16xf32>
      %add3A_1043 = arith.addf %add3A_931, %mul3A_1042 : vector<16xf32>
      %gather3A_1044 = arith.constant 1792 : i32
      %gather3A_1045 = tpu.memref_slice %arg19[%gather3A_1044] : memref<2048xf32, #tpu.memory_space<vmem>> -> memref<32xf32, #tpu.memory_space<vmem>>
      %gather3A_1046 = tpu.vector_load_idx %gather3A_1045[%max3A_39] : memref<32xf32, #tpu.memory_space<vmem>>[vector<16xi32>], vector<16xf32>,
      %get3A_1047 = arith.constant 2688 : index
      %get3A_1048 = tpu.vector_load %arg20[%get3A_1047] {strides = array<i32>} : memref<3072xf32, #tpu.memory_space<vmem>>, vector<16xf32>,
      %get3A_1049 = arith.constant 2704 : index
      %get3A_1050 = tpu.vector_load %arg20[%get3A_1049] {strides = array<i32>} : memref<3072xf32, #tpu.memory_space<vmem>>, vector<16xf32>,
      %get3A_1051 = arith.constant 2720 : index
      %get3A_1052 = tpu.vector_load %arg20[%get3A_1051] {strides = array<i32>} : memref<3072xf32, #tpu.memory_space<vmem>>, vector<16xf32>,
      %slice3A_1053 = vector.extract_strided_slice %get3A_57 {offsets = [8], sizes = [1], strides = [1]} : vector<16xf32> to vector<1xf32>
      %squeeze3A_1054 = vector.extract %slice3A_1053[0] : f32 from vector<1xf32>
      %mul3A_1055 = vector.broadcast %squeeze3A_1054 : f32 to vector<16xf32>
      %mul3A_1056 = arith.mulf %get3A_41, %mul3A_1055 : vector<16xf32>
      %add3A_1057 = arith.addf %gather3A_1046, %mul3A_1056 : vector<16xf32>
      %slice3A_1058 = vector.extract_strided_slice %get3A_65 {offsets = [8], sizes = [1], strides = [1]} : vector<16xf32> to vector<1xf32>
      %squeeze3A_1059 = vector.extract %slice3A_1058[0] : f32 from vector<1xf32>
      %mul3A_1060 = vector.broadcast %squeeze3A_1059 : f32 to vector<16xf32>
      %mul3A_1061 = arith.mulf %get3A_43, %mul3A_1060 : vector<16xf32>
      %add3A_1062 = arith.addf %add3A_1057, %mul3A_1061 : vector<16xf32>
      %mul3A_1063 = arith.mulf %get3A_45, %get3A_1048 : vector<16xf32>
      %add3A_1064 = arith.addf %add3A_1062, %mul3A_1063 : vector<16xf32>
      %mul3A_1065 = arith.mulf %get3A_47, %get3A_1050 : vector<16xf32>
      %add3A_1066 = arith.addf %add3A_1064, %mul3A_1065 : vector<16xf32>
      %max3A_1067 = arith.constant 0.000000e+00 : f32
      %max3A_1068 = vector.broadcast %max3A_1067 : f32 to vector<16xf32>
      %max3A_1069 = arith.maximumf %add3A_1066, %max3A_1068 : vector<16xf32>
      %mul3A_1070 = arith.mulf %max3A_1069, %get3A_1052 : vector<16xf32>
      %add3A_1071 = arith.addf %add3A_959, %mul3A_1070 : vector<16xf32>
      %gather3A_1072 = arith.constant 288 : i32
      %gather3A_1073 = tpu.memref_slice %arg19[%gather3A_1072] : memref<2048xf32, #tpu.memory_space<vmem>> -> memref<32xf32, #tpu.memory_space<vmem>>
      %gather3A_1074 = tpu.vector_load_idx %gather3A_1073[%max3A_39] : memref<32xf32, #tpu.memory_space<vmem>>[vector<16xi32>], vector<16xf32>,
      %get3A_1075 = arith.constant 432 : index
      %get3A_1076 = tpu.vector_load %arg20[%get3A_1075] {strides = array<i32>} : memref<3072xf32, #tpu.memory_space<vmem>>, vector<16xf32>,
      %get3A_1077 = arith.constant 448 : index
      %get3A_1078 = tpu.vector_load %arg20[%get3A_1077] {strides = array<i32>} : memref<3072xf32, #tpu.memory_space<vmem>>, vector<16xf32>,
      %get3A_1079 = arith.constant 464 : index
      %get3A_1080 = tpu.vector_load %arg20[%get3A_1079] {strides = array<i32>} : memref<3072xf32, #tpu.memory_space<vmem>>, vector<16xf32>,
      %slice3A_1081 = vector.extract_strided_slice %get3A_51 {offsets = [9], sizes = [1], strides = [1]} : vector<16xf32> to vector<1xf32>
      %squeeze3A_1082 = vector.extract %slice3A_1081[0] : f32 from vector<1xf32>
      %mul3A_1083 = vector.broadcast %squeeze3A_1082 : f32 to vector<16xf32>
      %mul3A_1084 = arith.mulf %get3A_41, %mul3A_1083 : vector<16xf32>
      %add3A_1085 = arith.addf %gather3A_1074, %mul3A_1084 : vector<16xf32>
      %slice3A_1086 = vector.extract_strided_slice %get3A_59 {offsets = [9], sizes = [1], strides = [1]} : vector<16xf32> to vector<1xf32>
      %squeeze3A_1087 = vector.extract %slice3A_1086[0] : f32 from vector<1xf32>
      %mul3A_1088 = vector.broadcast %squeeze3A_1087 : f32 to vector<16xf32>
      %mul3A_1089 = arith.mulf %get3A_43, %mul3A_1088 : vector<16xf32>
      %add3A_1090 = arith.addf %add3A_1085, %mul3A_1089 : vector<16xf32>
      %mul3A_1091 = arith.mulf %get3A_45, %get3A_1076 : vector<16xf32>
      %add3A_1092 = arith.addf %add3A_1090, %mul3A_1091 : vector<16xf32>
      %mul3A_1093 = arith.mulf %get3A_47, %get3A_1078 : vector<16xf32>
      %add3A_1094 = arith.addf %add3A_1092, %mul3A_1093 : vector<16xf32>
      %max3A_1095 = arith.constant 0.000000e+00 : f32
      %max3A_1096 = vector.broadcast %max3A_1095 : f32 to vector<16xf32>
      %max3A_1097 = arith.maximumf %add3A_1094, %max3A_1096 : vector<16xf32>
      %mul3A_1098 = arith.mulf %max3A_1097, %get3A_1080 : vector<16xf32>
      %add3A_1099 = arith.addf %add3A_987, %mul3A_1098 : vector<16xf32>
      %gather3A_1100 = arith.constant 800 : i32
      %gather3A_1101 = tpu.memref_slice %arg19[%gather3A_1100] : memref<2048xf32, #tpu.memory_space<vmem>> -> memref<32xf32, #tpu.memory_space<vmem>>
      %gather3A_1102 = tpu.vector_load_idx %gather3A_1101[%max3A_39] : memref<32xf32, #tpu.memory_space<vmem>>[vector<16xi32>], vector<16xf32>,
      %get3A_1103 = arith.constant 1200 : index
      %get3A_1104 = tpu.vector_load %arg20[%get3A_1103] {strides = array<i32>} : memref<3072xf32, #tpu.memory_space<vmem>>, vector<16xf32>,
      %get3A_1105 = arith.constant 1216 : index
      %get3A_1106 = tpu.vector_load %arg20[%get3A_1105] {strides = array<i32>} : memref<3072xf32, #tpu.memory_space<vmem>>, vector<16xf32>,
      %get3A_1107 = arith.constant 1232 : index
      %get3A_1108 = tpu.vector_load %arg20[%get3A_1107] {strides = array<i32>} : memref<3072xf32, #tpu.memory_space<vmem>>, vector<16xf32>,
      %slice3A_1109 = vector.extract_strided_slice %get3A_53 {offsets = [9], sizes = [1], strides = [1]} : vector<16xf32> to vector<1xf32>
      %squeeze3A_1110 = vector.extract %slice3A_1109[0] : f32 from vector<1xf32>
      %mul3A_1111 = vector.broadcast %squeeze3A_1110 : f32 to vector<16xf32>
      %mul3A_1112 = arith.mulf %get3A_41, %mul3A_1111 : vector<16xf32>
      %add3A_1113 = arith.addf %gather3A_1102, %mul3A_1112 : vector<16xf32>
      %slice3A_1114 = vector.extract_strided_slice %get3A_61 {offsets = [9], sizes = [1], strides = [1]} : vector<16xf32> to vector<1xf32>
      %squeeze3A_1115 = vector.extract %slice3A_1114[0] : f32 from vector<1xf32>
      %mul3A_1116 = vector.broadcast %squeeze3A_1115 : f32 to vector<16xf32>
      %mul3A_1117 = arith.mulf %get3A_43, %mul3A_1116 : vector<16xf32>
      %add3A_1118 = arith.addf %add3A_1113, %mul3A_1117 : vector<16xf32>
      %mul3A_1119 = arith.mulf %get3A_45, %get3A_1104 : vector<16xf32>
      %add3A_1120 = arith.addf %add3A_1118, %mul3A_1119 : vector<16xf32>
      %mul3A_1121 = arith.mulf %get3A_47, %get3A_1106 : vector<16xf32>
      %add3A_1122 = arith.addf %add3A_1120, %mul3A_1121 : vector<16xf32>
      %max3A_1123 = arith.constant 0.000000e+00 : f32
      %max3A_1124 = vector.broadcast %max3A_1123 : f32 to vector<16xf32>
      %max3A_1125 = arith.maximumf %add3A_1122, %max3A_1124 : vector<16xf32>
      %mul3A_1126 = arith.mulf %max3A_1125, %get3A_1108 : vector<16xf32>
      %add3A_1127 = arith.addf %add3A_1015, %mul3A_1126 : vector<16xf32>
      %gather3A_1128 = arith.constant 1312 : i32
      %gather3A_1129 = tpu.memref_slice %arg19[%gather3A_1128] : memref<2048xf32, #tpu.memory_space<vmem>> -> memref<32xf32, #tpu.memory_space<vmem>>
      %gather3A_1130 = tpu.vector_load_idx %gather3A_1129[%max3A_39] : memref<32xf32, #tpu.memory_space<vmem>>[vector<16xi32>], vector<16xf32>,
      %get3A_1131 = arith.constant 1968 : index
      %get3A_1132 = tpu.vector_load %arg20[%get3A_1131] {strides = array<i32>} : memref<3072xf32, #tpu.memory_space<vmem>>, vector<16xf32>,
      %get3A_1133 = arith.constant 1984 : index
      %get3A_1134 = tpu.vector_load %arg20[%get3A_1133] {strides = array<i32>} : memref<3072xf32, #tpu.memory_space<vmem>>, vector<16xf32>,
      %get3A_1135 = arith.constant 2000 : index
      %get3A_1136 = tpu.vector_load %arg20[%get3A_1135] {strides = array<i32>} : memref<3072xf32, #tpu.memory_space<vmem>>, vector<16xf32>,
      %slice3A_1137 = vector.extract_strided_slice %get3A_55 {offsets = [9], sizes = [1], strides = [1]} : vector<16xf32> to vector<1xf32>
      %squeeze3A_1138 = vector.extract %slice3A_1137[0] : f32 from vector<1xf32>
      %mul3A_1139 = vector.broadcast %squeeze3A_1138 : f32 to vector<16xf32>
      %mul3A_1140 = arith.mulf %get3A_41, %mul3A_1139 : vector<16xf32>
      %add3A_1141 = arith.addf %gather3A_1130, %mul3A_1140 : vector<16xf32>
      %slice3A_1142 = vector.extract_strided_slice %get3A_63 {offsets = [9], sizes = [1], strides = [1]} : vector<16xf32> to vector<1xf32>
      %squeeze3A_1143 = vector.extract %slice3A_1142[0] : f32 from vector<1xf32>
      %mul3A_1144 = vector.broadcast %squeeze3A_1143 : f32 to vector<16xf32>
      %mul3A_1145 = arith.mulf %get3A_43, %mul3A_1144 : vector<16xf32>
      %add3A_1146 = arith.addf %add3A_1141, %mul3A_1145 : vector<16xf32>
      %mul3A_1147 = arith.mulf %get3A_45, %get3A_1132 : vector<16xf32>
      %add3A_1148 = arith.addf %add3A_1146, %mul3A_1147 : vector<16xf32>
      %mul3A_1149 = arith.mulf %get3A_47, %get3A_1134 : vector<16xf32>
      %add3A_1150 = arith.addf %add3A_1148, %mul3A_1149 : vector<16xf32>
      %max3A_1151 = arith.constant 0.000000e+00 : f32
      %max3A_1152 = vector.broadcast %max3A_1151 : f32 to vector<16xf32>
      %max3A_1153 = arith.maximumf %add3A_1150, %max3A_1152 : vector<16xf32>
      %mul3A_1154 = arith.mulf %max3A_1153, %get3A_1136 : vector<16xf32>
      %add3A_1155 = arith.addf %add3A_1043, %mul3A_1154 : vector<16xf32>
      %gather3A_1156 = arith.constant 1824 : i32
      %gather3A_1157 = tpu.memref_slice %arg19[%gather3A_1156] : memref<2048xf32, #tpu.memory_space<vmem>> -> memref<32xf32, #tpu.memory_space<vmem>>
      %gather3A_1158 = tpu.vector_load_idx %gather3A_1157[%max3A_39] : memref<32xf32, #tpu.memory_space<vmem>>[vector<16xi32>], vector<16xf32>,
      %get3A_1159 = arith.constant 2736 : index
      %get3A_1160 = tpu.vector_load %arg20[%get3A_1159] {strides = array<i32>} : memref<3072xf32, #tpu.memory_space<vmem>>, vector<16xf32>,
      %get3A_1161 = arith.constant 2752 : index
      %get3A_1162 = tpu.vector_load %arg20[%get3A_1161] {strides = array<i32>} : memref<3072xf32, #tpu.memory_space<vmem>>, vector<16xf32>,
      %get3A_1163 = arith.constant 2768 : index
      %get3A_1164 = tpu.vector_load %arg20[%get3A_1163] {strides = array<i32>} : memref<3072xf32, #tpu.memory_space<vmem>>, vector<16xf32>,
      %slice3A_1165 = vector.extract_strided_slice %get3A_57 {offsets = [9], sizes = [1], strides = [1]} : vector<16xf32> to vector<1xf32>
      %squeeze3A_1166 = vector.extract %slice3A_1165[0] : f32 from vector<1xf32>
      %mul3A_1167 = vector.broadcast %squeeze3A_1166 : f32 to vector<16xf32>
      %mul3A_1168 = arith.mulf %get3A_41, %mul3A_1167 : vector<16xf32>
      %add3A_1169 = arith.addf %gather3A_1158, %mul3A_1168 : vector<16xf32>
      %slice3A_1170 = vector.extract_strided_slice %get3A_65 {offsets = [9], sizes = [1], strides = [1]} : vector<16xf32> to vector<1xf32>
      %squeeze3A_1171 = vector.extract %slice3A_1170[0] : f32 from vector<1xf32>
      %mul3A_1172 = vector.broadcast %squeeze3A_1171 : f32 to vector<16xf32>
      %mul3A_1173 = arith.mulf %get3A_43, %mul3A_1172 : vector<16xf32>
      %add3A_1174 = arith.addf %add3A_1169, %mul3A_1173 : vector<16xf32>
      %mul3A_1175 = arith.mulf %get3A_45, %get3A_1160 : vector<16xf32>
      %add3A_1176 = arith.addf %add3A_1174, %mul3A_1175 : vector<16xf32>
      %mul3A_1177 = arith.mulf %get3A_47, %get3A_1162 : vector<16xf32>
      %add3A_1178 = arith.addf %add3A_1176, %mul3A_1177 : vector<16xf32>
      %max3A_1179 = arith.constant 0.000000e+00 : f32
      %max3A_1180 = vector.broadcast %max3A_1179 : f32 to vector<16xf32>
      %max3A_1181 = arith.maximumf %add3A_1178, %max3A_1180 : vector<16xf32>
      %mul3A_1182 = arith.mulf %max3A_1181, %get3A_1164 : vector<16xf32>
      %add3A_1183 = arith.addf %add3A_1071, %mul3A_1182 : vector<16xf32>
      %gather3A_1184 = arith.constant 320 : i32
      %gather3A_1185 = tpu.memref_slice %arg19[%gather3A_1184] : memref<2048xf32, #tpu.memory_space<vmem>> -> memref<32xf32, #tpu.memory_space<vmem>>
      %gather3A_1186 = tpu.vector_load_idx %gather3A_1185[%max3A_39] : memref<32xf32, #tpu.memory_space<vmem>>[vector<16xi32>], vector<16xf32>,
      %get3A_1187 = arith.constant 480 : index
      %get3A_1188 = tpu.vector_load %arg20[%get3A_1187] {strides = array<i32>} : memref<3072xf32, #tpu.memory_space<vmem>>, vector<16xf32>,
      %get3A_1189 = arith.constant 496 : index
      %get3A_1190 = tpu.vector_load %arg20[%get3A_1189] {strides = array<i32>} : memref<3072xf32, #tpu.memory_space<vmem>>, vector<16xf32>,
      %get3A_1191 = arith.constant 512 : index
      %get3A_1192 = tpu.vector_load %arg20[%get3A_1191] {strides = array<i32>} : memref<3072xf32, #tpu.memory_space<vmem>>, vector<16xf32>,
      %slice3A_1193 = vector.extract_strided_slice %get3A_51 {offsets = [10], sizes = [1], strides = [1]} : vector<16xf32> to vector<1xf32>
      %squeeze3A_1194 = vector.extract %slice3A_1193[0] : f32 from vector<1xf32>
      %mul3A_1195 = vector.broadcast %squeeze3A_1194 : f32 to vector<16xf32>
      %mul3A_1196 = arith.mulf %get3A_41, %mul3A_1195 : vector<16xf32>
      %add3A_1197 = arith.addf %gather3A_1186, %mul3A_1196 : vector<16xf32>
      %slice3A_1198 = vector.extract_strided_slice %get3A_59 {offsets = [10], sizes = [1], strides = [1]} : vector<16xf32> to vector<1xf32>
      %squeeze3A_1199 = vector.extract %slice3A_1198[0] : f32 from vector<1xf32>
      %mul3A_1200 = vector.broadcast %squeeze3A_1199 : f32 to vector<16xf32>
      %mul3A_1201 = arith.mulf %get3A_43, %mul3A_1200 : vector<16xf32>
      %add3A_1202 = arith.addf %add3A_1197, %mul3A_1201 : vector<16xf32>
      %mul3A_1203 = arith.mulf %get3A_45, %get3A_1188 : vector<16xf32>
      %add3A_1204 = arith.addf %add3A_1202, %mul3A_1203 : vector<16xf32>
      %mul3A_1205 = arith.mulf %get3A_47, %get3A_1190 : vector<16xf32>
      %add3A_1206 = arith.addf %add3A_1204, %mul3A_1205 : vector<16xf32>
      %max3A_1207 = arith.constant 0.000000e+00 : f32
      %max3A_1208 = vector.broadcast %max3A_1207 : f32 to vector<16xf32>
      %max3A_1209 = arith.maximumf %add3A_1206, %max3A_1208 : vector<16xf32>
      %mul3A_1210 = arith.mulf %max3A_1209, %get3A_1192 : vector<16xf32>
      %add3A_1211 = arith.addf %add3A_1099, %mul3A_1210 : vector<16xf32>
      %gather3A_1212 = arith.constant 832 : i32
      %gather3A_1213 = tpu.memref_slice %arg19[%gather3A_1212] : memref<2048xf32, #tpu.memory_space<vmem>> -> memref<32xf32, #tpu.memory_space<vmem>>
      %gather3A_1214 = tpu.vector_load_idx %gather3A_1213[%max3A_39] : memref<32xf32, #tpu.memory_space<vmem>>[vector<16xi32>], vector<16xf32>,
      %get3A_1215 = arith.constant 1248 : index
      %get3A_1216 = tpu.vector_load %arg20[%get3A_1215] {strides = array<i32>} : memref<3072xf32, #tpu.memory_space<vmem>>, vector<16xf32>,
      %get3A_1217 = arith.constant 1264 : index
      %get3A_1218 = tpu.vector_load %arg20[%get3A_1217] {strides = array<i32>} : memref<3072xf32, #tpu.memory_space<vmem>>, vector<16xf32>,
      %get3A_1219 = arith.constant 1280 : index
      %get3A_1220 = tpu.vector_load %arg20[%get3A_1219] {strides = array<i32>} : memref<3072xf32, #tpu.memory_space<vmem>>, vector<16xf32>,
      %slice3A_1221 = vector.extract_strided_slice %get3A_53 {offsets = [10], sizes = [1], strides = [1]} : vector<16xf32> to vector<1xf32>
      %squeeze3A_1222 = vector.extract %slice3A_1221[0] : f32 from vector<1xf32>
      %mul3A_1223 = vector.broadcast %squeeze3A_1222 : f32 to vector<16xf32>
      %mul3A_1224 = arith.mulf %get3A_41, %mul3A_1223 : vector<16xf32>
      %add3A_1225 = arith.addf %gather3A_1214, %mul3A_1224 : vector<16xf32>
      %slice3A_1226 = vector.extract_strided_slice %get3A_61 {offsets = [10], sizes = [1], strides = [1]} : vector<16xf32> to vector<1xf32>
      %squeeze3A_1227 = vector.extract %slice3A_1226[0] : f32 from vector<1xf32>
      %mul3A_1228 = vector.broadcast %squeeze3A_1227 : f32 to vector<16xf32>
      %mul3A_1229 = arith.mulf %get3A_43, %mul3A_1228 : vector<16xf32>
      %add3A_1230 = arith.addf %add3A_1225, %mul3A_1229 : vector<16xf32>
      %mul3A_1231 = arith.mulf %get3A_45, %get3A_1216 : vector<16xf32>
      %add3A_1232 = arith.addf %add3A_1230, %mul3A_1231 : vector<16xf32>
      %mul3A_1233 = arith.mulf %get3A_47, %get3A_1218 : vector<16xf32>
      %add3A_1234 = arith.addf %add3A_1232, %mul3A_1233 : vector<16xf32>
      %max3A_1235 = arith.constant 0.000000e+00 : f32
      %max3A_1236 = vector.broadcast %max3A_1235 : f32 to vector<16xf32>
      %max3A_1237 = arith.maximumf %add3A_1234, %max3A_1236 : vector<16xf32>
      %mul3A_1238 = arith.mulf %max3A_1237, %get3A_1220 : vector<16xf32>
      %add3A_1239 = arith.addf %add3A_1127, %mul3A_1238 : vector<16xf32>
      %gather3A_1240 = arith.constant 1344 : i32
      %gather3A_1241 = tpu.memref_slice %arg19[%gather3A_1240] : memref<2048xf32, #tpu.memory_space<vmem>> -> memref<32xf32, #tpu.memory_space<vmem>>
      %gather3A_1242 = tpu.vector_load_idx %gather3A_1241[%max3A_39] : memref<32xf32, #tpu.memory_space<vmem>>[vector<16xi32>], vector<16xf32>,
      %get3A_1243 = arith.constant 2016 : index
      %get3A_1244 = tpu.vector_load %arg20[%get3A_1243] {strides = array<i32>} : memref<3072xf32, #tpu.memory_space<vmem>>, vector<16xf32>,
      %get3A_1245 = arith.constant 2032 : index
      %get3A_1246 = tpu.vector_load %arg20[%get3A_1245] {strides = array<i32>} : memref<3072xf32, #tpu.memory_space<vmem>>, vector<16xf32>,
      %get3A_1247 = arith.constant 2048 : index
      %get3A_1248 = tpu.vector_load %arg20[%get3A_1247] {strides = array<i32>} : memref<3072xf32, #tpu.memory_space<vmem>>, vector<16xf32>,
      %slice3A_1249 = vector.extract_strided_slice %get3A_55 {offsets = [10], sizes = [1], strides = [1]} : vector<16xf32> to vector<1xf32>
      %squeeze3A_1250 = vector.extract %slice3A_1249[0] : f32 from vector<1xf32>
      %mul3A_1251 = vector.broadcast %squeeze3A_1250 : f32 to vector<16xf32>
      %mul3A_1252 = arith.mulf %get3A_41, %mul3A_1251 : vector<16xf32>
      %add3A_1253 = arith.addf %gather3A_1242, %mul3A_1252 : vector<16xf32>
      %slice3A_1254 = vector.extract_strided_slice %get3A_63 {offsets = [10], sizes = [1], strides = [1]} : vector<16xf32> to vector<1xf32>
      %squeeze3A_1255 = vector.extract %slice3A_1254[0] : f32 from vector<1xf32>
      %mul3A_1256 = vector.broadcast %squeeze3A_1255 : f32 to vector<16xf32>
      %mul3A_1257 = arith.mulf %get3A_43, %mul3A_1256 : vector<16xf32>
      %add3A_1258 = arith.addf %add3A_1253, %mul3A_1257 : vector<16xf32>
      %mul3A_1259 = arith.mulf %get3A_45, %get3A_1244 : vector<16xf32>
      %add3A_1260 = arith.addf %add3A_1258, %mul3A_1259 : vector<16xf32>
      %mul3A_1261 = arith.mulf %get3A_47, %get3A_1246 : vector<16xf32>
      %add3A_1262 = arith.addf %add3A_1260, %mul3A_1261 : vector<16xf32>
      %max3A_1263 = arith.constant 0.000000e+00 : f32
      %max3A_1264 = vector.broadcast %max3A_1263 : f32 to vector<16xf32>
      %max3A_1265 = arith.maximumf %add3A_1262, %max3A_1264 : vector<16xf32>
      %mul3A_1266 = arith.mulf %max3A_1265, %get3A_1248 : vector<16xf32>
      %add3A_1267 = arith.addf %add3A_1155, %mul3A_1266 : vector<16xf32>
      %gather3A_1268 = arith.constant 1856 : i32
      %gather3A_1269 = tpu.memref_slice %arg19[%gather3A_1268] : memref<2048xf32, #tpu.memory_space<vmem>> -> memref<32xf32, #tpu.memory_space<vmem>>
      %gather3A_1270 = tpu.vector_load_idx %gather3A_1269[%max3A_39] : memref<32xf32, #tpu.memory_space<vmem>>[vector<16xi32>], vector<16xf32>,
      %get3A_1271 = arith.constant 2784 : index
      %get3A_1272 = tpu.vector_load %arg20[%get3A_1271] {strides = array<i32>} : memref<3072xf32, #tpu.memory_space<vmem>>, vector<16xf32>,
      %get3A_1273 = arith.constant 2800 : index
      %get3A_1274 = tpu.vector_load %arg20[%get3A_1273] {strides = array<i32>} : memref<3072xf32, #tpu.memory_space<vmem>>, vector<16xf32>,
      %get3A_1275 = arith.constant 2816 : index
      %get3A_1276 = tpu.vector_load %arg20[%get3A_1275] {strides = array<i32>} : memref<3072xf32, #tpu.memory_space<vmem>>, vector<16xf32>,
      %slice3A_1277 = vector.extract_strided_slice %get3A_57 {offsets = [10], sizes = [1], strides = [1]} : vector<16xf32> to vector<1xf32>
      %squeeze3A_1278 = vector.extract %slice3A_1277[0] : f32 from vector<1xf32>
      %mul3A_1279 = vector.broadcast %squeeze3A_1278 : f32 to vector<16xf32>
      %mul3A_1280 = arith.mulf %get3A_41, %mul3A_1279 : vector<16xf32>
      %add3A_1281 = arith.addf %gather3A_1270, %mul3A_1280 : vector<16xf32>
      %slice3A_1282 = vector.extract_strided_slice %get3A_65 {offsets = [10], sizes = [1], strides = [1]} : vector<16xf32> to vector<1xf32>
      %squeeze3A_1283 = vector.extract %slice3A_1282[0] : f32 from vector<1xf32>
      %mul3A_1284 = vector.broadcast %squeeze3A_1283 : f32 to vector<16xf32>
      %mul3A_1285 = arith.mulf %get3A_43, %mul3A_1284 : vector<16xf32>
      %add3A_1286 = arith.addf %add3A_1281, %mul3A_1285 : vector<16xf32>
      %mul3A_1287 = arith.mulf %get3A_45, %get3A_1272 : vector<16xf32>
      %add3A_1288 = arith.addf %add3A_1286, %mul3A_1287 : vector<16xf32>
      %mul3A_1289 = arith.mulf %get3A_47, %get3A_1274 : vector<16xf32>
      %add3A_1290 = arith.addf %add3A_1288, %mul3A_1289 : vector<16xf32>
      %max3A_1291 = arith.constant 0.000000e+00 : f32
      %max3A_1292 = vector.broadcast %max3A_1291 : f32 to vector<16xf32>
      %max3A_1293 = arith.maximumf %add3A_1290, %max3A_1292 : vector<16xf32>
      %mul3A_1294 = arith.mulf %max3A_1293, %get3A_1276 : vector<16xf32>
      %add3A_1295 = arith.addf %add3A_1183, %mul3A_1294 : vector<16xf32>
      %gather3A_1296 = arith.constant 352 : i32
      %gather3A_1297 = tpu.memref_slice %arg19[%gather3A_1296] : memref<2048xf32, #tpu.memory_space<vmem>> -> memref<32xf32, #tpu.memory_space<vmem>>
      %gather3A_1298 = tpu.vector_load_idx %gather3A_1297[%max3A_39] : memref<32xf32, #tpu.memory_space<vmem>>[vector<16xi32>], vector<16xf32>,
      %get3A_1299 = arith.constant 528 : index
      %get3A_1300 = tpu.vector_load %arg20[%get3A_1299] {strides = array<i32>} : memref<3072xf32, #tpu.memory_space<vmem>>, vector<16xf32>,
      %get3A_1301 = arith.constant 544 : index
      %get3A_1302 = tpu.vector_load %arg20[%get3A_1301] {strides = array<i32>} : memref<3072xf32, #tpu.memory_space<vmem>>, vector<16xf32>,
      %get3A_1303 = arith.constant 560 : index
      %get3A_1304 = tpu.vector_load %arg20[%get3A_1303] {strides = array<i32>} : memref<3072xf32, #tpu.memory_space<vmem>>, vector<16xf32>,
      %slice3A_1305 = vector.extract_strided_slice %get3A_51 {offsets = [11], sizes = [1], strides = [1]} : vector<16xf32> to vector<1xf32>
      %squeeze3A_1306 = vector.extract %slice3A_1305[0] : f32 from vector<1xf32>
      %mul3A_1307 = vector.broadcast %squeeze3A_1306 : f32 to vector<16xf32>
      %mul3A_1308 = arith.mulf %get3A_41, %mul3A_1307 : vector<16xf32>
      %add3A_1309 = arith.addf %gather3A_1298, %mul3A_1308 : vector<16xf32>
      %slice3A_1310 = vector.extract_strided_slice %get3A_59 {offsets = [11], sizes = [1], strides = [1]} : vector<16xf32> to vector<1xf32>
      %squeeze3A_1311 = vector.extract %slice3A_1310[0] : f32 from vector<1xf32>
      %mul3A_1312 = vector.broadcast %squeeze3A_1311 : f32 to vector<16xf32>
      %mul3A_1313 = arith.mulf %get3A_43, %mul3A_1312 : vector<16xf32>
      %add3A_1314 = arith.addf %add3A_1309, %mul3A_1313 : vector<16xf32>
      %mul3A_1315 = arith.mulf %get3A_45, %get3A_1300 : vector<16xf32>
      %add3A_1316 = arith.addf %add3A_1314, %mul3A_1315 : vector<16xf32>
      %mul3A_1317 = arith.mulf %get3A_47, %get3A_1302 : vector<16xf32>
      %add3A_1318 = arith.addf %add3A_1316, %mul3A_1317 : vector<16xf32>
      %max3A_1319 = arith.constant 0.000000e+00 : f32
      %max3A_1320 = vector.broadcast %max3A_1319 : f32 to vector<16xf32>
      %max3A_1321 = arith.maximumf %add3A_1318, %max3A_1320 : vector<16xf32>
      %mul3A_1322 = arith.mulf %max3A_1321, %get3A_1304 : vector<16xf32>
      %add3A_1323 = arith.addf %add3A_1211, %mul3A_1322 : vector<16xf32>
      %gather3A_1324 = arith.constant 864 : i32
      %gather3A_1325 = tpu.memref_slice %arg19[%gather3A_1324] : memref<2048xf32, #tpu.memory_space<vmem>> -> memref<32xf32, #tpu.memory_space<vmem>>
      %gather3A_1326 = tpu.vector_load_idx %gather3A_1325[%max3A_39] : memref<32xf32, #tpu.memory_space<vmem>>[vector<16xi32>], vector<16xf32>,
      %get3A_1327 = arith.constant 1296 : index
      %get3A_1328 = tpu.vector_load %arg20[%get3A_1327] {strides = array<i32>} : memref<3072xf32, #tpu.memory_space<vmem>>, vector<16xf32>,
      %get3A_1329 = arith.constant 1312 : index
      %get3A_1330 = tpu.vector_load %arg20[%get3A_1329] {strides = array<i32>} : memref<3072xf32, #tpu.memory_space<vmem>>, vector<16xf32>,
      %get3A_1331 = arith.constant 1328 : index
      %get3A_1332 = tpu.vector_load %arg20[%get3A_1331] {strides = array<i32>} : memref<3072xf32, #tpu.memory_space<vmem>>, vector<16xf32>,
      %slice3A_1333 = vector.extract_strided_slice %get3A_53 {offsets = [11], sizes = [1], strides = [1]} : vector<16xf32> to vector<1xf32>
      %squeeze3A_1334 = vector.extract %slice3A_1333[0] : f32 from vector<1xf32>
      %mul3A_1335 = vector.broadcast %squeeze3A_1334 : f32 to vector<16xf32>
      %mul3A_1336 = arith.mulf %get3A_41, %mul3A_1335 : vector<16xf32>
      %add3A_1337 = arith.addf %gather3A_1326, %mul3A_1336 : vector<16xf32>
      %slice3A_1338 = vector.extract_strided_slice %get3A_61 {offsets = [11], sizes = [1], strides = [1]} : vector<16xf32> to vector<1xf32>
      %squeeze3A_1339 = vector.extract %slice3A_1338[0] : f32 from vector<1xf32>
      %mul3A_1340 = vector.broadcast %squeeze3A_1339 : f32 to vector<16xf32>
      %mul3A_1341 = arith.mulf %get3A_43, %mul3A_1340 : vector<16xf32>
      %add3A_1342 = arith.addf %add3A_1337, %mul3A_1341 : vector<16xf32>
      %mul3A_1343 = arith.mulf %get3A_45, %get3A_1328 : vector<16xf32>
      %add3A_1344 = arith.addf %add3A_1342, %mul3A_1343 : vector<16xf32>
      %mul3A_1345 = arith.mulf %get3A_47, %get3A_1330 : vector<16xf32>
      %add3A_1346 = arith.addf %add3A_1344, %mul3A_1345 : vector<16xf32>
      %max3A_1347 = arith.constant 0.000000e+00 : f32
      %max3A_1348 = vector.broadcast %max3A_1347 : f32 to vector<16xf32>
      %max3A_1349 = arith.maximumf %add3A_1346, %max3A_1348 : vector<16xf32>
      %mul3A_1350 = arith.mulf %max3A_1349, %get3A_1332 : vector<16xf32>
      %add3A_1351 = arith.addf %add3A_1239, %mul3A_1350 : vector<16xf32>
      %gather3A_1352 = arith.constant 1376 : i32
      %gather3A_1353 = tpu.memref_slice %arg19[%gather3A_1352] : memref<2048xf32, #tpu.memory_space<vmem>> -> memref<32xf32, #tpu.memory_space<vmem>>
      %gather3A_1354 = tpu.vector_load_idx %gather3A_1353[%max3A_39] : memref<32xf32, #tpu.memory_space<vmem>>[vector<16xi32>], vector<16xf32>,
      %get3A_1355 = arith.constant 2064 : index
      %get3A_1356 = tpu.vector_load %arg20[%get3A_1355] {strides = array<i32>} : memref<3072xf32, #tpu.memory_space<vmem>>, vector<16xf32>,
      %get3A_1357 = arith.constant 2080 : index
      %get3A_1358 = tpu.vector_load %arg20[%get3A_1357] {strides = array<i32>} : memref<3072xf32, #tpu.memory_space<vmem>>, vector<16xf32>,
      %get3A_1359 = arith.constant 2096 : index
      %get3A_1360 = tpu.vector_load %arg20[%get3A_1359] {strides = array<i32>} : memref<3072xf32, #tpu.memory_space<vmem>>, vector<16xf32>,
      %slice3A_1361 = vector.extract_strided_slice %get3A_55 {offsets = [11], sizes = [1], strides = [1]} : vector<16xf32> to vector<1xf32>
      %squeeze3A_1362 = vector.extract %slice3A_1361[0] : f32 from vector<1xf32>
      %mul3A_1363 = vector.broadcast %squeeze3A_1362 : f32 to vector<16xf32>
      %mul3A_1364 = arith.mulf %get3A_41, %mul3A_1363 : vector<16xf32>
      %add3A_1365 = arith.addf %gather3A_1354, %mul3A_1364 : vector<16xf32>
      %slice3A_1366 = vector.extract_strided_slice %get3A_63 {offsets = [11], sizes = [1], strides = [1]} : vector<16xf32> to vector<1xf32>
      %squeeze3A_1367 = vector.extract %slice3A_1366[0] : f32 from vector<1xf32>
      %mul3A_1368 = vector.broadcast %squeeze3A_1367 : f32 to vector<16xf32>
      %mul3A_1369 = arith.mulf %get3A_43, %mul3A_1368 : vector<16xf32>
      %add3A_1370 = arith.addf %add3A_1365, %mul3A_1369 : vector<16xf32>
      %mul3A_1371 = arith.mulf %get3A_45, %get3A_1356 : vector<16xf32>
      %add3A_1372 = arith.addf %add3A_1370, %mul3A_1371 : vector<16xf32>
      %mul3A_1373 = arith.mulf %get3A_47, %get3A_1358 : vector<16xf32>
      %add3A_1374 = arith.addf %add3A_1372, %mul3A_1373 : vector<16xf32>
      %max3A_1375 = arith.constant 0.000000e+00 : f32
      %max3A_1376 = vector.broadcast %max3A_1375 : f32 to vector<16xf32>
      %max3A_1377 = arith.maximumf %add3A_1374, %max3A_1376 : vector<16xf32>
      %mul3A_1378 = arith.mulf %max3A_1377, %get3A_1360 : vector<16xf32>
      %add3A_1379 = arith.addf %add3A_1267, %mul3A_1378 : vector<16xf32>
      %gather3A_1380 = arith.constant 1888 : i32
      %gather3A_1381 = tpu.memref_slice %arg19[%gather3A_1380] : memref<2048xf32, #tpu.memory_space<vmem>> -> memref<32xf32, #tpu.memory_space<vmem>>
      %gather3A_1382 = tpu.vector_load_idx %gather3A_1381[%max3A_39] : memref<32xf32, #tpu.memory_space<vmem>>[vector<16xi32>], vector<16xf32>,
      %get3A_1383 = arith.constant 2832 : index
      %get3A_1384 = tpu.vector_load %arg20[%get3A_1383] {strides = array<i32>} : memref<3072xf32, #tpu.memory_space<vmem>>, vector<16xf32>,
      %get3A_1385 = arith.constant 2848 : index
      %get3A_1386 = tpu.vector_load %arg20[%get3A_1385] {strides = array<i32>} : memref<3072xf32, #tpu.memory_space<vmem>>, vector<16xf32>,
      %get3A_1387 = arith.constant 2864 : index
      %get3A_1388 = tpu.vector_load %arg20[%get3A_1387] {strides = array<i32>} : memref<3072xf32, #tpu.memory_space<vmem>>, vector<16xf32>,
      %slice3A_1389 = vector.extract_strided_slice %get3A_57 {offsets = [11], sizes = [1], strides = [1]} : vector<16xf32> to vector<1xf32>
      %squeeze3A_1390 = vector.extract %slice3A_1389[0] : f32 from vector<1xf32>
      %mul3A_1391 = vector.broadcast %squeeze3A_1390 : f32 to vector<16xf32>
      %mul3A_1392 = arith.mulf %get3A_41, %mul3A_1391 : vector<16xf32>
      %add3A_1393 = arith.addf %gather3A_1382, %mul3A_1392 : vector<16xf32>
      %slice3A_1394 = vector.extract_strided_slice %get3A_65 {offsets = [11], sizes = [1], strides = [1]} : vector<16xf32> to vector<1xf32>
      %squeeze3A_1395 = vector.extract %slice3A_1394[0] : f32 from vector<1xf32>
      %mul3A_1396 = vector.broadcast %squeeze3A_1395 : f32 to vector<16xf32>
      %mul3A_1397 = arith.mulf %get3A_43, %mul3A_1396 : vector<16xf32>
      %add3A_1398 = arith.addf %add3A_1393, %mul3A_1397 : vector<16xf32>
      %mul3A_1399 = arith.mulf %get3A_45, %get3A_1384 : vector<16xf32>
      %add3A_1400 = arith.addf %add3A_1398, %mul3A_1399 : vector<16xf32>
      %mul3A_1401 = arith.mulf %get3A_47, %get3A_1386 : vector<16xf32>
      %add3A_1402 = arith.addf %add3A_1400, %mul3A_1401 : vector<16xf32>
      %max3A_1403 = arith.constant 0.000000e+00 : f32
      %max3A_1404 = vector.broadcast %max3A_1403 : f32 to vector<16xf32>
      %max3A_1405 = arith.maximumf %add3A_1402, %max3A_1404 : vector<16xf32>
      %mul3A_1406 = arith.mulf %max3A_1405, %get3A_1388 : vector<16xf32>
      %add3A_1407 = arith.addf %add3A_1295, %mul3A_1406 : vector<16xf32>
      %gather3A_1408 = arith.constant 384 : i32
      %gather3A_1409 = tpu.memref_slice %arg19[%gather3A_1408] : memref<2048xf32, #tpu.memory_space<vmem>> -> memref<32xf32, #tpu.memory_space<vmem>>
      %gather3A_1410 = tpu.vector_load_idx %gather3A_1409[%max3A_39] : memref<32xf32, #tpu.memory_space<vmem>>[vector<16xi32>], vector<16xf32>,
      %get3A_1411 = arith.constant 576 : index
      %get3A_1412 = tpu.vector_load %arg20[%get3A_1411] {strides = array<i32>} : memref<3072xf32, #tpu.memory_space<vmem>>, vector<16xf32>,
      %get3A_1413 = arith.constant 592 : index
      %get3A_1414 = tpu.vector_load %arg20[%get3A_1413] {strides = array<i32>} : memref<3072xf32, #tpu.memory_space<vmem>>, vector<16xf32>,
      %get3A_1415 = arith.constant 608 : index
      %get3A_1416 = tpu.vector_load %arg20[%get3A_1415] {strides = array<i32>} : memref<3072xf32, #tpu.memory_space<vmem>>, vector<16xf32>,
      %slice3A_1417 = vector.extract_strided_slice %get3A_51 {offsets = [12], sizes = [1], strides = [1]} : vector<16xf32> to vector<1xf32>
      %squeeze3A_1418 = vector.extract %slice3A_1417[0] : f32 from vector<1xf32>
      %mul3A_1419 = vector.broadcast %squeeze3A_1418 : f32 to vector<16xf32>
      %mul3A_1420 = arith.mulf %get3A_41, %mul3A_1419 : vector<16xf32>
      %add3A_1421 = arith.addf %gather3A_1410, %mul3A_1420 : vector<16xf32>
      %slice3A_1422 = vector.extract_strided_slice %get3A_59 {offsets = [12], sizes = [1], strides = [1]} : vector<16xf32> to vector<1xf32>
      %squeeze3A_1423 = vector.extract %slice3A_1422[0] : f32 from vector<1xf32>
      %mul3A_1424 = vector.broadcast %squeeze3A_1423 : f32 to vector<16xf32>
      %mul3A_1425 = arith.mulf %get3A_43, %mul3A_1424 : vector<16xf32>
      %add3A_1426 = arith.addf %add3A_1421, %mul3A_1425 : vector<16xf32>
      %mul3A_1427 = arith.mulf %get3A_45, %get3A_1412 : vector<16xf32>
      %add3A_1428 = arith.addf %add3A_1426, %mul3A_1427 : vector<16xf32>
      %mul3A_1429 = arith.mulf %get3A_47, %get3A_1414 : vector<16xf32>
      %add3A_1430 = arith.addf %add3A_1428, %mul3A_1429 : vector<16xf32>
      %max3A_1431 = arith.constant 0.000000e+00 : f32
      %max3A_1432 = vector.broadcast %max3A_1431 : f32 to vector<16xf32>
      %max3A_1433 = arith.maximumf %add3A_1430, %max3A_1432 : vector<16xf32>
      %mul3A_1434 = arith.mulf %max3A_1433, %get3A_1416 : vector<16xf32>
      %add3A_1435 = arith.addf %add3A_1323, %mul3A_1434 : vector<16xf32>
      %gather3A_1436 = arith.constant 896 : i32
      %gather3A_1437 = tpu.memref_slice %arg19[%gather3A_1436] : memref<2048xf32, #tpu.memory_space<vmem>> -> memref<32xf32, #tpu.memory_space<vmem>>
      %gather3A_1438 = tpu.vector_load_idx %gather3A_1437[%max3A_39] : memref<32xf32, #tpu.memory_space<vmem>>[vector<16xi32>], vector<16xf32>,
      %get3A_1439 = arith.constant 1344 : index
      %get3A_1440 = tpu.vector_load %arg20[%get3A_1439] {strides = array<i32>} : memref<3072xf32, #tpu.memory_space<vmem>>, vector<16xf32>,
      %get3A_1441 = arith.constant 1360 : index
      %get3A_1442 = tpu.vector_load %arg20[%get3A_1441] {strides = array<i32>} : memref<3072xf32, #tpu.memory_space<vmem>>, vector<16xf32>,
      %get3A_1443 = arith.constant 1376 : index
      %get3A_1444 = tpu.vector_load %arg20[%get3A_1443] {strides = array<i32>} : memref<3072xf32, #tpu.memory_space<vmem>>, vector<16xf32>,
      %slice3A_1445 = vector.extract_strided_slice %get3A_53 {offsets = [12], sizes = [1], strides = [1]} : vector<16xf32> to vector<1xf32>
      %squeeze3A_1446 = vector.extract %slice3A_1445[0] : f32 from vector<1xf32>
      %mul3A_1447 = vector.broadcast %squeeze3A_1446 : f32 to vector<16xf32>
      %mul3A_1448 = arith.mulf %get3A_41, %mul3A_1447 : vector<16xf32>
      %add3A_1449 = arith.addf %gather3A_1438, %mul3A_1448 : vector<16xf32>
      %slice3A_1450 = vector.extract_strided_slice %get3A_61 {offsets = [12], sizes = [1], strides = [1]} : vector<16xf32> to vector<1xf32>
      %squeeze3A_1451 = vector.extract %slice3A_1450[0] : f32 from vector<1xf32>
      %mul3A_1452 = vector.broadcast %squeeze3A_1451 : f32 to vector<16xf32>
      %mul3A_1453 = arith.mulf %get3A_43, %mul3A_1452 : vector<16xf32>
      %add3A_1454 = arith.addf %add3A_1449, %mul3A_1453 : vector<16xf32>
      %mul3A_1455 = arith.mulf %get3A_45, %get3A_1440 : vector<16xf32>
      %add3A_1456 = arith.addf %add3A_1454, %mul3A_1455 : vector<16xf32>
      %mul3A_1457 = arith.mulf %get3A_47, %get3A_1442 : vector<16xf32>
      %add3A_1458 = arith.addf %add3A_1456, %mul3A_1457 : vector<16xf32>
      %max3A_1459 = arith.constant 0.000000e+00 : f32
      %max3A_1460 = vector.broadcast %max3A_1459 : f32 to vector<16xf32>
      %max3A_1461 = arith.maximumf %add3A_1458, %max3A_1460 : vector<16xf32>
      %mul3A_1462 = arith.mulf %max3A_1461, %get3A_1444 : vector<16xf32>
      %add3A_1463 = arith.addf %add3A_1351, %mul3A_1462 : vector<16xf32>
      %gather3A_1464 = arith.constant 1408 : i32
      %gather3A_1465 = tpu.memref_slice %arg19[%gather3A_1464] : memref<2048xf32, #tpu.memory_space<vmem>> -> memref<32xf32, #tpu.memory_space<vmem>>
      %gather3A_1466 = tpu.vector_load_idx %gather3A_1465[%max3A_39] : memref<32xf32, #tpu.memory_space<vmem>>[vector<16xi32>], vector<16xf32>,
      %get3A_1467 = arith.constant 2112 : index
      %get3A_1468 = tpu.vector_load %arg20[%get3A_1467] {strides = array<i32>} : memref<3072xf32, #tpu.memory_space<vmem>>, vector<16xf32>,
      %get3A_1469 = arith.constant 2128 : index
      %get3A_1470 = tpu.vector_load %arg20[%get3A_1469] {strides = array<i32>} : memref<3072xf32, #tpu.memory_space<vmem>>, vector<16xf32>,
      %get3A_1471 = arith.constant 2144 : index
      %get3A_1472 = tpu.vector_load %arg20[%get3A_1471] {strides = array<i32>} : memref<3072xf32, #tpu.memory_space<vmem>>, vector<16xf32>,
      %slice3A_1473 = vector.extract_strided_slice %get3A_55 {offsets = [12], sizes = [1], strides = [1]} : vector<16xf32> to vector<1xf32>
      %squeeze3A_1474 = vector.extract %slice3A_1473[0] : f32 from vector<1xf32>
      %mul3A_1475 = vector.broadcast %squeeze3A_1474 : f32 to vector<16xf32>
      %mul3A_1476 = arith.mulf %get3A_41, %mul3A_1475 : vector<16xf32>
      %add3A_1477 = arith.addf %gather3A_1466, %mul3A_1476 : vector<16xf32>
      %slice3A_1478 = vector.extract_strided_slice %get3A_63 {offsets = [12], sizes = [1], strides = [1]} : vector<16xf32> to vector<1xf32>
      %squeeze3A_1479 = vector.extract %slice3A_1478[0] : f32 from vector<1xf32>
      %mul3A_1480 = vector.broadcast %squeeze3A_1479 : f32 to vector<16xf32>
      %mul3A_1481 = arith.mulf %get3A_43, %mul3A_1480 : vector<16xf32>
      %add3A_1482 = arith.addf %add3A_1477, %mul3A_1481 : vector<16xf32>
      %mul3A_1483 = arith.mulf %get3A_45, %get3A_1468 : vector<16xf32>
      %add3A_1484 = arith.addf %add3A_1482, %mul3A_1483 : vector<16xf32>
      %mul3A_1485 = arith.mulf %get3A_47, %get3A_1470 : vector<16xf32>
      %add3A_1486 = arith.addf %add3A_1484, %mul3A_1485 : vector<16xf32>
      %max3A_1487 = arith.constant 0.000000e+00 : f32
      %max3A_1488 = vector.broadcast %max3A_1487 : f32 to vector<16xf32>
      %max3A_1489 = arith.maximumf %add3A_1486, %max3A_1488 : vector<16xf32>
      %mul3A_1490 = arith.mulf %max3A_1489, %get3A_1472 : vector<16xf32>
      %add3A_1491 = arith.addf %add3A_1379, %mul3A_1490 : vector<16xf32>
      %gather3A_1492 = arith.constant 1920 : i32
      %gather3A_1493 = tpu.memref_slice %arg19[%gather3A_1492] : memref<2048xf32, #tpu.memory_space<vmem>> -> memref<32xf32, #tpu.memory_space<vmem>>
      %gather3A_1494 = tpu.vector_load_idx %gather3A_1493[%max3A_39] : memref<32xf32, #tpu.memory_space<vmem>>[vector<16xi32>], vector<16xf32>,
      %get3A_1495 = arith.constant 2880 : index
      %get3A_1496 = tpu.vector_load %arg20[%get3A_1495] {strides = array<i32>} : memref<3072xf32, #tpu.memory_space<vmem>>, vector<16xf32>,
      %get3A_1497 = arith.constant 2896 : index
      %get3A_1498 = tpu.vector_load %arg20[%get3A_1497] {strides = array<i32>} : memref<3072xf32, #tpu.memory_space<vmem>>, vector<16xf32>,
      %get3A_1499 = arith.constant 2912 : index
      %get3A_1500 = tpu.vector_load %arg20[%get3A_1499] {strides = array<i32>} : memref<3072xf32, #tpu.memory_space<vmem>>, vector<16xf32>,
      %slice3A_1501 = vector.extract_strided_slice %get3A_57 {offsets = [12], sizes = [1], strides = [1]} : vector<16xf32> to vector<1xf32>
      %squeeze3A_1502 = vector.extract %slice3A_1501[0] : f32 from vector<1xf32>
      %mul3A_1503 = vector.broadcast %squeeze3A_1502 : f32 to vector<16xf32>
      %mul3A_1504 = arith.mulf %get3A_41, %mul3A_1503 : vector<16xf32>
      %add3A_1505 = arith.addf %gather3A_1494, %mul3A_1504 : vector<16xf32>
      %slice3A_1506 = vector.extract_strided_slice %get3A_65 {offsets = [12], sizes = [1], strides = [1]} : vector<16xf32> to vector<1xf32>
      %squeeze3A_1507 = vector.extract %slice3A_1506[0] : f32 from vector<1xf32>
      %mul3A_1508 = vector.broadcast %squeeze3A_1507 : f32 to vector<16xf32>
      %mul3A_1509 = arith.mulf %get3A_43, %mul3A_1508 : vector<16xf32>
      %add3A_1510 = arith.addf %add3A_1505, %mul3A_1509 : vector<16xf32>
      %mul3A_1511 = arith.mulf %get3A_45, %get3A_1496 : vector<16xf32>
      %add3A_1512 = arith.addf %add3A_1510, %mul3A_1511 : vector<16xf32>
      %mul3A_1513 = arith.mulf %get3A_47, %get3A_1498 : vector<16xf32>
      %add3A_1514 = arith.addf %add3A_1512, %mul3A_1513 : vector<16xf32>
      %max3A_1515 = arith.constant 0.000000e+00 : f32
      %max3A_1516 = vector.broadcast %max3A_1515 : f32 to vector<16xf32>
      %max3A_1517 = arith.maximumf %add3A_1514, %max3A_1516 : vector<16xf32>
      %mul3A_1518 = arith.mulf %max3A_1517, %get3A_1500 : vector<16xf32>
      %add3A_1519 = arith.addf %add3A_1407, %mul3A_1518 : vector<16xf32>
      %gather3A_1520 = arith.constant 416 : i32
      %gather3A_1521 = tpu.memref_slice %arg19[%gather3A_1520] : memref<2048xf32, #tpu.memory_space<vmem>> -> memref<32xf32, #tpu.memory_space<vmem>>
      %gather3A_1522 = tpu.vector_load_idx %gather3A_1521[%max3A_39] : memref<32xf32, #tpu.memory_space<vmem>>[vector<16xi32>], vector<16xf32>,
      %get3A_1523 = arith.constant 624 : index
      %get3A_1524 = tpu.vector_load %arg20[%get3A_1523] {strides = array<i32>} : memref<3072xf32, #tpu.memory_space<vmem>>, vector<16xf32>,
      %get3A_1525 = arith.constant 640 : index
      %get3A_1526 = tpu.vector_load %arg20[%get3A_1525] {strides = array<i32>} : memref<3072xf32, #tpu.memory_space<vmem>>, vector<16xf32>,
      %get3A_1527 = arith.constant 656 : index
      %get3A_1528 = tpu.vector_load %arg20[%get3A_1527] {strides = array<i32>} : memref<3072xf32, #tpu.memory_space<vmem>>, vector<16xf32>,
      %slice3A_1529 = vector.extract_strided_slice %get3A_51 {offsets = [13], sizes = [1], strides = [1]} : vector<16xf32> to vector<1xf32>
      %squeeze3A_1530 = vector.extract %slice3A_1529[0] : f32 from vector<1xf32>
      %mul3A_1531 = vector.broadcast %squeeze3A_1530 : f32 to vector<16xf32>
      %mul3A_1532 = arith.mulf %get3A_41, %mul3A_1531 : vector<16xf32>
      %add3A_1533 = arith.addf %gather3A_1522, %mul3A_1532 : vector<16xf32>
      %slice3A_1534 = vector.extract_strided_slice %get3A_59 {offsets = [13], sizes = [1], strides = [1]} : vector<16xf32> to vector<1xf32>
      %squeeze3A_1535 = vector.extract %slice3A_1534[0] : f32 from vector<1xf32>
      %mul3A_1536 = vector.broadcast %squeeze3A_1535 : f32 to vector<16xf32>
      %mul3A_1537 = arith.mulf %get3A_43, %mul3A_1536 : vector<16xf32>
      %add3A_1538 = arith.addf %add3A_1533, %mul3A_1537 : vector<16xf32>
      %mul3A_1539 = arith.mulf %get3A_45, %get3A_1524 : vector<16xf32>
      %add3A_1540 = arith.addf %add3A_1538, %mul3A_1539 : vector<16xf32>
      %mul3A_1541 = arith.mulf %get3A_47, %get3A_1526 : vector<16xf32>
      %add3A_1542 = arith.addf %add3A_1540, %mul3A_1541 : vector<16xf32>
      %max3A_1543 = arith.constant 0.000000e+00 : f32
      %max3A_1544 = vector.broadcast %max3A_1543 : f32 to vector<16xf32>
      %max3A_1545 = arith.maximumf %add3A_1542, %max3A_1544 : vector<16xf32>
      %mul3A_1546 = arith.mulf %max3A_1545, %get3A_1528 : vector<16xf32>
      %add3A_1547 = arith.addf %add3A_1435, %mul3A_1546 : vector<16xf32>
      %gather3A_1548 = arith.constant 928 : i32
      %gather3A_1549 = tpu.memref_slice %arg19[%gather3A_1548] : memref<2048xf32, #tpu.memory_space<vmem>> -> memref<32xf32, #tpu.memory_space<vmem>>
      %gather3A_1550 = tpu.vector_load_idx %gather3A_1549[%max3A_39] : memref<32xf32, #tpu.memory_space<vmem>>[vector<16xi32>], vector<16xf32>,
      %get3A_1551 = arith.constant 1392 : index
      %get3A_1552 = tpu.vector_load %arg20[%get3A_1551] {strides = array<i32>} : memref<3072xf32, #tpu.memory_space<vmem>>, vector<16xf32>,
      %get3A_1553 = arith.constant 1408 : index
      %get3A_1554 = tpu.vector_load %arg20[%get3A_1553] {strides = array<i32>} : memref<3072xf32, #tpu.memory_space<vmem>>, vector<16xf32>,
      %get3A_1555 = arith.constant 1424 : index
      %get3A_1556 = tpu.vector_load %arg20[%get3A_1555] {strides = array<i32>} : memref<3072xf32, #tpu.memory_space<vmem>>, vector<16xf32>,
      %slice3A_1557 = vector.extract_strided_slice %get3A_53 {offsets = [13], sizes = [1], strides = [1]} : vector<16xf32> to vector<1xf32>
      %squeeze3A_1558 = vector.extract %slice3A_1557[0] : f32 from vector<1xf32>
      %mul3A_1559 = vector.broadcast %squeeze3A_1558 : f32 to vector<16xf32>
      %mul3A_1560 = arith.mulf %get3A_41, %mul3A_1559 : vector<16xf32>
      %add3A_1561 = arith.addf %gather3A_1550, %mul3A_1560 : vector<16xf32>
      %slice3A_1562 = vector.extract_strided_slice %get3A_61 {offsets = [13], sizes = [1], strides = [1]} : vector<16xf32> to vector<1xf32>
      %squeeze3A_1563 = vector.extract %slice3A_1562[0] : f32 from vector<1xf32>
      %mul3A_1564 = vector.broadcast %squeeze3A_1563 : f32 to vector<16xf32>
      %mul3A_1565 = arith.mulf %get3A_43, %mul3A_1564 : vector<16xf32>
      %add3A_1566 = arith.addf %add3A_1561, %mul3A_1565 : vector<16xf32>
      %mul3A_1567 = arith.mulf %get3A_45, %get3A_1552 : vector<16xf32>
      %add3A_1568 = arith.addf %add3A_1566, %mul3A_1567 : vector<16xf32>
      %mul3A_1569 = arith.mulf %get3A_47, %get3A_1554 : vector<16xf32>
      %add3A_1570 = arith.addf %add3A_1568, %mul3A_1569 : vector<16xf32>
      %max3A_1571 = arith.constant 0.000000e+00 : f32
      %max3A_1572 = vector.broadcast %max3A_1571 : f32 to vector<16xf32>
      %max3A_1573 = arith.maximumf %add3A_1570, %max3A_1572 : vector<16xf32>
      %mul3A_1574 = arith.mulf %max3A_1573, %get3A_1556 : vector<16xf32>
      %add3A_1575 = arith.addf %add3A_1463, %mul3A_1574 : vector<16xf32>
      %gather3A_1576 = arith.constant 1440 : i32
      %gather3A_1577 = tpu.memref_slice %arg19[%gather3A_1576] : memref<2048xf32, #tpu.memory_space<vmem>> -> memref<32xf32, #tpu.memory_space<vmem>>
      %gather3A_1578 = tpu.vector_load_idx %gather3A_1577[%max3A_39] : memref<32xf32, #tpu.memory_space<vmem>>[vector<16xi32>], vector<16xf32>,
      %get3A_1579 = arith.constant 2160 : index
      %get3A_1580 = tpu.vector_load %arg20[%get3A_1579] {strides = array<i32>} : memref<3072xf32, #tpu.memory_space<vmem>>, vector<16xf32>,
      %get3A_1581 = arith.constant 2176 : index
      %get3A_1582 = tpu.vector_load %arg20[%get3A_1581] {strides = array<i32>} : memref<3072xf32, #tpu.memory_space<vmem>>, vector<16xf32>,
      %get3A_1583 = arith.constant 2192 : index
      %get3A_1584 = tpu.vector_load %arg20[%get3A_1583] {strides = array<i32>} : memref<3072xf32, #tpu.memory_space<vmem>>, vector<16xf32>,
      %slice3A_1585 = vector.extract_strided_slice %get3A_55 {offsets = [13], sizes = [1], strides = [1]} : vector<16xf32> to vector<1xf32>
      %squeeze3A_1586 = vector.extract %slice3A_1585[0] : f32 from vector<1xf32>
      %mul3A_1587 = vector.broadcast %squeeze3A_1586 : f32 to vector<16xf32>
      %mul3A_1588 = arith.mulf %get3A_41, %mul3A_1587 : vector<16xf32>
      %add3A_1589 = arith.addf %gather3A_1578, %mul3A_1588 : vector<16xf32>
      %slice3A_1590 = vector.extract_strided_slice %get3A_63 {offsets = [13], sizes = [1], strides = [1]} : vector<16xf32> to vector<1xf32>
      %squeeze3A_1591 = vector.extract %slice3A_1590[0] : f32 from vector<1xf32>
      %mul3A_1592 = vector.broadcast %squeeze3A_1591 : f32 to vector<16xf32>
      %mul3A_1593 = arith.mulf %get3A_43, %mul3A_1592 : vector<16xf32>
      %add3A_1594 = arith.addf %add3A_1589, %mul3A_1593 : vector<16xf32>
      %mul3A_1595 = arith.mulf %get3A_45, %get3A_1580 : vector<16xf32>
      %add3A_1596 = arith.addf %add3A_1594, %mul3A_1595 : vector<16xf32>
      %mul3A_1597 = arith.mulf %get3A_47, %get3A_1582 : vector<16xf32>
      %add3A_1598 = arith.addf %add3A_1596, %mul3A_1597 : vector<16xf32>
      %max3A_1599 = arith.constant 0.000000e+00 : f32
      %max3A_1600 = vector.broadcast %max3A_1599 : f32 to vector<16xf32>
      %max3A_1601 = arith.maximumf %add3A_1598, %max3A_1600 : vector<16xf32>
      %mul3A_1602 = arith.mulf %max3A_1601, %get3A_1584 : vector<16xf32>
      %add3A_1603 = arith.addf %add3A_1491, %mul3A_1602 : vector<16xf32>
      %gather3A_1604 = arith.constant 1952 : i32
      %gather3A_1605 = tpu.memref_slice %arg19[%gather3A_1604] : memref<2048xf32, #tpu.memory_space<vmem>> -> memref<32xf32, #tpu.memory_space<vmem>>
      %gather3A_1606 = tpu.vector_load_idx %gather3A_1605[%max3A_39] : memref<32xf32, #tpu.memory_space<vmem>>[vector<16xi32>], vector<16xf32>,
      %get3A_1607 = arith.constant 2928 : index
      %get3A_1608 = tpu.vector_load %arg20[%get3A_1607] {strides = array<i32>} : memref<3072xf32, #tpu.memory_space<vmem>>, vector<16xf32>,
      %get3A_1609 = arith.constant 2944 : index
      %get3A_1610 = tpu.vector_load %arg20[%get3A_1609] {strides = array<i32>} : memref<3072xf32, #tpu.memory_space<vmem>>, vector<16xf32>,
      %get3A_1611 = arith.constant 2960 : index
      %get3A_1612 = tpu.vector_load %arg20[%get3A_1611] {strides = array<i32>} : memref<3072xf32, #tpu.memory_space<vmem>>, vector<16xf32>,
      %slice3A_1613 = vector.extract_strided_slice %get3A_57 {offsets = [13], sizes = [1], strides = [1]} : vector<16xf32> to vector<1xf32>
      %squeeze3A_1614 = vector.extract %slice3A_1613[0] : f32 from vector<1xf32>
      %mul3A_1615 = vector.broadcast %squeeze3A_1614 : f32 to vector<16xf32>
      %mul3A_1616 = arith.mulf %get3A_41, %mul3A_1615 : vector<16xf32>
      %add3A_1617 = arith.addf %gather3A_1606, %mul3A_1616 : vector<16xf32>
      %slice3A_1618 = vector.extract_strided_slice %get3A_65 {offsets = [13], sizes = [1], strides = [1]} : vector<16xf32> to vector<1xf32>
      %squeeze3A_1619 = vector.extract %slice3A_1618[0] : f32 from vector<1xf32>
      %mul3A_1620 = vector.broadcast %squeeze3A_1619 : f32 to vector<16xf32>
      %mul3A_1621 = arith.mulf %get3A_43, %mul3A_1620 : vector<16xf32>
      %add3A_1622 = arith.addf %add3A_1617, %mul3A_1621 : vector<16xf32>
      %mul3A_1623 = arith.mulf %get3A_45, %get3A_1608 : vector<16xf32>
      %add3A_1624 = arith.addf %add3A_1622, %mul3A_1623 : vector<16xf32>
      %mul3A_1625 = arith.mulf %get3A_47, %get3A_1610 : vector<16xf32>
      %add3A_1626 = arith.addf %add3A_1624, %mul3A_1625 : vector<16xf32>
      %max3A_1627 = arith.constant 0.000000e+00 : f32
      %max3A_1628 = vector.broadcast %max3A_1627 : f32 to vector<16xf32>
      %max3A_1629 = arith.maximumf %add3A_1626, %max3A_1628 : vector<16xf32>
      %mul3A_1630 = arith.mulf %max3A_1629, %get3A_1612 : vector<16xf32>
      %add3A_1631 = arith.addf %add3A_1519, %mul3A_1630 : vector<16xf32>
      %gather3A_1632 = arith.constant 448 : i32
      %gather3A_1633 = tpu.memref_slice %arg19[%gather3A_1632] : memref<2048xf32, #tpu.memory_space<vmem>> -> memref<32xf32, #tpu.memory_space<vmem>>
      %gather3A_1634 = tpu.vector_load_idx %gather3A_1633[%max3A_39] : memref<32xf32, #tpu.memory_space<vmem>>[vector<16xi32>], vector<16xf32>,
      %get3A_1635 = arith.constant 672 : index
      %get3A_1636 = tpu.vector_load %arg20[%get3A_1635] {strides = array<i32>} : memref<3072xf32, #tpu.memory_space<vmem>>, vector<16xf32>,
      %get3A_1637 = arith.constant 688 : index
      %get3A_1638 = tpu.vector_load %arg20[%get3A_1637] {strides = array<i32>} : memref<3072xf32, #tpu.memory_space<vmem>>, vector<16xf32>,
      %get3A_1639 = arith.constant 704 : index
      %get3A_1640 = tpu.vector_load %arg20[%get3A_1639] {strides = array<i32>} : memref<3072xf32, #tpu.memory_space<vmem>>, vector<16xf32>,
      %slice3A_1641 = vector.extract_strided_slice %get3A_51 {offsets = [14], sizes = [1], strides = [1]} : vector<16xf32> to vector<1xf32>
      %squeeze3A_1642 = vector.extract %slice3A_1641[0] : f32 from vector<1xf32>
      %mul3A_1643 = vector.broadcast %squeeze3A_1642 : f32 to vector<16xf32>
      %mul3A_1644 = arith.mulf %get3A_41, %mul3A_1643 : vector<16xf32>
      %add3A_1645 = arith.addf %gather3A_1634, %mul3A_1644 : vector<16xf32>
      %slice3A_1646 = vector.extract_strided_slice %get3A_59 {offsets = [14], sizes = [1], strides = [1]} : vector<16xf32> to vector<1xf32>
      %squeeze3A_1647 = vector.extract %slice3A_1646[0] : f32 from vector<1xf32>
      %mul3A_1648 = vector.broadcast %squeeze3A_1647 : f32 to vector<16xf32>
      %mul3A_1649 = arith.mulf %get3A_43, %mul3A_1648 : vector<16xf32>
      %add3A_1650 = arith.addf %add3A_1645, %mul3A_1649 : vector<16xf32>
      %mul3A_1651 = arith.mulf %get3A_45, %get3A_1636 : vector<16xf32>
      %add3A_1652 = arith.addf %add3A_1650, %mul3A_1651 : vector<16xf32>
      %mul3A_1653 = arith.mulf %get3A_47, %get3A_1638 : vector<16xf32>
      %add3A_1654 = arith.addf %add3A_1652, %mul3A_1653 : vector<16xf32>
      %max3A_1655 = arith.constant 0.000000e+00 : f32
      %max3A_1656 = vector.broadcast %max3A_1655 : f32 to vector<16xf32>
      %max3A_1657 = arith.maximumf %add3A_1654, %max3A_1656 : vector<16xf32>
      %mul3A_1658 = arith.mulf %max3A_1657, %get3A_1640 : vector<16xf32>
      %add3A_1659 = arith.addf %add3A_1547, %mul3A_1658 : vector<16xf32>
      %gather3A_1660 = arith.constant 960 : i32
      %gather3A_1661 = tpu.memref_slice %arg19[%gather3A_1660] : memref<2048xf32, #tpu.memory_space<vmem>> -> memref<32xf32, #tpu.memory_space<vmem>>
      %gather3A_1662 = tpu.vector_load_idx %gather3A_1661[%max3A_39] : memref<32xf32, #tpu.memory_space<vmem>>[vector<16xi32>], vector<16xf32>,
      %get3A_1663 = arith.constant 1440 : index
      %get3A_1664 = tpu.vector_load %arg20[%get3A_1663] {strides = array<i32>} : memref<3072xf32, #tpu.memory_space<vmem>>, vector<16xf32>,
      %get3A_1665 = arith.constant 1456 : index
      %get3A_1666 = tpu.vector_load %arg20[%get3A_1665] {strides = array<i32>} : memref<3072xf32, #tpu.memory_space<vmem>>, vector<16xf32>,
      %get3A_1667 = arith.constant 1472 : index
      %get3A_1668 = tpu.vector_load %arg20[%get3A_1667] {strides = array<i32>} : memref<3072xf32, #tpu.memory_space<vmem>>, vector<16xf32>,
      %slice3A_1669 = vector.extract_strided_slice %get3A_53 {offsets = [14], sizes = [1], strides = [1]} : vector<16xf32> to vector<1xf32>
      %squeeze3A_1670 = vector.extract %slice3A_1669[0] : f32 from vector<1xf32>
      %mul3A_1671 = vector.broadcast %squeeze3A_1670 : f32 to vector<16xf32>
      %mul3A_1672 = arith.mulf %get3A_41, %mul3A_1671 : vector<16xf32>
      %add3A_1673 = arith.addf %gather3A_1662, %mul3A_1672 : vector<16xf32>
      %slice3A_1674 = vector.extract_strided_slice %get3A_61 {offsets = [14], sizes = [1], strides = [1]} : vector<16xf32> to vector<1xf32>
      %squeeze3A_1675 = vector.extract %slice3A_1674[0] : f32 from vector<1xf32>
      %mul3A_1676 = vector.broadcast %squeeze3A_1675 : f32 to vector<16xf32>
      %mul3A_1677 = arith.mulf %get3A_43, %mul3A_1676 : vector<16xf32>
      %add3A_1678 = arith.addf %add3A_1673, %mul3A_1677 : vector<16xf32>
      %mul3A_1679 = arith.mulf %get3A_45, %get3A_1664 : vector<16xf32>
      %add3A_1680 = arith.addf %add3A_1678, %mul3A_1679 : vector<16xf32>
      %mul3A_1681 = arith.mulf %get3A_47, %get3A_1666 : vector<16xf32>
      %add3A_1682 = arith.addf %add3A_1680, %mul3A_1681 : vector<16xf32>
      %max3A_1683 = arith.constant 0.000000e+00 : f32
      %max3A_1684 = vector.broadcast %max3A_1683 : f32 to vector<16xf32>
      %max3A_1685 = arith.maximumf %add3A_1682, %max3A_1684 : vector<16xf32>
      %mul3A_1686 = arith.mulf %max3A_1685, %get3A_1668 : vector<16xf32>
      %add3A_1687 = arith.addf %add3A_1575, %mul3A_1686 : vector<16xf32>
      %gather3A_1688 = arith.constant 1472 : i32
      %gather3A_1689 = tpu.memref_slice %arg19[%gather3A_1688] : memref<2048xf32, #tpu.memory_space<vmem>> -> memref<32xf32, #tpu.memory_space<vmem>>
      %gather3A_1690 = tpu.vector_load_idx %gather3A_1689[%max3A_39] : memref<32xf32, #tpu.memory_space<vmem>>[vector<16xi32>], vector<16xf32>,
      %get3A_1691 = arith.constant 2208 : index
      %get3A_1692 = tpu.vector_load %arg20[%get3A_1691] {strides = array<i32>} : memref<3072xf32, #tpu.memory_space<vmem>>, vector<16xf32>,
      %get3A_1693 = arith.constant 2224 : index
      %get3A_1694 = tpu.vector_load %arg20[%get3A_1693] {strides = array<i32>} : memref<3072xf32, #tpu.memory_space<vmem>>, vector<16xf32>,
      %get3A_1695 = arith.constant 2240 : index
      %get3A_1696 = tpu.vector_load %arg20[%get3A_1695] {strides = array<i32>} : memref<3072xf32, #tpu.memory_space<vmem>>, vector<16xf32>,
      %slice3A_1697 = vector.extract_strided_slice %get3A_55 {offsets = [14], sizes = [1], strides = [1]} : vector<16xf32> to vector<1xf32>
      %squeeze3A_1698 = vector.extract %slice3A_1697[0] : f32 from vector<1xf32>
      %mul3A_1699 = vector.broadcast %squeeze3A_1698 : f32 to vector<16xf32>
      %mul3A_1700 = arith.mulf %get3A_41, %mul3A_1699 : vector<16xf32>
      %add3A_1701 = arith.addf %gather3A_1690, %mul3A_1700 : vector<16xf32>
      %slice3A_1702 = vector.extract_strided_slice %get3A_63 {offsets = [14], sizes = [1], strides = [1]} : vector<16xf32> to vector<1xf32>
      %squeeze3A_1703 = vector.extract %slice3A_1702[0] : f32 from vector<1xf32>
      %mul3A_1704 = vector.broadcast %squeeze3A_1703 : f32 to vector<16xf32>
      %mul3A_1705 = arith.mulf %get3A_43, %mul3A_1704 : vector<16xf32>
      %add3A_1706 = arith.addf %add3A_1701, %mul3A_1705 : vector<16xf32>
      %mul3A_1707 = arith.mulf %get3A_45, %get3A_1692 : vector<16xf32>
      %add3A_1708 = arith.addf %add3A_1706, %mul3A_1707 : vector<16xf32>
      %mul3A_1709 = arith.mulf %get3A_47, %get3A_1694 : vector<16xf32>
      %add3A_1710 = arith.addf %add3A_1708, %mul3A_1709 : vector<16xf32>
      %max3A_1711 = arith.constant 0.000000e+00 : f32
      %max3A_1712 = vector.broadcast %max3A_1711 : f32 to vector<16xf32>
      %max3A_1713 = arith.maximumf %add3A_1710, %max3A_1712 : vector<16xf32>
      %mul3A_1714 = arith.mulf %max3A_1713, %get3A_1696 : vector<16xf32>
      %add3A_1715 = arith.addf %add3A_1603, %mul3A_1714 : vector<16xf32>
      %gather3A_1716 = arith.constant 1984 : i32
      %gather3A_1717 = tpu.memref_slice %arg19[%gather3A_1716] : memref<2048xf32, #tpu.memory_space<vmem>> -> memref<32xf32, #tpu.memory_space<vmem>>
      %gather3A_1718 = tpu.vector_load_idx %gather3A_1717[%max3A_39] : memref<32xf32, #tpu.memory_space<vmem>>[vector<16xi32>], vector<16xf32>,
      %get3A_1719 = arith.constant 2976 : index
      %get3A_1720 = tpu.vector_load %arg20[%get3A_1719] {strides = array<i32>} : memref<3072xf32, #tpu.memory_space<vmem>>, vector<16xf32>,
      %get3A_1721 = arith.constant 2992 : index
      %get3A_1722 = tpu.vector_load %arg20[%get3A_1721] {strides = array<i32>} : memref<3072xf32, #tpu.memory_space<vmem>>, vector<16xf32>,
      %get3A_1723 = arith.constant 3008 : index
      %get3A_1724 = tpu.vector_load %arg20[%get3A_1723] {strides = array<i32>} : memref<3072xf32, #tpu.memory_space<vmem>>, vector<16xf32>,
      %slice3A_1725 = vector.extract_strided_slice %get3A_57 {offsets = [14], sizes = [1], strides = [1]} : vector<16xf32> to vector<1xf32>
      %squeeze3A_1726 = vector.extract %slice3A_1725[0] : f32 from vector<1xf32>
      %mul3A_1727 = vector.broadcast %squeeze3A_1726 : f32 to vector<16xf32>
      %mul3A_1728 = arith.mulf %get3A_41, %mul3A_1727 : vector<16xf32>
      %add3A_1729 = arith.addf %gather3A_1718, %mul3A_1728 : vector<16xf32>
      %slice3A_1730 = vector.extract_strided_slice %get3A_65 {offsets = [14], sizes = [1], strides = [1]} : vector<16xf32> to vector<1xf32>
      %squeeze3A_1731 = vector.extract %slice3A_1730[0] : f32 from vector<1xf32>
      %mul3A_1732 = vector.broadcast %squeeze3A_1731 : f32 to vector<16xf32>
      %mul3A_1733 = arith.mulf %get3A_43, %mul3A_1732 : vector<16xf32>
      %add3A_1734 = arith.addf %add3A_1729, %mul3A_1733 : vector<16xf32>
      %mul3A_1735 = arith.mulf %get3A_45, %get3A_1720 : vector<16xf32>
      %add3A_1736 = arith.addf %add3A_1734, %mul3A_1735 : vector<16xf32>
      %mul3A_1737 = arith.mulf %get3A_47, %get3A_1722 : vector<16xf32>
      %add3A_1738 = arith.addf %add3A_1736, %mul3A_1737 : vector<16xf32>
      %max3A_1739 = arith.constant 0.000000e+00 : f32
      %max3A_1740 = vector.broadcast %max3A_1739 : f32 to vector<16xf32>
      %max3A_1741 = arith.maximumf %add3A_1738, %max3A_1740 : vector<16xf32>
      %mul3A_1742 = arith.mulf %max3A_1741, %get3A_1724 : vector<16xf32>
      %add3A_1743 = arith.addf %add3A_1631, %mul3A_1742 : vector<16xf32>
      %gather3A_1744 = arith.constant 480 : i32
      %gather3A_1745 = tpu.memref_slice %arg19[%gather3A_1744] : memref<2048xf32, #tpu.memory_space<vmem>> -> memref<32xf32, #tpu.memory_space<vmem>>
      %gather3A_1746 = tpu.vector_load_idx %gather3A_1745[%max3A_39] : memref<32xf32, #tpu.memory_space<vmem>>[vector<16xi32>], vector<16xf32>,
      %get3A_1747 = arith.constant 720 : index
      %get3A_1748 = tpu.vector_load %arg20[%get3A_1747] {strides = array<i32>} : memref<3072xf32, #tpu.memory_space<vmem>>, vector<16xf32>,
      %get3A_1749 = arith.constant 736 : index
      %get3A_1750 = tpu.vector_load %arg20[%get3A_1749] {strides = array<i32>} : memref<3072xf32, #tpu.memory_space<vmem>>, vector<16xf32>,
      %get3A_1751 = arith.constant 752 : index
      %get3A_1752 = tpu.vector_load %arg20[%get3A_1751] {strides = array<i32>} : memref<3072xf32, #tpu.memory_space<vmem>>, vector<16xf32>,
      %slice3A_1753 = vector.extract_strided_slice %get3A_51 {offsets = [15], sizes = [1], strides = [1]} : vector<16xf32> to vector<1xf32>
      %squeeze3A_1754 = vector.extract %slice3A_1753[0] : f32 from vector<1xf32>
      %mul3A_1755 = vector.broadcast %squeeze3A_1754 : f32 to vector<16xf32>
      %mul3A_1756 = arith.mulf %get3A_41, %mul3A_1755 : vector<16xf32>
      %add3A_1757 = arith.addf %gather3A_1746, %mul3A_1756 : vector<16xf32>
      %slice3A_1758 = vector.extract_strided_slice %get3A_59 {offsets = [15], sizes = [1], strides = [1]} : vector<16xf32> to vector<1xf32>
      %squeeze3A_1759 = vector.extract %slice3A_1758[0] : f32 from vector<1xf32>
      %mul3A_1760 = vector.broadcast %squeeze3A_1759 : f32 to vector<16xf32>
      %mul3A_1761 = arith.mulf %get3A_43, %mul3A_1760 : vector<16xf32>
      %add3A_1762 = arith.addf %add3A_1757, %mul3A_1761 : vector<16xf32>
      %mul3A_1763 = arith.mulf %get3A_45, %get3A_1748 : vector<16xf32>
      %add3A_1764 = arith.addf %add3A_1762, %mul3A_1763 : vector<16xf32>
      %mul3A_1765 = arith.mulf %get3A_47, %get3A_1750 : vector<16xf32>
      %add3A_1766 = arith.addf %add3A_1764, %mul3A_1765 : vector<16xf32>
      %max3A_1767 = arith.constant 0.000000e+00 : f32
      %max3A_1768 = vector.broadcast %max3A_1767 : f32 to vector<16xf32>
      %max3A_1769 = arith.maximumf %add3A_1766, %max3A_1768 : vector<16xf32>
      %mul3A_1770 = arith.mulf %max3A_1769, %get3A_1752 : vector<16xf32>
      %add3A_1771 = arith.addf %add3A_1659, %mul3A_1770 : vector<16xf32>
      %gather3A_1772 = arith.constant 992 : i32
      %gather3A_1773 = tpu.memref_slice %arg19[%gather3A_1772] : memref<2048xf32, #tpu.memory_space<vmem>> -> memref<32xf32, #tpu.memory_space<vmem>>
      %gather3A_1774 = tpu.vector_load_idx %gather3A_1773[%max3A_39] : memref<32xf32, #tpu.memory_space<vmem>>[vector<16xi32>], vector<16xf32>,
      %get3A_1775 = arith.constant 1488 : index
      %get3A_1776 = tpu.vector_load %arg20[%get3A_1775] {strides = array<i32>} : memref<3072xf32, #tpu.memory_space<vmem>>, vector<16xf32>,
      %get3A_1777 = arith.constant 1504 : index
      %get3A_1778 = tpu.vector_load %arg20[%get3A_1777] {strides = array<i32>} : memref<3072xf32, #tpu.memory_space<vmem>>, vector<16xf32>,
      %get3A_1779 = arith.constant 1520 : index
      %get3A_1780 = tpu.vector_load %arg20[%get3A_1779] {strides = array<i32>} : memref<3072xf32, #tpu.memory_space<vmem>>, vector<16xf32>,
      %slice3A_1781 = vector.extract_strided_slice %get3A_53 {offsets = [15], sizes = [1], strides = [1]} : vector<16xf32> to vector<1xf32>
      %squeeze3A_1782 = vector.extract %slice3A_1781[0] : f32 from vector<1xf32>
      %mul3A_1783 = vector.broadcast %squeeze3A_1782 : f32 to vector<16xf32>
      %mul3A_1784 = arith.mulf %get3A_41, %mul3A_1783 : vector<16xf32>
      %add3A_1785 = arith.addf %gather3A_1774, %mul3A_1784 : vector<16xf32>
      %slice3A_1786 = vector.extract_strided_slice %get3A_61 {offsets = [15], sizes = [1], strides = [1]} : vector<16xf32> to vector<1xf32>
      %squeeze3A_1787 = vector.extract %slice3A_1786[0] : f32 from vector<1xf32>
      %mul3A_1788 = vector.broadcast %squeeze3A_1787 : f32 to vector<16xf32>
      %mul3A_1789 = arith.mulf %get3A_43, %mul3A_1788 : vector<16xf32>
      %add3A_1790 = arith.addf %add3A_1785, %mul3A_1789 : vector<16xf32>
      %mul3A_1791 = arith.mulf %get3A_45, %get3A_1776 : vector<16xf32>
      %add3A_1792 = arith.addf %add3A_1790, %mul3A_1791 : vector<16xf32>
      %mul3A_1793 = arith.mulf %get3A_47, %get3A_1778 : vector<16xf32>
      %add3A_1794 = arith.addf %add3A_1792, %mul3A_1793 : vector<16xf32>
      %max3A_1795 = arith.constant 0.000000e+00 : f32
      %max3A_1796 = vector.broadcast %max3A_1795 : f32 to vector<16xf32>
      %max3A_1797 = arith.maximumf %add3A_1794, %max3A_1796 : vector<16xf32>
      %mul3A_1798 = arith.mulf %max3A_1797, %get3A_1780 : vector<16xf32>
      %add3A_1799 = arith.addf %add3A_1687, %mul3A_1798 : vector<16xf32>
      %gather3A_1800 = arith.constant 1504 : i32
      %gather3A_1801 = tpu.memref_slice %arg19[%gather3A_1800] : memref<2048xf32, #tpu.memory_space<vmem>> -> memref<32xf32, #tpu.memory_space<vmem>>
      %gather3A_1802 = tpu.vector_load_idx %gather3A_1801[%max3A_39] : memref<32xf32, #tpu.memory_space<vmem>>[vector<16xi32>], vector<16xf32>,
      %get3A_1803 = arith.constant 2256 : index
      %get3A_1804 = tpu.vector_load %arg20[%get3A_1803] {strides = array<i32>} : memref<3072xf32, #tpu.memory_space<vmem>>, vector<16xf32>,
      %get3A_1805 = arith.constant 2272 : index
      %get3A_1806 = tpu.vector_load %arg20[%get3A_1805] {strides = array<i32>} : memref<3072xf32, #tpu.memory_space<vmem>>, vector<16xf32>,
      %get3A_1807 = arith.constant 2288 : index
      %get3A_1808 = tpu.vector_load %arg20[%get3A_1807] {strides = array<i32>} : memref<3072xf32, #tpu.memory_space<vmem>>, vector<16xf32>,
      %slice3A_1809 = vector.extract_strided_slice %get3A_55 {offsets = [15], sizes = [1], strides = [1]} : vector<16xf32> to vector<1xf32>
      %squeeze3A_1810 = vector.extract %slice3A_1809[0] : f32 from vector<1xf32>
      %mul3A_1811 = vector.broadcast %squeeze3A_1810 : f32 to vector<16xf32>
      %mul3A_1812 = arith.mulf %get3A_41, %mul3A_1811 : vector<16xf32>
      %add3A_1813 = arith.addf %gather3A_1802, %mul3A_1812 : vector<16xf32>
      %slice3A_1814 = vector.extract_strided_slice %get3A_63 {offsets = [15], sizes = [1], strides = [1]} : vector<16xf32> to vector<1xf32>
      %squeeze3A_1815 = vector.extract %slice3A_1814[0] : f32 from vector<1xf32>
      %mul3A_1816 = vector.broadcast %squeeze3A_1815 : f32 to vector<16xf32>
      %mul3A_1817 = arith.mulf %get3A_43, %mul3A_1816 : vector<16xf32>
      %add3A_1818 = arith.addf %add3A_1813, %mul3A_1817 : vector<16xf32>
      %mul3A_1819 = arith.mulf %get3A_45, %get3A_1804 : vector<16xf32>
      %add3A_1820 = arith.addf %add3A_1818, %mul3A_1819 : vector<16xf32>
      %mul3A_1821 = arith.mulf %get3A_47, %get3A_1806 : vector<16xf32>
      %add3A_1822 = arith.addf %add3A_1820, %mul3A_1821 : vector<16xf32>
      %max3A_1823 = arith.constant 0.000000e+00 : f32
      %max3A_1824 = vector.broadcast %max3A_1823 : f32 to vector<16xf32>
      %max3A_1825 = arith.maximumf %add3A_1822, %max3A_1824 : vector<16xf32>
      %mul3A_1826 = arith.mulf %max3A_1825, %get3A_1808 : vector<16xf32>
      %add3A_1827 = arith.addf %add3A_1715, %mul3A_1826 : vector<16xf32>
      %gather3A_1828 = arith.constant 2016 : i32
      %gather3A_1829 = tpu.memref_slice %arg19[%gather3A_1828] : memref<2048xf32, #tpu.memory_space<vmem>> -> memref<32xf32, #tpu.memory_space<vmem>>
      %gather3A_1830 = tpu.vector_load_idx %gather3A_1829[%max3A_39] : memref<32xf32, #tpu.memory_space<vmem>>[vector<16xi32>], vector<16xf32>,
      %get3A_1831 = arith.constant 3024 : index
      %get3A_1832 = tpu.vector_load %arg20[%get3A_1831] {strides = array<i32>} : memref<3072xf32, #tpu.memory_space<vmem>>, vector<16xf32>,
      %get3A_1833 = arith.constant 3040 : index
      %get3A_1834 = tpu.vector_load %arg20[%get3A_1833] {strides = array<i32>} : memref<3072xf32, #tpu.memory_space<vmem>>, vector<16xf32>,
      %get3A_1835 = arith.constant 3056 : index
      %get3A_1836 = tpu.vector_load %arg20[%get3A_1835] {strides = array<i32>} : memref<3072xf32, #tpu.memory_space<vmem>>, vector<16xf32>,
      %slice3A_1837 = vector.extract_strided_slice %get3A_57 {offsets = [15], sizes = [1], strides = [1]} : vector<16xf32> to vector<1xf32>
      %squeeze3A_1838 = vector.extract %slice3A_1837[0] : f32 from vector<1xf32>
      %mul3A_1839 = vector.broadcast %squeeze3A_1838 : f32 to vector<16xf32>
      %mul3A_1840 = arith.mulf %get3A_41, %mul3A_1839 : vector<16xf32>
      %add3A_1841 = arith.addf %gather3A_1830, %mul3A_1840 : vector<16xf32>
      %slice3A_1842 = vector.extract_strided_slice %get3A_65 {offsets = [15], sizes = [1], strides = [1]} : vector<16xf32> to vector<1xf32>
      %squeeze3A_1843 = vector.extract %slice3A_1842[0] : f32 from vector<1xf32>
      %mul3A_1844 = vector.broadcast %squeeze3A_1843 : f32 to vector<16xf32>
      %mul3A_1845 = arith.mulf %get3A_43, %mul3A_1844 : vector<16xf32>
      %add3A_1846 = arith.addf %add3A_1841, %mul3A_1845 : vector<16xf32>
      %mul3A_1847 = arith.mulf %get3A_45, %get3A_1832 : vector<16xf32>
      %add3A_1848 = arith.addf %add3A_1846, %mul3A_1847 : vector<16xf32>
      %mul3A_1849 = arith.mulf %get3A_47, %get3A_1834 : vector<16xf32>
      %add3A_1850 = arith.addf %add3A_1848, %mul3A_1849 : vector<16xf32>
      %max3A_1851 = arith.constant 0.000000e+00 : f32
      %max3A_1852 = vector.broadcast %max3A_1851 : f32 to vector<16xf32>
      %max3A_1853 = arith.maximumf %add3A_1850, %max3A_1852 : vector<16xf32>
      %mul3A_1854 = arith.mulf %max3A_1853, %get3A_1836 : vector<16xf32>
      %add3A_1855 = arith.addf %add3A_1743, %mul3A_1854 : vector<16xf32>
      %add3A_1856 = arith.addf %while3A_30, %add3A_1771 : vector<16xf32>
      %add3A_1857 = arith.addf %while3A_31, %add3A_1799 : vector<16xf32>
      %add3A_1858 = arith.addf %while3A_32, %add3A_1827 : vector<16xf32>
      %add3A_1859 = arith.addf %while3A_33, %add3A_1855 : vector<16xf32>
      scf.yield %add3A_1856, %add3A_1857, %add3A_1858, %add3A_1859, %add3A_49 : vector<16xf32>, vector<16xf32>, vector<16xf32>, vector<16xf32>, vector<16xf32>
    }
    %while3A_19 = arith.constant 1 : i32
    %while3A_20:5 = scf.for %while3A_29 = %while3A_16 to %while3A_12 step %while3A_19 iter_args(%while3A_30 = %while3A_18#0, %while3A_31 = %while3A_18#1, %while3A_32 = %while3A_18#2, %while3A_33 = %while3A_18#3, %while3A_34 = %while3A_18#4) -> (vector<16xf32>, vector<16xf32>, vector<16xf32>, vector<16xf32>, vector<16xf32>)  : i32 {
      %mul3A_35 = arith.constant 16 : i32
      %mul3A_36 = arith.muli %while3A_29, %mul3A_35 : i32
      %get3A = arith.index_cast %mul3A_36 : i32 to index
      %get3A_37 = tpu.vector_load %arg13[%get3A] {strides = array<i32>} : memref<3136xi32, #tpu.memory_space<vmem>>, vector<16xi32>,
      %gather3A = tpu.vector_load_idx %arg18[%get3A_37] : memref<128xi32, #tpu.memory_space<vmem>>[vector<16xi32>], vector<16xi32>,
      %max3A = arith.constant 0 : i32
      %max3A_38 = vector.broadcast %max3A : i32 to vector<16xi32>
      %max3A_39 = arith.maxsi %gather3A, %max3A_38 : vector<16xi32>
      %get3A_40 = arith.index_cast %mul3A_36 : i32 to index
      %get3A_41 = tpu.vector_load %arg17[%get3A_40] {strides = array<i32>} : memref<3136xf32, #tpu.memory_space<vmem>>, vector<16xf32>,
      %get3A_42 = arith.index_cast %mul3A_36 : i32 to index
      %get3A_43 = tpu.vector_load %arg14[%get3A_42] {strides = array<i32>} : memref<3136xf32, #tpu.memory_space<vmem>>, vector<16xf32>,
      %get3A_44 = arith.index_cast %mul3A_36 : i32 to index
      %get3A_45 = tpu.vector_load %arg15[%get3A_44] {strides = array<i32>} : memref<3136xf32, #tpu.memory_space<vmem>>, vector<16xf32>,
      %get3A_46 = arith.index_cast %mul3A_36 : i32 to index
      %get3A_47 = tpu.vector_load %arg16[%get3A_46] {strides = array<i32>} : memref<3136xf32, #tpu.memory_space<vmem>>, vector<16xf32>,
      %gather3A_48 = tpu.vector_load_idx %arg23[%max3A_39] : memref<32xf32, #tpu.memory_space<vmem>>[vector<16xi32>], vector<16xf32>,
      %add3A_49 = arith.addf %while3A_34, %gather3A_48 : vector<16xf32>
      %get3A_50 = arith.constant 0 : index
      %get3A_51 = tpu.vector_load %arg21[%get3A_50] {strides = array<i32>} : memref<64xf32, #tpu.memory_space<vmem>>, vector<16xf32>,
      %get3A_52 = arith.constant 16 : index
      %get3A_53 = tpu.vector_load %arg21[%get3A_52] {strides = array<i32>} : memref<64xf32, #tpu.memory_space<vmem>>, vector<16xf32>,
      %get3A_54 = arith.constant 32 : index
      %get3A_55 = tpu.vector_load %arg21[%get3A_54] {strides = array<i32>} : memref<64xf32, #tpu.memory_space<vmem>>, vector<16xf32>,
      %get3A_56 = arith.constant 48 : index
      %get3A_57 = tpu.vector_load %arg21[%get3A_56] {strides = array<i32>} : memref<64xf32, #tpu.memory_space<vmem>>, vector<16xf32>,
      %get3A_58 = arith.constant 0 : index
      %get3A_59 = tpu.vector_load %arg22[%get3A_58] {strides = array<i32>} : memref<64xf32, #tpu.memory_space<vmem>>, vector<16xf32>,
      %get3A_60 = arith.constant 16 : index
      %get3A_61 = tpu.vector_load %arg22[%get3A_60] {strides = array<i32>} : memref<64xf32, #tpu.memory_space<vmem>>, vector<16xf32>,
      %get3A_62 = arith.constant 32 : index
      %get3A_63 = tpu.vector_load %arg22[%get3A_62] {strides = array<i32>} : memref<64xf32, #tpu.memory_space<vmem>>, vector<16xf32>,
      %get3A_64 = arith.constant 48 : index
      %get3A_65 = tpu.vector_load %arg22[%get3A_64] {strides = array<i32>} : memref<64xf32, #tpu.memory_space<vmem>>, vector<16xf32>,
      %gather3A_66 = arith.constant 0 : i32
      %gather3A_67 = tpu.memref_slice %arg19[%gather3A_66] : memref<2048xf32, #tpu.memory_space<vmem>> -> memref<32xf32, #tpu.memory_space<vmem>>
      %gather3A_68 = tpu.vector_load_idx %gather3A_67[%max3A_39] : memref<32xf32, #tpu.memory_space<vmem>>[vector<16xi32>], vector<16xf32>,
      %get3A_69 = arith.constant 0 : index
      %get3A_70 = tpu.vector_load %arg20[%get3A_69] {strides = array<i32>} : memref<3072xf32, #tpu.memory_space<vmem>>, vector<16xf32>,
      %get3A_71 = arith.constant 16 : index
      %get3A_72 = tpu.vector_load %arg20[%get3A_71] {strides = array<i32>} : memref<3072xf32, #tpu.memory_space<vmem>>, vector<16xf32>,
      %get3A_73 = arith.constant 32 : index
      %get3A_74 = tpu.vector_load %arg20[%get3A_73] {strides = array<i32>} : memref<3072xf32, #tpu.memory_space<vmem>>, vector<16xf32>,
      %slice3A = vector.extract_strided_slice %get3A_51 {offsets = [0], sizes = [1], strides = [1]} : vector<16xf32> to vector<1xf32>
      %squeeze3A = vector.extract %slice3A[0] : f32 from vector<1xf32>
      %mul3A_75 = vector.broadcast %squeeze3A : f32 to vector<16xf32>
      %mul3A_76 = arith.mulf %get3A_41, %mul3A_75 : vector<16xf32>
      %add3A_77 = arith.addf %gather3A_68, %mul3A_76 : vector<16xf32>
      %slice3A_78 = vector.extract_strided_slice %get3A_59 {offsets = [0], sizes = [1], strides = [1]} : vector<16xf32> to vector<1xf32>
      %squeeze3A_79 = vector.extract %slice3A_78[0] : f32 from vector<1xf32>
      %mul3A_80 = vector.broadcast %squeeze3A_79 : f32 to vector<16xf32>
      %mul3A_81 = arith.mulf %get3A_43, %mul3A_80 : vector<16xf32>
      %add3A_82 = arith.addf %add3A_77, %mul3A_81 : vector<16xf32>
      %mul3A_83 = arith.mulf %get3A_45, %get3A_70 : vector<16xf32>
      %add3A_84 = arith.addf %add3A_82, %mul3A_83 : vector<16xf32>
      %mul3A_85 = arith.mulf %get3A_47, %get3A_72 : vector<16xf32>
      %add3A_86 = arith.addf %add3A_84, %mul3A_85 : vector<16xf32>
      %max3A_87 = arith.constant 0.000000e+00 : f32
      %max3A_88 = vector.broadcast %max3A_87 : f32 to vector<16xf32>
      %max3A_89 = arith.maximumf %add3A_86, %max3A_88 : vector<16xf32>
      %mul3A_90 = arith.mulf %max3A_89, %get3A_74 : vector<16xf32>
      %add3A_91 = arith.addf %broadcast_in_dim3A_9, %mul3A_90 : vector<16xf32>
      %gather3A_92 = arith.constant 512 : i32
      %gather3A_93 = tpu.memref_slice %arg19[%gather3A_92] : memref<2048xf32, #tpu.memory_space<vmem>> -> memref<32xf32, #tpu.memory_space<vmem>>
      %gather3A_94 = tpu.vector_load_idx %gather3A_93[%max3A_39] : memref<32xf32, #tpu.memory_space<vmem>>[vector<16xi32>], vector<16xf32>,
      %get3A_95 = arith.constant 768 : index
      %get3A_96 = tpu.vector_load %arg20[%get3A_95] {strides = array<i32>} : memref<3072xf32, #tpu.memory_space<vmem>>, vector<16xf32>,
      %get3A_97 = arith.constant 784 : index
      %get3A_98 = tpu.vector_load %arg20[%get3A_97] {strides = array<i32>} : memref<3072xf32, #tpu.memory_space<vmem>>, vector<16xf32>,
      %get3A_99 = arith.constant 800 : index
      %get3A_100 = tpu.vector_load %arg20[%get3A_99] {strides = array<i32>} : memref<3072xf32, #tpu.memory_space<vmem>>, vector<16xf32>,
      %slice3A_101 = vector.extract_strided_slice %get3A_53 {offsets = [0], sizes = [1], strides = [1]} : vector<16xf32> to vector<1xf32>
      %squeeze3A_102 = vector.extract %slice3A_101[0] : f32 from vector<1xf32>
      %mul3A_103 = vector.broadcast %squeeze3A_102 : f32 to vector<16xf32>
      %mul3A_104 = arith.mulf %get3A_41, %mul3A_103 : vector<16xf32>
      %add3A_105 = arith.addf %gather3A_94, %mul3A_104 : vector<16xf32>
      %slice3A_106 = vector.extract_strided_slice %get3A_61 {offsets = [0], sizes = [1], strides = [1]} : vector<16xf32> to vector<1xf32>
      %squeeze3A_107 = vector.extract %slice3A_106[0] : f32 from vector<1xf32>
      %mul3A_108 = vector.broadcast %squeeze3A_107 : f32 to vector<16xf32>
      %mul3A_109 = arith.mulf %get3A_43, %mul3A_108 : vector<16xf32>
      %add3A_110 = arith.addf %add3A_105, %mul3A_109 : vector<16xf32>
      %mul3A_111 = arith.mulf %get3A_45, %get3A_96 : vector<16xf32>
      %add3A_112 = arith.addf %add3A_110, %mul3A_111 : vector<16xf32>
      %mul3A_113 = arith.mulf %get3A_47, %get3A_98 : vector<16xf32>
      %add3A_114 = arith.addf %add3A_112, %mul3A_113 : vector<16xf32>
      %max3A_115 = arith.constant 0.000000e+00 : f32
      %max3A_116 = vector.broadcast %max3A_115 : f32 to vector<16xf32>
      %max3A_117 = arith.maximumf %add3A_114, %max3A_116 : vector<16xf32>
      %mul3A_118 = arith.mulf %max3A_117, %get3A_100 : vector<16xf32>
      %add3A_119 = arith.addf %broadcast_in_dim3A_9, %mul3A_118 : vector<16xf32>
      %gather3A_120 = arith.constant 1024 : i32
      %gather3A_121 = tpu.memref_slice %arg19[%gather3A_120] : memref<2048xf32, #tpu.memory_space<vmem>> -> memref<32xf32, #tpu.memory_space<vmem>>
      %gather3A_122 = tpu.vector_load_idx %gather3A_121[%max3A_39] : memref<32xf32, #tpu.memory_space<vmem>>[vector<16xi32>], vector<16xf32>,
      %get3A_123 = arith.constant 1536 : index
      %get3A_124 = tpu.vector_load %arg20[%get3A_123] {strides = array<i32>} : memref<3072xf32, #tpu.memory_space<vmem>>, vector<16xf32>,
      %get3A_125 = arith.constant 1552 : index
      %get3A_126 = tpu.vector_load %arg20[%get3A_125] {strides = array<i32>} : memref<3072xf32, #tpu.memory_space<vmem>>, vector<16xf32>,
      %get3A_127 = arith.constant 1568 : index
      %get3A_128 = tpu.vector_load %arg20[%get3A_127] {strides = array<i32>} : memref<3072xf32, #tpu.memory_space<vmem>>, vector<16xf32>,
      %slice3A_129 = vector.extract_strided_slice %get3A_55 {offsets = [0], sizes = [1], strides = [1]} : vector<16xf32> to vector<1xf32>
      %squeeze3A_130 = vector.extract %slice3A_129[0] : f32 from vector<1xf32>
      %mul3A_131 = vector.broadcast %squeeze3A_130 : f32 to vector<16xf32>
      %mul3A_132 = arith.mulf %get3A_41, %mul3A_131 : vector<16xf32>
      %add3A_133 = arith.addf %gather3A_122, %mul3A_132 : vector<16xf32>
      %slice3A_134 = vector.extract_strided_slice %get3A_63 {offsets = [0], sizes = [1], strides = [1]} : vector<16xf32> to vector<1xf32>
      %squeeze3A_135 = vector.extract %slice3A_134[0] : f32 from vector<1xf32>
      %mul3A_136 = vector.broadcast %squeeze3A_135 : f32 to vector<16xf32>
      %mul3A_137 = arith.mulf %get3A_43, %mul3A_136 : vector<16xf32>
      %add3A_138 = arith.addf %add3A_133, %mul3A_137 : vector<16xf32>
      %mul3A_139 = arith.mulf %get3A_45, %get3A_124 : vector<16xf32>
      %add3A_140 = arith.addf %add3A_138, %mul3A_139 : vector<16xf32>
      %mul3A_141 = arith.mulf %get3A_47, %get3A_126 : vector<16xf32>
      %add3A_142 = arith.addf %add3A_140, %mul3A_141 : vector<16xf32>
      %max3A_143 = arith.constant 0.000000e+00 : f32
      %max3A_144 = vector.broadcast %max3A_143 : f32 to vector<16xf32>
      %max3A_145 = arith.maximumf %add3A_142, %max3A_144 : vector<16xf32>
      %mul3A_146 = arith.mulf %max3A_145, %get3A_128 : vector<16xf32>
      %add3A_147 = arith.addf %broadcast_in_dim3A_9, %mul3A_146 : vector<16xf32>
      %gather3A_148 = arith.constant 1536 : i32
      %gather3A_149 = tpu.memref_slice %arg19[%gather3A_148] : memref<2048xf32, #tpu.memory_space<vmem>> -> memref<32xf32, #tpu.memory_space<vmem>>
      %gather3A_150 = tpu.vector_load_idx %gather3A_149[%max3A_39] : memref<32xf32, #tpu.memory_space<vmem>>[vector<16xi32>], vector<16xf32>,
      %get3A_151 = arith.constant 2304 : index
      %get3A_152 = tpu.vector_load %arg20[%get3A_151] {strides = array<i32>} : memref<3072xf32, #tpu.memory_space<vmem>>, vector<16xf32>,
      %get3A_153 = arith.constant 2320 : index
      %get3A_154 = tpu.vector_load %arg20[%get3A_153] {strides = array<i32>} : memref<3072xf32, #tpu.memory_space<vmem>>, vector<16xf32>,
      %get3A_155 = arith.constant 2336 : index
      %get3A_156 = tpu.vector_load %arg20[%get3A_155] {strides = array<i32>} : memref<3072xf32, #tpu.memory_space<vmem>>, vector<16xf32>,
      %slice3A_157 = vector.extract_strided_slice %get3A_57 {offsets = [0], sizes = [1], strides = [1]} : vector<16xf32> to vector<1xf32>
      %squeeze3A_158 = vector.extract %slice3A_157[0] : f32 from vector<1xf32>
      %mul3A_159 = vector.broadcast %squeeze3A_158 : f32 to vector<16xf32>
      %mul3A_160 = arith.mulf %get3A_41, %mul3A_159 : vector<16xf32>
      %add3A_161 = arith.addf %gather3A_150, %mul3A_160 : vector<16xf32>
      %slice3A_162 = vector.extract_strided_slice %get3A_65 {offsets = [0], sizes = [1], strides = [1]} : vector<16xf32> to vector<1xf32>
      %squeeze3A_163 = vector.extract %slice3A_162[0] : f32 from vector<1xf32>
      %mul3A_164 = vector.broadcast %squeeze3A_163 : f32 to vector<16xf32>
      %mul3A_165 = arith.mulf %get3A_43, %mul3A_164 : vector<16xf32>
      %add3A_166 = arith.addf %add3A_161, %mul3A_165 : vector<16xf32>
      %mul3A_167 = arith.mulf %get3A_45, %get3A_152 : vector<16xf32>
      %add3A_168 = arith.addf %add3A_166, %mul3A_167 : vector<16xf32>
      %mul3A_169 = arith.mulf %get3A_47, %get3A_154 : vector<16xf32>
      %add3A_170 = arith.addf %add3A_168, %mul3A_169 : vector<16xf32>
      %max3A_171 = arith.constant 0.000000e+00 : f32
      %max3A_172 = vector.broadcast %max3A_171 : f32 to vector<16xf32>
      %max3A_173 = arith.maximumf %add3A_170, %max3A_172 : vector<16xf32>
      %mul3A_174 = arith.mulf %max3A_173, %get3A_156 : vector<16xf32>
      %add3A_175 = arith.addf %broadcast_in_dim3A_9, %mul3A_174 : vector<16xf32>
      %gather3A_176 = arith.constant 32 : i32
      %gather3A_177 = tpu.memref_slice %arg19[%gather3A_176] : memref<2048xf32, #tpu.memory_space<vmem>> -> memref<32xf32, #tpu.memory_space<vmem>>
      %gather3A_178 = tpu.vector_load_idx %gather3A_177[%max3A_39] : memref<32xf32, #tpu.memory_space<vmem>>[vector<16xi32>], vector<16xf32>,
      %get3A_179 = arith.constant 48 : index
      %get3A_180 = tpu.vector_load %arg20[%get3A_179] {strides = array<i32>} : memref<3072xf32, #tpu.memory_space<vmem>>, vector<16xf32>,
      %get3A_181 = arith.constant 64 : index
      %get3A_182 = tpu.vector_load %arg20[%get3A_181] {strides = array<i32>} : memref<3072xf32, #tpu.memory_space<vmem>>, vector<16xf32>,
      %get3A_183 = arith.constant 80 : index
      %get3A_184 = tpu.vector_load %arg20[%get3A_183] {strides = array<i32>} : memref<3072xf32, #tpu.memory_space<vmem>>, vector<16xf32>,
      %slice3A_185 = vector.extract_strided_slice %get3A_51 {offsets = [1], sizes = [1], strides = [1]} : vector<16xf32> to vector<1xf32>
      %squeeze3A_186 = vector.extract %slice3A_185[0] : f32 from vector<1xf32>
      %mul3A_187 = vector.broadcast %squeeze3A_186 : f32 to vector<16xf32>
      %mul3A_188 = arith.mulf %get3A_41, %mul3A_187 : vector<16xf32>
      %add3A_189 = arith.addf %gather3A_178, %mul3A_188 : vector<16xf32>
      %slice3A_190 = vector.extract_strided_slice %get3A_59 {offsets = [1], sizes = [1], strides = [1]} : vector<16xf32> to vector<1xf32>
      %squeeze3A_191 = vector.extract %slice3A_190[0] : f32 from vector<1xf32>
      %mul3A_192 = vector.broadcast %squeeze3A_191 : f32 to vector<16xf32>
      %mul3A_193 = arith.mulf %get3A_43, %mul3A_192 : vector<16xf32>
      %add3A_194 = arith.addf %add3A_189, %mul3A_193 : vector<16xf32>
      %mul3A_195 = arith.mulf %get3A_45, %get3A_180 : vector<16xf32>
      %add3A_196 = arith.addf %add3A_194, %mul3A_195 : vector<16xf32>
      %mul3A_197 = arith.mulf %get3A_47, %get3A_182 : vector<16xf32>
      %add3A_198 = arith.addf %add3A_196, %mul3A_197 : vector<16xf32>
      %max3A_199 = arith.constant 0.000000e+00 : f32
      %max3A_200 = vector.broadcast %max3A_199 : f32 to vector<16xf32>
      %max3A_201 = arith.maximumf %add3A_198, %max3A_200 : vector<16xf32>
      %mul3A_202 = arith.mulf %max3A_201, %get3A_184 : vector<16xf32>
      %add3A_203 = arith.addf %add3A_91, %mul3A_202 : vector<16xf32>
      %gather3A_204 = arith.constant 544 : i32
      %gather3A_205 = tpu.memref_slice %arg19[%gather3A_204] : memref<2048xf32, #tpu.memory_space<vmem>> -> memref<32xf32, #tpu.memory_space<vmem>>
      %gather3A_206 = tpu.vector_load_idx %gather3A_205[%max3A_39] : memref<32xf32, #tpu.memory_space<vmem>>[vector<16xi32>], vector<16xf32>,
      %get3A_207 = arith.constant 816 : index
      %get3A_208 = tpu.vector_load %arg20[%get3A_207] {strides = array<i32>} : memref<3072xf32, #tpu.memory_space<vmem>>, vector<16xf32>,
      %get3A_209 = arith.constant 832 : index
      %get3A_210 = tpu.vector_load %arg20[%get3A_209] {strides = array<i32>} : memref<3072xf32, #tpu.memory_space<vmem>>, vector<16xf32>,
      %get3A_211 = arith.constant 848 : index
      %get3A_212 = tpu.vector_load %arg20[%get3A_211] {strides = array<i32>} : memref<3072xf32, #tpu.memory_space<vmem>>, vector<16xf32>,
      %slice3A_213 = vector.extract_strided_slice %get3A_53 {offsets = [1], sizes = [1], strides = [1]} : vector<16xf32> to vector<1xf32>
      %squeeze3A_214 = vector.extract %slice3A_213[0] : f32 from vector<1xf32>
      %mul3A_215 = vector.broadcast %squeeze3A_214 : f32 to vector<16xf32>
      %mul3A_216 = arith.mulf %get3A_41, %mul3A_215 : vector<16xf32>
      %add3A_217 = arith.addf %gather3A_206, %mul3A_216 : vector<16xf32>
      %slice3A_218 = vector.extract_strided_slice %get3A_61 {offsets = [1], sizes = [1], strides = [1]} : vector<16xf32> to vector<1xf32>
      %squeeze3A_219 = vector.extract %slice3A_218[0] : f32 from vector<1xf32>
      %mul3A_220 = vector.broadcast %squeeze3A_219 : f32 to vector<16xf32>
      %mul3A_221 = arith.mulf %get3A_43, %mul3A_220 : vector<16xf32>
      %add3A_222 = arith.addf %add3A_217, %mul3A_221 : vector<16xf32>
      %mul3A_223 = arith.mulf %get3A_45, %get3A_208 : vector<16xf32>
      %add3A_224 = arith.addf %add3A_222, %mul3A_223 : vector<16xf32>
      %mul3A_225 = arith.mulf %get3A_47, %get3A_210 : vector<16xf32>
      %add3A_226 = arith.addf %add3A_224, %mul3A_225 : vector<16xf32>
      %max3A_227 = arith.constant 0.000000e+00 : f32
      %max3A_228 = vector.broadcast %max3A_227 : f32 to vector<16xf32>
      %max3A_229 = arith.maximumf %add3A_226, %max3A_228 : vector<16xf32>
      %mul3A_230 = arith.mulf %max3A_229, %get3A_212 : vector<16xf32>
      %add3A_231 = arith.addf %add3A_119, %mul3A_230 : vector<16xf32>
      %gather3A_232 = arith.constant 1056 : i32
      %gather3A_233 = tpu.memref_slice %arg19[%gather3A_232] : memref<2048xf32, #tpu.memory_space<vmem>> -> memref<32xf32, #tpu.memory_space<vmem>>
      %gather3A_234 = tpu.vector_load_idx %gather3A_233[%max3A_39] : memref<32xf32, #tpu.memory_space<vmem>>[vector<16xi32>], vector<16xf32>,
      %get3A_235 = arith.constant 1584 : index
      %get3A_236 = tpu.vector_load %arg20[%get3A_235] {strides = array<i32>} : memref<3072xf32, #tpu.memory_space<vmem>>, vector<16xf32>,
      %get3A_237 = arith.constant 1600 : index
      %get3A_238 = tpu.vector_load %arg20[%get3A_237] {strides = array<i32>} : memref<3072xf32, #tpu.memory_space<vmem>>, vector<16xf32>,
      %get3A_239 = arith.constant 1616 : index
      %get3A_240 = tpu.vector_load %arg20[%get3A_239] {strides = array<i32>} : memref<3072xf32, #tpu.memory_space<vmem>>, vector<16xf32>,
      %slice3A_241 = vector.extract_strided_slice %get3A_55 {offsets = [1], sizes = [1], strides = [1]} : vector<16xf32> to vector<1xf32>
      %squeeze3A_242 = vector.extract %slice3A_241[0] : f32 from vector<1xf32>
      %mul3A_243 = vector.broadcast %squeeze3A_242 : f32 to vector<16xf32>
      %mul3A_244 = arith.mulf %get3A_41, %mul3A_243 : vector<16xf32>
      %add3A_245 = arith.addf %gather3A_234, %mul3A_244 : vector<16xf32>
      %slice3A_246 = vector.extract_strided_slice %get3A_63 {offsets = [1], sizes = [1], strides = [1]} : vector<16xf32> to vector<1xf32>
      %squeeze3A_247 = vector.extract %slice3A_246[0] : f32 from vector<1xf32>
      %mul3A_248 = vector.broadcast %squeeze3A_247 : f32 to vector<16xf32>
      %mul3A_249 = arith.mulf %get3A_43, %mul3A_248 : vector<16xf32>
      %add3A_250 = arith.addf %add3A_245, %mul3A_249 : vector<16xf32>
      %mul3A_251 = arith.mulf %get3A_45, %get3A_236 : vector<16xf32>
      %add3A_252 = arith.addf %add3A_250, %mul3A_251 : vector<16xf32>
      %mul3A_253 = arith.mulf %get3A_47, %get3A_238 : vector<16xf32>
      %add3A_254 = arith.addf %add3A_252, %mul3A_253 : vector<16xf32>
      %max3A_255 = arith.constant 0.000000e+00 : f32
      %max3A_256 = vector.broadcast %max3A_255 : f32 to vector<16xf32>
      %max3A_257 = arith.maximumf %add3A_254, %max3A_256 : vector<16xf32>
      %mul3A_258 = arith.mulf %max3A_257, %get3A_240 : vector<16xf32>
      %add3A_259 = arith.addf %add3A_147, %mul3A_258 : vector<16xf32>
      %gather3A_260 = arith.constant 1568 : i32
      %gather3A_261 = tpu.memref_slice %arg19[%gather3A_260] : memref<2048xf32, #tpu.memory_space<vmem>> -> memref<32xf32, #tpu.memory_space<vmem>>
      %gather3A_262 = tpu.vector_load_idx %gather3A_261[%max3A_39] : memref<32xf32, #tpu.memory_space<vmem>>[vector<16xi32>], vector<16xf32>,
      %get3A_263 = arith.constant 2352 : index
      %get3A_264 = tpu.vector_load %arg20[%get3A_263] {strides = array<i32>} : memref<3072xf32, #tpu.memory_space<vmem>>, vector<16xf32>,
      %get3A_265 = arith.constant 2368 : index
      %get3A_266 = tpu.vector_load %arg20[%get3A_265] {strides = array<i32>} : memref<3072xf32, #tpu.memory_space<vmem>>, vector<16xf32>,
      %get3A_267 = arith.constant 2384 : index
      %get3A_268 = tpu.vector_load %arg20[%get3A_267] {strides = array<i32>} : memref<3072xf32, #tpu.memory_space<vmem>>, vector<16xf32>,
      %slice3A_269 = vector.extract_strided_slice %get3A_57 {offsets = [1], sizes = [1], strides = [1]} : vector<16xf32> to vector<1xf32>
      %squeeze3A_270 = vector.extract %slice3A_269[0] : f32 from vector<1xf32>
      %mul3A_271 = vector.broadcast %squeeze3A_270 : f32 to vector<16xf32>
      %mul3A_272 = arith.mulf %get3A_41, %mul3A_271 : vector<16xf32>
      %add3A_273 = arith.addf %gather3A_262, %mul3A_272 : vector<16xf32>
      %slice3A_274 = vector.extract_strided_slice %get3A_65 {offsets = [1], sizes = [1], strides = [1]} : vector<16xf32> to vector<1xf32>
      %squeeze3A_275 = vector.extract %slice3A_274[0] : f32 from vector<1xf32>
      %mul3A_276 = vector.broadcast %squeeze3A_275 : f32 to vector<16xf32>
      %mul3A_277 = arith.mulf %get3A_43, %mul3A_276 : vector<16xf32>
      %add3A_278 = arith.addf %add3A_273, %mul3A_277 : vector<16xf32>
      %mul3A_279 = arith.mulf %get3A_45, %get3A_264 : vector<16xf32>
      %add3A_280 = arith.addf %add3A_278, %mul3A_279 : vector<16xf32>
      %mul3A_281 = arith.mulf %get3A_47, %get3A_266 : vector<16xf32>
      %add3A_282 = arith.addf %add3A_280, %mul3A_281 : vector<16xf32>
      %max3A_283 = arith.constant 0.000000e+00 : f32
      %max3A_284 = vector.broadcast %max3A_283 : f32 to vector<16xf32>
      %max3A_285 = arith.maximumf %add3A_282, %max3A_284 : vector<16xf32>
      %mul3A_286 = arith.mulf %max3A_285, %get3A_268 : vector<16xf32>
      %add3A_287 = arith.addf %add3A_175, %mul3A_286 : vector<16xf32>
      %gather3A_288 = arith.constant 64 : i32
      %gather3A_289 = tpu.memref_slice %arg19[%gather3A_288] : memref<2048xf32, #tpu.memory_space<vmem>> -> memref<32xf32, #tpu.memory_space<vmem>>
      %gather3A_290 = tpu.vector_load_idx %gather3A_289[%max3A_39] : memref<32xf32, #tpu.memory_space<vmem>>[vector<16xi32>], vector<16xf32>,
      %get3A_291 = arith.constant 96 : index
      %get3A_292 = tpu.vector_load %arg20[%get3A_291] {strides = array<i32>} : memref<3072xf32, #tpu.memory_space<vmem>>, vector<16xf32>,
      %get3A_293 = arith.constant 112 : index
      %get3A_294 = tpu.vector_load %arg20[%get3A_293] {strides = array<i32>} : memref<3072xf32, #tpu.memory_space<vmem>>, vector<16xf32>,
      %get3A_295 = arith.constant 128 : index
      %get3A_296 = tpu.vector_load %arg20[%get3A_295] {strides = array<i32>} : memref<3072xf32, #tpu.memory_space<vmem>>, vector<16xf32>,
      %slice3A_297 = vector.extract_strided_slice %get3A_51 {offsets = [2], sizes = [1], strides = [1]} : vector<16xf32> to vector<1xf32>
      %squeeze3A_298 = vector.extract %slice3A_297[0] : f32 from vector<1xf32>
      %mul3A_299 = vector.broadcast %squeeze3A_298 : f32 to vector<16xf32>
      %mul3A_300 = arith.mulf %get3A_41, %mul3A_299 : vector<16xf32>
      %add3A_301 = arith.addf %gather3A_290, %mul3A_300 : vector<16xf32>
      %slice3A_302 = vector.extract_strided_slice %get3A_59 {offsets = [2], sizes = [1], strides = [1]} : vector<16xf32> to vector<1xf32>
      %squeeze3A_303 = vector.extract %slice3A_302[0] : f32 from vector<1xf32>
      %mul3A_304 = vector.broadcast %squeeze3A_303 : f32 to vector<16xf32>
      %mul3A_305 = arith.mulf %get3A_43, %mul3A_304 : vector<16xf32>
      %add3A_306 = arith.addf %add3A_301, %mul3A_305 : vector<16xf32>
      %mul3A_307 = arith.mulf %get3A_45, %get3A_292 : vector<16xf32>
      %add3A_308 = arith.addf %add3A_306, %mul3A_307 : vector<16xf32>
      %mul3A_309 = arith.mulf %get3A_47, %get3A_294 : vector<16xf32>
      %add3A_310 = arith.addf %add3A_308, %mul3A_309 : vector<16xf32>
      %max3A_311 = arith.constant 0.000000e+00 : f32
      %max3A_312 = vector.broadcast %max3A_311 : f32 to vector<16xf32>
      %max3A_313 = arith.maximumf %add3A_310, %max3A_312 : vector<16xf32>
      %mul3A_314 = arith.mulf %max3A_313, %get3A_296 : vector<16xf32>
      %add3A_315 = arith.addf %add3A_203, %mul3A_314 : vector<16xf32>
      %gather3A_316 = arith.constant 576 : i32
      %gather3A_317 = tpu.memref_slice %arg19[%gather3A_316] : memref<2048xf32, #tpu.memory_space<vmem>> -> memref<32xf32, #tpu.memory_space<vmem>>
      %gather3A_318 = tpu.vector_load_idx %gather3A_317[%max3A_39] : memref<32xf32, #tpu.memory_space<vmem>>[vector<16xi32>], vector<16xf32>,
      %get3A_319 = arith.constant 864 : index
      %get3A_320 = tpu.vector_load %arg20[%get3A_319] {strides = array<i32>} : memref<3072xf32, #tpu.memory_space<vmem>>, vector<16xf32>,
      %get3A_321 = arith.constant 880 : index
      %get3A_322 = tpu.vector_load %arg20[%get3A_321] {strides = array<i32>} : memref<3072xf32, #tpu.memory_space<vmem>>, vector<16xf32>,
      %get3A_323 = arith.constant 896 : index
      %get3A_324 = tpu.vector_load %arg20[%get3A_323] {strides = array<i32>} : memref<3072xf32, #tpu.memory_space<vmem>>, vector<16xf32>,
      %slice3A_325 = vector.extract_strided_slice %get3A_53 {offsets = [2], sizes = [1], strides = [1]} : vector<16xf32> to vector<1xf32>
      %squeeze3A_326 = vector.extract %slice3A_325[0] : f32 from vector<1xf32>
      %mul3A_327 = vector.broadcast %squeeze3A_326 : f32 to vector<16xf32>
      %mul3A_328 = arith.mulf %get3A_41, %mul3A_327 : vector<16xf32>
      %add3A_329 = arith.addf %gather3A_318, %mul3A_328 : vector<16xf32>
      %slice3A_330 = vector.extract_strided_slice %get3A_61 {offsets = [2], sizes = [1], strides = [1]} : vector<16xf32> to vector<1xf32>
      %squeeze3A_331 = vector.extract %slice3A_330[0] : f32 from vector<1xf32>
      %mul3A_332 = vector.broadcast %squeeze3A_331 : f32 to vector<16xf32>
      %mul3A_333 = arith.mulf %get3A_43, %mul3A_332 : vector<16xf32>
      %add3A_334 = arith.addf %add3A_329, %mul3A_333 : vector<16xf32>
      %mul3A_335 = arith.mulf %get3A_45, %get3A_320 : vector<16xf32>
      %add3A_336 = arith.addf %add3A_334, %mul3A_335 : vector<16xf32>
      %mul3A_337 = arith.mulf %get3A_47, %get3A_322 : vector<16xf32>
      %add3A_338 = arith.addf %add3A_336, %mul3A_337 : vector<16xf32>
      %max3A_339 = arith.constant 0.000000e+00 : f32
      %max3A_340 = vector.broadcast %max3A_339 : f32 to vector<16xf32>
      %max3A_341 = arith.maximumf %add3A_338, %max3A_340 : vector<16xf32>
      %mul3A_342 = arith.mulf %max3A_341, %get3A_324 : vector<16xf32>
      %add3A_343 = arith.addf %add3A_231, %mul3A_342 : vector<16xf32>
      %gather3A_344 = arith.constant 1088 : i32
      %gather3A_345 = tpu.memref_slice %arg19[%gather3A_344] : memref<2048xf32, #tpu.memory_space<vmem>> -> memref<32xf32, #tpu.memory_space<vmem>>
      %gather3A_346 = tpu.vector_load_idx %gather3A_345[%max3A_39] : memref<32xf32, #tpu.memory_space<vmem>>[vector<16xi32>], vector<16xf32>,
      %get3A_347 = arith.constant 1632 : index
      %get3A_348 = tpu.vector_load %arg20[%get3A_347] {strides = array<i32>} : memref<3072xf32, #tpu.memory_space<vmem>>, vector<16xf32>,
      %get3A_349 = arith.constant 1648 : index
      %get3A_350 = tpu.vector_load %arg20[%get3A_349] {strides = array<i32>} : memref<3072xf32, #tpu.memory_space<vmem>>, vector<16xf32>,
      %get3A_351 = arith.constant 1664 : index
      %get3A_352 = tpu.vector_load %arg20[%get3A_351] {strides = array<i32>} : memref<3072xf32, #tpu.memory_space<vmem>>, vector<16xf32>,
      %slice3A_353 = vector.extract_strided_slice %get3A_55 {offsets = [2], sizes = [1], strides = [1]} : vector<16xf32> to vector<1xf32>
      %squeeze3A_354 = vector.extract %slice3A_353[0] : f32 from vector<1xf32>
      %mul3A_355 = vector.broadcast %squeeze3A_354 : f32 to vector<16xf32>
      %mul3A_356 = arith.mulf %get3A_41, %mul3A_355 : vector<16xf32>
      %add3A_357 = arith.addf %gather3A_346, %mul3A_356 : vector<16xf32>
      %slice3A_358 = vector.extract_strided_slice %get3A_63 {offsets = [2], sizes = [1], strides = [1]} : vector<16xf32> to vector<1xf32>
      %squeeze3A_359 = vector.extract %slice3A_358[0] : f32 from vector<1xf32>
      %mul3A_360 = vector.broadcast %squeeze3A_359 : f32 to vector<16xf32>
      %mul3A_361 = arith.mulf %get3A_43, %mul3A_360 : vector<16xf32>
      %add3A_362 = arith.addf %add3A_357, %mul3A_361 : vector<16xf32>
      %mul3A_363 = arith.mulf %get3A_45, %get3A_348 : vector<16xf32>
      %add3A_364 = arith.addf %add3A_362, %mul3A_363 : vector<16xf32>
      %mul3A_365 = arith.mulf %get3A_47, %get3A_350 : vector<16xf32>
      %add3A_366 = arith.addf %add3A_364, %mul3A_365 : vector<16xf32>
      %max3A_367 = arith.constant 0.000000e+00 : f32
      %max3A_368 = vector.broadcast %max3A_367 : f32 to vector<16xf32>
      %max3A_369 = arith.maximumf %add3A_366, %max3A_368 : vector<16xf32>
      %mul3A_370 = arith.mulf %max3A_369, %get3A_352 : vector<16xf32>
      %add3A_371 = arith.addf %add3A_259, %mul3A_370 : vector<16xf32>
      %gather3A_372 = arith.constant 1600 : i32
      %gather3A_373 = tpu.memref_slice %arg19[%gather3A_372] : memref<2048xf32, #tpu.memory_space<vmem>> -> memref<32xf32, #tpu.memory_space<vmem>>
      %gather3A_374 = tpu.vector_load_idx %gather3A_373[%max3A_39] : memref<32xf32, #tpu.memory_space<vmem>>[vector<16xi32>], vector<16xf32>,
      %get3A_375 = arith.constant 2400 : index
      %get3A_376 = tpu.vector_load %arg20[%get3A_375] {strides = array<i32>} : memref<3072xf32, #tpu.memory_space<vmem>>, vector<16xf32>,
      %get3A_377 = arith.constant 2416 : index
      %get3A_378 = tpu.vector_load %arg20[%get3A_377] {strides = array<i32>} : memref<3072xf32, #tpu.memory_space<vmem>>, vector<16xf32>,
      %get3A_379 = arith.constant 2432 : index
      %get3A_380 = tpu.vector_load %arg20[%get3A_379] {strides = array<i32>} : memref<3072xf32, #tpu.memory_space<vmem>>, vector<16xf32>,
      %slice3A_381 = vector.extract_strided_slice %get3A_57 {offsets = [2], sizes = [1], strides = [1]} : vector<16xf32> to vector<1xf32>
      %squeeze3A_382 = vector.extract %slice3A_381[0] : f32 from vector<1xf32>
      %mul3A_383 = vector.broadcast %squeeze3A_382 : f32 to vector<16xf32>
      %mul3A_384 = arith.mulf %get3A_41, %mul3A_383 : vector<16xf32>
      %add3A_385 = arith.addf %gather3A_374, %mul3A_384 : vector<16xf32>
      %slice3A_386 = vector.extract_strided_slice %get3A_65 {offsets = [2], sizes = [1], strides = [1]} : vector<16xf32> to vector<1xf32>
      %squeeze3A_387 = vector.extract %slice3A_386[0] : f32 from vector<1xf32>
      %mul3A_388 = vector.broadcast %squeeze3A_387 : f32 to vector<16xf32>
      %mul3A_389 = arith.mulf %get3A_43, %mul3A_388 : vector<16xf32>
      %add3A_390 = arith.addf %add3A_385, %mul3A_389 : vector<16xf32>
      %mul3A_391 = arith.mulf %get3A_45, %get3A_376 : vector<16xf32>
      %add3A_392 = arith.addf %add3A_390, %mul3A_391 : vector<16xf32>
      %mul3A_393 = arith.mulf %get3A_47, %get3A_378 : vector<16xf32>
      %add3A_394 = arith.addf %add3A_392, %mul3A_393 : vector<16xf32>
      %max3A_395 = arith.constant 0.000000e+00 : f32
      %max3A_396 = vector.broadcast %max3A_395 : f32 to vector<16xf32>
      %max3A_397 = arith.maximumf %add3A_394, %max3A_396 : vector<16xf32>
      %mul3A_398 = arith.mulf %max3A_397, %get3A_380 : vector<16xf32>
      %add3A_399 = arith.addf %add3A_287, %mul3A_398 : vector<16xf32>
      %gather3A_400 = arith.constant 96 : i32
      %gather3A_401 = tpu.memref_slice %arg19[%gather3A_400] : memref<2048xf32, #tpu.memory_space<vmem>> -> memref<32xf32, #tpu.memory_space<vmem>>
      %gather3A_402 = tpu.vector_load_idx %gather3A_401[%max3A_39] : memref<32xf32, #tpu.memory_space<vmem>>[vector<16xi32>], vector<16xf32>,
      %get3A_403 = arith.constant 144 : index
      %get3A_404 = tpu.vector_load %arg20[%get3A_403] {strides = array<i32>} : memref<3072xf32, #tpu.memory_space<vmem>>, vector<16xf32>,
      %get3A_405 = arith.constant 160 : index
      %get3A_406 = tpu.vector_load %arg20[%get3A_405] {strides = array<i32>} : memref<3072xf32, #tpu.memory_space<vmem>>, vector<16xf32>,
      %get3A_407 = arith.constant 176 : index
      %get3A_408 = tpu.vector_load %arg20[%get3A_407] {strides = array<i32>} : memref<3072xf32, #tpu.memory_space<vmem>>, vector<16xf32>,
      %slice3A_409 = vector.extract_strided_slice %get3A_51 {offsets = [3], sizes = [1], strides = [1]} : vector<16xf32> to vector<1xf32>
      %squeeze3A_410 = vector.extract %slice3A_409[0] : f32 from vector<1xf32>
      %mul3A_411 = vector.broadcast %squeeze3A_410 : f32 to vector<16xf32>
      %mul3A_412 = arith.mulf %get3A_41, %mul3A_411 : vector<16xf32>
      %add3A_413 = arith.addf %gather3A_402, %mul3A_412 : vector<16xf32>
      %slice3A_414 = vector.extract_strided_slice %get3A_59 {offsets = [3], sizes = [1], strides = [1]} : vector<16xf32> to vector<1xf32>
      %squeeze3A_415 = vector.extract %slice3A_414[0] : f32 from vector<1xf32>
      %mul3A_416 = vector.broadcast %squeeze3A_415 : f32 to vector<16xf32>
      %mul3A_417 = arith.mulf %get3A_43, %mul3A_416 : vector<16xf32>
      %add3A_418 = arith.addf %add3A_413, %mul3A_417 : vector<16xf32>
      %mul3A_419 = arith.mulf %get3A_45, %get3A_404 : vector<16xf32>
      %add3A_420 = arith.addf %add3A_418, %mul3A_419 : vector<16xf32>
      %mul3A_421 = arith.mulf %get3A_47, %get3A_406 : vector<16xf32>
      %add3A_422 = arith.addf %add3A_420, %mul3A_421 : vector<16xf32>
      %max3A_423 = arith.constant 0.000000e+00 : f32
      %max3A_424 = vector.broadcast %max3A_423 : f32 to vector<16xf32>
      %max3A_425 = arith.maximumf %add3A_422, %max3A_424 : vector<16xf32>
      %mul3A_426 = arith.mulf %max3A_425, %get3A_408 : vector<16xf32>
      %add3A_427 = arith.addf %add3A_315, %mul3A_426 : vector<16xf32>
      %gather3A_428 = arith.constant 608 : i32
      %gather3A_429 = tpu.memref_slice %arg19[%gather3A_428] : memref<2048xf32, #tpu.memory_space<vmem>> -> memref<32xf32, #tpu.memory_space<vmem>>
      %gather3A_430 = tpu.vector_load_idx %gather3A_429[%max3A_39] : memref<32xf32, #tpu.memory_space<vmem>>[vector<16xi32>], vector<16xf32>,
      %get3A_431 = arith.constant 912 : index
      %get3A_432 = tpu.vector_load %arg20[%get3A_431] {strides = array<i32>} : memref<3072xf32, #tpu.memory_space<vmem>>, vector<16xf32>,
      %get3A_433 = arith.constant 928 : index
      %get3A_434 = tpu.vector_load %arg20[%get3A_433] {strides = array<i32>} : memref<3072xf32, #tpu.memory_space<vmem>>, vector<16xf32>,
      %get3A_435 = arith.constant 944 : index
      %get3A_436 = tpu.vector_load %arg20[%get3A_435] {strides = array<i32>} : memref<3072xf32, #tpu.memory_space<vmem>>, vector<16xf32>,
      %slice3A_437 = vector.extract_strided_slice %get3A_53 {offsets = [3], sizes = [1], strides = [1]} : vector<16xf32> to vector<1xf32>
      %squeeze3A_438 = vector.extract %slice3A_437[0] : f32 from vector<1xf32>
      %mul3A_439 = vector.broadcast %squeeze3A_438 : f32 to vector<16xf32>
      %mul3A_440 = arith.mulf %get3A_41, %mul3A_439 : vector<16xf32>
      %add3A_441 = arith.addf %gather3A_430, %mul3A_440 : vector<16xf32>
      %slice3A_442 = vector.extract_strided_slice %get3A_61 {offsets = [3], sizes = [1], strides = [1]} : vector<16xf32> to vector<1xf32>
      %squeeze3A_443 = vector.extract %slice3A_442[0] : f32 from vector<1xf32>
      %mul3A_444 = vector.broadcast %squeeze3A_443 : f32 to vector<16xf32>
      %mul3A_445 = arith.mulf %get3A_43, %mul3A_444 : vector<16xf32>
      %add3A_446 = arith.addf %add3A_441, %mul3A_445 : vector<16xf32>
      %mul3A_447 = arith.mulf %get3A_45, %get3A_432 : vector<16xf32>
      %add3A_448 = arith.addf %add3A_446, %mul3A_447 : vector<16xf32>
      %mul3A_449 = arith.mulf %get3A_47, %get3A_434 : vector<16xf32>
      %add3A_450 = arith.addf %add3A_448, %mul3A_449 : vector<16xf32>
      %max3A_451 = arith.constant 0.000000e+00 : f32
      %max3A_452 = vector.broadcast %max3A_451 : f32 to vector<16xf32>
      %max3A_453 = arith.maximumf %add3A_450, %max3A_452 : vector<16xf32>
      %mul3A_454 = arith.mulf %max3A_453, %get3A_436 : vector<16xf32>
      %add3A_455 = arith.addf %add3A_343, %mul3A_454 : vector<16xf32>
      %gather3A_456 = arith.constant 1120 : i32
      %gather3A_457 = tpu.memref_slice %arg19[%gather3A_456] : memref<2048xf32, #tpu.memory_space<vmem>> -> memref<32xf32, #tpu.memory_space<vmem>>
      %gather3A_458 = tpu.vector_load_idx %gather3A_457[%max3A_39] : memref<32xf32, #tpu.memory_space<vmem>>[vector<16xi32>], vector<16xf32>,
      %get3A_459 = arith.constant 1680 : index
      %get3A_460 = tpu.vector_load %arg20[%get3A_459] {strides = array<i32>} : memref<3072xf32, #tpu.memory_space<vmem>>, vector<16xf32>,
      %get3A_461 = arith.constant 1696 : index
      %get3A_462 = tpu.vector_load %arg20[%get3A_461] {strides = array<i32>} : memref<3072xf32, #tpu.memory_space<vmem>>, vector<16xf32>,
      %get3A_463 = arith.constant 1712 : index
      %get3A_464 = tpu.vector_load %arg20[%get3A_463] {strides = array<i32>} : memref<3072xf32, #tpu.memory_space<vmem>>, vector<16xf32>,
      %slice3A_465 = vector.extract_strided_slice %get3A_55 {offsets = [3], sizes = [1], strides = [1]} : vector<16xf32> to vector<1xf32>
      %squeeze3A_466 = vector.extract %slice3A_465[0] : f32 from vector<1xf32>
      %mul3A_467 = vector.broadcast %squeeze3A_466 : f32 to vector<16xf32>
      %mul3A_468 = arith.mulf %get3A_41, %mul3A_467 : vector<16xf32>
      %add3A_469 = arith.addf %gather3A_458, %mul3A_468 : vector<16xf32>
      %slice3A_470 = vector.extract_strided_slice %get3A_63 {offsets = [3], sizes = [1], strides = [1]} : vector<16xf32> to vector<1xf32>
      %squeeze3A_471 = vector.extract %slice3A_470[0] : f32 from vector<1xf32>
      %mul3A_472 = vector.broadcast %squeeze3A_471 : f32 to vector<16xf32>
      %mul3A_473 = arith.mulf %get3A_43, %mul3A_472 : vector<16xf32>
      %add3A_474 = arith.addf %add3A_469, %mul3A_473 : vector<16xf32>
      %mul3A_475 = arith.mulf %get3A_45, %get3A_460 : vector<16xf32>
      %add3A_476 = arith.addf %add3A_474, %mul3A_475 : vector<16xf32>
      %mul3A_477 = arith.mulf %get3A_47, %get3A_462 : vector<16xf32>
      %add3A_478 = arith.addf %add3A_476, %mul3A_477 : vector<16xf32>
      %max3A_479 = arith.constant 0.000000e+00 : f32
      %max3A_480 = vector.broadcast %max3A_479 : f32 to vector<16xf32>
      %max3A_481 = arith.maximumf %add3A_478, %max3A_480 : vector<16xf32>
      %mul3A_482 = arith.mulf %max3A_481, %get3A_464 : vector<16xf32>
      %add3A_483 = arith.addf %add3A_371, %mul3A_482 : vector<16xf32>
      %gather3A_484 = arith.constant 1632 : i32
      %gather3A_485 = tpu.memref_slice %arg19[%gather3A_484] : memref<2048xf32, #tpu.memory_space<vmem>> -> memref<32xf32, #tpu.memory_space<vmem>>
      %gather3A_486 = tpu.vector_load_idx %gather3A_485[%max3A_39] : memref<32xf32, #tpu.memory_space<vmem>>[vector<16xi32>], vector<16xf32>,
      %get3A_487 = arith.constant 2448 : index
      %get3A_488 = tpu.vector_load %arg20[%get3A_487] {strides = array<i32>} : memref<3072xf32, #tpu.memory_space<vmem>>, vector<16xf32>,
      %get3A_489 = arith.constant 2464 : index
      %get3A_490 = tpu.vector_load %arg20[%get3A_489] {strides = array<i32>} : memref<3072xf32, #tpu.memory_space<vmem>>, vector<16xf32>,
      %get3A_491 = arith.constant 2480 : index
      %get3A_492 = tpu.vector_load %arg20[%get3A_491] {strides = array<i32>} : memref<3072xf32, #tpu.memory_space<vmem>>, vector<16xf32>,
      %slice3A_493 = vector.extract_strided_slice %get3A_57 {offsets = [3], sizes = [1], strides = [1]} : vector<16xf32> to vector<1xf32>
      %squeeze3A_494 = vector.extract %slice3A_493[0] : f32 from vector<1xf32>
      %mul3A_495 = vector.broadcast %squeeze3A_494 : f32 to vector<16xf32>
      %mul3A_496 = arith.mulf %get3A_41, %mul3A_495 : vector<16xf32>
      %add3A_497 = arith.addf %gather3A_486, %mul3A_496 : vector<16xf32>
      %slice3A_498 = vector.extract_strided_slice %get3A_65 {offsets = [3], sizes = [1], strides = [1]} : vector<16xf32> to vector<1xf32>
      %squeeze3A_499 = vector.extract %slice3A_498[0] : f32 from vector<1xf32>
      %mul3A_500 = vector.broadcast %squeeze3A_499 : f32 to vector<16xf32>
      %mul3A_501 = arith.mulf %get3A_43, %mul3A_500 : vector<16xf32>
      %add3A_502 = arith.addf %add3A_497, %mul3A_501 : vector<16xf32>
      %mul3A_503 = arith.mulf %get3A_45, %get3A_488 : vector<16xf32>
      %add3A_504 = arith.addf %add3A_502, %mul3A_503 : vector<16xf32>
      %mul3A_505 = arith.mulf %get3A_47, %get3A_490 : vector<16xf32>
      %add3A_506 = arith.addf %add3A_504, %mul3A_505 : vector<16xf32>
      %max3A_507 = arith.constant 0.000000e+00 : f32
      %max3A_508 = vector.broadcast %max3A_507 : f32 to vector<16xf32>
      %max3A_509 = arith.maximumf %add3A_506, %max3A_508 : vector<16xf32>
      %mul3A_510 = arith.mulf %max3A_509, %get3A_492 : vector<16xf32>
      %add3A_511 = arith.addf %add3A_399, %mul3A_510 : vector<16xf32>
      %gather3A_512 = arith.constant 128 : i32
      %gather3A_513 = tpu.memref_slice %arg19[%gather3A_512] : memref<2048xf32, #tpu.memory_space<vmem>> -> memref<32xf32, #tpu.memory_space<vmem>>
      %gather3A_514 = tpu.vector_load_idx %gather3A_513[%max3A_39] : memref<32xf32, #tpu.memory_space<vmem>>[vector<16xi32>], vector<16xf32>,
      %get3A_515 = arith.constant 192 : index
      %get3A_516 = tpu.vector_load %arg20[%get3A_515] {strides = array<i32>} : memref<3072xf32, #tpu.memory_space<vmem>>, vector<16xf32>,
      %get3A_517 = arith.constant 208 : index
      %get3A_518 = tpu.vector_load %arg20[%get3A_517] {strides = array<i32>} : memref<3072xf32, #tpu.memory_space<vmem>>, vector<16xf32>,
      %get3A_519 = arith.constant 224 : index
      %get3A_520 = tpu.vector_load %arg20[%get3A_519] {strides = array<i32>} : memref<3072xf32, #tpu.memory_space<vmem>>, vector<16xf32>,
      %slice3A_521 = vector.extract_strided_slice %get3A_51 {offsets = [4], sizes = [1], strides = [1]} : vector<16xf32> to vector<1xf32>
      %squeeze3A_522 = vector.extract %slice3A_521[0] : f32 from vector<1xf32>
      %mul3A_523 = vector.broadcast %squeeze3A_522 : f32 to vector<16xf32>
      %mul3A_524 = arith.mulf %get3A_41, %mul3A_523 : vector<16xf32>
      %add3A_525 = arith.addf %gather3A_514, %mul3A_524 : vector<16xf32>
      %slice3A_526 = vector.extract_strided_slice %get3A_59 {offsets = [4], sizes = [1], strides = [1]} : vector<16xf32> to vector<1xf32>
      %squeeze3A_527 = vector.extract %slice3A_526[0] : f32 from vector<1xf32>
      %mul3A_528 = vector.broadcast %squeeze3A_527 : f32 to vector<16xf32>
      %mul3A_529 = arith.mulf %get3A_43, %mul3A_528 : vector<16xf32>
      %add3A_530 = arith.addf %add3A_525, %mul3A_529 : vector<16xf32>
      %mul3A_531 = arith.mulf %get3A_45, %get3A_516 : vector<16xf32>
      %add3A_532 = arith.addf %add3A_530, %mul3A_531 : vector<16xf32>
      %mul3A_533 = arith.mulf %get3A_47, %get3A_518 : vector<16xf32>
      %add3A_534 = arith.addf %add3A_532, %mul3A_533 : vector<16xf32>
      %max3A_535 = arith.constant 0.000000e+00 : f32
      %max3A_536 = vector.broadcast %max3A_535 : f32 to vector<16xf32>
      %max3A_537 = arith.maximumf %add3A_534, %max3A_536 : vector<16xf32>
      %mul3A_538 = arith.mulf %max3A_537, %get3A_520 : vector<16xf32>
      %add3A_539 = arith.addf %add3A_427, %mul3A_538 : vector<16xf32>
      %gather3A_540 = arith.constant 640 : i32
      %gather3A_541 = tpu.memref_slice %arg19[%gather3A_540] : memref<2048xf32, #tpu.memory_space<vmem>> -> memref<32xf32, #tpu.memory_space<vmem>>
      %gather3A_542 = tpu.vector_load_idx %gather3A_541[%max3A_39] : memref<32xf32, #tpu.memory_space<vmem>>[vector<16xi32>], vector<16xf32>,
      %get3A_543 = arith.constant 960 : index
      %get3A_544 = tpu.vector_load %arg20[%get3A_543] {strides = array<i32>} : memref<3072xf32, #tpu.memory_space<vmem>>, vector<16xf32>,
      %get3A_545 = arith.constant 976 : index
      %get3A_546 = tpu.vector_load %arg20[%get3A_545] {strides = array<i32>} : memref<3072xf32, #tpu.memory_space<vmem>>, vector<16xf32>,
      %get3A_547 = arith.constant 992 : index
      %get3A_548 = tpu.vector_load %arg20[%get3A_547] {strides = array<i32>} : memref<3072xf32, #tpu.memory_space<vmem>>, vector<16xf32>,
      %slice3A_549 = vector.extract_strided_slice %get3A_53 {offsets = [4], sizes = [1], strides = [1]} : vector<16xf32> to vector<1xf32>
      %squeeze3A_550 = vector.extract %slice3A_549[0] : f32 from vector<1xf32>
      %mul3A_551 = vector.broadcast %squeeze3A_550 : f32 to vector<16xf32>
      %mul3A_552 = arith.mulf %get3A_41, %mul3A_551 : vector<16xf32>
      %add3A_553 = arith.addf %gather3A_542, %mul3A_552 : vector<16xf32>
      %slice3A_554 = vector.extract_strided_slice %get3A_61 {offsets = [4], sizes = [1], strides = [1]} : vector<16xf32> to vector<1xf32>
      %squeeze3A_555 = vector.extract %slice3A_554[0] : f32 from vector<1xf32>
      %mul3A_556 = vector.broadcast %squeeze3A_555 : f32 to vector<16xf32>
      %mul3A_557 = arith.mulf %get3A_43, %mul3A_556 : vector<16xf32>
      %add3A_558 = arith.addf %add3A_553, %mul3A_557 : vector<16xf32>
      %mul3A_559 = arith.mulf %get3A_45, %get3A_544 : vector<16xf32>
      %add3A_560 = arith.addf %add3A_558, %mul3A_559 : vector<16xf32>
      %mul3A_561 = arith.mulf %get3A_47, %get3A_546 : vector<16xf32>
      %add3A_562 = arith.addf %add3A_560, %mul3A_561 : vector<16xf32>
      %max3A_563 = arith.constant 0.000000e+00 : f32
      %max3A_564 = vector.broadcast %max3A_563 : f32 to vector<16xf32>
      %max3A_565 = arith.maximumf %add3A_562, %max3A_564 : vector<16xf32>
      %mul3A_566 = arith.mulf %max3A_565, %get3A_548 : vector<16xf32>
      %add3A_567 = arith.addf %add3A_455, %mul3A_566 : vector<16xf32>
      %gather3A_568 = arith.constant 1152 : i32
      %gather3A_569 = tpu.memref_slice %arg19[%gather3A_568] : memref<2048xf32, #tpu.memory_space<vmem>> -> memref<32xf32, #tpu.memory_space<vmem>>
      %gather3A_570 = tpu.vector_load_idx %gather3A_569[%max3A_39] : memref<32xf32, #tpu.memory_space<vmem>>[vector<16xi32>], vector<16xf32>,
      %get3A_571 = arith.constant 1728 : index
      %get3A_572 = tpu.vector_load %arg20[%get3A_571] {strides = array<i32>} : memref<3072xf32, #tpu.memory_space<vmem>>, vector<16xf32>,
      %get3A_573 = arith.constant 1744 : index
      %get3A_574 = tpu.vector_load %arg20[%get3A_573] {strides = array<i32>} : memref<3072xf32, #tpu.memory_space<vmem>>, vector<16xf32>,
      %get3A_575 = arith.constant 1760 : index
      %get3A_576 = tpu.vector_load %arg20[%get3A_575] {strides = array<i32>} : memref<3072xf32, #tpu.memory_space<vmem>>, vector<16xf32>,
      %slice3A_577 = vector.extract_strided_slice %get3A_55 {offsets = [4], sizes = [1], strides = [1]} : vector<16xf32> to vector<1xf32>
      %squeeze3A_578 = vector.extract %slice3A_577[0] : f32 from vector<1xf32>
      %mul3A_579 = vector.broadcast %squeeze3A_578 : f32 to vector<16xf32>
      %mul3A_580 = arith.mulf %get3A_41, %mul3A_579 : vector<16xf32>
      %add3A_581 = arith.addf %gather3A_570, %mul3A_580 : vector<16xf32>
      %slice3A_582 = vector.extract_strided_slice %get3A_63 {offsets = [4], sizes = [1], strides = [1]} : vector<16xf32> to vector<1xf32>
      %squeeze3A_583 = vector.extract %slice3A_582[0] : f32 from vector<1xf32>
      %mul3A_584 = vector.broadcast %squeeze3A_583 : f32 to vector<16xf32>
      %mul3A_585 = arith.mulf %get3A_43, %mul3A_584 : vector<16xf32>
      %add3A_586 = arith.addf %add3A_581, %mul3A_585 : vector<16xf32>
      %mul3A_587 = arith.mulf %get3A_45, %get3A_572 : vector<16xf32>
      %add3A_588 = arith.addf %add3A_586, %mul3A_587 : vector<16xf32>
      %mul3A_589 = arith.mulf %get3A_47, %get3A_574 : vector<16xf32>
      %add3A_590 = arith.addf %add3A_588, %mul3A_589 : vector<16xf32>
      %max3A_591 = arith.constant 0.000000e+00 : f32
      %max3A_592 = vector.broadcast %max3A_591 : f32 to vector<16xf32>
      %max3A_593 = arith.maximumf %add3A_590, %max3A_592 : vector<16xf32>
      %mul3A_594 = arith.mulf %max3A_593, %get3A_576 : vector<16xf32>
      %add3A_595 = arith.addf %add3A_483, %mul3A_594 : vector<16xf32>
      %gather3A_596 = arith.constant 1664 : i32
      %gather3A_597 = tpu.memref_slice %arg19[%gather3A_596] : memref<2048xf32, #tpu.memory_space<vmem>> -> memref<32xf32, #tpu.memory_space<vmem>>
      %gather3A_598 = tpu.vector_load_idx %gather3A_597[%max3A_39] : memref<32xf32, #tpu.memory_space<vmem>>[vector<16xi32>], vector<16xf32>,
      %get3A_599 = arith.constant 2496 : index
      %get3A_600 = tpu.vector_load %arg20[%get3A_599] {strides = array<i32>} : memref<3072xf32, #tpu.memory_space<vmem>>, vector<16xf32>,
      %get3A_601 = arith.constant 2512 : index
      %get3A_602 = tpu.vector_load %arg20[%get3A_601] {strides = array<i32>} : memref<3072xf32, #tpu.memory_space<vmem>>, vector<16xf32>,
      %get3A_603 = arith.constant 2528 : index
      %get3A_604 = tpu.vector_load %arg20[%get3A_603] {strides = array<i32>} : memref<3072xf32, #tpu.memory_space<vmem>>, vector<16xf32>,
      %slice3A_605 = vector.extract_strided_slice %get3A_57 {offsets = [4], sizes = [1], strides = [1]} : vector<16xf32> to vector<1xf32>
      %squeeze3A_606 = vector.extract %slice3A_605[0] : f32 from vector<1xf32>
      %mul3A_607 = vector.broadcast %squeeze3A_606 : f32 to vector<16xf32>
      %mul3A_608 = arith.mulf %get3A_41, %mul3A_607 : vector<16xf32>
      %add3A_609 = arith.addf %gather3A_598, %mul3A_608 : vector<16xf32>
      %slice3A_610 = vector.extract_strided_slice %get3A_65 {offsets = [4], sizes = [1], strides = [1]} : vector<16xf32> to vector<1xf32>
      %squeeze3A_611 = vector.extract %slice3A_610[0] : f32 from vector<1xf32>
      %mul3A_612 = vector.broadcast %squeeze3A_611 : f32 to vector<16xf32>
      %mul3A_613 = arith.mulf %get3A_43, %mul3A_612 : vector<16xf32>
      %add3A_614 = arith.addf %add3A_609, %mul3A_613 : vector<16xf32>
      %mul3A_615 = arith.mulf %get3A_45, %get3A_600 : vector<16xf32>
      %add3A_616 = arith.addf %add3A_614, %mul3A_615 : vector<16xf32>
      %mul3A_617 = arith.mulf %get3A_47, %get3A_602 : vector<16xf32>
      %add3A_618 = arith.addf %add3A_616, %mul3A_617 : vector<16xf32>
      %max3A_619 = arith.constant 0.000000e+00 : f32
      %max3A_620 = vector.broadcast %max3A_619 : f32 to vector<16xf32>
      %max3A_621 = arith.maximumf %add3A_618, %max3A_620 : vector<16xf32>
      %mul3A_622 = arith.mulf %max3A_621, %get3A_604 : vector<16xf32>
      %add3A_623 = arith.addf %add3A_511, %mul3A_622 : vector<16xf32>
      %gather3A_624 = arith.constant 160 : i32
      %gather3A_625 = tpu.memref_slice %arg19[%gather3A_624] : memref<2048xf32, #tpu.memory_space<vmem>> -> memref<32xf32, #tpu.memory_space<vmem>>
      %gather3A_626 = tpu.vector_load_idx %gather3A_625[%max3A_39] : memref<32xf32, #tpu.memory_space<vmem>>[vector<16xi32>], vector<16xf32>,
      %get3A_627 = arith.constant 240 : index
      %get3A_628 = tpu.vector_load %arg20[%get3A_627] {strides = array<i32>} : memref<3072xf32, #tpu.memory_space<vmem>>, vector<16xf32>,
      %get3A_629 = arith.constant 256 : index
      %get3A_630 = tpu.vector_load %arg20[%get3A_629] {strides = array<i32>} : memref<3072xf32, #tpu.memory_space<vmem>>, vector<16xf32>,
      %get3A_631 = arith.constant 272 : index
      %get3A_632 = tpu.vector_load %arg20[%get3A_631] {strides = array<i32>} : memref<3072xf32, #tpu.memory_space<vmem>>, vector<16xf32>,
      %slice3A_633 = vector.extract_strided_slice %get3A_51 {offsets = [5], sizes = [1], strides = [1]} : vector<16xf32> to vector<1xf32>
      %squeeze3A_634 = vector.extract %slice3A_633[0] : f32 from vector<1xf32>
      %mul3A_635 = vector.broadcast %squeeze3A_634 : f32 to vector<16xf32>
      %mul3A_636 = arith.mulf %get3A_41, %mul3A_635 : vector<16xf32>
      %add3A_637 = arith.addf %gather3A_626, %mul3A_636 : vector<16xf32>
      %slice3A_638 = vector.extract_strided_slice %get3A_59 {offsets = [5], sizes = [1], strides = [1]} : vector<16xf32> to vector<1xf32>
      %squeeze3A_639 = vector.extract %slice3A_638[0] : f32 from vector<1xf32>
      %mul3A_640 = vector.broadcast %squeeze3A_639 : f32 to vector<16xf32>
      %mul3A_641 = arith.mulf %get3A_43, %mul3A_640 : vector<16xf32>
      %add3A_642 = arith.addf %add3A_637, %mul3A_641 : vector<16xf32>
      %mul3A_643 = arith.mulf %get3A_45, %get3A_628 : vector<16xf32>
      %add3A_644 = arith.addf %add3A_642, %mul3A_643 : vector<16xf32>
      %mul3A_645 = arith.mulf %get3A_47, %get3A_630 : vector<16xf32>
      %add3A_646 = arith.addf %add3A_644, %mul3A_645 : vector<16xf32>
      %max3A_647 = arith.constant 0.000000e+00 : f32
      %max3A_648 = vector.broadcast %max3A_647 : f32 to vector<16xf32>
      %max3A_649 = arith.maximumf %add3A_646, %max3A_648 : vector<16xf32>
      %mul3A_650 = arith.mulf %max3A_649, %get3A_632 : vector<16xf32>
      %add3A_651 = arith.addf %add3A_539, %mul3A_650 : vector<16xf32>
      %gather3A_652 = arith.constant 672 : i32
      %gather3A_653 = tpu.memref_slice %arg19[%gather3A_652] : memref<2048xf32, #tpu.memory_space<vmem>> -> memref<32xf32, #tpu.memory_space<vmem>>
      %gather3A_654 = tpu.vector_load_idx %gather3A_653[%max3A_39] : memref<32xf32, #tpu.memory_space<vmem>>[vector<16xi32>], vector<16xf32>,
      %get3A_655 = arith.constant 1008 : index
      %get3A_656 = tpu.vector_load %arg20[%get3A_655] {strides = array<i32>} : memref<3072xf32, #tpu.memory_space<vmem>>, vector<16xf32>,
      %get3A_657 = arith.constant 1024 : index
      %get3A_658 = tpu.vector_load %arg20[%get3A_657] {strides = array<i32>} : memref<3072xf32, #tpu.memory_space<vmem>>, vector<16xf32>,
      %get3A_659 = arith.constant 1040 : index
      %get3A_660 = tpu.vector_load %arg20[%get3A_659] {strides = array<i32>} : memref<3072xf32, #tpu.memory_space<vmem>>, vector<16xf32>,
      %slice3A_661 = vector.extract_strided_slice %get3A_53 {offsets = [5], sizes = [1], strides = [1]} : vector<16xf32> to vector<1xf32>
      %squeeze3A_662 = vector.extract %slice3A_661[0] : f32 from vector<1xf32>
      %mul3A_663 = vector.broadcast %squeeze3A_662 : f32 to vector<16xf32>
      %mul3A_664 = arith.mulf %get3A_41, %mul3A_663 : vector<16xf32>
      %add3A_665 = arith.addf %gather3A_654, %mul3A_664 : vector<16xf32>
      %slice3A_666 = vector.extract_strided_slice %get3A_61 {offsets = [5], sizes = [1], strides = [1]} : vector<16xf32> to vector<1xf32>
      %squeeze3A_667 = vector.extract %slice3A_666[0] : f32 from vector<1xf32>
      %mul3A_668 = vector.broadcast %squeeze3A_667 : f32 to vector<16xf32>
      %mul3A_669 = arith.mulf %get3A_43, %mul3A_668 : vector<16xf32>
      %add3A_670 = arith.addf %add3A_665, %mul3A_669 : vector<16xf32>
      %mul3A_671 = arith.mulf %get3A_45, %get3A_656 : vector<16xf32>
      %add3A_672 = arith.addf %add3A_670, %mul3A_671 : vector<16xf32>
      %mul3A_673 = arith.mulf %get3A_47, %get3A_658 : vector<16xf32>
      %add3A_674 = arith.addf %add3A_672, %mul3A_673 : vector<16xf32>
      %max3A_675 = arith.constant 0.000000e+00 : f32
      %max3A_676 = vector.broadcast %max3A_675 : f32 to vector<16xf32>
      %max3A_677 = arith.maximumf %add3A_674, %max3A_676 : vector<16xf32>
      %mul3A_678 = arith.mulf %max3A_677, %get3A_660 : vector<16xf32>
      %add3A_679 = arith.addf %add3A_567, %mul3A_678 : vector<16xf32>
      %gather3A_680 = arith.constant 1184 : i32
      %gather3A_681 = tpu.memref_slice %arg19[%gather3A_680] : memref<2048xf32, #tpu.memory_space<vmem>> -> memref<32xf32, #tpu.memory_space<vmem>>
      %gather3A_682 = tpu.vector_load_idx %gather3A_681[%max3A_39] : memref<32xf32, #tpu.memory_space<vmem>>[vector<16xi32>], vector<16xf32>,
      %get3A_683 = arith.constant 1776 : index
      %get3A_684 = tpu.vector_load %arg20[%get3A_683] {strides = array<i32>} : memref<3072xf32, #tpu.memory_space<vmem>>, vector<16xf32>,
      %get3A_685 = arith.constant 1792 : index
      %get3A_686 = tpu.vector_load %arg20[%get3A_685] {strides = array<i32>} : memref<3072xf32, #tpu.memory_space<vmem>>, vector<16xf32>,
      %get3A_687 = arith.constant 1808 : index
      %get3A_688 = tpu.vector_load %arg20[%get3A_687] {strides = array<i32>} : memref<3072xf32, #tpu.memory_space<vmem>>, vector<16xf32>,
      %slice3A_689 = vector.extract_strided_slice %get3A_55 {offsets = [5], sizes = [1], strides = [1]} : vector<16xf32> to vector<1xf32>
      %squeeze3A_690 = vector.extract %slice3A_689[0] : f32 from vector<1xf32>
      %mul3A_691 = vector.broadcast %squeeze3A_690 : f32 to vector<16xf32>
      %mul3A_692 = arith.mulf %get3A_41, %mul3A_691 : vector<16xf32>
      %add3A_693 = arith.addf %gather3A_682, %mul3A_692 : vector<16xf32>
      %slice3A_694 = vector.extract_strided_slice %get3A_63 {offsets = [5], sizes = [1], strides = [1]} : vector<16xf32> to vector<1xf32>
      %squeeze3A_695 = vector.extract %slice3A_694[0] : f32 from vector<1xf32>
      %mul3A_696 = vector.broadcast %squeeze3A_695 : f32 to vector<16xf32>
      %mul3A_697 = arith.mulf %get3A_43, %mul3A_696 : vector<16xf32>
      %add3A_698 = arith.addf %add3A_693, %mul3A_697 : vector<16xf32>
      %mul3A_699 = arith.mulf %get3A_45, %get3A_684 : vector<16xf32>
      %add3A_700 = arith.addf %add3A_698, %mul3A_699 : vector<16xf32>
      %mul3A_701 = arith.mulf %get3A_47, %get3A_686 : vector<16xf32>
      %add3A_702 = arith.addf %add3A_700, %mul3A_701 : vector<16xf32>
      %max3A_703 = arith.constant 0.000000e+00 : f32
      %max3A_704 = vector.broadcast %max3A_703 : f32 to vector<16xf32>
      %max3A_705 = arith.maximumf %add3A_702, %max3A_704 : vector<16xf32>
      %mul3A_706 = arith.mulf %max3A_705, %get3A_688 : vector<16xf32>
      %add3A_707 = arith.addf %add3A_595, %mul3A_706 : vector<16xf32>
      %gather3A_708 = arith.constant 1696 : i32
      %gather3A_709 = tpu.memref_slice %arg19[%gather3A_708] : memref<2048xf32, #tpu.memory_space<vmem>> -> memref<32xf32, #tpu.memory_space<vmem>>
      %gather3A_710 = tpu.vector_load_idx %gather3A_709[%max3A_39] : memref<32xf32, #tpu.memory_space<vmem>>[vector<16xi32>], vector<16xf32>,
      %get3A_711 = arith.constant 2544 : index
      %get3A_712 = tpu.vector_load %arg20[%get3A_711] {strides = array<i32>} : memref<3072xf32, #tpu.memory_space<vmem>>, vector<16xf32>,
      %get3A_713 = arith.constant 2560 : index
      %get3A_714 = tpu.vector_load %arg20[%get3A_713] {strides = array<i32>} : memref<3072xf32, #tpu.memory_space<vmem>>, vector<16xf32>,
      %get3A_715 = arith.constant 2576 : index
      %get3A_716 = tpu.vector_load %arg20[%get3A_715] {strides = array<i32>} : memref<3072xf32, #tpu.memory_space<vmem>>, vector<16xf32>,
      %slice3A_717 = vector.extract_strided_slice %get3A_57 {offsets = [5], sizes = [1], strides = [1]} : vector<16xf32> to vector<1xf32>
      %squeeze3A_718 = vector.extract %slice3A_717[0] : f32 from vector<1xf32>
      %mul3A_719 = vector.broadcast %squeeze3A_718 : f32 to vector<16xf32>
      %mul3A_720 = arith.mulf %get3A_41, %mul3A_719 : vector<16xf32>
      %add3A_721 = arith.addf %gather3A_710, %mul3A_720 : vector<16xf32>
      %slice3A_722 = vector.extract_strided_slice %get3A_65 {offsets = [5], sizes = [1], strides = [1]} : vector<16xf32> to vector<1xf32>
      %squeeze3A_723 = vector.extract %slice3A_722[0] : f32 from vector<1xf32>
      %mul3A_724 = vector.broadcast %squeeze3A_723 : f32 to vector<16xf32>
      %mul3A_725 = arith.mulf %get3A_43, %mul3A_724 : vector<16xf32>
      %add3A_726 = arith.addf %add3A_721, %mul3A_725 : vector<16xf32>
      %mul3A_727 = arith.mulf %get3A_45, %get3A_712 : vector<16xf32>
      %add3A_728 = arith.addf %add3A_726, %mul3A_727 : vector<16xf32>
      %mul3A_729 = arith.mulf %get3A_47, %get3A_714 : vector<16xf32>
      %add3A_730 = arith.addf %add3A_728, %mul3A_729 : vector<16xf32>
      %max3A_731 = arith.constant 0.000000e+00 : f32
      %max3A_732 = vector.broadcast %max3A_731 : f32 to vector<16xf32>
      %max3A_733 = arith.maximumf %add3A_730, %max3A_732 : vector<16xf32>
      %mul3A_734 = arith.mulf %max3A_733, %get3A_716 : vector<16xf32>
      %add3A_735 = arith.addf %add3A_623, %mul3A_734 : vector<16xf32>
      %gather3A_736 = arith.constant 192 : i32
      %gather3A_737 = tpu.memref_slice %arg19[%gather3A_736] : memref<2048xf32, #tpu.memory_space<vmem>> -> memref<32xf32, #tpu.memory_space<vmem>>
      %gather3A_738 = tpu.vector_load_idx %gather3A_737[%max3A_39] : memref<32xf32, #tpu.memory_space<vmem>>[vector<16xi32>], vector<16xf32>,
      %get3A_739 = arith.constant 288 : index
      %get3A_740 = tpu.vector_load %arg20[%get3A_739] {strides = array<i32>} : memref<3072xf32, #tpu.memory_space<vmem>>, vector<16xf32>,
      %get3A_741 = arith.constant 304 : index
      %get3A_742 = tpu.vector_load %arg20[%get3A_741] {strides = array<i32>} : memref<3072xf32, #tpu.memory_space<vmem>>, vector<16xf32>,
      %get3A_743 = arith.constant 320 : index
      %get3A_744 = tpu.vector_load %arg20[%get3A_743] {strides = array<i32>} : memref<3072xf32, #tpu.memory_space<vmem>>, vector<16xf32>,
      %slice3A_745 = vector.extract_strided_slice %get3A_51 {offsets = [6], sizes = [1], strides = [1]} : vector<16xf32> to vector<1xf32>
      %squeeze3A_746 = vector.extract %slice3A_745[0] : f32 from vector<1xf32>
      %mul3A_747 = vector.broadcast %squeeze3A_746 : f32 to vector<16xf32>
      %mul3A_748 = arith.mulf %get3A_41, %mul3A_747 : vector<16xf32>
      %add3A_749 = arith.addf %gather3A_738, %mul3A_748 : vector<16xf32>
      %slice3A_750 = vector.extract_strided_slice %get3A_59 {offsets = [6], sizes = [1], strides = [1]} : vector<16xf32> to vector<1xf32>
      %squeeze3A_751 = vector.extract %slice3A_750[0] : f32 from vector<1xf32>
      %mul3A_752 = vector.broadcast %squeeze3A_751 : f32 to vector<16xf32>
      %mul3A_753 = arith.mulf %get3A_43, %mul3A_752 : vector<16xf32>
      %add3A_754 = arith.addf %add3A_749, %mul3A_753 : vector<16xf32>
      %mul3A_755 = arith.mulf %get3A_45, %get3A_740 : vector<16xf32>
      %add3A_756 = arith.addf %add3A_754, %mul3A_755 : vector<16xf32>
      %mul3A_757 = arith.mulf %get3A_47, %get3A_742 : vector<16xf32>
      %add3A_758 = arith.addf %add3A_756, %mul3A_757 : vector<16xf32>
      %max3A_759 = arith.constant 0.000000e+00 : f32
      %max3A_760 = vector.broadcast %max3A_759 : f32 to vector<16xf32>
      %max3A_761 = arith.maximumf %add3A_758, %max3A_760 : vector<16xf32>
      %mul3A_762 = arith.mulf %max3A_761, %get3A_744 : vector<16xf32>
      %add3A_763 = arith.addf %add3A_651, %mul3A_762 : vector<16xf32>
      %gather3A_764 = arith.constant 704 : i32
      %gather3A_765 = tpu.memref_slice %arg19[%gather3A_764] : memref<2048xf32, #tpu.memory_space<vmem>> -> memref<32xf32, #tpu.memory_space<vmem>>
      %gather3A_766 = tpu.vector_load_idx %gather3A_765[%max3A_39] : memref<32xf32, #tpu.memory_space<vmem>>[vector<16xi32>], vector<16xf32>,
      %get3A_767 = arith.constant 1056 : index
      %get3A_768 = tpu.vector_load %arg20[%get3A_767] {strides = array<i32>} : memref<3072xf32, #tpu.memory_space<vmem>>, vector<16xf32>,
      %get3A_769 = arith.constant 1072 : index
      %get3A_770 = tpu.vector_load %arg20[%get3A_769] {strides = array<i32>} : memref<3072xf32, #tpu.memory_space<vmem>>, vector<16xf32>,
      %get3A_771 = arith.constant 1088 : index
      %get3A_772 = tpu.vector_load %arg20[%get3A_771] {strides = array<i32>} : memref<3072xf32, #tpu.memory_space<vmem>>, vector<16xf32>,
      %slice3A_773 = vector.extract_strided_slice %get3A_53 {offsets = [6], sizes = [1], strides = [1]} : vector<16xf32> to vector<1xf32>
      %squeeze3A_774 = vector.extract %slice3A_773[0] : f32 from vector<1xf32>
      %mul3A_775 = vector.broadcast %squeeze3A_774 : f32 to vector<16xf32>
      %mul3A_776 = arith.mulf %get3A_41, %mul3A_775 : vector<16xf32>
      %add3A_777 = arith.addf %gather3A_766, %mul3A_776 : vector<16xf32>
      %slice3A_778 = vector.extract_strided_slice %get3A_61 {offsets = [6], sizes = [1], strides = [1]} : vector<16xf32> to vector<1xf32>
      %squeeze3A_779 = vector.extract %slice3A_778[0] : f32 from vector<1xf32>
      %mul3A_780 = vector.broadcast %squeeze3A_779 : f32 to vector<16xf32>
      %mul3A_781 = arith.mulf %get3A_43, %mul3A_780 : vector<16xf32>
      %add3A_782 = arith.addf %add3A_777, %mul3A_781 : vector<16xf32>
      %mul3A_783 = arith.mulf %get3A_45, %get3A_768 : vector<16xf32>
      %add3A_784 = arith.addf %add3A_782, %mul3A_783 : vector<16xf32>
      %mul3A_785 = arith.mulf %get3A_47, %get3A_770 : vector<16xf32>
      %add3A_786 = arith.addf %add3A_784, %mul3A_785 : vector<16xf32>
      %max3A_787 = arith.constant 0.000000e+00 : f32
      %max3A_788 = vector.broadcast %max3A_787 : f32 to vector<16xf32>
      %max3A_789 = arith.maximumf %add3A_786, %max3A_788 : vector<16xf32>
      %mul3A_790 = arith.mulf %max3A_789, %get3A_772 : vector<16xf32>
      %add3A_791 = arith.addf %add3A_679, %mul3A_790 : vector<16xf32>
      %gather3A_792 = arith.constant 1216 : i32
      %gather3A_793 = tpu.memref_slice %arg19[%gather3A_792] : memref<2048xf32, #tpu.memory_space<vmem>> -> memref<32xf32, #tpu.memory_space<vmem>>
      %gather3A_794 = tpu.vector_load_idx %gather3A_793[%max3A_39] : memref<32xf32, #tpu.memory_space<vmem>>[vector<16xi32>], vector<16xf32>,
      %get3A_795 = arith.constant 1824 : index
      %get3A_796 = tpu.vector_load %arg20[%get3A_795] {strides = array<i32>} : memref<3072xf32, #tpu.memory_space<vmem>>, vector<16xf32>,
      %get3A_797 = arith.constant 1840 : index
      %get3A_798 = tpu.vector_load %arg20[%get3A_797] {strides = array<i32>} : memref<3072xf32, #tpu.memory_space<vmem>>, vector<16xf32>,
      %get3A_799 = arith.constant 1856 : index
      %get3A_800 = tpu.vector_load %arg20[%get3A_799] {strides = array<i32>} : memref<3072xf32, #tpu.memory_space<vmem>>, vector<16xf32>,
      %slice3A_801 = vector.extract_strided_slice %get3A_55 {offsets = [6], sizes = [1], strides = [1]} : vector<16xf32> to vector<1xf32>
      %squeeze3A_802 = vector.extract %slice3A_801[0] : f32 from vector<1xf32>
      %mul3A_803 = vector.broadcast %squeeze3A_802 : f32 to vector<16xf32>
      %mul3A_804 = arith.mulf %get3A_41, %mul3A_803 : vector<16xf32>
      %add3A_805 = arith.addf %gather3A_794, %mul3A_804 : vector<16xf32>
      %slice3A_806 = vector.extract_strided_slice %get3A_63 {offsets = [6], sizes = [1], strides = [1]} : vector<16xf32> to vector<1xf32>
      %squeeze3A_807 = vector.extract %slice3A_806[0] : f32 from vector<1xf32>
      %mul3A_808 = vector.broadcast %squeeze3A_807 : f32 to vector<16xf32>
      %mul3A_809 = arith.mulf %get3A_43, %mul3A_808 : vector<16xf32>
      %add3A_810 = arith.addf %add3A_805, %mul3A_809 : vector<16xf32>
      %mul3A_811 = arith.mulf %get3A_45, %get3A_796 : vector<16xf32>
      %add3A_812 = arith.addf %add3A_810, %mul3A_811 : vector<16xf32>
      %mul3A_813 = arith.mulf %get3A_47, %get3A_798 : vector<16xf32>
      %add3A_814 = arith.addf %add3A_812, %mul3A_813 : vector<16xf32>
      %max3A_815 = arith.constant 0.000000e+00 : f32
      %max3A_816 = vector.broadcast %max3A_815 : f32 to vector<16xf32>
      %max3A_817 = arith.maximumf %add3A_814, %max3A_816 : vector<16xf32>
      %mul3A_818 = arith.mulf %max3A_817, %get3A_800 : vector<16xf32>
      %add3A_819 = arith.addf %add3A_707, %mul3A_818 : vector<16xf32>
      %gather3A_820 = arith.constant 1728 : i32
      %gather3A_821 = tpu.memref_slice %arg19[%gather3A_820] : memref<2048xf32, #tpu.memory_space<vmem>> -> memref<32xf32, #tpu.memory_space<vmem>>
      %gather3A_822 = tpu.vector_load_idx %gather3A_821[%max3A_39] : memref<32xf32, #tpu.memory_space<vmem>>[vector<16xi32>], vector<16xf32>,
      %get3A_823 = arith.constant 2592 : index
      %get3A_824 = tpu.vector_load %arg20[%get3A_823] {strides = array<i32>} : memref<3072xf32, #tpu.memory_space<vmem>>, vector<16xf32>,
      %get3A_825 = arith.constant 2608 : index
      %get3A_826 = tpu.vector_load %arg20[%get3A_825] {strides = array<i32>} : memref<3072xf32, #tpu.memory_space<vmem>>, vector<16xf32>,
      %get3A_827 = arith.constant 2624 : index
      %get3A_828 = tpu.vector_load %arg20[%get3A_827] {strides = array<i32>} : memref<3072xf32, #tpu.memory_space<vmem>>, vector<16xf32>,
      %slice3A_829 = vector.extract_strided_slice %get3A_57 {offsets = [6], sizes = [1], strides = [1]} : vector<16xf32> to vector<1xf32>
      %squeeze3A_830 = vector.extract %slice3A_829[0] : f32 from vector<1xf32>
      %mul3A_831 = vector.broadcast %squeeze3A_830 : f32 to vector<16xf32>
      %mul3A_832 = arith.mulf %get3A_41, %mul3A_831 : vector<16xf32>
      %add3A_833 = arith.addf %gather3A_822, %mul3A_832 : vector<16xf32>
      %slice3A_834 = vector.extract_strided_slice %get3A_65 {offsets = [6], sizes = [1], strides = [1]} : vector<16xf32> to vector<1xf32>
      %squeeze3A_835 = vector.extract %slice3A_834[0] : f32 from vector<1xf32>
      %mul3A_836 = vector.broadcast %squeeze3A_835 : f32 to vector<16xf32>
      %mul3A_837 = arith.mulf %get3A_43, %mul3A_836 : vector<16xf32>
      %add3A_838 = arith.addf %add3A_833, %mul3A_837 : vector<16xf32>
      %mul3A_839 = arith.mulf %get3A_45, %get3A_824 : vector<16xf32>
      %add3A_840 = arith.addf %add3A_838, %mul3A_839 : vector<16xf32>
      %mul3A_841 = arith.mulf %get3A_47, %get3A_826 : vector<16xf32>
      %add3A_842 = arith.addf %add3A_840, %mul3A_841 : vector<16xf32>
      %max3A_843 = arith.constant 0.000000e+00 : f32
      %max3A_844 = vector.broadcast %max3A_843 : f32 to vector<16xf32>
      %max3A_845 = arith.maximumf %add3A_842, %max3A_844 : vector<16xf32>
      %mul3A_846 = arith.mulf %max3A_845, %get3A_828 : vector<16xf32>
      %add3A_847 = arith.addf %add3A_735, %mul3A_846 : vector<16xf32>
      %gather3A_848 = arith.constant 224 : i32
      %gather3A_849 = tpu.memref_slice %arg19[%gather3A_848] : memref<2048xf32, #tpu.memory_space<vmem>> -> memref<32xf32, #tpu.memory_space<vmem>>
      %gather3A_850 = tpu.vector_load_idx %gather3A_849[%max3A_39] : memref<32xf32, #tpu.memory_space<vmem>>[vector<16xi32>], vector<16xf32>,
      %get3A_851 = arith.constant 336 : index
      %get3A_852 = tpu.vector_load %arg20[%get3A_851] {strides = array<i32>} : memref<3072xf32, #tpu.memory_space<vmem>>, vector<16xf32>,
      %get3A_853 = arith.constant 352 : index
      %get3A_854 = tpu.vector_load %arg20[%get3A_853] {strides = array<i32>} : memref<3072xf32, #tpu.memory_space<vmem>>, vector<16xf32>,
      %get3A_855 = arith.constant 368 : index
      %get3A_856 = tpu.vector_load %arg20[%get3A_855] {strides = array<i32>} : memref<3072xf32, #tpu.memory_space<vmem>>, vector<16xf32>,
      %slice3A_857 = vector.extract_strided_slice %get3A_51 {offsets = [7], sizes = [1], strides = [1]} : vector<16xf32> to vector<1xf32>
      %squeeze3A_858 = vector.extract %slice3A_857[0] : f32 from vector<1xf32>
      %mul3A_859 = vector.broadcast %squeeze3A_858 : f32 to vector<16xf32>
      %mul3A_860 = arith.mulf %get3A_41, %mul3A_859 : vector<16xf32>
      %add3A_861 = arith.addf %gather3A_850, %mul3A_860 : vector<16xf32>
      %slice3A_862 = vector.extract_strided_slice %get3A_59 {offsets = [7], sizes = [1], strides = [1]} : vector<16xf32> to vector<1xf32>
      %squeeze3A_863 = vector.extract %slice3A_862[0] : f32 from vector<1xf32>
      %mul3A_864 = vector.broadcast %squeeze3A_863 : f32 to vector<16xf32>
      %mul3A_865 = arith.mulf %get3A_43, %mul3A_864 : vector<16xf32>
      %add3A_866 = arith.addf %add3A_861, %mul3A_865 : vector<16xf32>
      %mul3A_867 = arith.mulf %get3A_45, %get3A_852 : vector<16xf32>
      %add3A_868 = arith.addf %add3A_866, %mul3A_867 : vector<16xf32>
      %mul3A_869 = arith.mulf %get3A_47, %get3A_854 : vector<16xf32>
      %add3A_870 = arith.addf %add3A_868, %mul3A_869 : vector<16xf32>
      %max3A_871 = arith.constant 0.000000e+00 : f32
      %max3A_872 = vector.broadcast %max3A_871 : f32 to vector<16xf32>
      %max3A_873 = arith.maximumf %add3A_870, %max3A_872 : vector<16xf32>
      %mul3A_874 = arith.mulf %max3A_873, %get3A_856 : vector<16xf32>
      %add3A_875 = arith.addf %add3A_763, %mul3A_874 : vector<16xf32>
      %gather3A_876 = arith.constant 736 : i32
      %gather3A_877 = tpu.memref_slice %arg19[%gather3A_876] : memref<2048xf32, #tpu.memory_space<vmem>> -> memref<32xf32, #tpu.memory_space<vmem>>
      %gather3A_878 = tpu.vector_load_idx %gather3A_877[%max3A_39] : memref<32xf32, #tpu.memory_space<vmem>>[vector<16xi32>], vector<16xf32>,
      %get3A_879 = arith.constant 1104 : index
      %get3A_880 = tpu.vector_load %arg20[%get3A_879] {strides = array<i32>} : memref<3072xf32, #tpu.memory_space<vmem>>, vector<16xf32>,
      %get3A_881 = arith.constant 1120 : index
      %get3A_882 = tpu.vector_load %arg20[%get3A_881] {strides = array<i32>} : memref<3072xf32, #tpu.memory_space<vmem>>, vector<16xf32>,
      %get3A_883 = arith.constant 1136 : index
      %get3A_884 = tpu.vector_load %arg20[%get3A_883] {strides = array<i32>} : memref<3072xf32, #tpu.memory_space<vmem>>, vector<16xf32>,
      %slice3A_885 = vector.extract_strided_slice %get3A_53 {offsets = [7], sizes = [1], strides = [1]} : vector<16xf32> to vector<1xf32>
      %squeeze3A_886 = vector.extract %slice3A_885[0] : f32 from vector<1xf32>
      %mul3A_887 = vector.broadcast %squeeze3A_886 : f32 to vector<16xf32>
      %mul3A_888 = arith.mulf %get3A_41, %mul3A_887 : vector<16xf32>
      %add3A_889 = arith.addf %gather3A_878, %mul3A_888 : vector<16xf32>
      %slice3A_890 = vector.extract_strided_slice %get3A_61 {offsets = [7], sizes = [1], strides = [1]} : vector<16xf32> to vector<1xf32>
      %squeeze3A_891 = vector.extract %slice3A_890[0] : f32 from vector<1xf32>
      %mul3A_892 = vector.broadcast %squeeze3A_891 : f32 to vector<16xf32>
      %mul3A_893 = arith.mulf %get3A_43, %mul3A_892 : vector<16xf32>
      %add3A_894 = arith.addf %add3A_889, %mul3A_893 : vector<16xf32>
      %mul3A_895 = arith.mulf %get3A_45, %get3A_880 : vector<16xf32>
      %add3A_896 = arith.addf %add3A_894, %mul3A_895 : vector<16xf32>
      %mul3A_897 = arith.mulf %get3A_47, %get3A_882 : vector<16xf32>
      %add3A_898 = arith.addf %add3A_896, %mul3A_897 : vector<16xf32>
      %max3A_899 = arith.constant 0.000000e+00 : f32
      %max3A_900 = vector.broadcast %max3A_899 : f32 to vector<16xf32>
      %max3A_901 = arith.maximumf %add3A_898, %max3A_900 : vector<16xf32>
      %mul3A_902 = arith.mulf %max3A_901, %get3A_884 : vector<16xf32>
      %add3A_903 = arith.addf %add3A_791, %mul3A_902 : vector<16xf32>
      %gather3A_904 = arith.constant 1248 : i32
      %gather3A_905 = tpu.memref_slice %arg19[%gather3A_904] : memref<2048xf32, #tpu.memory_space<vmem>> -> memref<32xf32, #tpu.memory_space<vmem>>
      %gather3A_906 = tpu.vector_load_idx %gather3A_905[%max3A_39] : memref<32xf32, #tpu.memory_space<vmem>>[vector<16xi32>], vector<16xf32>,
      %get3A_907 = arith.constant 1872 : index
      %get3A_908 = tpu.vector_load %arg20[%get3A_907] {strides = array<i32>} : memref<3072xf32, #tpu.memory_space<vmem>>, vector<16xf32>,
      %get3A_909 = arith.constant 1888 : index
      %get3A_910 = tpu.vector_load %arg20[%get3A_909] {strides = array<i32>} : memref<3072xf32, #tpu.memory_space<vmem>>, vector<16xf32>,
      %get3A_911 = arith.constant 1904 : index
      %get3A_912 = tpu.vector_load %arg20[%get3A_911] {strides = array<i32>} : memref<3072xf32, #tpu.memory_space<vmem>>, vector<16xf32>,
      %slice3A_913 = vector.extract_strided_slice %get3A_55 {offsets = [7], sizes = [1], strides = [1]} : vector<16xf32> to vector<1xf32>
      %squeeze3A_914 = vector.extract %slice3A_913[0] : f32 from vector<1xf32>
      %mul3A_915 = vector.broadcast %squeeze3A_914 : f32 to vector<16xf32>
      %mul3A_916 = arith.mulf %get3A_41, %mul3A_915 : vector<16xf32>
      %add3A_917 = arith.addf %gather3A_906, %mul3A_916 : vector<16xf32>
      %slice3A_918 = vector.extract_strided_slice %get3A_63 {offsets = [7], sizes = [1], strides = [1]} : vector<16xf32> to vector<1xf32>
      %squeeze3A_919 = vector.extract %slice3A_918[0] : f32 from vector<1xf32>
      %mul3A_920 = vector.broadcast %squeeze3A_919 : f32 to vector<16xf32>
      %mul3A_921 = arith.mulf %get3A_43, %mul3A_920 : vector<16xf32>
      %add3A_922 = arith.addf %add3A_917, %mul3A_921 : vector<16xf32>
      %mul3A_923 = arith.mulf %get3A_45, %get3A_908 : vector<16xf32>
      %add3A_924 = arith.addf %add3A_922, %mul3A_923 : vector<16xf32>
      %mul3A_925 = arith.mulf %get3A_47, %get3A_910 : vector<16xf32>
      %add3A_926 = arith.addf %add3A_924, %mul3A_925 : vector<16xf32>
      %max3A_927 = arith.constant 0.000000e+00 : f32
      %max3A_928 = vector.broadcast %max3A_927 : f32 to vector<16xf32>
      %max3A_929 = arith.maximumf %add3A_926, %max3A_928 : vector<16xf32>
      %mul3A_930 = arith.mulf %max3A_929, %get3A_912 : vector<16xf32>
      %add3A_931 = arith.addf %add3A_819, %mul3A_930 : vector<16xf32>
      %gather3A_932 = arith.constant 1760 : i32
      %gather3A_933 = tpu.memref_slice %arg19[%gather3A_932] : memref<2048xf32, #tpu.memory_space<vmem>> -> memref<32xf32, #tpu.memory_space<vmem>>
      %gather3A_934 = tpu.vector_load_idx %gather3A_933[%max3A_39] : memref<32xf32, #tpu.memory_space<vmem>>[vector<16xi32>], vector<16xf32>,
      %get3A_935 = arith.constant 2640 : index
      %get3A_936 = tpu.vector_load %arg20[%get3A_935] {strides = array<i32>} : memref<3072xf32, #tpu.memory_space<vmem>>, vector<16xf32>,
      %get3A_937 = arith.constant 2656 : index
      %get3A_938 = tpu.vector_load %arg20[%get3A_937] {strides = array<i32>} : memref<3072xf32, #tpu.memory_space<vmem>>, vector<16xf32>,
      %get3A_939 = arith.constant 2672 : index
      %get3A_940 = tpu.vector_load %arg20[%get3A_939] {strides = array<i32>} : memref<3072xf32, #tpu.memory_space<vmem>>, vector<16xf32>,
      %slice3A_941 = vector.extract_strided_slice %get3A_57 {offsets = [7], sizes = [1], strides = [1]} : vector<16xf32> to vector<1xf32>
      %squeeze3A_942 = vector.extract %slice3A_941[0] : f32 from vector<1xf32>
      %mul3A_943 = vector.broadcast %squeeze3A_942 : f32 to vector<16xf32>
      %mul3A_944 = arith.mulf %get3A_41, %mul3A_943 : vector<16xf32>
      %add3A_945 = arith.addf %gather3A_934, %mul3A_944 : vector<16xf32>
      %slice3A_946 = vector.extract_strided_slice %get3A_65 {offsets = [7], sizes = [1], strides = [1]} : vector<16xf32> to vector<1xf32>
      %squeeze3A_947 = vector.extract %slice3A_946[0] : f32 from vector<1xf32>
      %mul3A_948 = vector.broadcast %squeeze3A_947 : f32 to vector<16xf32>
      %mul3A_949 = arith.mulf %get3A_43, %mul3A_948 : vector<16xf32>
      %add3A_950 = arith.addf %add3A_945, %mul3A_949 : vector<16xf32>
      %mul3A_951 = arith.mulf %get3A_45, %get3A_936 : vector<16xf32>
      %add3A_952 = arith.addf %add3A_950, %mul3A_951 : vector<16xf32>
      %mul3A_953 = arith.mulf %get3A_47, %get3A_938 : vector<16xf32>
      %add3A_954 = arith.addf %add3A_952, %mul3A_953 : vector<16xf32>
      %max3A_955 = arith.constant 0.000000e+00 : f32
      %max3A_956 = vector.broadcast %max3A_955 : f32 to vector<16xf32>
      %max3A_957 = arith.maximumf %add3A_954, %max3A_956 : vector<16xf32>
      %mul3A_958 = arith.mulf %max3A_957, %get3A_940 : vector<16xf32>
      %add3A_959 = arith.addf %add3A_847, %mul3A_958 : vector<16xf32>
      %gather3A_960 = arith.constant 256 : i32
      %gather3A_961 = tpu.memref_slice %arg19[%gather3A_960] : memref<2048xf32, #tpu.memory_space<vmem>> -> memref<32xf32, #tpu.memory_space<vmem>>
      %gather3A_962 = tpu.vector_load_idx %gather3A_961[%max3A_39] : memref<32xf32, #tpu.memory_space<vmem>>[vector<16xi32>], vector<16xf32>,
      %get3A_963 = arith.constant 384 : index
      %get3A_964 = tpu.vector_load %arg20[%get3A_963] {strides = array<i32>} : memref<3072xf32, #tpu.memory_space<vmem>>, vector<16xf32>,
      %get3A_965 = arith.constant 400 : index
      %get3A_966 = tpu.vector_load %arg20[%get3A_965] {strides = array<i32>} : memref<3072xf32, #tpu.memory_space<vmem>>, vector<16xf32>,
      %get3A_967 = arith.constant 416 : index
      %get3A_968 = tpu.vector_load %arg20[%get3A_967] {strides = array<i32>} : memref<3072xf32, #tpu.memory_space<vmem>>, vector<16xf32>,
      %slice3A_969 = vector.extract_strided_slice %get3A_51 {offsets = [8], sizes = [1], strides = [1]} : vector<16xf32> to vector<1xf32>
      %squeeze3A_970 = vector.extract %slice3A_969[0] : f32 from vector<1xf32>
      %mul3A_971 = vector.broadcast %squeeze3A_970 : f32 to vector<16xf32>
      %mul3A_972 = arith.mulf %get3A_41, %mul3A_971 : vector<16xf32>
      %add3A_973 = arith.addf %gather3A_962, %mul3A_972 : vector<16xf32>
      %slice3A_974 = vector.extract_strided_slice %get3A_59 {offsets = [8], sizes = [1], strides = [1]} : vector<16xf32> to vector<1xf32>
      %squeeze3A_975 = vector.extract %slice3A_974[0] : f32 from vector<1xf32>
      %mul3A_976 = vector.broadcast %squeeze3A_975 : f32 to vector<16xf32>
      %mul3A_977 = arith.mulf %get3A_43, %mul3A_976 : vector<16xf32>
      %add3A_978 = arith.addf %add3A_973, %mul3A_977 : vector<16xf32>
      %mul3A_979 = arith.mulf %get3A_45, %get3A_964 : vector<16xf32>
      %add3A_980 = arith.addf %add3A_978, %mul3A_979 : vector<16xf32>
      %mul3A_981 = arith.mulf %get3A_47, %get3A_966 : vector<16xf32>
      %add3A_982 = arith.addf %add3A_980, %mul3A_981 : vector<16xf32>
      %max3A_983 = arith.constant 0.000000e+00 : f32
      %max3A_984 = vector.broadcast %max3A_983 : f32 to vector<16xf32>
      %max3A_985 = arith.maximumf %add3A_982, %max3A_984 : vector<16xf32>
      %mul3A_986 = arith.mulf %max3A_985, %get3A_968 : vector<16xf32>
      %add3A_987 = arith.addf %add3A_875, %mul3A_986 : vector<16xf32>
      %gather3A_988 = arith.constant 768 : i32
      %gather3A_989 = tpu.memref_slice %arg19[%gather3A_988] : memref<2048xf32, #tpu.memory_space<vmem>> -> memref<32xf32, #tpu.memory_space<vmem>>
      %gather3A_990 = tpu.vector_load_idx %gather3A_989[%max3A_39] : memref<32xf32, #tpu.memory_space<vmem>>[vector<16xi32>], vector<16xf32>,
      %get3A_991 = arith.constant 1152 : index
      %get3A_992 = tpu.vector_load %arg20[%get3A_991] {strides = array<i32>} : memref<3072xf32, #tpu.memory_space<vmem>>, vector<16xf32>,
      %get3A_993 = arith.constant 1168 : index
      %get3A_994 = tpu.vector_load %arg20[%get3A_993] {strides = array<i32>} : memref<3072xf32, #tpu.memory_space<vmem>>, vector<16xf32>,
      %get3A_995 = arith.constant 1184 : index
      %get3A_996 = tpu.vector_load %arg20[%get3A_995] {strides = array<i32>} : memref<3072xf32, #tpu.memory_space<vmem>>, vector<16xf32>,
      %slice3A_997 = vector.extract_strided_slice %get3A_53 {offsets = [8], sizes = [1], strides = [1]} : vector<16xf32> to vector<1xf32>
      %squeeze3A_998 = vector.extract %slice3A_997[0] : f32 from vector<1xf32>
      %mul3A_999 = vector.broadcast %squeeze3A_998 : f32 to vector<16xf32>
      %mul3A_1000 = arith.mulf %get3A_41, %mul3A_999 : vector<16xf32>
      %add3A_1001 = arith.addf %gather3A_990, %mul3A_1000 : vector<16xf32>
      %slice3A_1002 = vector.extract_strided_slice %get3A_61 {offsets = [8], sizes = [1], strides = [1]} : vector<16xf32> to vector<1xf32>
      %squeeze3A_1003 = vector.extract %slice3A_1002[0] : f32 from vector<1xf32>
      %mul3A_1004 = vector.broadcast %squeeze3A_1003 : f32 to vector<16xf32>
      %mul3A_1005 = arith.mulf %get3A_43, %mul3A_1004 : vector<16xf32>
      %add3A_1006 = arith.addf %add3A_1001, %mul3A_1005 : vector<16xf32>
      %mul3A_1007 = arith.mulf %get3A_45, %get3A_992 : vector<16xf32>
      %add3A_1008 = arith.addf %add3A_1006, %mul3A_1007 : vector<16xf32>
      %mul3A_1009 = arith.mulf %get3A_47, %get3A_994 : vector<16xf32>
      %add3A_1010 = arith.addf %add3A_1008, %mul3A_1009 : vector<16xf32>
      %max3A_1011 = arith.constant 0.000000e+00 : f32
      %max3A_1012 = vector.broadcast %max3A_1011 : f32 to vector<16xf32>
      %max3A_1013 = arith.maximumf %add3A_1010, %max3A_1012 : vector<16xf32>
      %mul3A_1014 = arith.mulf %max3A_1013, %get3A_996 : vector<16xf32>
      %add3A_1015 = arith.addf %add3A_903, %mul3A_1014 : vector<16xf32>
      %gather3A_1016 = arith.constant 1280 : i32
      %gather3A_1017 = tpu.memref_slice %arg19[%gather3A_1016] : memref<2048xf32, #tpu.memory_space<vmem>> -> memref<32xf32, #tpu.memory_space<vmem>>
      %gather3A_1018 = tpu.vector_load_idx %gather3A_1017[%max3A_39] : memref<32xf32, #tpu.memory_space<vmem>>[vector<16xi32>], vector<16xf32>,
      %get3A_1019 = arith.constant 1920 : index
      %get3A_1020 = tpu.vector_load %arg20[%get3A_1019] {strides = array<i32>} : memref<3072xf32, #tpu.memory_space<vmem>>, vector<16xf32>,
      %get3A_1021 = arith.constant 1936 : index
      %get3A_1022 = tpu.vector_load %arg20[%get3A_1021] {strides = array<i32>} : memref<3072xf32, #tpu.memory_space<vmem>>, vector<16xf32>,
      %get3A_1023 = arith.constant 1952 : index
      %get3A_1024 = tpu.vector_load %arg20[%get3A_1023] {strides = array<i32>} : memref<3072xf32, #tpu.memory_space<vmem>>, vector<16xf32>,
      %slice3A_1025 = vector.extract_strided_slice %get3A_55 {offsets = [8], sizes = [1], strides = [1]} : vector<16xf32> to vector<1xf32>
      %squeeze3A_1026 = vector.extract %slice3A_1025[0] : f32 from vector<1xf32>
      %mul3A_1027 = vector.broadcast %squeeze3A_1026 : f32 to vector<16xf32>
      %mul3A_1028 = arith.mulf %get3A_41, %mul3A_1027 : vector<16xf32>
      %add3A_1029 = arith.addf %gather3A_1018, %mul3A_1028 : vector<16xf32>
      %slice3A_1030 = vector.extract_strided_slice %get3A_63 {offsets = [8], sizes = [1], strides = [1]} : vector<16xf32> to vector<1xf32>
      %squeeze3A_1031 = vector.extract %slice3A_1030[0] : f32 from vector<1xf32>
      %mul3A_1032 = vector.broadcast %squeeze3A_1031 : f32 to vector<16xf32>
      %mul3A_1033 = arith.mulf %get3A_43, %mul3A_1032 : vector<16xf32>
      %add3A_1034 = arith.addf %add3A_1029, %mul3A_1033 : vector<16xf32>
      %mul3A_1035 = arith.mulf %get3A_45, %get3A_1020 : vector<16xf32>
      %add3A_1036 = arith.addf %add3A_1034, %mul3A_1035 : vector<16xf32>
      %mul3A_1037 = arith.mulf %get3A_47, %get3A_1022 : vector<16xf32>
      %add3A_1038 = arith.addf %add3A_1036, %mul3A_1037 : vector<16xf32>
      %max3A_1039 = arith.constant 0.000000e+00 : f32
      %max3A_1040 = vector.broadcast %max3A_1039 : f32 to vector<16xf32>
      %max3A_1041 = arith.maximumf %add3A_1038, %max3A_1040 : vector<16xf32>
      %mul3A_1042 = arith.mulf %max3A_1041, %get3A_1024 : vector<16xf32>
      %add3A_1043 = arith.addf %add3A_931, %mul3A_1042 : vector<16xf32>
      %gather3A_1044 = arith.constant 1792 : i32
      %gather3A_1045 = tpu.memref_slice %arg19[%gather3A_1044] : memref<2048xf32, #tpu.memory_space<vmem>> -> memref<32xf32, #tpu.memory_space<vmem>>
      %gather3A_1046 = tpu.vector_load_idx %gather3A_1045[%max3A_39] : memref<32xf32, #tpu.memory_space<vmem>>[vector<16xi32>], vector<16xf32>,
      %get3A_1047 = arith.constant 2688 : index
      %get3A_1048 = tpu.vector_load %arg20[%get3A_1047] {strides = array<i32>} : memref<3072xf32, #tpu.memory_space<vmem>>, vector<16xf32>,
      %get3A_1049 = arith.constant 2704 : index
      %get3A_1050 = tpu.vector_load %arg20[%get3A_1049] {strides = array<i32>} : memref<3072xf32, #tpu.memory_space<vmem>>, vector<16xf32>,
      %get3A_1051 = arith.constant 2720 : index
      %get3A_1052 = tpu.vector_load %arg20[%get3A_1051] {strides = array<i32>} : memref<3072xf32, #tpu.memory_space<vmem>>, vector<16xf32>,
      %slice3A_1053 = vector.extract_strided_slice %get3A_57 {offsets = [8], sizes = [1], strides = [1]} : vector<16xf32> to vector<1xf32>
      %squeeze3A_1054 = vector.extract %slice3A_1053[0] : f32 from vector<1xf32>
      %mul3A_1055 = vector.broadcast %squeeze3A_1054 : f32 to vector<16xf32>
      %mul3A_1056 = arith.mulf %get3A_41, %mul3A_1055 : vector<16xf32>
      %add3A_1057 = arith.addf %gather3A_1046, %mul3A_1056 : vector<16xf32>
      %slice3A_1058 = vector.extract_strided_slice %get3A_65 {offsets = [8], sizes = [1], strides = [1]} : vector<16xf32> to vector<1xf32>
      %squeeze3A_1059 = vector.extract %slice3A_1058[0] : f32 from vector<1xf32>
      %mul3A_1060 = vector.broadcast %squeeze3A_1059 : f32 to vector<16xf32>
      %mul3A_1061 = arith.mulf %get3A_43, %mul3A_1060 : vector<16xf32>
      %add3A_1062 = arith.addf %add3A_1057, %mul3A_1061 : vector<16xf32>
      %mul3A_1063 = arith.mulf %get3A_45, %get3A_1048 : vector<16xf32>
      %add3A_1064 = arith.addf %add3A_1062, %mul3A_1063 : vector<16xf32>
      %mul3A_1065 = arith.mulf %get3A_47, %get3A_1050 : vector<16xf32>
      %add3A_1066 = arith.addf %add3A_1064, %mul3A_1065 : vector<16xf32>
      %max3A_1067 = arith.constant 0.000000e+00 : f32
      %max3A_1068 = vector.broadcast %max3A_1067 : f32 to vector<16xf32>
      %max3A_1069 = arith.maximumf %add3A_1066, %max3A_1068 : vector<16xf32>
      %mul3A_1070 = arith.mulf %max3A_1069, %get3A_1052 : vector<16xf32>
      %add3A_1071 = arith.addf %add3A_959, %mul3A_1070 : vector<16xf32>
      %gather3A_1072 = arith.constant 288 : i32
      %gather3A_1073 = tpu.memref_slice %arg19[%gather3A_1072] : memref<2048xf32, #tpu.memory_space<vmem>> -> memref<32xf32, #tpu.memory_space<vmem>>
      %gather3A_1074 = tpu.vector_load_idx %gather3A_1073[%max3A_39] : memref<32xf32, #tpu.memory_space<vmem>>[vector<16xi32>], vector<16xf32>,
      %get3A_1075 = arith.constant 432 : index
      %get3A_1076 = tpu.vector_load %arg20[%get3A_1075] {strides = array<i32>} : memref<3072xf32, #tpu.memory_space<vmem>>, vector<16xf32>,
      %get3A_1077 = arith.constant 448 : index
      %get3A_1078 = tpu.vector_load %arg20[%get3A_1077] {strides = array<i32>} : memref<3072xf32, #tpu.memory_space<vmem>>, vector<16xf32>,
      %get3A_1079 = arith.constant 464 : index
      %get3A_1080 = tpu.vector_load %arg20[%get3A_1079] {strides = array<i32>} : memref<3072xf32, #tpu.memory_space<vmem>>, vector<16xf32>,
      %slice3A_1081 = vector.extract_strided_slice %get3A_51 {offsets = [9], sizes = [1], strides = [1]} : vector<16xf32> to vector<1xf32>
      %squeeze3A_1082 = vector.extract %slice3A_1081[0] : f32 from vector<1xf32>
      %mul3A_1083 = vector.broadcast %squeeze3A_1082 : f32 to vector<16xf32>
      %mul3A_1084 = arith.mulf %get3A_41, %mul3A_1083 : vector<16xf32>
      %add3A_1085 = arith.addf %gather3A_1074, %mul3A_1084 : vector<16xf32>
      %slice3A_1086 = vector.extract_strided_slice %get3A_59 {offsets = [9], sizes = [1], strides = [1]} : vector<16xf32> to vector<1xf32>
      %squeeze3A_1087 = vector.extract %slice3A_1086[0] : f32 from vector<1xf32>
      %mul3A_1088 = vector.broadcast %squeeze3A_1087 : f32 to vector<16xf32>
      %mul3A_1089 = arith.mulf %get3A_43, %mul3A_1088 : vector<16xf32>
      %add3A_1090 = arith.addf %add3A_1085, %mul3A_1089 : vector<16xf32>
      %mul3A_1091 = arith.mulf %get3A_45, %get3A_1076 : vector<16xf32>
      %add3A_1092 = arith.addf %add3A_1090, %mul3A_1091 : vector<16xf32>
      %mul3A_1093 = arith.mulf %get3A_47, %get3A_1078 : vector<16xf32>
      %add3A_1094 = arith.addf %add3A_1092, %mul3A_1093 : vector<16xf32>
      %max3A_1095 = arith.constant 0.000000e+00 : f32
      %max3A_1096 = vector.broadcast %max3A_1095 : f32 to vector<16xf32>
      %max3A_1097 = arith.maximumf %add3A_1094, %max3A_1096 : vector<16xf32>
      %mul3A_1098 = arith.mulf %max3A_1097, %get3A_1080 : vector<16xf32>
      %add3A_1099 = arith.addf %add3A_987, %mul3A_1098 : vector<16xf32>
      %gather3A_1100 = arith.constant 800 : i32
      %gather3A_1101 = tpu.memref_slice %arg19[%gather3A_1100] : memref<2048xf32, #tpu.memory_space<vmem>> -> memref<32xf32, #tpu.memory_space<vmem>>
      %gather3A_1102 = tpu.vector_load_idx %gather3A_1101[%max3A_39] : memref<32xf32, #tpu.memory_space<vmem>>[vector<16xi32>], vector<16xf32>,
      %get3A_1103 = arith.constant 1200 : index
      %get3A_1104 = tpu.vector_load %arg20[%get3A_1103] {strides = array<i32>} : memref<3072xf32, #tpu.memory_space<vmem>>, vector<16xf32>,
      %get3A_1105 = arith.constant 1216 : index
      %get3A_1106 = tpu.vector_load %arg20[%get3A_1105] {strides = array<i32>} : memref<3072xf32, #tpu.memory_space<vmem>>, vector<16xf32>,
      %get3A_1107 = arith.constant 1232 : index
      %get3A_1108 = tpu.vector_load %arg20[%get3A_1107] {strides = array<i32>} : memref<3072xf32, #tpu.memory_space<vmem>>, vector<16xf32>,
      %slice3A_1109 = vector.extract_strided_slice %get3A_53 {offsets = [9], sizes = [1], strides = [1]} : vector<16xf32> to vector<1xf32>
      %squeeze3A_1110 = vector.extract %slice3A_1109[0] : f32 from vector<1xf32>
      %mul3A_1111 = vector.broadcast %squeeze3A_1110 : f32 to vector<16xf32>
      %mul3A_1112 = arith.mulf %get3A_41, %mul3A_1111 : vector<16xf32>
      %add3A_1113 = arith.addf %gather3A_1102, %mul3A_1112 : vector<16xf32>
      %slice3A_1114 = vector.extract_strided_slice %get3A_61 {offsets = [9], sizes = [1], strides = [1]} : vector<16xf32> to vector<1xf32>
      %squeeze3A_1115 = vector.extract %slice3A_1114[0] : f32 from vector<1xf32>
      %mul3A_1116 = vector.broadcast %squeeze3A_1115 : f32 to vector<16xf32>
      %mul3A_1117 = arith.mulf %get3A_43, %mul3A_1116 : vector<16xf32>
      %add3A_1118 = arith.addf %add3A_1113, %mul3A_1117 : vector<16xf32>
      %mul3A_1119 = arith.mulf %get3A_45, %get3A_1104 : vector<16xf32>
      %add3A_1120 = arith.addf %add3A_1118, %mul3A_1119 : vector<16xf32>
      %mul3A_1121 = arith.mulf %get3A_47, %get3A_1106 : vector<16xf32>
      %add3A_1122 = arith.addf %add3A_1120, %mul3A_1121 : vector<16xf32>
      %max3A_1123 = arith.constant 0.000000e+00 : f32
      %max3A_1124 = vector.broadcast %max3A_1123 : f32 to vector<16xf32>
      %max3A_1125 = arith.maximumf %add3A_1122, %max3A_1124 : vector<16xf32>
      %mul3A_1126 = arith.mulf %max3A_1125, %get3A_1108 : vector<16xf32>
      %add3A_1127 = arith.addf %add3A_1015, %mul3A_1126 : vector<16xf32>
      %gather3A_1128 = arith.constant 1312 : i32
      %gather3A_1129 = tpu.memref_slice %arg19[%gather3A_1128] : memref<2048xf32, #tpu.memory_space<vmem>> -> memref<32xf32, #tpu.memory_space<vmem>>
      %gather3A_1130 = tpu.vector_load_idx %gather3A_1129[%max3A_39] : memref<32xf32, #tpu.memory_space<vmem>>[vector<16xi32>], vector<16xf32>,
      %get3A_1131 = arith.constant 1968 : index
      %get3A_1132 = tpu.vector_load %arg20[%get3A_1131] {strides = array<i32>} : memref<3072xf32, #tpu.memory_space<vmem>>, vector<16xf32>,
      %get3A_1133 = arith.constant 1984 : index
      %get3A_1134 = tpu.vector_load %arg20[%get3A_1133] {strides = array<i32>} : memref<3072xf32, #tpu.memory_space<vmem>>, vector<16xf32>,
      %get3A_1135 = arith.constant 2000 : index
      %get3A_1136 = tpu.vector_load %arg20[%get3A_1135] {strides = array<i32>} : memref<3072xf32, #tpu.memory_space<vmem>>, vector<16xf32>,
      %slice3A_1137 = vector.extract_strided_slice %get3A_55 {offsets = [9], sizes = [1], strides = [1]} : vector<16xf32> to vector<1xf32>
      %squeeze3A_1138 = vector.extract %slice3A_1137[0] : f32 from vector<1xf32>
      %mul3A_1139 = vector.broadcast %squeeze3A_1138 : f32 to vector<16xf32>
      %mul3A_1140 = arith.mulf %get3A_41, %mul3A_1139 : vector<16xf32>
      %add3A_1141 = arith.addf %gather3A_1130, %mul3A_1140 : vector<16xf32>
      %slice3A_1142 = vector.extract_strided_slice %get3A_63 {offsets = [9], sizes = [1], strides = [1]} : vector<16xf32> to vector<1xf32>
      %squeeze3A_1143 = vector.extract %slice3A_1142[0] : f32 from vector<1xf32>
      %mul3A_1144 = vector.broadcast %squeeze3A_1143 : f32 to vector<16xf32>
      %mul3A_1145 = arith.mulf %get3A_43, %mul3A_1144 : vector<16xf32>
      %add3A_1146 = arith.addf %add3A_1141, %mul3A_1145 : vector<16xf32>
      %mul3A_1147 = arith.mulf %get3A_45, %get3A_1132 : vector<16xf32>
      %add3A_1148 = arith.addf %add3A_1146, %mul3A_1147 : vector<16xf32>
      %mul3A_1149 = arith.mulf %get3A_47, %get3A_1134 : vector<16xf32>
      %add3A_1150 = arith.addf %add3A_1148, %mul3A_1149 : vector<16xf32>
      %max3A_1151 = arith.constant 0.000000e+00 : f32
      %max3A_1152 = vector.broadcast %max3A_1151 : f32 to vector<16xf32>
      %max3A_1153 = arith.maximumf %add3A_1150, %max3A_1152 : vector<16xf32>
      %mul3A_1154 = arith.mulf %max3A_1153, %get3A_1136 : vector<16xf32>
      %add3A_1155 = arith.addf %add3A_1043, %mul3A_1154 : vector<16xf32>
      %gather3A_1156 = arith.constant 1824 : i32
      %gather3A_1157 = tpu.memref_slice %arg19[%gather3A_1156] : memref<2048xf32, #tpu.memory_space<vmem>> -> memref<32xf32, #tpu.memory_space<vmem>>
      %gather3A_1158 = tpu.vector_load_idx %gather3A_1157[%max3A_39] : memref<32xf32, #tpu.memory_space<vmem>>[vector<16xi32>], vector<16xf32>,
      %get3A_1159 = arith.constant 2736 : index
      %get3A_1160 = tpu.vector_load %arg20[%get3A_1159] {strides = array<i32>} : memref<3072xf32, #tpu.memory_space<vmem>>, vector<16xf32>,
      %get3A_1161 = arith.constant 2752 : index
      %get3A_1162 = tpu.vector_load %arg20[%get3A_1161] {strides = array<i32>} : memref<3072xf32, #tpu.memory_space<vmem>>, vector<16xf32>,
      %get3A_1163 = arith.constant 2768 : index
      %get3A_1164 = tpu.vector_load %arg20[%get3A_1163] {strides = array<i32>} : memref<3072xf32, #tpu.memory_space<vmem>>, vector<16xf32>,
      %slice3A_1165 = vector.extract_strided_slice %get3A_57 {offsets = [9], sizes = [1], strides = [1]} : vector<16xf32> to vector<1xf32>
      %squeeze3A_1166 = vector.extract %slice3A_1165[0] : f32 from vector<1xf32>
      %mul3A_1167 = vector.broadcast %squeeze3A_1166 : f32 to vector<16xf32>
      %mul3A_1168 = arith.mulf %get3A_41, %mul3A_1167 : vector<16xf32>
      %add3A_1169 = arith.addf %gather3A_1158, %mul3A_1168 : vector<16xf32>
      %slice3A_1170 = vector.extract_strided_slice %get3A_65 {offsets = [9], sizes = [1], strides = [1]} : vector<16xf32> to vector<1xf32>
      %squeeze3A_1171 = vector.extract %slice3A_1170[0] : f32 from vector<1xf32>
      %mul3A_1172 = vector.broadcast %squeeze3A_1171 : f32 to vector<16xf32>
      %mul3A_1173 = arith.mulf %get3A_43, %mul3A_1172 : vector<16xf32>
      %add3A_1174 = arith.addf %add3A_1169, %mul3A_1173 : vector<16xf32>
      %mul3A_1175 = arith.mulf %get3A_45, %get3A_1160 : vector<16xf32>
      %add3A_1176 = arith.addf %add3A_1174, %mul3A_1175 : vector<16xf32>
      %mul3A_1177 = arith.mulf %get3A_47, %get3A_1162 : vector<16xf32>
      %add3A_1178 = arith.addf %add3A_1176, %mul3A_1177 : vector<16xf32>
      %max3A_1179 = arith.constant 0.000000e+00 : f32
      %max3A_1180 = vector.broadcast %max3A_1179 : f32 to vector<16xf32>
      %max3A_1181 = arith.maximumf %add3A_1178, %max3A_1180 : vector<16xf32>
      %mul3A_1182 = arith.mulf %max3A_1181, %get3A_1164 : vector<16xf32>
      %add3A_1183 = arith.addf %add3A_1071, %mul3A_1182 : vector<16xf32>
      %gather3A_1184 = arith.constant 320 : i32
      %gather3A_1185 = tpu.memref_slice %arg19[%gather3A_1184] : memref<2048xf32, #tpu.memory_space<vmem>> -> memref<32xf32, #tpu.memory_space<vmem>>
      %gather3A_1186 = tpu.vector_load_idx %gather3A_1185[%max3A_39] : memref<32xf32, #tpu.memory_space<vmem>>[vector<16xi32>], vector<16xf32>,
      %get3A_1187 = arith.constant 480 : index
      %get3A_1188 = tpu.vector_load %arg20[%get3A_1187] {strides = array<i32>} : memref<3072xf32, #tpu.memory_space<vmem>>, vector<16xf32>,
      %get3A_1189 = arith.constant 496 : index
      %get3A_1190 = tpu.vector_load %arg20[%get3A_1189] {strides = array<i32>} : memref<3072xf32, #tpu.memory_space<vmem>>, vector<16xf32>,
      %get3A_1191 = arith.constant 512 : index
      %get3A_1192 = tpu.vector_load %arg20[%get3A_1191] {strides = array<i32>} : memref<3072xf32, #tpu.memory_space<vmem>>, vector<16xf32>,
      %slice3A_1193 = vector.extract_strided_slice %get3A_51 {offsets = [10], sizes = [1], strides = [1]} : vector<16xf32> to vector<1xf32>
      %squeeze3A_1194 = vector.extract %slice3A_1193[0] : f32 from vector<1xf32>
      %mul3A_1195 = vector.broadcast %squeeze3A_1194 : f32 to vector<16xf32>
      %mul3A_1196 = arith.mulf %get3A_41, %mul3A_1195 : vector<16xf32>
      %add3A_1197 = arith.addf %gather3A_1186, %mul3A_1196 : vector<16xf32>
      %slice3A_1198 = vector.extract_strided_slice %get3A_59 {offsets = [10], sizes = [1], strides = [1]} : vector<16xf32> to vector<1xf32>
      %squeeze3A_1199 = vector.extract %slice3A_1198[0] : f32 from vector<1xf32>
      %mul3A_1200 = vector.broadcast %squeeze3A_1199 : f32 to vector<16xf32>
      %mul3A_1201 = arith.mulf %get3A_43, %mul3A_1200 : vector<16xf32>
      %add3A_1202 = arith.addf %add3A_1197, %mul3A_1201 : vector<16xf32>
      %mul3A_1203 = arith.mulf %get3A_45, %get3A_1188 : vector<16xf32>
      %add3A_1204 = arith.addf %add3A_1202, %mul3A_1203 : vector<16xf32>
      %mul3A_1205 = arith.mulf %get3A_47, %get3A_1190 : vector<16xf32>
      %add3A_1206 = arith.addf %add3A_1204, %mul3A_1205 : vector<16xf32>
      %max3A_1207 = arith.constant 0.000000e+00 : f32
      %max3A_1208 = vector.broadcast %max3A_1207 : f32 to vector<16xf32>
      %max3A_1209 = arith.maximumf %add3A_1206, %max3A_1208 : vector<16xf32>
      %mul3A_1210 = arith.mulf %max3A_1209, %get3A_1192 : vector<16xf32>
      %add3A_1211 = arith.addf %add3A_1099, %mul3A_1210 : vector<16xf32>
      %gather3A_1212 = arith.constant 832 : i32
      %gather3A_1213 = tpu.memref_slice %arg19[%gather3A_1212] : memref<2048xf32, #tpu.memory_space<vmem>> -> memref<32xf32, #tpu.memory_space<vmem>>
      %gather3A_1214 = tpu.vector_load_idx %gather3A_1213[%max3A_39] : memref<32xf32, #tpu.memory_space<vmem>>[vector<16xi32>], vector<16xf32>,
      %get3A_1215 = arith.constant 1248 : index
      %get3A_1216 = tpu.vector_load %arg20[%get3A_1215] {strides = array<i32>} : memref<3072xf32, #tpu.memory_space<vmem>>, vector<16xf32>,
      %get3A_1217 = arith.constant 1264 : index
      %get3A_1218 = tpu.vector_load %arg20[%get3A_1217] {strides = array<i32>} : memref<3072xf32, #tpu.memory_space<vmem>>, vector<16xf32>,
      %get3A_1219 = arith.constant 1280 : index
      %get3A_1220 = tpu.vector_load %arg20[%get3A_1219] {strides = array<i32>} : memref<3072xf32, #tpu.memory_space<vmem>>, vector<16xf32>,
      %slice3A_1221 = vector.extract_strided_slice %get3A_53 {offsets = [10], sizes = [1], strides = [1]} : vector<16xf32> to vector<1xf32>
      %squeeze3A_1222 = vector.extract %slice3A_1221[0] : f32 from vector<1xf32>
      %mul3A_1223 = vector.broadcast %squeeze3A_1222 : f32 to vector<16xf32>
      %mul3A_1224 = arith.mulf %get3A_41, %mul3A_1223 : vector<16xf32>
      %add3A_1225 = arith.addf %gather3A_1214, %mul3A_1224 : vector<16xf32>
      %slice3A_1226 = vector.extract_strided_slice %get3A_61 {offsets = [10], sizes = [1], strides = [1]} : vector<16xf32> to vector<1xf32>
      %squeeze3A_1227 = vector.extract %slice3A_1226[0] : f32 from vector<1xf32>
      %mul3A_1228 = vector.broadcast %squeeze3A_1227 : f32 to vector<16xf32>
      %mul3A_1229 = arith.mulf %get3A_43, %mul3A_1228 : vector<16xf32>
      %add3A_1230 = arith.addf %add3A_1225, %mul3A_1229 : vector<16xf32>
      %mul3A_1231 = arith.mulf %get3A_45, %get3A_1216 : vector<16xf32>
      %add3A_1232 = arith.addf %add3A_1230, %mul3A_1231 : vector<16xf32>
      %mul3A_1233 = arith.mulf %get3A_47, %get3A_1218 : vector<16xf32>
      %add3A_1234 = arith.addf %add3A_1232, %mul3A_1233 : vector<16xf32>
      %max3A_1235 = arith.constant 0.000000e+00 : f32
      %max3A_1236 = vector.broadcast %max3A_1235 : f32 to vector<16xf32>
      %max3A_1237 = arith.maximumf %add3A_1234, %max3A_1236 : vector<16xf32>
      %mul3A_1238 = arith.mulf %max3A_1237, %get3A_1220 : vector<16xf32>
      %add3A_1239 = arith.addf %add3A_1127, %mul3A_1238 : vector<16xf32>
      %gather3A_1240 = arith.constant 1344 : i32
      %gather3A_1241 = tpu.memref_slice %arg19[%gather3A_1240] : memref<2048xf32, #tpu.memory_space<vmem>> -> memref<32xf32, #tpu.memory_space<vmem>>
      %gather3A_1242 = tpu.vector_load_idx %gather3A_1241[%max3A_39] : memref<32xf32, #tpu.memory_space<vmem>>[vector<16xi32>], vector<16xf32>,
      %get3A_1243 = arith.constant 2016 : index
      %get3A_1244 = tpu.vector_load %arg20[%get3A_1243] {strides = array<i32>} : memref<3072xf32, #tpu.memory_space<vmem>>, vector<16xf32>,
      %get3A_1245 = arith.constant 2032 : index
      %get3A_1246 = tpu.vector_load %arg20[%get3A_1245] {strides = array<i32>} : memref<3072xf32, #tpu.memory_space<vmem>>, vector<16xf32>,
      %get3A_1247 = arith.constant 2048 : index
      %get3A_1248 = tpu.vector_load %arg20[%get3A_1247] {strides = array<i32>} : memref<3072xf32, #tpu.memory_space<vmem>>, vector<16xf32>,
      %slice3A_1249 = vector.extract_strided_slice %get3A_55 {offsets = [10], sizes = [1], strides = [1]} : vector<16xf32> to vector<1xf32>
      %squeeze3A_1250 = vector.extract %slice3A_1249[0] : f32 from vector<1xf32>
      %mul3A_1251 = vector.broadcast %squeeze3A_1250 : f32 to vector<16xf32>
      %mul3A_1252 = arith.mulf %get3A_41, %mul3A_1251 : vector<16xf32>
      %add3A_1253 = arith.addf %gather3A_1242, %mul3A_1252 : vector<16xf32>
      %slice3A_1254 = vector.extract_strided_slice %get3A_63 {offsets = [10], sizes = [1], strides = [1]} : vector<16xf32> to vector<1xf32>
      %squeeze3A_1255 = vector.extract %slice3A_1254[0] : f32 from vector<1xf32>
      %mul3A_1256 = vector.broadcast %squeeze3A_1255 : f32 to vector<16xf32>
      %mul3A_1257 = arith.mulf %get3A_43, %mul3A_1256 : vector<16xf32>
      %add3A_1258 = arith.addf %add3A_1253, %mul3A_1257 : vector<16xf32>
      %mul3A_1259 = arith.mulf %get3A_45, %get3A_1244 : vector<16xf32>
      %add3A_1260 = arith.addf %add3A_1258, %mul3A_1259 : vector<16xf32>
      %mul3A_1261 = arith.mulf %get3A_47, %get3A_1246 : vector<16xf32>
      %add3A_1262 = arith.addf %add3A_1260, %mul3A_1261 : vector<16xf32>
      %max3A_1263 = arith.constant 0.000000e+00 : f32
      %max3A_1264 = vector.broadcast %max3A_1263 : f32 to vector<16xf32>
      %max3A_1265 = arith.maximumf %add3A_1262, %max3A_1264 : vector<16xf32>
      %mul3A_1266 = arith.mulf %max3A_1265, %get3A_1248 : vector<16xf32>
      %add3A_1267 = arith.addf %add3A_1155, %mul3A_1266 : vector<16xf32>
      %gather3A_1268 = arith.constant 1856 : i32
      %gather3A_1269 = tpu.memref_slice %arg19[%gather3A_1268] : memref<2048xf32, #tpu.memory_space<vmem>> -> memref<32xf32, #tpu.memory_space<vmem>>
      %gather3A_1270 = tpu.vector_load_idx %gather3A_1269[%max3A_39] : memref<32xf32, #tpu.memory_space<vmem>>[vector<16xi32>], vector<16xf32>,
      %get3A_1271 = arith.constant 2784 : index
      %get3A_1272 = tpu.vector_load %arg20[%get3A_1271] {strides = array<i32>} : memref<3072xf32, #tpu.memory_space<vmem>>, vector<16xf32>,
      %get3A_1273 = arith.constant 2800 : index
      %get3A_1274 = tpu.vector_load %arg20[%get3A_1273] {strides = array<i32>} : memref<3072xf32, #tpu.memory_space<vmem>>, vector<16xf32>,
      %get3A_1275 = arith.constant 2816 : index
      %get3A_1276 = tpu.vector_load %arg20[%get3A_1275] {strides = array<i32>} : memref<3072xf32, #tpu.memory_space<vmem>>, vector<16xf32>,
      %slice3A_1277 = vector.extract_strided_slice %get3A_57 {offsets = [10], sizes = [1], strides = [1]} : vector<16xf32> to vector<1xf32>
      %squeeze3A_1278 = vector.extract %slice3A_1277[0] : f32 from vector<1xf32>
      %mul3A_1279 = vector.broadcast %squeeze3A_1278 : f32 to vector<16xf32>
      %mul3A_1280 = arith.mulf %get3A_41, %mul3A_1279 : vector<16xf32>
      %add3A_1281 = arith.addf %gather3A_1270, %mul3A_1280 : vector<16xf32>
      %slice3A_1282 = vector.extract_strided_slice %get3A_65 {offsets = [10], sizes = [1], strides = [1]} : vector<16xf32> to vector<1xf32>
      %squeeze3A_1283 = vector.extract %slice3A_1282[0] : f32 from vector<1xf32>
      %mul3A_1284 = vector.broadcast %squeeze3A_1283 : f32 to vector<16xf32>
      %mul3A_1285 = arith.mulf %get3A_43, %mul3A_1284 : vector<16xf32>
      %add3A_1286 = arith.addf %add3A_1281, %mul3A_1285 : vector<16xf32>
      %mul3A_1287 = arith.mulf %get3A_45, %get3A_1272 : vector<16xf32>
      %add3A_1288 = arith.addf %add3A_1286, %mul3A_1287 : vector<16xf32>
      %mul3A_1289 = arith.mulf %get3A_47, %get3A_1274 : vector<16xf32>
      %add3A_1290 = arith.addf %add3A_1288, %mul3A_1289 : vector<16xf32>
      %max3A_1291 = arith.constant 0.000000e+00 : f32
      %max3A_1292 = vector.broadcast %max3A_1291 : f32 to vector<16xf32>
      %max3A_1293 = arith.maximumf %add3A_1290, %max3A_1292 : vector<16xf32>
      %mul3A_1294 = arith.mulf %max3A_1293, %get3A_1276 : vector<16xf32>
      %add3A_1295 = arith.addf %add3A_1183, %mul3A_1294 : vector<16xf32>
      %gather3A_1296 = arith.constant 352 : i32
      %gather3A_1297 = tpu.memref_slice %arg19[%gather3A_1296] : memref<2048xf32, #tpu.memory_space<vmem>> -> memref<32xf32, #tpu.memory_space<vmem>>
      %gather3A_1298 = tpu.vector_load_idx %gather3A_1297[%max3A_39] : memref<32xf32, #tpu.memory_space<vmem>>[vector<16xi32>], vector<16xf32>,
      %get3A_1299 = arith.constant 528 : index
      %get3A_1300 = tpu.vector_load %arg20[%get3A_1299] {strides = array<i32>} : memref<3072xf32, #tpu.memory_space<vmem>>, vector<16xf32>,
      %get3A_1301 = arith.constant 544 : index
      %get3A_1302 = tpu.vector_load %arg20[%get3A_1301] {strides = array<i32>} : memref<3072xf32, #tpu.memory_space<vmem>>, vector<16xf32>,
      %get3A_1303 = arith.constant 560 : index
      %get3A_1304 = tpu.vector_load %arg20[%get3A_1303] {strides = array<i32>} : memref<3072xf32, #tpu.memory_space<vmem>>, vector<16xf32>,
      %slice3A_1305 = vector.extract_strided_slice %get3A_51 {offsets = [11], sizes = [1], strides = [1]} : vector<16xf32> to vector<1xf32>
      %squeeze3A_1306 = vector.extract %slice3A_1305[0] : f32 from vector<1xf32>
      %mul3A_1307 = vector.broadcast %squeeze3A_1306 : f32 to vector<16xf32>
      %mul3A_1308 = arith.mulf %get3A_41, %mul3A_1307 : vector<16xf32>
      %add3A_1309 = arith.addf %gather3A_1298, %mul3A_1308 : vector<16xf32>
      %slice3A_1310 = vector.extract_strided_slice %get3A_59 {offsets = [11], sizes = [1], strides = [1]} : vector<16xf32> to vector<1xf32>
      %squeeze3A_1311 = vector.extract %slice3A_1310[0] : f32 from vector<1xf32>
      %mul3A_1312 = vector.broadcast %squeeze3A_1311 : f32 to vector<16xf32>
      %mul3A_1313 = arith.mulf %get3A_43, %mul3A_1312 : vector<16xf32>
      %add3A_1314 = arith.addf %add3A_1309, %mul3A_1313 : vector<16xf32>
      %mul3A_1315 = arith.mulf %get3A_45, %get3A_1300 : vector<16xf32>
      %add3A_1316 = arith.addf %add3A_1314, %mul3A_1315 : vector<16xf32>
      %mul3A_1317 = arith.mulf %get3A_47, %get3A_1302 : vector<16xf32>
      %add3A_1318 = arith.addf %add3A_1316, %mul3A_1317 : vector<16xf32>
      %max3A_1319 = arith.constant 0.000000e+00 : f32
      %max3A_1320 = vector.broadcast %max3A_1319 : f32 to vector<16xf32>
      %max3A_1321 = arith.maximumf %add3A_1318, %max3A_1320 : vector<16xf32>
      %mul3A_1322 = arith.mulf %max3A_1321, %get3A_1304 : vector<16xf32>
      %add3A_1323 = arith.addf %add3A_1211, %mul3A_1322 : vector<16xf32>
      %gather3A_1324 = arith.constant 864 : i32
      %gather3A_1325 = tpu.memref_slice %arg19[%gather3A_1324] : memref<2048xf32, #tpu.memory_space<vmem>> -> memref<32xf32, #tpu.memory_space<vmem>>
      %gather3A_1326 = tpu.vector_load_idx %gather3A_1325[%max3A_39] : memref<32xf32, #tpu.memory_space<vmem>>[vector<16xi32>], vector<16xf32>,
      %get3A_1327 = arith.constant 1296 : index
      %get3A_1328 = tpu.vector_load %arg20[%get3A_1327] {strides = array<i32>} : memref<3072xf32, #tpu.memory_space<vmem>>, vector<16xf32>,
      %get3A_1329 = arith.constant 1312 : index
      %get3A_1330 = tpu.vector_load %arg20[%get3A_1329] {strides = array<i32>} : memref<3072xf32, #tpu.memory_space<vmem>>, vector<16xf32>,
      %get3A_1331 = arith.constant 1328 : index
      %get3A_1332 = tpu.vector_load %arg20[%get3A_1331] {strides = array<i32>} : memref<3072xf32, #tpu.memory_space<vmem>>, vector<16xf32>,
      %slice3A_1333 = vector.extract_strided_slice %get3A_53 {offsets = [11], sizes = [1], strides = [1]} : vector<16xf32> to vector<1xf32>
      %squeeze3A_1334 = vector.extract %slice3A_1333[0] : f32 from vector<1xf32>
      %mul3A_1335 = vector.broadcast %squeeze3A_1334 : f32 to vector<16xf32>
      %mul3A_1336 = arith.mulf %get3A_41, %mul3A_1335 : vector<16xf32>
      %add3A_1337 = arith.addf %gather3A_1326, %mul3A_1336 : vector<16xf32>
      %slice3A_1338 = vector.extract_strided_slice %get3A_61 {offsets = [11], sizes = [1], strides = [1]} : vector<16xf32> to vector<1xf32>
      %squeeze3A_1339 = vector.extract %slice3A_1338[0] : f32 from vector<1xf32>
      %mul3A_1340 = vector.broadcast %squeeze3A_1339 : f32 to vector<16xf32>
      %mul3A_1341 = arith.mulf %get3A_43, %mul3A_1340 : vector<16xf32>
      %add3A_1342 = arith.addf %add3A_1337, %mul3A_1341 : vector<16xf32>
      %mul3A_1343 = arith.mulf %get3A_45, %get3A_1328 : vector<16xf32>
      %add3A_1344 = arith.addf %add3A_1342, %mul3A_1343 : vector<16xf32>
      %mul3A_1345 = arith.mulf %get3A_47, %get3A_1330 : vector<16xf32>
      %add3A_1346 = arith.addf %add3A_1344, %mul3A_1345 : vector<16xf32>
      %max3A_1347 = arith.constant 0.000000e+00 : f32
      %max3A_1348 = vector.broadcast %max3A_1347 : f32 to vector<16xf32>
      %max3A_1349 = arith.maximumf %add3A_1346, %max3A_1348 : vector<16xf32>
      %mul3A_1350 = arith.mulf %max3A_1349, %get3A_1332 : vector<16xf32>
      %add3A_1351 = arith.addf %add3A_1239, %mul3A_1350 : vector<16xf32>
      %gather3A_1352 = arith.constant 1376 : i32
      %gather3A_1353 = tpu.memref_slice %arg19[%gather3A_1352] : memref<2048xf32, #tpu.memory_space<vmem>> -> memref<32xf32, #tpu.memory_space<vmem>>
      %gather3A_1354 = tpu.vector_load_idx %gather3A_1353[%max3A_39] : memref<32xf32, #tpu.memory_space<vmem>>[vector<16xi32>], vector<16xf32>,
      %get3A_1355 = arith.constant 2064 : index
      %get3A_1356 = tpu.vector_load %arg20[%get3A_1355] {strides = array<i32>} : memref<3072xf32, #tpu.memory_space<vmem>>, vector<16xf32>,
      %get3A_1357 = arith.constant 2080 : index
      %get3A_1358 = tpu.vector_load %arg20[%get3A_1357] {strides = array<i32>} : memref<3072xf32, #tpu.memory_space<vmem>>, vector<16xf32>,
      %get3A_1359 = arith.constant 2096 : index
      %get3A_1360 = tpu.vector_load %arg20[%get3A_1359] {strides = array<i32>} : memref<3072xf32, #tpu.memory_space<vmem>>, vector<16xf32>,
      %slice3A_1361 = vector.extract_strided_slice %get3A_55 {offsets = [11], sizes = [1], strides = [1]} : vector<16xf32> to vector<1xf32>
      %squeeze3A_1362 = vector.extract %slice3A_1361[0] : f32 from vector<1xf32>
      %mul3A_1363 = vector.broadcast %squeeze3A_1362 : f32 to vector<16xf32>
      %mul3A_1364 = arith.mulf %get3A_41, %mul3A_1363 : vector<16xf32>
      %add3A_1365 = arith.addf %gather3A_1354, %mul3A_1364 : vector<16xf32>
      %slice3A_1366 = vector.extract_strided_slice %get3A_63 {offsets = [11], sizes = [1], strides = [1]} : vector<16xf32> to vector<1xf32>
      %squeeze3A_1367 = vector.extract %slice3A_1366[0] : f32 from vector<1xf32>
      %mul3A_1368 = vector.broadcast %squeeze3A_1367 : f32 to vector<16xf32>
      %mul3A_1369 = arith.mulf %get3A_43, %mul3A_1368 : vector<16xf32>
      %add3A_1370 = arith.addf %add3A_1365, %mul3A_1369 : vector<16xf32>
      %mul3A_1371 = arith.mulf %get3A_45, %get3A_1356 : vector<16xf32>
      %add3A_1372 = arith.addf %add3A_1370, %mul3A_1371 : vector<16xf32>
      %mul3A_1373 = arith.mulf %get3A_47, %get3A_1358 : vector<16xf32>
      %add3A_1374 = arith.addf %add3A_1372, %mul3A_1373 : vector<16xf32>
      %max3A_1375 = arith.constant 0.000000e+00 : f32
      %max3A_1376 = vector.broadcast %max3A_1375 : f32 to vector<16xf32>
      %max3A_1377 = arith.maximumf %add3A_1374, %max3A_1376 : vector<16xf32>
      %mul3A_1378 = arith.mulf %max3A_1377, %get3A_1360 : vector<16xf32>
      %add3A_1379 = arith.addf %add3A_1267, %mul3A_1378 : vector<16xf32>
      %gather3A_1380 = arith.constant 1888 : i32
      %gather3A_1381 = tpu.memref_slice %arg19[%gather3A_1380] : memref<2048xf32, #tpu.memory_space<vmem>> -> memref<32xf32, #tpu.memory_space<vmem>>
      %gather3A_1382 = tpu.vector_load_idx %gather3A_1381[%max3A_39] : memref<32xf32, #tpu.memory_space<vmem>>[vector<16xi32>], vector<16xf32>,
      %get3A_1383 = arith.constant 2832 : index
      %get3A_1384 = tpu.vector_load %arg20[%get3A_1383] {strides = array<i32>} : memref<3072xf32, #tpu.memory_space<vmem>>, vector<16xf32>,
      %get3A_1385 = arith.constant 2848 : index
      %get3A_1386 = tpu.vector_load %arg20[%get3A_1385] {strides = array<i32>} : memref<3072xf32, #tpu.memory_space<vmem>>, vector<16xf32>,
      %get3A_1387 = arith.constant 2864 : index
      %get3A_1388 = tpu.vector_load %arg20[%get3A_1387] {strides = array<i32>} : memref<3072xf32, #tpu.memory_space<vmem>>, vector<16xf32>,
      %slice3A_1389 = vector.extract_strided_slice %get3A_57 {offsets = [11], sizes = [1], strides = [1]} : vector<16xf32> to vector<1xf32>
      %squeeze3A_1390 = vector.extract %slice3A_1389[0] : f32 from vector<1xf32>
      %mul3A_1391 = vector.broadcast %squeeze3A_1390 : f32 to vector<16xf32>
      %mul3A_1392 = arith.mulf %get3A_41, %mul3A_1391 : vector<16xf32>
      %add3A_1393 = arith.addf %gather3A_1382, %mul3A_1392 : vector<16xf32>
      %slice3A_1394 = vector.extract_strided_slice %get3A_65 {offsets = [11], sizes = [1], strides = [1]} : vector<16xf32> to vector<1xf32>
      %squeeze3A_1395 = vector.extract %slice3A_1394[0] : f32 from vector<1xf32>
      %mul3A_1396 = vector.broadcast %squeeze3A_1395 : f32 to vector<16xf32>
      %mul3A_1397 = arith.mulf %get3A_43, %mul3A_1396 : vector<16xf32>
      %add3A_1398 = arith.addf %add3A_1393, %mul3A_1397 : vector<16xf32>
      %mul3A_1399 = arith.mulf %get3A_45, %get3A_1384 : vector<16xf32>
      %add3A_1400 = arith.addf %add3A_1398, %mul3A_1399 : vector<16xf32>
      %mul3A_1401 = arith.mulf %get3A_47, %get3A_1386 : vector<16xf32>
      %add3A_1402 = arith.addf %add3A_1400, %mul3A_1401 : vector<16xf32>
      %max3A_1403 = arith.constant 0.000000e+00 : f32
      %max3A_1404 = vector.broadcast %max3A_1403 : f32 to vector<16xf32>
      %max3A_1405 = arith.maximumf %add3A_1402, %max3A_1404 : vector<16xf32>
      %mul3A_1406 = arith.mulf %max3A_1405, %get3A_1388 : vector<16xf32>
      %add3A_1407 = arith.addf %add3A_1295, %mul3A_1406 : vector<16xf32>
      %gather3A_1408 = arith.constant 384 : i32
      %gather3A_1409 = tpu.memref_slice %arg19[%gather3A_1408] : memref<2048xf32, #tpu.memory_space<vmem>> -> memref<32xf32, #tpu.memory_space<vmem>>
      %gather3A_1410 = tpu.vector_load_idx %gather3A_1409[%max3A_39] : memref<32xf32, #tpu.memory_space<vmem>>[vector<16xi32>], vector<16xf32>,
      %get3A_1411 = arith.constant 576 : index
      %get3A_1412 = tpu.vector_load %arg20[%get3A_1411] {strides = array<i32>} : memref<3072xf32, #tpu.memory_space<vmem>>, vector<16xf32>,
      %get3A_1413 = arith.constant 592 : index
      %get3A_1414 = tpu.vector_load %arg20[%get3A_1413] {strides = array<i32>} : memref<3072xf32, #tpu.memory_space<vmem>>, vector<16xf32>,
      %get3A_1415 = arith.constant 608 : index
      %get3A_1416 = tpu.vector_load %arg20[%get3A_1415] {strides = array<i32>} : memref<3072xf32, #tpu.memory_space<vmem>>, vector<16xf32>,
      %slice3A_1417 = vector.extract_strided_slice %get3A_51 {offsets = [12], sizes = [1], strides = [1]} : vector<16xf32> to vector<1xf32>
      %squeeze3A_1418 = vector.extract %slice3A_1417[0] : f32 from vector<1xf32>
      %mul3A_1419 = vector.broadcast %squeeze3A_1418 : f32 to vector<16xf32>
      %mul3A_1420 = arith.mulf %get3A_41, %mul3A_1419 : vector<16xf32>
      %add3A_1421 = arith.addf %gather3A_1410, %mul3A_1420 : vector<16xf32>
      %slice3A_1422 = vector.extract_strided_slice %get3A_59 {offsets = [12], sizes = [1], strides = [1]} : vector<16xf32> to vector<1xf32>
      %squeeze3A_1423 = vector.extract %slice3A_1422[0] : f32 from vector<1xf32>
      %mul3A_1424 = vector.broadcast %squeeze3A_1423 : f32 to vector<16xf32>
      %mul3A_1425 = arith.mulf %get3A_43, %mul3A_1424 : vector<16xf32>
      %add3A_1426 = arith.addf %add3A_1421, %mul3A_1425 : vector<16xf32>
      %mul3A_1427 = arith.mulf %get3A_45, %get3A_1412 : vector<16xf32>
      %add3A_1428 = arith.addf %add3A_1426, %mul3A_1427 : vector<16xf32>
      %mul3A_1429 = arith.mulf %get3A_47, %get3A_1414 : vector<16xf32>
      %add3A_1430 = arith.addf %add3A_1428, %mul3A_1429 : vector<16xf32>
      %max3A_1431 = arith.constant 0.000000e+00 : f32
      %max3A_1432 = vector.broadcast %max3A_1431 : f32 to vector<16xf32>
      %max3A_1433 = arith.maximumf %add3A_1430, %max3A_1432 : vector<16xf32>
      %mul3A_1434 = arith.mulf %max3A_1433, %get3A_1416 : vector<16xf32>
      %add3A_1435 = arith.addf %add3A_1323, %mul3A_1434 : vector<16xf32>
      %gather3A_1436 = arith.constant 896 : i32
      %gather3A_1437 = tpu.memref_slice %arg19[%gather3A_1436] : memref<2048xf32, #tpu.memory_space<vmem>> -> memref<32xf32, #tpu.memory_space<vmem>>
      %gather3A_1438 = tpu.vector_load_idx %gather3A_1437[%max3A_39] : memref<32xf32, #tpu.memory_space<vmem>>[vector<16xi32>], vector<16xf32>,
      %get3A_1439 = arith.constant 1344 : index
      %get3A_1440 = tpu.vector_load %arg20[%get3A_1439] {strides = array<i32>} : memref<3072xf32, #tpu.memory_space<vmem>>, vector<16xf32>,
      %get3A_1441 = arith.constant 1360 : index
      %get3A_1442 = tpu.vector_load %arg20[%get3A_1441] {strides = array<i32>} : memref<3072xf32, #tpu.memory_space<vmem>>, vector<16xf32>,
      %get3A_1443 = arith.constant 1376 : index
      %get3A_1444 = tpu.vector_load %arg20[%get3A_1443] {strides = array<i32>} : memref<3072xf32, #tpu.memory_space<vmem>>, vector<16xf32>,
      %slice3A_1445 = vector.extract_strided_slice %get3A_53 {offsets = [12], sizes = [1], strides = [1]} : vector<16xf32> to vector<1xf32>
      %squeeze3A_1446 = vector.extract %slice3A_1445[0] : f32 from vector<1xf32>
      %mul3A_1447 = vector.broadcast %squeeze3A_1446 : f32 to vector<16xf32>
      %mul3A_1448 = arith.mulf %get3A_41, %mul3A_1447 : vector<16xf32>
      %add3A_1449 = arith.addf %gather3A_1438, %mul3A_1448 : vector<16xf32>
      %slice3A_1450 = vector.extract_strided_slice %get3A_61 {offsets = [12], sizes = [1], strides = [1]} : vector<16xf32> to vector<1xf32>
      %squeeze3A_1451 = vector.extract %slice3A_1450[0] : f32 from vector<1xf32>
      %mul3A_1452 = vector.broadcast %squeeze3A_1451 : f32 to vector<16xf32>
      %mul3A_1453 = arith.mulf %get3A_43, %mul3A_1452 : vector<16xf32>
      %add3A_1454 = arith.addf %add3A_1449, %mul3A_1453 : vector<16xf32>
      %mul3A_1455 = arith.mulf %get3A_45, %get3A_1440 : vector<16xf32>
      %add3A_1456 = arith.addf %add3A_1454, %mul3A_1455 : vector<16xf32>
      %mul3A_1457 = arith.mulf %get3A_47, %get3A_1442 : vector<16xf32>
      %add3A_1458 = arith.addf %add3A_1456, %mul3A_1457 : vector<16xf32>
      %max3A_1459 = arith.constant 0.000000e+00 : f32
      %max3A_1460 = vector.broadcast %max3A_1459 : f32 to vector<16xf32>
      %max3A_1461 = arith.maximumf %add3A_1458, %max3A_1460 : vector<16xf32>
      %mul3A_1462 = arith.mulf %max3A_1461, %get3A_1444 : vector<16xf32>
      %add3A_1463 = arith.addf %add3A_1351, %mul3A_1462 : vector<16xf32>
      %gather3A_1464 = arith.constant 1408 : i32
      %gather3A_1465 = tpu.memref_slice %arg19[%gather3A_1464] : memref<2048xf32, #tpu.memory_space<vmem>> -> memref<32xf32, #tpu.memory_space<vmem>>
      %gather3A_1466 = tpu.vector_load_idx %gather3A_1465[%max3A_39] : memref<32xf32, #tpu.memory_space<vmem>>[vector<16xi32>], vector<16xf32>,
      %get3A_1467 = arith.constant 2112 : index
      %get3A_1468 = tpu.vector_load %arg20[%get3A_1467] {strides = array<i32>} : memref<3072xf32, #tpu.memory_space<vmem>>, vector<16xf32>,
      %get3A_1469 = arith.constant 2128 : index
      %get3A_1470 = tpu.vector_load %arg20[%get3A_1469] {strides = array<i32>} : memref<3072xf32, #tpu.memory_space<vmem>>, vector<16xf32>,
      %get3A_1471 = arith.constant 2144 : index
      %get3A_1472 = tpu.vector_load %arg20[%get3A_1471] {strides = array<i32>} : memref<3072xf32, #tpu.memory_space<vmem>>, vector<16xf32>,
      %slice3A_1473 = vector.extract_strided_slice %get3A_55 {offsets = [12], sizes = [1], strides = [1]} : vector<16xf32> to vector<1xf32>
      %squeeze3A_1474 = vector.extract %slice3A_1473[0] : f32 from vector<1xf32>
      %mul3A_1475 = vector.broadcast %squeeze3A_1474 : f32 to vector<16xf32>
      %mul3A_1476 = arith.mulf %get3A_41, %mul3A_1475 : vector<16xf32>
      %add3A_1477 = arith.addf %gather3A_1466, %mul3A_1476 : vector<16xf32>
      %slice3A_1478 = vector.extract_strided_slice %get3A_63 {offsets = [12], sizes = [1], strides = [1]} : vector<16xf32> to vector<1xf32>
      %squeeze3A_1479 = vector.extract %slice3A_1478[0] : f32 from vector<1xf32>
      %mul3A_1480 = vector.broadcast %squeeze3A_1479 : f32 to vector<16xf32>
      %mul3A_1481 = arith.mulf %get3A_43, %mul3A_1480 : vector<16xf32>
      %add3A_1482 = arith.addf %add3A_1477, %mul3A_1481 : vector<16xf32>
      %mul3A_1483 = arith.mulf %get3A_45, %get3A_1468 : vector<16xf32>
      %add3A_1484 = arith.addf %add3A_1482, %mul3A_1483 : vector<16xf32>
      %mul3A_1485 = arith.mulf %get3A_47, %get3A_1470 : vector<16xf32>
      %add3A_1486 = arith.addf %add3A_1484, %mul3A_1485 : vector<16xf32>
      %max3A_1487 = arith.constant 0.000000e+00 : f32
      %max3A_1488 = vector.broadcast %max3A_1487 : f32 to vector<16xf32>
      %max3A_1489 = arith.maximumf %add3A_1486, %max3A_1488 : vector<16xf32>
      %mul3A_1490 = arith.mulf %max3A_1489, %get3A_1472 : vector<16xf32>
      %add3A_1491 = arith.addf %add3A_1379, %mul3A_1490 : vector<16xf32>
      %gather3A_1492 = arith.constant 1920 : i32
      %gather3A_1493 = tpu.memref_slice %arg19[%gather3A_1492] : memref<2048xf32, #tpu.memory_space<vmem>> -> memref<32xf32, #tpu.memory_space<vmem>>
      %gather3A_1494 = tpu.vector_load_idx %gather3A_1493[%max3A_39] : memref<32xf32, #tpu.memory_space<vmem>>[vector<16xi32>], vector<16xf32>,
      %get3A_1495 = arith.constant 2880 : index
      %get3A_1496 = tpu.vector_load %arg20[%get3A_1495] {strides = array<i32>} : memref<3072xf32, #tpu.memory_space<vmem>>, vector<16xf32>,
      %get3A_1497 = arith.constant 2896 : index
      %get3A_1498 = tpu.vector_load %arg20[%get3A_1497] {strides = array<i32>} : memref<3072xf32, #tpu.memory_space<vmem>>, vector<16xf32>,
      %get3A_1499 = arith.constant 2912 : index
      %get3A_1500 = tpu.vector_load %arg20[%get3A_1499] {strides = array<i32>} : memref<3072xf32, #tpu.memory_space<vmem>>, vector<16xf32>,
      %slice3A_1501 = vector.extract_strided_slice %get3A_57 {offsets = [12], sizes = [1], strides = [1]} : vector<16xf32> to vector<1xf32>
      %squeeze3A_1502 = vector.extract %slice3A_1501[0] : f32 from vector<1xf32>
      %mul3A_1503 = vector.broadcast %squeeze3A_1502 : f32 to vector<16xf32>
      %mul3A_1504 = arith.mulf %get3A_41, %mul3A_1503 : vector<16xf32>
      %add3A_1505 = arith.addf %gather3A_1494, %mul3A_1504 : vector<16xf32>
      %slice3A_1506 = vector.extract_strided_slice %get3A_65 {offsets = [12], sizes = [1], strides = [1]} : vector<16xf32> to vector<1xf32>
      %squeeze3A_1507 = vector.extract %slice3A_1506[0] : f32 from vector<1xf32>
      %mul3A_1508 = vector.broadcast %squeeze3A_1507 : f32 to vector<16xf32>
      %mul3A_1509 = arith.mulf %get3A_43, %mul3A_1508 : vector<16xf32>
      %add3A_1510 = arith.addf %add3A_1505, %mul3A_1509 : vector<16xf32>
      %mul3A_1511 = arith.mulf %get3A_45, %get3A_1496 : vector<16xf32>
      %add3A_1512 = arith.addf %add3A_1510, %mul3A_1511 : vector<16xf32>
      %mul3A_1513 = arith.mulf %get3A_47, %get3A_1498 : vector<16xf32>
      %add3A_1514 = arith.addf %add3A_1512, %mul3A_1513 : vector<16xf32>
      %max3A_1515 = arith.constant 0.000000e+00 : f32
      %max3A_1516 = vector.broadcast %max3A_1515 : f32 to vector<16xf32>
      %max3A_1517 = arith.maximumf %add3A_1514, %max3A_1516 : vector<16xf32>
      %mul3A_1518 = arith.mulf %max3A_1517, %get3A_1500 : vector<16xf32>
      %add3A_1519 = arith.addf %add3A_1407, %mul3A_1518 : vector<16xf32>
      %gather3A_1520 = arith.constant 416 : i32
      %gather3A_1521 = tpu.memref_slice %arg19[%gather3A_1520] : memref<2048xf32, #tpu.memory_space<vmem>> -> memref<32xf32, #tpu.memory_space<vmem>>
      %gather3A_1522 = tpu.vector_load_idx %gather3A_1521[%max3A_39] : memref<32xf32, #tpu.memory_space<vmem>>[vector<16xi32>], vector<16xf32>,
      %get3A_1523 = arith.constant 624 : index
      %get3A_1524 = tpu.vector_load %arg20[%get3A_1523] {strides = array<i32>} : memref<3072xf32, #tpu.memory_space<vmem>>, vector<16xf32>,
      %get3A_1525 = arith.constant 640 : index
      %get3A_1526 = tpu.vector_load %arg20[%get3A_1525] {strides = array<i32>} : memref<3072xf32, #tpu.memory_space<vmem>>, vector<16xf32>,
      %get3A_1527 = arith.constant 656 : index
      %get3A_1528 = tpu.vector_load %arg20[%get3A_1527] {strides = array<i32>} : memref<3072xf32, #tpu.memory_space<vmem>>, vector<16xf32>,
      %slice3A_1529 = vector.extract_strided_slice %get3A_51 {offsets = [13], sizes = [1], strides = [1]} : vector<16xf32> to vector<1xf32>
      %squeeze3A_1530 = vector.extract %slice3A_1529[0] : f32 from vector<1xf32>
      %mul3A_1531 = vector.broadcast %squeeze3A_1530 : f32 to vector<16xf32>
      %mul3A_1532 = arith.mulf %get3A_41, %mul3A_1531 : vector<16xf32>
      %add3A_1533 = arith.addf %gather3A_1522, %mul3A_1532 : vector<16xf32>
      %slice3A_1534 = vector.extract_strided_slice %get3A_59 {offsets = [13], sizes = [1], strides = [1]} : vector<16xf32> to vector<1xf32>
      %squeeze3A_1535 = vector.extract %slice3A_1534[0] : f32 from vector<1xf32>
      %mul3A_1536 = vector.broadcast %squeeze3A_1535 : f32 to vector<16xf32>
      %mul3A_1537 = arith.mulf %get3A_43, %mul3A_1536 : vector<16xf32>
      %add3A_1538 = arith.addf %add3A_1533, %mul3A_1537 : vector<16xf32>
      %mul3A_1539 = arith.mulf %get3A_45, %get3A_1524 : vector<16xf32>
      %add3A_1540 = arith.addf %add3A_1538, %mul3A_1539 : vector<16xf32>
      %mul3A_1541 = arith.mulf %get3A_47, %get3A_1526 : vector<16xf32>
      %add3A_1542 = arith.addf %add3A_1540, %mul3A_1541 : vector<16xf32>
      %max3A_1543 = arith.constant 0.000000e+00 : f32
      %max3A_1544 = vector.broadcast %max3A_1543 : f32 to vector<16xf32>
      %max3A_1545 = arith.maximumf %add3A_1542, %max3A_1544 : vector<16xf32>
      %mul3A_1546 = arith.mulf %max3A_1545, %get3A_1528 : vector<16xf32>
      %add3A_1547 = arith.addf %add3A_1435, %mul3A_1546 : vector<16xf32>
      %gather3A_1548 = arith.constant 928 : i32
      %gather3A_1549 = tpu.memref_slice %arg19[%gather3A_1548] : memref<2048xf32, #tpu.memory_space<vmem>> -> memref<32xf32, #tpu.memory_space<vmem>>
      %gather3A_1550 = tpu.vector_load_idx %gather3A_1549[%max3A_39] : memref<32xf32, #tpu.memory_space<vmem>>[vector<16xi32>], vector<16xf32>,
      %get3A_1551 = arith.constant 1392 : index
      %get3A_1552 = tpu.vector_load %arg20[%get3A_1551] {strides = array<i32>} : memref<3072xf32, #tpu.memory_space<vmem>>, vector<16xf32>,
      %get3A_1553 = arith.constant 1408 : index
      %get3A_1554 = tpu.vector_load %arg20[%get3A_1553] {strides = array<i32>} : memref<3072xf32, #tpu.memory_space<vmem>>, vector<16xf32>,
      %get3A_1555 = arith.constant 1424 : index
      %get3A_1556 = tpu.vector_load %arg20[%get3A_1555] {strides = array<i32>} : memref<3072xf32, #tpu.memory_space<vmem>>, vector<16xf32>,
      %slice3A_1557 = vector.extract_strided_slice %get3A_53 {offsets = [13], sizes = [1], strides = [1]} : vector<16xf32> to vector<1xf32>
      %squeeze3A_1558 = vector.extract %slice3A_1557[0] : f32 from vector<1xf32>
      %mul3A_1559 = vector.broadcast %squeeze3A_1558 : f32 to vector<16xf32>
      %mul3A_1560 = arith.mulf %get3A_41, %mul3A_1559 : vector<16xf32>
      %add3A_1561 = arith.addf %gather3A_1550, %mul3A_1560 : vector<16xf32>
      %slice3A_1562 = vector.extract_strided_slice %get3A_61 {offsets = [13], sizes = [1], strides = [1]} : vector<16xf32> to vector<1xf32>
      %squeeze3A_1563 = vector.extract %slice3A_1562[0] : f32 from vector<1xf32>
      %mul3A_1564 = vector.broadcast %squeeze3A_1563 : f32 to vector<16xf32>
      %mul3A_1565 = arith.mulf %get3A_43, %mul3A_1564 : vector<16xf32>
      %add3A_1566 = arith.addf %add3A_1561, %mul3A_1565 : vector<16xf32>
      %mul3A_1567 = arith.mulf %get3A_45, %get3A_1552 : vector<16xf32>
      %add3A_1568 = arith.addf %add3A_1566, %mul3A_1567 : vector<16xf32>
      %mul3A_1569 = arith.mulf %get3A_47, %get3A_1554 : vector<16xf32>
      %add3A_1570 = arith.addf %add3A_1568, %mul3A_1569 : vector<16xf32>
      %max3A_1571 = arith.constant 0.000000e+00 : f32
      %max3A_1572 = vector.broadcast %max3A_1571 : f32 to vector<16xf32>
      %max3A_1573 = arith.maximumf %add3A_1570, %max3A_1572 : vector<16xf32>
      %mul3A_1574 = arith.mulf %max3A_1573, %get3A_1556 : vector<16xf32>
      %add3A_1575 = arith.addf %add3A_1463, %mul3A_1574 : vector<16xf32>
      %gather3A_1576 = arith.constant 1440 : i32
      %gather3A_1577 = tpu.memref_slice %arg19[%gather3A_1576] : memref<2048xf32, #tpu.memory_space<vmem>> -> memref<32xf32, #tpu.memory_space<vmem>>
      %gather3A_1578 = tpu.vector_load_idx %gather3A_1577[%max3A_39] : memref<32xf32, #tpu.memory_space<vmem>>[vector<16xi32>], vector<16xf32>,
      %get3A_1579 = arith.constant 2160 : index
      %get3A_1580 = tpu.vector_load %arg20[%get3A_1579] {strides = array<i32>} : memref<3072xf32, #tpu.memory_space<vmem>>, vector<16xf32>,
      %get3A_1581 = arith.constant 2176 : index
      %get3A_1582 = tpu.vector_load %arg20[%get3A_1581] {strides = array<i32>} : memref<3072xf32, #tpu.memory_space<vmem>>, vector<16xf32>,
      %get3A_1583 = arith.constant 2192 : index
      %get3A_1584 = tpu.vector_load %arg20[%get3A_1583] {strides = array<i32>} : memref<3072xf32, #tpu.memory_space<vmem>>, vector<16xf32>,
      %slice3A_1585 = vector.extract_strided_slice %get3A_55 {offsets = [13], sizes = [1], strides = [1]} : vector<16xf32> to vector<1xf32>
      %squeeze3A_1586 = vector.extract %slice3A_1585[0] : f32 from vector<1xf32>
      %mul3A_1587 = vector.broadcast %squeeze3A_1586 : f32 to vector<16xf32>
      %mul3A_1588 = arith.mulf %get3A_41, %mul3A_1587 : vector<16xf32>
      %add3A_1589 = arith.addf %gather3A_1578, %mul3A_1588 : vector<16xf32>
      %slice3A_1590 = vector.extract_strided_slice %get3A_63 {offsets = [13], sizes = [1], strides = [1]} : vector<16xf32> to vector<1xf32>
      %squeeze3A_1591 = vector.extract %slice3A_1590[0] : f32 from vector<1xf32>
      %mul3A_1592 = vector.broadcast %squeeze3A_1591 : f32 to vector<16xf32>
      %mul3A_1593 = arith.mulf %get3A_43, %mul3A_1592 : vector<16xf32>
      %add3A_1594 = arith.addf %add3A_1589, %mul3A_1593 : vector<16xf32>
      %mul3A_1595 = arith.mulf %get3A_45, %get3A_1580 : vector<16xf32>
      %add3A_1596 = arith.addf %add3A_1594, %mul3A_1595 : vector<16xf32>
      %mul3A_1597 = arith.mulf %get3A_47, %get3A_1582 : vector<16xf32>
      %add3A_1598 = arith.addf %add3A_1596, %mul3A_1597 : vector<16xf32>
      %max3A_1599 = arith.constant 0.000000e+00 : f32
      %max3A_1600 = vector.broadcast %max3A_1599 : f32 to vector<16xf32>
      %max3A_1601 = arith.maximumf %add3A_1598, %max3A_1600 : vector<16xf32>
      %mul3A_1602 = arith.mulf %max3A_1601, %get3A_1584 : vector<16xf32>
      %add3A_1603 = arith.addf %add3A_1491, %mul3A_1602 : vector<16xf32>
      %gather3A_1604 = arith.constant 1952 : i32
      %gather3A_1605 = tpu.memref_slice %arg19[%gather3A_1604] : memref<2048xf32, #tpu.memory_space<vmem>> -> memref<32xf32, #tpu.memory_space<vmem>>
      %gather3A_1606 = tpu.vector_load_idx %gather3A_1605[%max3A_39] : memref<32xf32, #tpu.memory_space<vmem>>[vector<16xi32>], vector<16xf32>,
      %get3A_1607 = arith.constant 2928 : index
      %get3A_1608 = tpu.vector_load %arg20[%get3A_1607] {strides = array<i32>} : memref<3072xf32, #tpu.memory_space<vmem>>, vector<16xf32>,
      %get3A_1609 = arith.constant 2944 : index
      %get3A_1610 = tpu.vector_load %arg20[%get3A_1609] {strides = array<i32>} : memref<3072xf32, #tpu.memory_space<vmem>>, vector<16xf32>,
      %get3A_1611 = arith.constant 2960 : index
      %get3A_1612 = tpu.vector_load %arg20[%get3A_1611] {strides = array<i32>} : memref<3072xf32, #tpu.memory_space<vmem>>, vector<16xf32>,
      %slice3A_1613 = vector.extract_strided_slice %get3A_57 {offsets = [13], sizes = [1], strides = [1]} : vector<16xf32> to vector<1xf32>
      %squeeze3A_1614 = vector.extract %slice3A_1613[0] : f32 from vector<1xf32>
      %mul3A_1615 = vector.broadcast %squeeze3A_1614 : f32 to vector<16xf32>
      %mul3A_1616 = arith.mulf %get3A_41, %mul3A_1615 : vector<16xf32>
      %add3A_1617 = arith.addf %gather3A_1606, %mul3A_1616 : vector<16xf32>
      %slice3A_1618 = vector.extract_strided_slice %get3A_65 {offsets = [13], sizes = [1], strides = [1]} : vector<16xf32> to vector<1xf32>
      %squeeze3A_1619 = vector.extract %slice3A_1618[0] : f32 from vector<1xf32>
      %mul3A_1620 = vector.broadcast %squeeze3A_1619 : f32 to vector<16xf32>
      %mul3A_1621 = arith.mulf %get3A_43, %mul3A_1620 : vector<16xf32>
      %add3A_1622 = arith.addf %add3A_1617, %mul3A_1621 : vector<16xf32>
      %mul3A_1623 = arith.mulf %get3A_45, %get3A_1608 : vector<16xf32>
      %add3A_1624 = arith.addf %add3A_1622, %mul3A_1623 : vector<16xf32>
      %mul3A_1625 = arith.mulf %get3A_47, %get3A_1610 : vector<16xf32>
      %add3A_1626 = arith.addf %add3A_1624, %mul3A_1625 : vector<16xf32>
      %max3A_1627 = arith.constant 0.000000e+00 : f32
      %max3A_1628 = vector.broadcast %max3A_1627 : f32 to vector<16xf32>
      %max3A_1629 = arith.maximumf %add3A_1626, %max3A_1628 : vector<16xf32>
      %mul3A_1630 = arith.mulf %max3A_1629, %get3A_1612 : vector<16xf32>
      %add3A_1631 = arith.addf %add3A_1519, %mul3A_1630 : vector<16xf32>
      %gather3A_1632 = arith.constant 448 : i32
      %gather3A_1633 = tpu.memref_slice %arg19[%gather3A_1632] : memref<2048xf32, #tpu.memory_space<vmem>> -> memref<32xf32, #tpu.memory_space<vmem>>
      %gather3A_1634 = tpu.vector_load_idx %gather3A_1633[%max3A_39] : memref<32xf32, #tpu.memory_space<vmem>>[vector<16xi32>], vector<16xf32>,
      %get3A_1635 = arith.constant 672 : index
      %get3A_1636 = tpu.vector_load %arg20[%get3A_1635] {strides = array<i32>} : memref<3072xf32, #tpu.memory_space<vmem>>, vector<16xf32>,
      %get3A_1637 = arith.constant 688 : index
      %get3A_1638 = tpu.vector_load %arg20[%get3A_1637] {strides = array<i32>} : memref<3072xf32, #tpu.memory_space<vmem>>, vector<16xf32>,
      %get3A_1639 = arith.constant 704 : index
      %get3A_1640 = tpu.vector_load %arg20[%get3A_1639] {strides = array<i32>} : memref<3072xf32, #tpu.memory_space<vmem>>, vector<16xf32>,
      %slice3A_1641 = vector.extract_strided_slice %get3A_51 {offsets = [14], sizes = [1], strides = [1]} : vector<16xf32> to vector<1xf32>
      %squeeze3A_1642 = vector.extract %slice3A_1641[0] : f32 from vector<1xf32>
      %mul3A_1643 = vector.broadcast %squeeze3A_1642 : f32 to vector<16xf32>
      %mul3A_1644 = arith.mulf %get3A_41, %mul3A_1643 : vector<16xf32>
      %add3A_1645 = arith.addf %gather3A_1634, %mul3A_1644 : vector<16xf32>
      %slice3A_1646 = vector.extract_strided_slice %get3A_59 {offsets = [14], sizes = [1], strides = [1]} : vector<16xf32> to vector<1xf32>
      %squeeze3A_1647 = vector.extract %slice3A_1646[0] : f32 from vector<1xf32>
      %mul3A_1648 = vector.broadcast %squeeze3A_1647 : f32 to vector<16xf32>
      %mul3A_1649 = arith.mulf %get3A_43, %mul3A_1648 : vector<16xf32>
      %add3A_1650 = arith.addf %add3A_1645, %mul3A_1649 : vector<16xf32>
      %mul3A_1651 = arith.mulf %get3A_45, %get3A_1636 : vector<16xf32>
      %add3A_1652 = arith.addf %add3A_1650, %mul3A_1651 : vector<16xf32>
      %mul3A_1653 = arith.mulf %get3A_47, %get3A_1638 : vector<16xf32>
      %add3A_1654 = arith.addf %add3A_1652, %mul3A_1653 : vector<16xf32>
      %max3A_1655 = arith.constant 0.000000e+00 : f32
      %max3A_1656 = vector.broadcast %max3A_1655 : f32 to vector<16xf32>
      %max3A_1657 = arith.maximumf %add3A_1654, %max3A_1656 : vector<16xf32>
      %mul3A_1658 = arith.mulf %max3A_1657, %get3A_1640 : vector<16xf32>
      %add3A_1659 = arith.addf %add3A_1547, %mul3A_1658 : vector<16xf32>
      %gather3A_1660 = arith.constant 960 : i32
      %gather3A_1661 = tpu.memref_slice %arg19[%gather3A_1660] : memref<2048xf32, #tpu.memory_space<vmem>> -> memref<32xf32, #tpu.memory_space<vmem>>
      %gather3A_1662 = tpu.vector_load_idx %gather3A_1661[%max3A_39] : memref<32xf32, #tpu.memory_space<vmem>>[vector<16xi32>], vector<16xf32>,
      %get3A_1663 = arith.constant 1440 : index
      %get3A_1664 = tpu.vector_load %arg20[%get3A_1663] {strides = array<i32>} : memref<3072xf32, #tpu.memory_space<vmem>>, vector<16xf32>,
      %get3A_1665 = arith.constant 1456 : index
      %get3A_1666 = tpu.vector_load %arg20[%get3A_1665] {strides = array<i32>} : memref<3072xf32, #tpu.memory_space<vmem>>, vector<16xf32>,
      %get3A_1667 = arith.constant 1472 : index
      %get3A_1668 = tpu.vector_load %arg20[%get3A_1667] {strides = array<i32>} : memref<3072xf32, #tpu.memory_space<vmem>>, vector<16xf32>,
      %slice3A_1669 = vector.extract_strided_slice %get3A_53 {offsets = [14], sizes = [1], strides = [1]} : vector<16xf32> to vector<1xf32>
      %squeeze3A_1670 = vector.extract %slice3A_1669[0] : f32 from vector<1xf32>
      %mul3A_1671 = vector.broadcast %squeeze3A_1670 : f32 to vector<16xf32>
      %mul3A_1672 = arith.mulf %get3A_41, %mul3A_1671 : vector<16xf32>
      %add3A_1673 = arith.addf %gather3A_1662, %mul3A_1672 : vector<16xf32>
      %slice3A_1674 = vector.extract_strided_slice %get3A_61 {offsets = [14], sizes = [1], strides = [1]} : vector<16xf32> to vector<1xf32>
      %squeeze3A_1675 = vector.extract %slice3A_1674[0] : f32 from vector<1xf32>
      %mul3A_1676 = vector.broadcast %squeeze3A_1675 : f32 to vector<16xf32>
      %mul3A_1677 = arith.mulf %get3A_43, %mul3A_1676 : vector<16xf32>
      %add3A_1678 = arith.addf %add3A_1673, %mul3A_1677 : vector<16xf32>
      %mul3A_1679 = arith.mulf %get3A_45, %get3A_1664 : vector<16xf32>
      %add3A_1680 = arith.addf %add3A_1678, %mul3A_1679 : vector<16xf32>
      %mul3A_1681 = arith.mulf %get3A_47, %get3A_1666 : vector<16xf32>
      %add3A_1682 = arith.addf %add3A_1680, %mul3A_1681 : vector<16xf32>
      %max3A_1683 = arith.constant 0.000000e+00 : f32
      %max3A_1684 = vector.broadcast %max3A_1683 : f32 to vector<16xf32>
      %max3A_1685 = arith.maximumf %add3A_1682, %max3A_1684 : vector<16xf32>
      %mul3A_1686 = arith.mulf %max3A_1685, %get3A_1668 : vector<16xf32>
      %add3A_1687 = arith.addf %add3A_1575, %mul3A_1686 : vector<16xf32>
      %gather3A_1688 = arith.constant 1472 : i32
      %gather3A_1689 = tpu.memref_slice %arg19[%gather3A_1688] : memref<2048xf32, #tpu.memory_space<vmem>> -> memref<32xf32, #tpu.memory_space<vmem>>
      %gather3A_1690 = tpu.vector_load_idx %gather3A_1689[%max3A_39] : memref<32xf32, #tpu.memory_space<vmem>>[vector<16xi32>], vector<16xf32>,
      %get3A_1691 = arith.constant 2208 : index
      %get3A_1692 = tpu.vector_load %arg20[%get3A_1691] {strides = array<i32>} : memref<3072xf32, #tpu.memory_space<vmem>>, vector<16xf32>,
      %get3A_1693 = arith.constant 2224 : index
      %get3A_1694 = tpu.vector_load %arg20[%get3A_1693] {strides = array<i32>} : memref<3072xf32, #tpu.memory_space<vmem>>, vector<16xf32>,
      %get3A_1695 = arith.constant 2240 : index
      %get3A_1696 = tpu.vector_load %arg20[%get3A_1695] {strides = array<i32>} : memref<3072xf32, #tpu.memory_space<vmem>>, vector<16xf32>,
      %slice3A_1697 = vector.extract_strided_slice %get3A_55 {offsets = [14], sizes = [1], strides = [1]} : vector<16xf32> to vector<1xf32>
      %squeeze3A_1698 = vector.extract %slice3A_1697[0] : f32 from vector<1xf32>
      %mul3A_1699 = vector.broadcast %squeeze3A_1698 : f32 to vector<16xf32>
      %mul3A_1700 = arith.mulf %get3A_41, %mul3A_1699 : vector<16xf32>
      %add3A_1701 = arith.addf %gather3A_1690, %mul3A_1700 : vector<16xf32>
      %slice3A_1702 = vector.extract_strided_slice %get3A_63 {offsets = [14], sizes = [1], strides = [1]} : vector<16xf32> to vector<1xf32>
      %squeeze3A_1703 = vector.extract %slice3A_1702[0] : f32 from vector<1xf32>
      %mul3A_1704 = vector.broadcast %squeeze3A_1703 : f32 to vector<16xf32>
      %mul3A_1705 = arith.mulf %get3A_43, %mul3A_1704 : vector<16xf32>
      %add3A_1706 = arith.addf %add3A_1701, %mul3A_1705 : vector<16xf32>
      %mul3A_1707 = arith.mulf %get3A_45, %get3A_1692 : vector<16xf32>
      %add3A_1708 = arith.addf %add3A_1706, %mul3A_1707 : vector<16xf32>
      %mul3A_1709 = arith.mulf %get3A_47, %get3A_1694 : vector<16xf32>
      %add3A_1710 = arith.addf %add3A_1708, %mul3A_1709 : vector<16xf32>
      %max3A_1711 = arith.constant 0.000000e+00 : f32
      %max3A_1712 = vector.broadcast %max3A_1711 : f32 to vector<16xf32>
      %max3A_1713 = arith.maximumf %add3A_1710, %max3A_1712 : vector<16xf32>
      %mul3A_1714 = arith.mulf %max3A_1713, %get3A_1696 : vector<16xf32>
      %add3A_1715 = arith.addf %add3A_1603, %mul3A_1714 : vector<16xf32>
      %gather3A_1716 = arith.constant 1984 : i32
      %gather3A_1717 = tpu.memref_slice %arg19[%gather3A_1716] : memref<2048xf32, #tpu.memory_space<vmem>> -> memref<32xf32, #tpu.memory_space<vmem>>
      %gather3A_1718 = tpu.vector_load_idx %gather3A_1717[%max3A_39] : memref<32xf32, #tpu.memory_space<vmem>>[vector<16xi32>], vector<16xf32>,
      %get3A_1719 = arith.constant 2976 : index
      %get3A_1720 = tpu.vector_load %arg20[%get3A_1719] {strides = array<i32>} : memref<3072xf32, #tpu.memory_space<vmem>>, vector<16xf32>,
      %get3A_1721 = arith.constant 2992 : index
      %get3A_1722 = tpu.vector_load %arg20[%get3A_1721] {strides = array<i32>} : memref<3072xf32, #tpu.memory_space<vmem>>, vector<16xf32>,
      %get3A_1723 = arith.constant 3008 : index
      %get3A_1724 = tpu.vector_load %arg20[%get3A_1723] {strides = array<i32>} : memref<3072xf32, #tpu.memory_space<vmem>>, vector<16xf32>,
      %slice3A_1725 = vector.extract_strided_slice %get3A_57 {offsets = [14], sizes = [1], strides = [1]} : vector<16xf32> to vector<1xf32>
      %squeeze3A_1726 = vector.extract %slice3A_1725[0] : f32 from vector<1xf32>
      %mul3A_1727 = vector.broadcast %squeeze3A_1726 : f32 to vector<16xf32>
      %mul3A_1728 = arith.mulf %get3A_41, %mul3A_1727 : vector<16xf32>
      %add3A_1729 = arith.addf %gather3A_1718, %mul3A_1728 : vector<16xf32>
      %slice3A_1730 = vector.extract_strided_slice %get3A_65 {offsets = [14], sizes = [1], strides = [1]} : vector<16xf32> to vector<1xf32>
      %squeeze3A_1731 = vector.extract %slice3A_1730[0] : f32 from vector<1xf32>
      %mul3A_1732 = vector.broadcast %squeeze3A_1731 : f32 to vector<16xf32>
      %mul3A_1733 = arith.mulf %get3A_43, %mul3A_1732 : vector<16xf32>
      %add3A_1734 = arith.addf %add3A_1729, %mul3A_1733 : vector<16xf32>
      %mul3A_1735 = arith.mulf %get3A_45, %get3A_1720 : vector<16xf32>
      %add3A_1736 = arith.addf %add3A_1734, %mul3A_1735 : vector<16xf32>
      %mul3A_1737 = arith.mulf %get3A_47, %get3A_1722 : vector<16xf32>
      %add3A_1738 = arith.addf %add3A_1736, %mul3A_1737 : vector<16xf32>
      %max3A_1739 = arith.constant 0.000000e+00 : f32
      %max3A_1740 = vector.broadcast %max3A_1739 : f32 to vector<16xf32>
      %max3A_1741 = arith.maximumf %add3A_1738, %max3A_1740 : vector<16xf32>
      %mul3A_1742 = arith.mulf %max3A_1741, %get3A_1724 : vector<16xf32>
      %add3A_1743 = arith.addf %add3A_1631, %mul3A_1742 : vector<16xf32>
      %gather3A_1744 = arith.constant 480 : i32
      %gather3A_1745 = tpu.memref_slice %arg19[%gather3A_1744] : memref<2048xf32, #tpu.memory_space<vmem>> -> memref<32xf32, #tpu.memory_space<vmem>>
      %gather3A_1746 = tpu.vector_load_idx %gather3A_1745[%max3A_39] : memref<32xf32, #tpu.memory_space<vmem>>[vector<16xi32>], vector<16xf32>,
      %get3A_1747 = arith.constant 720 : index
      %get3A_1748 = tpu.vector_load %arg20[%get3A_1747] {strides = array<i32>} : memref<3072xf32, #tpu.memory_space<vmem>>, vector<16xf32>,
      %get3A_1749 = arith.constant 736 : index
      %get3A_1750 = tpu.vector_load %arg20[%get3A_1749] {strides = array<i32>} : memref<3072xf32, #tpu.memory_space<vmem>>, vector<16xf32>,
      %get3A_1751 = arith.constant 752 : index
      %get3A_1752 = tpu.vector_load %arg20[%get3A_1751] {strides = array<i32>} : memref<3072xf32, #tpu.memory_space<vmem>>, vector<16xf32>,
      %slice3A_1753 = vector.extract_strided_slice %get3A_51 {offsets = [15], sizes = [1], strides = [1]} : vector<16xf32> to vector<1xf32>
      %squeeze3A_1754 = vector.extract %slice3A_1753[0] : f32 from vector<1xf32>
      %mul3A_1755 = vector.broadcast %squeeze3A_1754 : f32 to vector<16xf32>
      %mul3A_1756 = arith.mulf %get3A_41, %mul3A_1755 : vector<16xf32>
      %add3A_1757 = arith.addf %gather3A_1746, %mul3A_1756 : vector<16xf32>
      %slice3A_1758 = vector.extract_strided_slice %get3A_59 {offsets = [15], sizes = [1], strides = [1]} : vector<16xf32> to vector<1xf32>
      %squeeze3A_1759 = vector.extract %slice3A_1758[0] : f32 from vector<1xf32>
      %mul3A_1760 = vector.broadcast %squeeze3A_1759 : f32 to vector<16xf32>
      %mul3A_1761 = arith.mulf %get3A_43, %mul3A_1760 : vector<16xf32>
      %add3A_1762 = arith.addf %add3A_1757, %mul3A_1761 : vector<16xf32>
      %mul3A_1763 = arith.mulf %get3A_45, %get3A_1748 : vector<16xf32>
      %add3A_1764 = arith.addf %add3A_1762, %mul3A_1763 : vector<16xf32>
      %mul3A_1765 = arith.mulf %get3A_47, %get3A_1750 : vector<16xf32>
      %add3A_1766 = arith.addf %add3A_1764, %mul3A_1765 : vector<16xf32>
      %max3A_1767 = arith.constant 0.000000e+00 : f32
      %max3A_1768 = vector.broadcast %max3A_1767 : f32 to vector<16xf32>
      %max3A_1769 = arith.maximumf %add3A_1766, %max3A_1768 : vector<16xf32>
      %mul3A_1770 = arith.mulf %max3A_1769, %get3A_1752 : vector<16xf32>
      %add3A_1771 = arith.addf %add3A_1659, %mul3A_1770 : vector<16xf32>
      %gather3A_1772 = arith.constant 992 : i32
      %gather3A_1773 = tpu.memref_slice %arg19[%gather3A_1772] : memref<2048xf32, #tpu.memory_space<vmem>> -> memref<32xf32, #tpu.memory_space<vmem>>
      %gather3A_1774 = tpu.vector_load_idx %gather3A_1773[%max3A_39] : memref<32xf32, #tpu.memory_space<vmem>>[vector<16xi32>], vector<16xf32>,
      %get3A_1775 = arith.constant 1488 : index
      %get3A_1776 = tpu.vector_load %arg20[%get3A_1775] {strides = array<i32>} : memref<3072xf32, #tpu.memory_space<vmem>>, vector<16xf32>,
      %get3A_1777 = arith.constant 1504 : index
      %get3A_1778 = tpu.vector_load %arg20[%get3A_1777] {strides = array<i32>} : memref<3072xf32, #tpu.memory_space<vmem>>, vector<16xf32>,
      %get3A_1779 = arith.constant 1520 : index
      %get3A_1780 = tpu.vector_load %arg20[%get3A_1779] {strides = array<i32>} : memref<3072xf32, #tpu.memory_space<vmem>>, vector<16xf32>,
      %slice3A_1781 = vector.extract_strided_slice %get3A_53 {offsets = [15], sizes = [1], strides = [1]} : vector<16xf32> to vector<1xf32>
      %squeeze3A_1782 = vector.extract %slice3A_1781[0] : f32 from vector<1xf32>
      %mul3A_1783 = vector.broadcast %squeeze3A_1782 : f32 to vector<16xf32>
      %mul3A_1784 = arith.mulf %get3A_41, %mul3A_1783 : vector<16xf32>
      %add3A_1785 = arith.addf %gather3A_1774, %mul3A_1784 : vector<16xf32>
      %slice3A_1786 = vector.extract_strided_slice %get3A_61 {offsets = [15], sizes = [1], strides = [1]} : vector<16xf32> to vector<1xf32>
      %squeeze3A_1787 = vector.extract %slice3A_1786[0] : f32 from vector<1xf32>
      %mul3A_1788 = vector.broadcast %squeeze3A_1787 : f32 to vector<16xf32>
      %mul3A_1789 = arith.mulf %get3A_43, %mul3A_1788 : vector<16xf32>
      %add3A_1790 = arith.addf %add3A_1785, %mul3A_1789 : vector<16xf32>
      %mul3A_1791 = arith.mulf %get3A_45, %get3A_1776 : vector<16xf32>
      %add3A_1792 = arith.addf %add3A_1790, %mul3A_1791 : vector<16xf32>
      %mul3A_1793 = arith.mulf %get3A_47, %get3A_1778 : vector<16xf32>
      %add3A_1794 = arith.addf %add3A_1792, %mul3A_1793 : vector<16xf32>
      %max3A_1795 = arith.constant 0.000000e+00 : f32
      %max3A_1796 = vector.broadcast %max3A_1795 : f32 to vector<16xf32>
      %max3A_1797 = arith.maximumf %add3A_1794, %max3A_1796 : vector<16xf32>
      %mul3A_1798 = arith.mulf %max3A_1797, %get3A_1780 : vector<16xf32>
      %add3A_1799 = arith.addf %add3A_1687, %mul3A_1798 : vector<16xf32>
      %gather3A_1800 = arith.constant 1504 : i32
      %gather3A_1801 = tpu.memref_slice %arg19[%gather3A_1800] : memref<2048xf32, #tpu.memory_space<vmem>> -> memref<32xf32, #tpu.memory_space<vmem>>
      %gather3A_1802 = tpu.vector_load_idx %gather3A_1801[%max3A_39] : memref<32xf32, #tpu.memory_space<vmem>>[vector<16xi32>], vector<16xf32>,
      %get3A_1803 = arith.constant 2256 : index
      %get3A_1804 = tpu.vector_load %arg20[%get3A_1803] {strides = array<i32>} : memref<3072xf32, #tpu.memory_space<vmem>>, vector<16xf32>,
      %get3A_1805 = arith.constant 2272 : index
      %get3A_1806 = tpu.vector_load %arg20[%get3A_1805] {strides = array<i32>} : memref<3072xf32, #tpu.memory_space<vmem>>, vector<16xf32>,
      %get3A_1807 = arith.constant 2288 : index
      %get3A_1808 = tpu.vector_load %arg20[%get3A_1807] {strides = array<i32>} : memref<3072xf32, #tpu.memory_space<vmem>>, vector<16xf32>,
      %slice3A_1809 = vector.extract_strided_slice %get3A_55 {offsets = [15], sizes = [1], strides = [1]} : vector<16xf32> to vector<1xf32>
      %squeeze3A_1810 = vector.extract %slice3A_1809[0] : f32 from vector<1xf32>
      %mul3A_1811 = vector.broadcast %squeeze3A_1810 : f32 to vector<16xf32>
      %mul3A_1812 = arith.mulf %get3A_41, %mul3A_1811 : vector<16xf32>
      %add3A_1813 = arith.addf %gather3A_1802, %mul3A_1812 : vector<16xf32>
      %slice3A_1814 = vector.extract_strided_slice %get3A_63 {offsets = [15], sizes = [1], strides = [1]} : vector<16xf32> to vector<1xf32>
      %squeeze3A_1815 = vector.extract %slice3A_1814[0] : f32 from vector<1xf32>
      %mul3A_1816 = vector.broadcast %squeeze3A_1815 : f32 to vector<16xf32>
      %mul3A_1817 = arith.mulf %get3A_43, %mul3A_1816 : vector<16xf32>
      %add3A_1818 = arith.addf %add3A_1813, %mul3A_1817 : vector<16xf32>
      %mul3A_1819 = arith.mulf %get3A_45, %get3A_1804 : vector<16xf32>
      %add3A_1820 = arith.addf %add3A_1818, %mul3A_1819 : vector<16xf32>
      %mul3A_1821 = arith.mulf %get3A_47, %get3A_1806 : vector<16xf32>
      %add3A_1822 = arith.addf %add3A_1820, %mul3A_1821 : vector<16xf32>
      %max3A_1823 = arith.constant 0.000000e+00 : f32
      %max3A_1824 = vector.broadcast %max3A_1823 : f32 to vector<16xf32>
      %max3A_1825 = arith.maximumf %add3A_1822, %max3A_1824 : vector<16xf32>
      %mul3A_1826 = arith.mulf %max3A_1825, %get3A_1808 : vector<16xf32>
      %add3A_1827 = arith.addf %add3A_1715, %mul3A_1826 : vector<16xf32>
      %gather3A_1828 = arith.constant 2016 : i32
      %gather3A_1829 = tpu.memref_slice %arg19[%gather3A_1828] : memref<2048xf32, #tpu.memory_space<vmem>> -> memref<32xf32, #tpu.memory_space<vmem>>
      %gather3A_1830 = tpu.vector_load_idx %gather3A_1829[%max3A_39] : memref<32xf32, #tpu.memory_space<vmem>>[vector<16xi32>], vector<16xf32>,
      %get3A_1831 = arith.constant 3024 : index
      %get3A_1832 = tpu.vector_load %arg20[%get3A_1831] {strides = array<i32>} : memref<3072xf32, #tpu.memory_space<vmem>>, vector<16xf32>,
      %get3A_1833 = arith.constant 3040 : index
      %get3A_1834 = tpu.vector_load %arg20[%get3A_1833] {strides = array<i32>} : memref<3072xf32, #tpu.memory_space<vmem>>, vector<16xf32>,
      %get3A_1835 = arith.constant 3056 : index
      %get3A_1836 = tpu.vector_load %arg20[%get3A_1835] {strides = array<i32>} : memref<3072xf32, #tpu.memory_space<vmem>>, vector<16xf32>,
      %slice3A_1837 = vector.extract_strided_slice %get3A_57 {offsets = [15], sizes = [1], strides = [1]} : vector<16xf32> to vector<1xf32>
      %squeeze3A_1838 = vector.extract %slice3A_1837[0] : f32 from vector<1xf32>
      %mul3A_1839 = vector.broadcast %squeeze3A_1838 : f32 to vector<16xf32>
      %mul3A_1840 = arith.mulf %get3A_41, %mul3A_1839 : vector<16xf32>
      %add3A_1841 = arith.addf %gather3A_1830, %mul3A_1840 : vector<16xf32>
      %slice3A_1842 = vector.extract_strided_slice %get3A_65 {offsets = [15], sizes = [1], strides = [1]} : vector<16xf32> to vector<1xf32>
      %squeeze3A_1843 = vector.extract %slice3A_1842[0] : f32 from vector<1xf32>
      %mul3A_1844 = vector.broadcast %squeeze3A_1843 : f32 to vector<16xf32>
      %mul3A_1845 = arith.mulf %get3A_43, %mul3A_1844 : vector<16xf32>
      %add3A_1846 = arith.addf %add3A_1841, %mul3A_1845 : vector<16xf32>
      %mul3A_1847 = arith.mulf %get3A_45, %get3A_1832 : vector<16xf32>
      %add3A_1848 = arith.addf %add3A_1846, %mul3A_1847 : vector<16xf32>
      %mul3A_1849 = arith.mulf %get3A_47, %get3A_1834 : vector<16xf32>
      %add3A_1850 = arith.addf %add3A_1848, %mul3A_1849 : vector<16xf32>
      %max3A_1851 = arith.constant 0.000000e+00 : f32
      %max3A_1852 = vector.broadcast %max3A_1851 : f32 to vector<16xf32>
      %max3A_1853 = arith.maximumf %add3A_1850, %max3A_1852 : vector<16xf32>
      %mul3A_1854 = arith.mulf %max3A_1853, %get3A_1836 : vector<16xf32>
      %add3A_1855 = arith.addf %add3A_1743, %mul3A_1854 : vector<16xf32>
      %add3A_1856 = arith.addf %while3A_30, %add3A_1771 : vector<16xf32>
      %add3A_1857 = arith.addf %while3A_31, %add3A_1799 : vector<16xf32>
      %add3A_1858 = arith.addf %while3A_32, %add3A_1827 : vector<16xf32>
      %add3A_1859 = arith.addf %while3A_33, %add3A_1855 : vector<16xf32>
      scf.yield %add3A_1856, %add3A_1857, %add3A_1858, %add3A_1859, %add3A_49 : vector<16xf32>, vector<16xf32>, vector<16xf32>, vector<16xf32>, vector<16xf32>
    }
    %add3A_21 = arith.addf %while3A_20#0, %while3A_20#1 : vector<16xf32>
    %add3A_22 = arith.addf %add3A_21, %while3A_20#2 : vector<16xf32>
    %add3A_23 = arith.addf %add3A_22, %while3A_20#3 : vector<16xf32>
    %add3A_24 = arith.addf %add3A_23, %while3A_20#4 : vector<16xf32>
    %mul3A_25 = arith.constant 3.80879879E-4 : f32
    %mul3A_26 = vector.broadcast %mul3A_25 : f32 to vector<16xf32>
    %mul3A_27 = arith.mulf %add3A_24, %mul3A_26 : vector<16xf32>
    %swap3A = arith.constant 0 : index
    %swap3A_28 = tpu.vector_load %arg24[%swap3A] {strides = array<i32>} : memref<16xf32, #tpu.memory_space<vmem>>, vector<16xf32>,
    tpu.vector_store %arg24[%swap3A], %mul3A_27 {strides = array<i32>} : memref<16xf32, #tpu.memory_space<vmem>>, vector<16xf32>,
    "tpu.region"() ({
      %run_scoped3A = tpu.sem_alloc : memref<!tpu.dma_semaphore, #tpu.memory_space<semaphore_mem>>
      %dma_start3A = arith.constant 0 : i32
      %dma_start3A_29 = tpu.memref_slice %arg11[%add3A, %dma_start3A] : memref<32x16xf32, #tpu.memory_space<hbm>> -> memref<1x16xf32, #tpu.memory_space<hbm>>
      %dma_start3A_30 = tpu.memref_squeeze %dma_start3A_29 : memref<1x16xf32, #tpu.memory_space<hbm>> -> memref<16xf32, #tpu.memory_space<hbm>>
      %dma_start3A_31 = arith.constant 0 : i32
      %dma_start3A_32 = tpu.memref_slice %arg11[%add3A, %dma_start3A_31] : memref<32x16xf32, #tpu.memory_space<hbm>> -> memref<1x16xf32, #tpu.memory_space<hbm>>
      %dma_start3A_33 = tpu.memref_squeeze %dma_start3A_32 : memref<1x16xf32, #tpu.memory_space<hbm>> -> memref<16xf32, #tpu.memory_space<hbm>>
      tpu.enqueue_dma source(%arg24 : memref<16xf32, #tpu.memory_space<vmem>>) target(%dma_start3A_33 : memref<16xf32, #tpu.memory_space<hbm>>) target_semaphore(%run_scoped3A : memref<!tpu.dma_semaphore, #tpu.memory_space<semaphore_mem>>)
      %dma_wait3A = arith.constant 0 : i32
      %dma_wait3A_34 = tpu.memref_slice %arg11[%add3A, %dma_wait3A] : memref<32x16xf32, #tpu.memory_space<hbm>> -> memref<1x16xf32, #tpu.memory_space<hbm>>
      %dma_wait3A_35 = tpu.memref_squeeze %dma_wait3A_34 : memref<1x16xf32, #tpu.memory_space<hbm>> -> memref<16xf32, #tpu.memory_space<hbm>>
      %dma_wait3A_36 = arith.constant 0 : i32
      %dma_wait3A_37 = tpu.memref_slice %arg11[%add3A, %dma_wait3A_36] : memref<32x16xf32, #tpu.memory_space<hbm>> -> memref<1x16xf32, #tpu.memory_space<hbm>>
      %dma_wait3A_38 = tpu.memref_squeeze %dma_wait3A_37 : memref<1x16xf32, #tpu.memory_space<hbm>> -> memref<16xf32, #tpu.memory_space<hbm>>
      tpu.wait_dma2 semaphore(%run_scoped3A : memref<!tpu.dma_semaphore, #tpu.memory_space<semaphore_mem>>) src(%arg24 : memref<16xf32, #tpu.memory_space<vmem>>) dst(%dma_wait3A_38 : memref<16xf32, #tpu.memory_space<hbm>>)
      tpu.yield
    }) : () -> ()
    return
  }
}

module attributes {stable_mosaic.version = 14 : i64} {
  func.func @_tc_reduce_body(%arg0: memref<32x16xf32, #tpu.memory_space<vmem>>, %arg1: memref<1x1xf32, #tpu.memory_space<smem>>) attributes {dimension_semantics = [], scalar_prefetch = 0 : i64, scratch_operands = 0 : i64, tpu.core_type = #tpu.core_type<tc>} {
    %get3A = arith.constant 0 : index
    %get3A_0 = arith.constant 0 : index
    %get3A_1 = vector.load %arg0[%get3A, %get3A_0] : memref<32x16xf32, #tpu.memory_space<vmem>>, vector<32x16xf32>
    %reduce_sum3A = vector.shape_cast %get3A_1 : vector<32x16xf32> to vector<1x32x16xf32>
    %reduce_sum3A_2 = arith.constant dense<0.000000e+00> : vector<1xf32>
    %reduce_sum3A_3 = vector.multi_reduction <add>, %reduce_sum3A, %reduce_sum3A_2 [1, 2] : vector<1x32x16xf32> to vector<1xf32>
    %reduce_sum3A_4 = vector.shape_cast %reduce_sum3A_3 : vector<1xf32> to vector<1x1x1xf32>
    %reduce_sum3A_5 = vector.extract %reduce_sum3A_4[0, 0, 0] : f32 from vector<1x1x1xf32>
    %swap3A = arith.constant 0 : index
    %swap3A_6 = arith.constant 0 : index
    %swap3A_7 = memref.load %arg1[%swap3A, %swap3A_6] : memref<1x1xf32, #tpu.memory_space<smem>>
    memref.store %reduce_sum3A_5, %arg1[%swap3A, %swap3A_6] : memref<1x1xf32, #tpu.memory_space<smem>>
    return
  }
}

</mosaic_0001>

<sc_bundles>
// kernel: kernel.4.cloned.1.call-start
scs
__scs_entry_jumppad:
0x0: {  	(pc) =	sbr.rel $0x88, $3  }
0x1: {  	(tag) =	ssettag $0x0;
	lr =	simm.s32 $0x1  }
0x2: {  	[smem:$0x3F98] =	sst lr;
	_ =	strace $0xD0000000  }
0x3: {  	_ = 	snop  }
0x4: {  	_ = 	snop  }
0x5: {  	_ = 	snop  }
0x6: {  	_ = 	snop  }
0x7: {  	_ = 	snop  }
__scs_overlays_trampoline_lowered:
0x8: {  	[smem:$0x3FA7] =	sst s0  }
0x9: {  	[smem:$0x3FA8] =	sst s1  }
0xa: {  	[smem:$0x3FA9] =	sst s2  }
0xb: {  	[smem:$0x3FAA] =	sst s3  }
0xc: {  	[smem:$0x3FAB] =	sst s4  }
0xd: {  	[smem:$0x3FAC] =	sst s5  }
0xe: {  	[smem:$0x3FAD] =	sst s6  }
0xf: {  	[smem:$0x3FAE] =	sst s7  }
0x10: {  	[smem:$0x3FAF] =	sst s8  }
0x11: {  	[smem:$0x3FB0] =	sst s9;
	s0 =	simm.s32 @!p0 $0x0  }
0x12: {  	s1 =	sld [smem:$0x3F96];
	s0 =	simm.s32 @p0 $0x1  }
0x13: {  	[smem:$0x3FB1] =	sst s0;
	s0 =	simm.s32 @!p1 $0x0  }
0x14: {  	s2 =	sld [smem:$0x3F95];
	s0 =	simm.s32 @p1 $0x1  }
0x15: {  	[smem:$0x3FB2] =	sst s0;
	s0 =	simm.s32 @!p2 $0x0  }
0x16: {  	s3 =	sld [smem:$0x3FDB];
	s0 =	simm.s32 @p2 $0x1  }
0x17: {  	s4 =	simm.s32 $0x1BF5;
	[smem:$0x3FB4] =	sst s0  }
0x18: {  	s0 =	sld [smem:$0x3F97];
	_ =	swait.ge [sflag:s4], $0x0  }
0x19: {  	s7 =	sld [smem:$0x3F98]  }
0x1a: {  	s8 =	sadd.s32 $0xFFFFE003, lr  }
0x1b: {  	s9 =	sadd.s32 $0xFFFFFEF7, lr;
	s5 =	simm.s32 $0xFFFFFFFF;
	p2 =	slt.u32 s8, $0xFFFFF086  }
0x1c: {  	p1 =	slt.u32 s9, $0xF7A;
	s5 =	simm.s32 @!p2 $0x0  }
0x1d: {  	s5 =	simm.s32 @p1 $0x1;
	p0 =	seq.s32 s7, s2  }
0x1e: {  	s7 =	smul.u32 @!p0 $0xF7A, s2;
	p2 =	seq.s32 @!p0 s5, $0x0  }
0x1f: {  	s9 =	smul.u32 $0xF7A, s1;
	s8 =	simm.s32 @!p0 $0x1BF5;
	p2 =	por !p2, p0  }
0x20: {  	[sflag:s8] =	ssyncset.s32 @!p0 $0xFFFFF086;
	s6 =	sadd.s32 @!p0 s3, s7;
	s7 =	simm.s32 @!p0 $0x108  }
0x21: {  	s3 =	sadd.s32 s3, s9;
	s6 =	sadd.s32 @!p0 $0x88, s6;
	s7 =	simm.s32 @p2 $0x1082  }
0x22: {  	[simem:s7], [sflag:s8] =	dma.local @!p0 [hbm:s6], $0xF7A  }
0x23: {  	s9 =	sor.u32 $0xD0000000, s2;
	s6 =	simm.s32 $0x108;
	_ =	swait.ge @!p0 [sflag:s8], $0x0  }
0x24: {  	s3 =	sadd.s32 $0x88, s3;
	s6 =	simm.s32 @!p1 $0x1082;
	[sflag:s4] =	ssyncset.s32 $0xFFFFF086  }
0x25: {  	[simem:s6], [sflag:s4] =	dma.local [hbm:s3], $0xF7A  }
0x26: {  	[smem:$0x3F98] =	sst s1;
	(tag) =	ssettag s2;
	_ =	strace s9  }
0x27: {  	s1 =	sld [smem:$0x3FA8]  }
0x28: {  	s2 =	sld [smem:$0x3FA9]  }
0x29: {  	s4 =	sld [smem:$0x3FAB]  }
0x2a: {  	p0 =	seq.s32 s5, $0x0;
	s5 =	sld [smem:$0x3FAC]  }
0x2b: {  	s6 =	sld [smem:$0x3FAD]  }
0x2c: {  	s7 =	sld [smem:$0x3FAE]  }
0x2d: {  	s3 =	simm.s32 $0x108;
	s8 =	sld [smem:$0x3FAF]  }
0x2e: {  	s3 =	simm.s32 @!p0 $0x1082;
	s9 =	sld [smem:$0x3FB0]  }
0x2f: {  	lr =	sadd.s32 s0, s3;
	s0 =	sld [smem:$0x3FA7]  }
0x30: {  	s3 =	sld [smem:$0x3FAA]  }
0x31: {  	[smem:$0x3FB3] =	sst s10  }
0x32: {  	s10 =	sld [smem:$0x3FB1];
	_ =	sdelay $0x3  }
0x33: {  	p0 =	seq.s32 s10, $0x1;
	s10 =	sld [smem:$0x3FB3];
	_ =	sdelay $0x3  }
0x34: {  	[smem:$0x3FB3] =	sst s10  }
0x35: {  	s10 =	sld [smem:$0x3FB2];
	_ =	sdelay $0x3  }
0x36: {  	p1 =	seq.s32 s10, $0x1;
	s10 =	sld [smem:$0x3FB3];
	_ =	sdelay $0x3  }
0x37: {  	[smem:$0x3FB3] =	sst s10  }
0x38: {  	s10 =	sld [smem:$0x3FB4]  }
0x39: {  	_ = 	snop;
	(pc) =	sbr.ind lr, $3  }
0x3a: {  	_ = 	snop  }
0x3b: {  	_ = 	snop  }
0x3c: {  	p2 =	seq.s32 s10, $0x1;
	s10 =	sld [smem:$0x3FB3]  }
0x3d: {  	_ =	shalt  }
0x3e: {  	_ =	shalt  }
0x3f: {  	_ =	shalt  }
0x40: {  	_ =	shalt  }
0x41: {  	_ =	shalt  }
0x42: {  	_ =	shalt  }
0x43: {  	_ =	shalt  }
0x44: {  	_ =	shalt  }
0x45: {  	_ =	shalt  }
0x46: {  	_ =	shalt  }
0x47: {  	_ =	shalt  }
0x48: {  	_ =	shalt  }
0x49: {  	_ =	shalt  }
0x4a: {  	_ =	shalt  }
0x4b: {  	_ =	shalt  }
0x4c: {  	_ =	shalt  }
0x4d: {  	_ =	shalt  }
0x4e: {  	_ =	shalt  }
0x4f: {  	_ =	shalt  }
0x50: {  	_ =	shalt  }
0x51: {  	_ =	shalt  }
0x52: {  	_ =	shalt  }
0x53: {  	_ =	shalt  }
0x54: {  	_ =	shalt  }
0x55: {  	_ =	shalt  }
0x56: {  	_ =	shalt  }
0x57: {  	_ =	shalt  }
0x58: {  	_ =	shalt  }
0x59: {  	_ =	shalt  }
0x5a: {  	_ =	shalt  }
0x5b: {  	_ =	shalt  }
0x5c: {  	_ =	shalt  }
0x5d: {  	_ =	shalt  }
0x5e: {  	_ =	shalt  }
0x5f: {  	_ =	shalt  }
0x60: {  	_ =	shalt  }
0x61: {  	_ =	shalt  }
0x62: {  	_ =	shalt  }
0x63: {  	_ =	shalt  }
0x64: {  	_ =	shalt  }
0x65: {  	_ =	shalt  }
0x66: {  	_ =	shalt  }
0x67: {  	_ =	shalt  }
0x68: {  	_ =	shalt  }
0x69: {  	_ =	shalt  }
0x6a: {  	_ =	shalt  }
0x6b: {  	_ =	shalt  }
0x6c: {  	_ =	shalt  }
0x6d: {  	_ =	shalt  }
0x6e: {  	_ =	shalt  }
0x6f: {  	_ =	shalt  }
0x70: {  	_ =	shalt  }
0x71: {  	_ =	shalt  }
0x72: {  	_ =	shalt  }
0x73: {  	_ =	shalt  }
0x74: {  	_ =	shalt  }
0x75: {  	_ =	shalt  }
0x76: {  	_ =	shalt  }
0x77: {  	_ =	shalt  }
0x78: {  	_ =	shalt  }
0x79: {  	_ =	shalt  }
0x7a: {  	_ =	shalt  }
0x7b: {  	_ =	shalt  }
0x7c: {  	_ =	shalt  }
0x7d: {  	_ =	shalt  }
0x7e: {  	_ =	shalt  }
0x7f: {  	_ =	shalt  }
0x80: {  	_ =	shalt  }
0x81: {  	_ =	shalt  }
0x82: {  	_ =	shalt  }
0x83: {  	_ =	shalt  }
0x84: {  	_ =	shalt  }
0x85: {  	_ =	shalt  }
0x86: {  	_ =	shalt  }
0x87: {  	_ =	shalt  }
.Lfunc_end0:
.L_simem_size_0:
called_computation_lowered:
.L_overlay_start_0:
0x88: {  	s2 =	sld [smem:$0x3FD9]  }
0x89: {  	s3 =	sld [smem:$0x3FFE];
	_ =	sdelay $0x1  }
0x8a: {  	s1 =	srdreg.scid  }
0x8b: {  	s0 =	sand.u32 $0x1, s1  }
0x8c: {  	s14 =	sshll.u32 s0, $0xA;
	s2 =	sadd.s32 s3, s2  }
0x8d: {  	s2 =	sadd.s32 s2, s14  }
0x8e: {  	[smem:$0x3FBF] =	sst s2  }
0x8f: {  	_ = 	snop  }
0x90: {  	s2 =	sld [smem:$0x3FD0];
	_ =	sdelay $0x2  }
0x91: {  	s15 =	simm.s32 $0xA;
	s4 =	simm.s32 $0x10  }
0x92: {  	[smem:s4], [sflag:s15] =	dma.local [hbm:s2], $0x1  }
0x93: {  	_ =	swait.eq [sflag:s15], $0x1  }
0x94: {  	[sflag:s15] =	ssyncset.done $0x0  }
0x95: {  	s16 =	sld [smem:$0x10];
	[sflag:s15] =	ssyncadd.s32 $0xFFFFFFFF  }
0x96: {  	s17 =	sld [smem:$0x11];
	(tm) =	ssettm $0x1  }
0x97: {  	s18 =	sld [smem:$0x3FFB];
	_ =	sdelay $0x3  }
0x98: {  	_ =	strace s18  }
0x99: {  	s4 =	sld [smem:$0x3FFC];
	_ =	sdelay $0x3  }
0x9a: {  	_ =	strace s4  }
0x9b: {  	s4 =	sld [smem:$0x3FFD];
	_ =	sdelay $0x3  }
0x9c: {  	_ =	strace s4  }
0x9d: {  	_ =	strace $0x8FFFFFFF  }
0x9e: {  	s19 =	sld [smem:$0x3FDB];
	_ =	sdelay $0x1  }
0x9f: {  	s5 =	simm.s32 $_scs_section_size  }
0xa0: {  	s6 =	simm.s32 $_size__tile_overlayer_lowered;
	s7 =	simm.s32 $_tile_overlayer_lowered  }
0xa1: {  	s22 =	simm.s32 $0x1BFF;
	s21 =	sshll.u32 s7, $0x1;
	s4 =	sadd.s32 s5, s19  }
0xa2: {  	s8 =	simm.s32 $0x0;
	s20 =	sshll.u32 s6, $0x1;
	s6 =	sadd.s32 s21, s4  }
0xa3: {  	[timem:s8], [sflag:s22] =	dma.local [hbm:s6], s20  }
0xa4: {  	_ =	swait.ge [sflag:s22], s20  }
0xa5: {  	s5 =	ssub.s32 $0x0, s20;
	[sflag:s22] =	ssyncset.done $0x0  }
0xa6: {  	[sflag:s22] =	ssyncadd.s32 s5;
	_ =	sdelay $0x1  }
0xa7: {  	s23 =	simm.s32 $0x1B8B  }
0xa8: {  	_ =	swait.ge [sflag:s23], $0x1  }
0xa9: {  	[sflag:s23] =	ssyncset.done $0x0  }
0xaa: {  	s25 =	simm.s32 $0x1B8E;
	s24 =	sld [smem:$0x3FFE];
	[sflag:s23] =	ssyncadd.s32 $0xFFFFFFFF  }
0xab: {  	s26 =	simm.s32 $execute0_lowered;
	[smem:$0x3FD2] =	sst s25  }
0xac: {  	s6 =	sshll.u32 s26, $0x1;
	_ =	strace $0x80000046;
	[dreg:$0x1] =	wrdreg $0xFFFFFFFF  }
0xad: {  	s28 =	simm.s32 $_size_execute0_lowered;
	s4 =	sadd.s32 s4, s6;
	[dreg:$0x0] =	wrdreg $0x0  }
0xae: {  	s6 =	sshll.u32 s28, $0x1;
	[dreg:$0x2] =	wrdreg s4  }
0xaf: {  	[dreg:$0x3] =	wrdreg s6  }
0xb0: {  	[dreg:$0x4] =	wrdreg $0xC0  }
0xb1: {  	_ =	task [dreg:s8], $0x5FFFF  }
0xb2: {  	[dreg:$0x1] =	wrdreg $0xFFFFFFFF  }
0xb3: {  	[dreg:$0x0] =	wrdreg $0x60  }
0xb4: {  	[dreg:$0x2] =	wrdreg s24  }
0xb5: {  	[dreg:$0x3] =	wrdreg s17  }
0xb6: {  	[dreg:$0x4] =	wrdreg s16  }
0xb7: {  	[dreg:$0x5] =	wrdreg $0x9  }
0xb8: {  	_ =	task.clear_ibuf [dreg:s8], $0x6FFFF;
	_ =	strace $0x90000046  }
0xb9: {  	s29 =	simm.s32 $0x9;
	_ =	strace $0x80000048  }
0xba: {  	_ =	swait.ge [sflag:s29], $0x1  }
0xbb: {  	[sflag:s29] =	ssyncadd.s32 $0xFFFFFFFF  }
0xbc: {  	_ =	strace $0x90000048  }
0xbd: {  	_ =	sfence  }
0xbe: {  	s30 =	sld [smem:$0x0];
	_ =	sdelay $0x2  }
0xbf: {  	s31 =	sshll.u32 s1, $0xD;
	s1 =	sshrl.u32 s1, $0x2  }
0xc0: {  	s3 =	sand.u32 $0x4000, s31;
	s1 =	sadd.s32 s1, s30  }
0xc1: {  	s0 =	sor.u32 s3, s0;
	s1 =	sshll.u32 s1, $0x11  }
0xc2: {  	s0 =	sor.u32 s1, s0  }
0xc3: {  	s0 =	sadd.s32 $0x8F2B, s0  }
0xc4: {  	[sflag:s0] =	ssyncadd.remote.s32 $0x1  }
0xc5: {  	_ =	sfence.sel $0xFFFF  }
0xc6: {  	[dreg:$0x0] =	wrdreg $0xFFFFFFFF;
	(pc) =	sbr.abs _section_cstart, $3  }
0xc7: {  	[dreg:$0x1] =	wrdreg $0xFFFFFFFF  }
0xc8: {  	_ =	task.clear_ibuf [dreg:s8], $0x2FFFF;
	_ =	strace $0x9FFFFFFF  }
0xc9: {  	(tm) =	ssettm $0x7FFFFFFF  }
tec
execute0_lowered:
.L_overlay_start_1:
0x0: {  	(tag) =	ssettag $0x1  }
0x1: {  	s1 =	rddreg [dreg:$0x0]  }
0x2: {  	s0 =	rddreg [dreg:$0x2];
	s2 =	simm.s32 $0x0  }
0x3: {  	s3 =	simm.s32 $0x4100;
	[smem:$0x7FF] =	sst s2  }
0x4: {  	s20 =	simm.s32 $0x4300;
	_ =	strace $0x80000047;
	[dreg:$0x4] =	wrdreg s3  }
0x5: {  	s21 =	simm.s32 $0x4500;
	[dreg:$0x5] =	wrdreg s20  }
0x6: {  	s22 =	simm.s32 $0x3F20;
	[dreg:$0x6] =	wrdreg s21  }
0x7: {  	s23 =	simm.s32 $0x4120;
	[dreg:$0x7] =	wrdreg s22  }
0x8: {  	s24 =	simm.s32 $0x4320;
	[dreg:$0x8] =	wrdreg s23  }
0x9: {  	s25 =	simm.s32 $0x4520;
	[dreg:$0x9] =	wrdreg s24  }
0xa: {  	s26 =	simm.s32 $0x3F40;
	[dreg:$0xa] =	wrdreg s25  }
0xb: {  	s4 =	simm.s32 $0x4140;
	[dreg:$0xb] =	wrdreg s26  }
0xc: {  	s5 =	simm.s32 $0x4340;
	[dreg:$0xc] =	wrdreg s4  }
0xd: {  	s6 =	simm.s32 $0x4540;
	[dreg:$0xd] =	wrdreg s5  }
0xe: {  	s7 =	simm.s32 $0x3F60;
	[dreg:$0xe] =	wrdreg s6  }
0xf: {  	s8 =	simm.s32 $0x4160;
	[dreg:$0xf] =	wrdreg s7  }
0x10: {  	s9 =	simm.s32 $0x4360;
	[dreg:$0x10] =	wrdreg s8  }
0x11: {  	s10 =	simm.s32 $0x4560;
	[dreg:$0x11] =	wrdreg s9  }
0x12: {  	s11 =	simm.s32 $0x3F80;
	[dreg:$0x12] =	wrdreg s10  }
0x13: {  	s12 =	simm.s32 $0x4180;
	[dreg:$0x13] =	wrdreg s11  }
0x14: {  	s13 =	simm.s32 $0x4380;
	[dreg:$0x14] =	wrdreg s12  }
0x15: {  	s14 =	simm.s32 $0x3FA0;
	[dreg:$0x15] =	wrdreg s13  }
0x16: {  	s16 =	simm.s32 $0x41A0;
	[dreg:$0x17] =	wrdreg s14  }
0x17: {  	s17 =	simm.s32 $0x43A0;
	[dreg:$0x18] =	wrdreg s16  }
0x18: {  	s18 =	simm.s32 $0x45A0;
	[dreg:$0x19] =	wrdreg s17  }
0x19: {  	s19 =	simm.s32 $0x3FC0;
	[dreg:$0x1a] =	wrdreg s18  }
0x1a: {  	s6 =	simm.s32 $0x4580;
	[dreg:$0x1b] =	wrdreg s19  }
0x1b: {  	s8 =	sadd.s32 $0x1000, s1;
	[dreg:$0x16] =	wrdreg s6  }
0x1c: {  	s21 =	sadd.s32 $0xE00, s1;
	[smem:$0x7D8] =	sst s8  }
0x1d: {  	s20 =	simm.s32 $0x41C0;
	[smem:$0x7D9] =	sst s21  }
0x1e: {  	s23 =	sadd.s32 $0xC00, s1;
	[dreg:$0x1c] =	wrdreg s20  }
0x1f: {  	s22 =	simm.s32 $0x43C0;
	[smem:$0x7DA] =	sst s23  }
0x20: {  	s25 =	sadd.s32 $0xA00, s1;
	[dreg:$0x1d] =	wrdreg s22  }
0x21: {  	s24 =	simm.s32 $0x45C0;
	[smem:$0x7DB] =	sst s25  }
0x22: {  	s9 =	sadd.s32 $0x10A00, s1;
	[dreg:$0x1e] =	wrdreg s24  }
0x23: {  	s26 =	simm.s32 $0x3FE0;
	[smem:$0x7DC] =	sst s9  }
0x24: {  	s10 =	simm.s32 $0x41E0;
	[dreg:$0x1f] =	wrdreg s26  }
0x25: {  	s12 =	simm.s32 $0x43E0;
	[smem:$0x7DD] =	sst s10  }
0x26: {  	s13 =	simm.s32 $0x45E0;
	[smem:$0x7DE] =	sst s12  }
0x27: {  	s14 =	simm.s32 $0x4000;
	[smem:$0x7DF] =	sst s13  }
0x28: {  	s16 =	simm.s32 $0x4400;
	[smem:$0x7E0] =	sst s14  }
0x29: {  	s18 =	simm.s32 $0x4600;
	[smem:$0x7E3] =	sst s16  }
0x2a: {  	[smem:$0x7E5] =	sst s18;
	s20 =	simm.s32 $0x4020  }
0x2b: {  	s22 =	simm.s32 $0x4220;
	[smem:$0x7E7] =	sst s20  }
0x2c: {  	s29 =	simm.s32 $0x5400;
	s24 =	simm.s32 $0x4420;
	[smem:$0x7E9] =	sst s22  }
0x2d: {  	s30 =	simm.s32 $0x1;
	s25 =	simm.s32 $0x4620;
	[smem:$0x7EB] =	sst s24  }
0x2e: {  	s31 =	simm.s32 $0x40A0;
	s26 =	simm.s32 $0x4040;
	[smem:$0x7ED] =	sst s25  }
0x2f: {  	s28 =	simm.s32 $0x44C0;
	s10 =	sadd.s32 $0x4178, s1;
	[smem:$0x7EF] =	sst s26  }
0x30: {  	s4 =	srdreg.scid;
	s12 =	sadd.s32 $0x724C, s1;
	[smem:$0x7F0] =	sst s10  }
0x31: {  	s5 =	stileid.u32;
	s14 =	sadd.s32 $0xA320, s1;
	[smem:$0x7F2] =	sst s12  }
0x32: {  	s4 =	sand.u32 $0x1, s4;
	s13 =	simm.s32 $0x4640;
	[smem:$0x7F4] =	sst s14  }
0x33: {  	s5 =	sshll.u32 s5, $0x1;
	s16 =	simm.s32 $0x4260;
	[smem:$0x7F5] =	sst s13  }
0x34: {  	s18 =	simm.s32 $0x4660;
	s3 =	sor.u32 s4, s5;
	[smem:$0x7F7] =	sst s16  }
0x35: {  	s4 =	ssub.s32 $0x2, s4;
	s20 =	sadd.s32 $0x2F78, s0;
	[smem:$0x7F9] =	sst s18  }
0x36: {  	s24 =	simm.s32 $0x4280;
	s25 =	simm.s32 $0x4480;
	s26 =	simm.s32 $0x4680  }
0x37: {  	s5 =	simm.s32 $0x40E0;
	s10 =	simm.s32 $0x0;
	[smem:$0x7FB] =	sst s24  }
0x38: {  	s15 =	smul.u32 $0xC40, s3;
	s11 =	sshll.u32 s3, $0x4;
	[smem:$0x7FC] =	sst s25  }
0x39: {  	s9 =	sshrl.u32 s4, $0x1;
	p0 =	seq.s32 s3, $0x1F;
	[smem:$0x7FD] =	sst s26  }
0x3a: {  	s25 =	simm.s32 $0x3E80;
	s4 =	ssub.s32 s4, s9;
	s9 =	simm.s32 $0x4240  }
0x3b: {  	s8 =	sadd.s32 s11, s1;
	s11 =	simm.s32 $0x4440;
	[smem:$0x7F1] =	sst s9  }
0x3c: {  	s6 =	sshrl.u32 s15, $0x3;
	s15 =	simm.s32 $0x4200;
	[smem:$0x7F3] =	sst s11  }
0x3d: {  	s7 =	sadd.s32 s6, s1;
	[smem:$0x7E1] =	sst s15;
	s6 =	sadd.s32 s0, s6  }
0x3e: {  	s26 =	simm.s32 $0x3F00;
	s15 =	simm.s32 $0x4060;
	[smem:$0x7EC] =	sst s6  }
0x3f: {  	s3 =	simm.s32 $0x44A0;
	s17 =	sadd.s32 $0xD800, s7;
	[smem:$0x7F6] =	sst s15  }
0x40: {  	s24 =	simm.s32 $0x42C0;
	s19 =	sadd.s32 $0x1200, s7;
	[smem:$0x7E2] =	sst s17  }
0x41: {  	s22 =	smax.u32 s4, $0x1;
	s21 =	sadd.s32 $0x42D4, s7;
	[smem:$0x7E4] =	sst s19  }
0x42: {  	s4 =	simm.s32 $0x46C0;
	s23 =	sadd.s32 $0x73A8, s7;
	[smem:$0x7E6] =	sst s21  }
0x43: {  	s9 =	simm.s32 $0x2;
	s7 =	sadd.s32 $0xA600, s7;
	[smem:$0x7E8] =	sst s23  }
0x44: {  	s0 =	simm.s32 $0x42A0;
	s6 =	simm.s32 $0x42E0;
	[smem:$0x7EA] =	sst s7  }
0x45: {  	s7 =	sadd.s32 $0x10778, s1;
	s19 =	sadd.s32 $0xD578, s1;
	s17 =	simm.s32 $0x4460  }
0x46: {  	s21 =	sadd.s32 $0x10C00, s8;
	s23 =	simm.s32 $0x4080;
	[smem:$0x7EE] =	sst s7  }
0x47: {  	s1 =	simm.s32 $0x46A0;
	s8 =	simm.s32 $0x46E0;
	[smem:$0x7F8] =	sst s17  }
0x48: {  	[smem:$0x7FA] =	sst s23;
	s23 =	simm.s32 $0x40C0;
	s7 =	simm.s32 $0x44E0  }
.LBB2_1:
0x49: {  	s11 =	sld [smem:$0x7DA];
	_ =	sdelay $0x1  }
0x4a: {  	s12 =	simm.s32 $0x5300  }
0x4b: {  	[tilespmem:s12], [sflag:$0x1] =	stream.linear.gather [hbm4b:s11+s2], $0x80, $0x38;
	[tilespmem:$0x5500] =	vst v63  }
0x4c: {  	s12 =	sld [smem:$0x7DB];
	_ =	sdelay $0x1  }
0x4d: {  	s13 =	simm.s32 $0x5380;
	s14 =	rddreg [dreg:$0x1]  }
0x4e: {  	[tilespmem:s13], [sflag:$0x1] =	stream.linear.gather [hbm4b:s12+s2], $0x80, $0x38;
	[tilespmem:$0x5500] =	vst v63  }
0x4f: {  	s15 =	sld [smem:$0x7D8]  }
0x50: {  	[tilespmem:s25], [sflag:$0x1] =	stream.linear.gather [hbm4b:s14+s2], $0x80, $0x38;
	[tilespmem:$0x5500] =	vst v63  }
0x51: {  	s16 =	sld [smem:$0x7D9]  }
0x52: {  	[tilespmem:s26], [sflag:$0x1] =	stream.linear.gather [hbm4b:s15+s2], $0x800, $0x38;
	[tilespmem:$0x5500] =	vst v63  }
0x53: {  	s17 =	simm.s32 $0x4700;
	s18 =	sld [smem:$0x7DC]  }
0x54: {  	[tilespmem:s17], [sflag:$0x1] =	stream.linear.gather [hbm4b:s16+s2], $0xC00, $0x38;
	[tilespmem:$0x5500] =	vst v63  }
0x55: {  	s12 =	sld [smem:$0x7EE]  }
0x56: {  	[tilespmem:s29], [sflag:$0x1] =	stream.linear.gather [hbm4b:s18+s2], $0x80, $0x38;
	[tilespmem:$0x5500] =	vst v63  }
0x57: {  	s11 =	simm.s32 @p0 $0x0;
	s13 =	sld [smem:$0x7F0]  }
0x58: {  	[tilespmem:s11], [sflag:$0x1] =	stream.linear.gather @p0 [hbm4b:s12+s11], $0xAE0, $0x38;
	[tilespmem:$0x5500] =	vst v63  }
0x59: {  	s12 =	simm.s32 @p0 $0xC80  }
0x5a: {  	[tilespmem:s12], [sflag:$0x1] =	stream.linear.gather @p0 [hbm4b:s13+s11], $0xAE0, $0x38;
	[tilespmem:$0x5500] =	vst v63  }
0x5b: {  	s13 =	sld [smem:$0x7F2];
	_ =	sdelay $0x1  }
0x5c: {  	s12 =	simm.s32 @p0 $0x1900  }
0x5d: {  	[tilespmem:s12], [sflag:$0x1] =	stream.linear.gather @p0 [hbm4b:s13+s11], $0xAE0, $0x38;
	[tilespmem:$0x5500] =	vst v63  }
0x5e: {  	s13 =	sld [smem:$0x7F4];
	_ =	sdelay $0x1  }
0x5f: {  	s12 =	simm.s32 @p0 $0x2580  }
0x60: {  	[tilespmem:s12], [sflag:$0x1] =	stream.linear.gather @p0 [hbm4b:s13+s11], $0xAE0, $0x38;
	[tilespmem:$0x5500] =	vst v63  }
0x61: {  	s12 =	simm.s32 @p0 $0x3200  }
0x62: {  	[tilespmem:s12], [sflag:$0x1] =	stream.linear.gather @p0 [hbm4b:s19+s11], $0xAE0, $0x38;
	[tilespmem:$0x5500] =	vst v63  }
0x63: {  	s12 =	simm.s32 @p0 $0x1  }
0x64: {  	_ =	swait.ge @p0 [sflag:s12], $0xAE0  }
0x65: {  	[sflag:s12] =	ssyncset.done @p0 $0x0  }
0x66: {  	[sflag:s12] =	ssyncadd.s32 @p0 $0xFFFFF520  }
0x67: {  	_ =	swait.ge @p0 [sflag:s12], $0xAE0  }
0x68: {  	[sflag:s12] =	ssyncset.done @p0 $0x0  }
0x69: {  	[sflag:s12] =	ssyncadd.s32 @p0 $0xFFFFF520  }
0x6a: {  	_ =	swait.ge @p0 [sflag:s12], $0xAE0  }
0x6b: {  	[sflag:s12] =	ssyncset.done @p0 $0x0  }
0x6c: {  	[sflag:s12] =	ssyncadd.s32 @p0 $0xFFFFF520  }
0x6d: {  	_ =	swait.ge @p0 [sflag:s12], $0xAE0  }
0x6e: {  	[sflag:s12] =	ssyncset.done @p0 $0x0  }
0x6f: {  	[sflag:s12] =	ssyncadd.s32 @p0 $0xFFFFF520  }
0x70: {  	_ =	swait.ge @p0 [sflag:s12], $0xAE0  }
0x71: {  	[sflag:s12] =	ssyncset.done @p0 $0x0  }
0x72: {  	[sflag:s12] =	ssyncadd.s32 @p0 $0xFFFFF520  }
0x73: {  	[hbm4b:s20+s11] =	stream.linear.scatter @p0 [tilespmem:s11], [sflag:$0x2], $0xAE0, $0x38;
	[tilespmem:$0x5500] =	vst v63  }
0x74: {  	s11 =	simm.s32 @p0 $0x2  }
0x75: {  	_ =	swait.ge @p0 [sflag:s11], $0xAE0  }
0x76: {  	s12 =	sld [smem:$0x7E2]  }
0x77: {  	[sflag:s11] =	ssyncset.done @p0 $0x0  }
0x78: {  	s13 =	sld [smem:$0x7E4];
	[sflag:s11] =	ssyncadd.s32 @p0 $0xFFFFF520;
	s11 =	simm.s32 @!p0 $0x0  }
0x79: {  	[tilespmem:s11], [sflag:$0x1] =	stream.linear.gather @!p0 [hbm4b:s12+s11], $0xC40, $0x38;
	[tilespmem:$0x5500] =	vst v63  }
0x7a: {  	s12 =	simm.s32 @!p0 $0xC80  }
0x7b: {  	[tilespmem:s12], [sflag:$0x1] =	stream.linear.gather @!p0 [hbm4b:s13+s11], $0xC40, $0x38;
	[tilespmem:$0x5500] =	vst v63  }
0x7c: {  	s13 =	sld [smem:$0x7E6];
	_ =	sdelay $0x1  }
0x7d: {  	s12 =	simm.s32 @!p0 $0x1900  }
0x7e: {  	[tilespmem:s12], [sflag:$0x1] =	stream.linear.gather @!p0 [hbm4b:s13+s11], $0xC40, $0x38;
	[tilespmem:$0x5500] =	vst v63  }
0x7f: {  	s13 =	sld [smem:$0x7E8];
	_ =	sdelay $0x1  }
0x80: {  	s12 =	simm.s32 @!p0 $0x2580  }
0x81: {  	[tilespmem:s12], [sflag:$0x1] =	stream.linear.gather @!p0 [hbm4b:s13+s11], $0xC40, $0x38;
	[tilespmem:$0x5500] =	vst v63  }
0x82: {  	s13 =	sld [smem:$0x7EA];
	_ =	sdelay $0x1  }
0x83: {  	s12 =	simm.s32 @!p0 $0x3200  }
0x84: {  	[tilespmem:s12], [sflag:$0x1] =	stream.linear.gather @!p0 [hbm4b:s13+s11], $0xC40, $0x38;
	[tilespmem:$0x5500] =	vst v63  }
0x85: {  	s12 =	simm.s32 @!p0 $0x1  }
0x86: {  	_ =	swait.ge @!p0 [sflag:s12], $0xC40  }
0x87: {  	[sflag:s12] =	ssyncset.done @!p0 $0x0  }
0x88: {  	[sflag:s12] =	ssyncadd.s32 @!p0 $0xFFFFF3C0  }
0x89: {  	_ =	swait.ge @!p0 [sflag:s12], $0xC40  }
0x8a: {  	[sflag:s12] =	ssyncset.done @!p0 $0x0  }
0x8b: {  	[sflag:s12] =	ssyncadd.s32 @!p0 $0xFFFFF3C0  }
0x8c: {  	_ =	swait.ge @!p0 [sflag:s12], $0xC40  }
0x8d: {  	[sflag:s12] =	ssyncset.done @!p0 $0x0  }
0x8e: {  	[sflag:s12] =	ssyncadd.s32 @!p0 $0xFFFFF3C0  }
0x8f: {  	_ =	swait.ge @!p0 [sflag:s12], $0xC40  }
0x90: {  	[sflag:s12] =	ssyncset.done @!p0 $0x0  }
0x91: {  	[sflag:s12] =	ssyncadd.s32 @!p0 $0xFFFFF3C0  }
0x92: {  	_ =	swait.ge @!p0 [sflag:s12], $0xC40  }
0x93: {  	[sflag:s12] =	ssyncset.done @!p0 $0x0  }
0x94: {  	[sflag:s12] =	ssyncadd.s32 @!p0 $0xFFFFF3C0;
	s12 =	sld [smem:$0x7EC];
	_ =	sdelay $0x2  }
0x95: {  	[hbm4b:s12+s11] =	stream.linear.scatter @!p0 [tilespmem:s11], [sflag:$0x2], $0xC40, $0x38;
	[tilespmem:$0x5500] =	vst v63  }
0x96: {  	s11 =	simm.s32 @!p0 $0x2  }
0x97: {  	_ =	swait.ge @!p0 [sflag:s11], $0xC40  }
0x98: {  	[sflag:s11] =	ssyncset.done @!p0 $0x0  }
0x99: {  	[sflag:s11] =	ssyncadd.s32 @!p0 $0xFFFFF3C0  }
0x9a: {  	_ =	swait.ge [sflag:s30], $0x80  }
0x9b: {  	[sflag:s30] =	ssyncset.done $0x0  }
0x9c: {  	[sflag:s30] =	ssyncadd.s32 $0xFFFFFF80  }
0x9d: {  	_ =	swait.ge [sflag:s30], $0x80  }
0x9e: {  	[sflag:s30] =	ssyncset.done $0x0  }
0x9f: {  	[sflag:s30] =	ssyncadd.s32 $0xFFFFFF80  }
0xa0: {  	_ =	swait.ge [sflag:s30], $0x80  }
0xa1: {  	[sflag:s30] =	ssyncset.done $0x0  }
0xa2: {  	[sflag:s30] =	ssyncadd.s32 $0xFFFFFF80  }
0xa3: {  	_ =	swait.ge [sflag:s30], $0x800  }
0xa4: {  	[sflag:s30] =	ssyncset.done $0x0  }
0xa5: {  	[sflag:s30] =	ssyncadd.s32 $0xFFFFF800  }
0xa6: {  	_ =	swait.ge [sflag:s30], $0xC00  }
0xa7: {  	[sflag:s30] =	ssyncset.done $0x0  }
0xa8: {  	[sflag:s30] =	ssyncadd.s32 $0xFFFFF400  }
0xa9: {  	_ =	swait.ge [sflag:s30], $0x80  }
0xaa: {  	[sflag:s30] =	ssyncset.done $0x0  }
0xab: {  	[sflag:s30] =	ssyncadd.s32 $0xFFFFFF80  }
0xac: {  	v8 =	vld [tilespmem:$0x4700];
	_ =	sdelay $0x4  }
0xad: {  	[tilespmem:$0x1FE50] =	vst v8;
	v8 =	vld [tilespmem:$0x4710];
	_ =	sdelay $0x4  }
0xae: {  	[tilespmem:$0x1FE60] =	vst v8;
	v8 =	vld [tilespmem:$0x4720];
	_ =	sdelay $0x4  }
0xaf: {  	[tilespmem:$0x1FE70] =	vst v8;
	v8 =	vld [tilespmem:$0x4A00];
	_ =	sdelay $0x4  }
0xb0: {  	[tilespmem:$0x1FE80] =	vst v8;
	v8 =	vld [tilespmem:$0x4A10];
	_ =	sdelay $0x4  }
0xb1: {  	[tilespmem:$0x1FE90] =	vst v8;
	v8 =	vld [tilespmem:$0x4A20];
	_ =	sdelay $0x4  }
0xb2: {  	[tilespmem:$0x1FEA0] =	vst v8;
	v8 =	vld [tilespmem:$0x4D00];
	_ =	sdelay $0x4  }
0xb3: {  	[tilespmem:$0x1FEB0] =	vst v8;
	v8 =	vld [tilespmem:$0x4D10];
	_ =	sdelay $0x4  }
0xb4: {  	[tilespmem:$0x1FEC0] =	vst v8;
	v8 =	vld [tilespmem:$0x4D20];
	_ =	sdelay $0x4  }
0xb5: {  	[tilespmem:$0x1FED0] =	vst v8;
	v8 =	vld [tilespmem:$0x5000];
	_ =	sdelay $0x4  }
0xb6: {  	[tilespmem:$0x1FEE0] =	vst v8;
	v8 =	vld [tilespmem:$0x5010];
	_ =	sdelay $0x4  }
0xb7: {  	[tilespmem:$0x1FEF0] =	vst v8;
	v8 =	vld [tilespmem:$0x5020];
	_ =	sdelay $0x4  }
0xb8: {  	[tilespmem:$0x1FF00] =	vst v8;
	v8 =	vld [tilespmem:$0x4730];
	_ =	sdelay $0x4  }
0xb9: {  	[tilespmem:$0x1FF10] =	vst v8;
	v8 =	vld [tilespmem:$0x4740];
	_ =	sdelay $0x4  }
0xba: {  	[tilespmem:$0x1FF20] =	vst v8;
	v8 =	vld [tilespmem:$0x4750];
	_ =	sdelay $0x4  }
0xbb: {  	[tilespmem:$0x1FF30] =	vst v8;
	v8 =	vld [tilespmem:$0x4A30];
	_ =	sdelay $0x4  }
0xbc: {  	[tilespmem:$0x1FF40] =	vst v8;
	v8 =	vld [tilespmem:$0x4A40];
	_ =	sdelay $0x4  }
0xbd: {  	[tilespmem:$0x1FF50] =	vst v8;
	v8 =	vld [tilespmem:$0x4A50];
	_ =	sdelay $0x4  }
0xbe: {  	[tilespmem:$0x1FF60] =	vst v8;
	v8 =	vld [tilespmem:$0x4D30];
	_ =	sdelay $0x4  }
0xbf: {  	[tilespmem:$0x1FF70] =	vst v8;
	v8 =	vld [tilespmem:$0x4D40];
	_ =	sdelay $0x3  }
0xc0: {  	v0 =	vld [tilespmem:$0x5300]  }
0xc1: {  	[tilespmem:$0x1FF80] =	vst v8;
	v8 =	vld [tilespmem:$0x4D50];
	_ =	sdelay $0x1  }
0xc2: {  	v4 =	vld [tilespmem:$0x5380];
	_ =	sdelay $0x2  }
0xc3: {  	v1 =	vld [tilespmem:$0x5310];
	[tilespmem:$0x1FF90] =	vst v8;
	v8 =	vbroadcast v0, $0x0  }
0xc4: {  	v2 =	vld [tilespmem:$0x5320]  }
0xc5: {  	v3 =	vld [tilespmem:$0x5330];
	[tilespmem:$0x1FFA0] =	vst v8;
	v8 =	vbroadcast v4, $0x0  }
0xc6: {  	v5 =	vld [tilespmem:$0x5390]  }
0xc7: {  	[tilespmem:$0x1FFB0] =	vst v8;
	v8 =	vld [tilespmem:$0x5030]  }
0xc8: {  	v6 =	vld [tilespmem:$0x53A0]  }
0xc9: {  	v7 =	vld [tilespmem:$0x53B0];
	_ =	sdelay $0x1  }
0xca: {  	v37 =	vld [tilespmem:$0x5050]  }
0xcb: {  	v40 =	vld [tilespmem:$0x4760];
	v35 =	vbroadcast v2, $0x0;
	[tilespmem:$0x1FFC0] =	vst v8;
	v8 =	vbroadcast v1, $0x0  }
0xcc: {  	v43 =	vld [tilespmem:$0x4770];
	v36 =	vbroadcast v6, $0x0;
	v38 =	vbroadcast v3, $0x0  }
0xcd: {  	v46 =	vld [tilespmem:$0x4780];
	v39 =	vbroadcast v7, $0x0;
	[tilespmem:$0x1FFD0] =	vst v8;
	v8 =	vbroadcast v5, $0x0  }
0xce: {  	v49 =	vld [tilespmem:$0x4A60];
	v41 =	vbroadcast v0, $0x1;
	v42 =	vbroadcast v4, $0x1  }
0xcf: {  	v44 =	vbroadcast v1, $0x1;
	v45 =	vbroadcast v5, $0x1;
	[tilespmem:$0x1FFE0] =	vst v8;
	v8 =	vld [tilespmem:$0x5040]  }
0xd0: {  	v53 =	vimm.f32 $0.0e+00;
	v52 =	vld [tilespmem:$0x4A70];
	v47 =	vbroadcast v2, $0x1;
	v48 =	vbroadcast v6, $0x1  }
0xd1: {  	v60 =	vimm.f32 $0.0e+00;
	v56 =	vld [tilespmem:$0x4A80];
	v50 =	vbroadcast v3, $0x1;
	v51 =	vbroadcast v7, $0x1  }
0xd2: {  	v10 =	vimm.f32 $0.0e+00;
	s14 =	simm.s32 $0x1900;
	v59 =	vld [tilespmem:$0x4D60];
	v54 =	vbroadcast v0, $0x2;
	v55 =	vbroadcast v4, $0x2  }
0xd3: {  	v11 =	vimm.f32 $0.0e+00;
	s15 =	simm.s32 $0x2580;
	s16 =	simm.s32 $0x0;
	s11 =	simm.s32 @!p0 $0xC4;
	v61 =	vld [tilespmem:$0x4D70];
	v57 =	vbroadcast v1, $0x2;
	v58 =	vbroadcast v5, $0x2  }
0xd4: {  	s13 =	simm.s32 $0xC80;
	s12 =	simm.s32 $0x3200;
	s11 =	simm.s32 @p0 $0xAE;
	v9 =	vld [tilespmem:$0x4D80];
	v62 =	vbroadcast v2, $0x2;
	v63 =	vbroadcast v6, $0x2;
	[tilespmem:$0x1FFF0] =	vst v8;
	v8 =	vimm.f32 $0.0e+00  }
.LBB2_2:
0xd5: {  	v12 =	vld [tilespmem:s16+$0x0];
	_ =	sdelay $0x7  }
0xd6: {  	v12 =	vld.idx.msk [tilespmem:v12+s25+$0x0], $0xffff;
	_ =	sdelay $0x1  }
0xd7: {  	v15 =	vld [tilespmem:s12+$0x0]  }
0xd8: {  	v14 =	vld [tilespmem:s13+$0x0]  }
0xd9: {  	v13 =	vld [tilespmem:s14+$0x0]  }
0xda: {  	v28 =	vld [tilespmem:$0x1FFA0];
	vm0 =	vgt.s32 v12, $0x0  }
0xdb: {  	v29 =	vld [tilespmem:$0x1FFB0];
	v16 =	vnsel vm0, $0x0, v12  }
0xdc: {  	v20 =	vld [tilespmem:$0x1FFD0]  }
0xdd: {  	v30 =	vld [tilespmem:$0x1FE50]  }
0xde: {  	v31 =	vld [tilespmem:$0x1FFE0]  }
0xdf: {  	v23 =	vld [tilespmem:$0x1FE60]  }
0xe0: {  	s17 =	rddreg [dreg:$0x4];
	v17 =	vld.idx.msk [tilespmem:v16+s26+$0x0], $0xffff  }
0xe1: {  	v19 =	vld.idx.msk [tilespmem:v16+s17+$0x0], $0xffff  }
0xe2: {  	v33 =	vld [tilespmem:$0x1FE80]  }
0xe3: {  	s18 =	rddreg [dreg:$0x6];
	v18 =	vmul.f32 v28, v15;
	v12 =	vld [tilespmem:s15+$0x0]  }
0xe4: {  	v20 =	vmul.f32 v20, v15;
	s17 =	rddreg [dreg:$0x5];
	v32 =	vld.idx.msk [tilespmem:v16+s18+$0x0], $0xffff  }
0xe5: {  	v22 =	vld.idx.msk [tilespmem:v16+s17+$0x0], $0xffff;
	v17 =	vadd.f32 v17, v18;
	v18 =	vmul.f32 v29, v14  }
0xe6: {  	v27 =	vld [tilespmem:$0x1FE90];
	v24 =	vmul.f32 v35, v15;
	v19 =	vadd.f32 v19, v20  }
0xe7: {  	v26 =	vld [tilespmem:$0x1FEC0];
	v20 =	vmul.f32 v31, v14;
	v17 =	vadd.f32 v17, v18;
	v18 =	vmul.f32 v30, v13  }
0xe8: {  	v34 =	vmul.f32 v38, v15;
	v23 =	vmul.f32 v23, v12;
	v31 =	vld [tilespmem:$0x1FEB0]  }
0xe9: {  	v21 =	vld.idx.msk [tilespmem:v16+s29+$0x0], $0xffff;
	v19 =	vadd.f32 v19, v20;
	v20 =	vmul.f32 v33, v13;
	v17 =	vadd.f32 v18, v17  }
0xea: {  	v28 =	vmul.f32 v36, v14;
	s18 =	rddreg [dreg:$0x7];
	v22 =	vadd.f32 v22, v24;
	v18 =	vadd.f32 v32, v34;
	v32 =	vld [tilespmem:$0x1FEE0]  }
0xeb: {  	v30 =	vld.idx.msk [tilespmem:v16+s18+$0x0], $0xffff;
	v19 =	vadd.f32 v20, v19;
	v17 =	vadd.f32 v23, v17;
	v23 =	vmul.f32 v27, v12;
	_ =	sdelay $0x1  }
0xec: {  	v33 =	vld [tilespmem:$0x1FE70];
	v22 =	vadd.f32 v22, v28;
	v19 =	vadd.f32 v23, v19;
	v23 =	vmul.f32 v31, v13  }
0xed: {  	v34 =	vmul.f32 v41, v15;
	v27 =	vld [tilespmem:$0x1FEF0]  }
0xee: {  	v20 =	vmul.f32 v32, v13;
	v32 =	vld [tilespmem:$0x1FED0];
	v22 =	vadd.f32 v23, v22;
	v23 =	vmul.f32 v26, v12  }
0xef: {  	v53 =	vadd.f32 v21, v53;
	s18 =	rddreg [dreg:$0x8];
	v21 =	vadd.f32 v30, v34;
	v30 =	vld [tilespmem:$0x1FF10]  }
0xf0: {  	v29 =	vmul.f32 v39, v14;
	v25 =	vld.idx.msk [tilespmem:v16+s18+$0x0], $0xffff;
	v22 =	vadd.f32 v23, v22  }
0xf1: {  	v28 =	vmul.f32 v42, v14;
	v17 =	vmax.f32 v17, $0.0e+00  }
0xf2: {  	v18 =	vadd.f32 v18, v29;
	v17 =	vmul.f32 v17, v33;
	v33 =	vld [tilespmem:$0x1FF20];
	v22 =	vmax.f32 v22, $0.0e+00  }
0xf3: {  	s18 =	rddreg [dreg:$0x9];
	v31 =	vmul.f32 v44, v15;
	v29 =	vadd.f32 v21, v28;
	v22 =	vmul.f32 v22, v32;
	v32 =	vld [tilespmem:$0x1FF40]  }
0xf4: {  	v24 =	vld.idx.msk [tilespmem:v16+s18+$0x0], $0xffff;
	s18 =	rddreg [dreg:$0xa];
	v18 =	vadd.f32 v20, v18;
	v20 =	vmul.f32 v27, v12;
	v21 =	vmul.f32 v30, v13  }
0xf5: {  	v27 =	vld.idx.msk [tilespmem:v16+s18+$0x0], $0xffff;
	v23 =	vadd.f32 v25, v31  }
0xf6: {  	v34 =	vmul.f32 v45, v14;
	v18 =	vadd.f32 v20, v18;
	v20 =	vadd.f32 v21, v29;
	v29 =	vld [tilespmem:$0x1FF00]  }
0xf7: {  	v19 =	vmax.f32 v19, $0.0e+00;
	v26 =	vld [tilespmem:$0x1FEA0];
	v30 =	vmul.f32 v47, v15  }
0xf8: {  	v28 =	vld [tilespmem:$0x1FF30];
	v21 =	vmul.f32 v33, v12;
	v31 =	vadd.f32 v23, v34;
	v23 =	vmul.f32 v32, v13  }
0xf9: {  	v24 =	vadd.f32 v24, v30;
	v33 =	vmul.f32 v48, v14;
	v34 =	vmul.f32 v50, v15;
	v30 =	vld [tilespmem:$0x1FF50]  }
0xfa: {  	v18 =	vmax.f32 v18, $0.0e+00;
	v20 =	vadd.f32 v21, v20;
	v21 =	vadd.f32 v23, v31;
	v31 =	vld [tilespmem:$0x1FF70]  }
0xfb: {  	v18 =	vmul.f32 v18, v29;
	v29 =	vld [tilespmem:$0x1FFC0];
	v32 =	vmul.f32 v51, v14;
	v23 =	vadd.f32 v27, v34  }
0xfc: {  	v19 =	vmul.f32 v19, v26;
	v24 =	vadd.f32 v24, v33;
	v33 =	vld [tilespmem:$0x1FF80]  }
0xfd: {  	v17 =	vadd.f32 $0.0e+00, v17;
	s18 =	rddreg [dreg:$0xb];
	v20 =	vmax.f32 v20, $0.0e+00;
	v34 =	vadd.f32 v23, v32;
	v32 =	vld [tilespmem:$0x1FFF0]  }
0xfe: {  	v19 =	vadd.f32 $0.0e+00, v19;
	v26 =	vmul.f32 v30, v12;
	v20 =	vmul.f32 v20, v28;
	v28 =	vld.idx.msk [tilespmem:v16+s18+$0x0], $0xffff  }
0xff: {  	v22 =	vadd.f32 $0.0e+00, v22;
	v30 =	vmul.f32 v54, v15;
	v25 =	vmul.f32 v31, v13;
	v31 =	vld [tilespmem:$0x1FF60]  }
0x100: {  	s17 =	rddreg [dreg:$0xc];
	v18 =	vadd.f32 $0.0e+00, v18;
	v21 =	vadd.f32 v26, v21;
	v23 =	vmul.f32 v29, v13  }
0x101: {  	v17 =	vadd.f32 v20, v17;
	v26 =	vld.idx.msk [tilespmem:v16+s17+$0x0], $0xffff;
	v24 =	vadd.f32 v25, v24;
	v25 =	vmul.f32 v33, v12  }
0x102: {  	v21 =	vmax.f32 v21, $0.0e+00;
	v20 =	vadd.f32 v23, v34;
	v34 =	vld [tilespmem:$0x1FF90];
	v23 =	vmul.f32 v32, v12  }
0x103: {  	s18 =	rddreg [dreg:$0xd];
	v33 =	vmul.f32 v55, v14;
	v32 =	vmul.f32 v62, v15;
	v24 =	vadd.f32 v25, v24  }
0x104: {  	v25 =	vadd.f32 v28, v30;
	v28 =	vld.idx.msk [tilespmem:v16+s18+$0x0], $0xffff;
	v20 =	vadd.f32 v23, v20;
	v21 =	vmul.f32 v21, v31  }
0x105: {  	v30 =	vmul.f32 v40, v13;
	v31 =	vmul.f32 v57, v15;
	v24 =	vmax.f32 v24, $0.0e+00  }
0x106: {  	v29 =	vadd.f32 v25, v33;
	v20 =	vmax.f32 v20, $0.0e+00;
	v19 =	vadd.f32 v21, v19  }
0x107: {  	v21 =	vmul.f32 v24, v34;
	v33 =	vadd.f32 v26, v31;
	v34 =	vmul.f32 v58, v14  }
0x108: {  	v31 =	vmul.f32 v63, v14;
	v20 =	vmul.f32 v20, v37;
	v23 =	vadd.f32 v30, v29  }
0x109: {  	v30 =	vmul.f32 v43, v12;
	v21 =	vadd.f32 v21, v22;
	v22 =	vadd.f32 v28, v32  }
0x10a: {  	s18 =	rddreg [dreg:$0xe];
	v24 =	vadd.f32 v33, v34;
	v32 =	vmul.f32 v49, v13;
	v33 =	vmul.f32 v59, v13  }
0x10b: {  	v27 =	vld.idx.msk [tilespmem:v16+s18+$0x0], $0xffff;
	v34 =	vmul.f32 v52, v12;
	v23 =	vadd.f32 v30, v23;
	v22 =	vadd.f32 v22, v31  }
0x10c: {  	v29 =	vld [tilespmem:$0x5060];
	v30 =	vbroadcast v0, $0x3;
	v24 =	vadd.f32 v32, v24;
	v32 =	vbroadcast v3, $0x2  }
0x10d: {  	v23 =	vmax.f32 v23, $0.0e+00;
	v22 =	vadd.f32 v33, v22;
	v33 =	vmul.f32 v61, v12  }
0x10e: {  	v24 =	vadd.f32 v34, v24;
	v34 =	vmul.f32 v32, v15;
	v32 =	vbroadcast v7, $0x2  }
0x10f: {  	s18 =	rddreg [dreg:$0xf];
	v18 =	vadd.f32 v20, v18;
	v31 =	vbroadcast v4, $0x3;
	v20 =	vmul.f32 v23, v46;
	v23 =	vld [tilespmem:$0x5070]  }
0x110: {  	v22 =	vadd.f32 v33, v22;
	v25 =	vadd.f32 v27, v34;
	v33 =	vmul.f32 v32, v14;
	v27 =	vld.idx.msk [tilespmem:v16+s18+$0x0], $0xffff  }
0x111: {  	v28 =	vld [tilespmem:$0x4790];
	v30 =	vmul.f32 v30, v15;
	v24 =	vmax.f32 v24, $0.0e+00;
	v34 =	vmul.f32 v29, v13  }
0x112: {  	v29 =	vld [tilespmem:$0x47A0];
	v24 =	vmul.f32 v24, v56;
	v22 =	vmax.f32 v22, $0.0e+00;
	v25 =	vadd.f32 v25, v33  }
0x113: {  	v17 =	vadd.f32 v20, v17;
	v20 =	vld [tilespmem:$0x5080];
	v32 =	vbroadcast v5, $0x3;
	v22 =	vmul.f32 v22, v9  }
0x114: {  	s17 =	rddreg [dreg:$0x10];
	v19 =	vadd.f32 v24, v19;
	v23 =	vmul.f32 v23, v12;
	v33 =	vadd.f32 v34, v25;
	v25 =	vld [tilespmem:$0x47B0]  }
0x115: {  	s18 =	rddreg [dreg:$0x11];
	v34 =	vmul.f32 v31, v14;
	v21 =	vadd.f32 v22, v21;
	v22 =	vadd.f32 v27, v30;
	v27 =	vld.idx.msk [tilespmem:v16+s17+$0x0], $0xffff  }
0x116: {  	v31 =	vbroadcast v2, $0x3;
	v30 =	vld.idx.msk [tilespmem:v16+s18+$0x0], $0xffff;
	v23 =	vadd.f32 v23, v33;
	v33 =	vbroadcast v1, $0x3  }
0x117: {  	v24 =	vmul.f32 v28, v13;
	v26 =	vmul.f32 v29, v12;
	v29 =	vld [tilespmem:$0x4A90];
	v22 =	vadd.f32 v22, v34  }
0x118: {  	v31 =	vmul.f32 v31, v15;
	v28 =	vmul.f32 v33, v15;
	v33 =	vld [tilespmem:$0x4D90]  }
0x119: {  	v34 =	vbroadcast v6, $0x3;
	v23 =	vmax.f32 v23, $0.0e+00;
	v22 =	vadd.f32 v24, v22;
	v24 =	vld [tilespmem:$0x4AA0]  }
0x11a: {  	v20 =	vmul.f32 v23, v20;
	v23 =	vadd.f32 v27, v28;
	v27 =	vmul.f32 v32, v14;
	v28 =	vld [tilespmem:$0x4DA0]  }
0x11b: {  	v22 =	vadd.f32 v26, v22;
	v26 =	vadd.f32 v30, v31;
	v30 =	vmul.f32 v34, v14  }
0x11c: {  	s18 =	rddreg [dreg:$0x12];
	v18 =	vadd.f32 v20, v18;
	v20 =	vld [tilespmem:$0x4AB0];
	v34 =	vmul.f32 v29, v13;
	v23 =	vadd.f32 v23, v27  }
0x11d: {  	v22 =	vmax.f32 v22, $0.0e+00;
	v26 =	vadd.f32 v26, v30;
	v33 =	vmul.f32 v33, v13;
	v30 =	vld.idx.msk [tilespmem:v16+s18+$0x0], $0xffff  }
0x11e: {  	v27 =	vld [tilespmem:$0x4DB0];
	v23 =	vadd.f32 v34, v23;
	v24 =	vmul.f32 v24, v12;
	v34 =	vbroadcast v3, $0x3  }
0x11f: {  	v22 =	vmul.f32 v22, v25;
	v25 =	vadd.f32 v33, v26;
	v33 =	vmul.f32 v28, v12;
	v28 =	vld [tilespmem:$0x5090]  }
0x120: {  	v32 =	vbroadcast v7, $0x3;
	v23 =	vadd.f32 v24, v23;
	v34 =	vmul.f32 v34, v15  }
0x121: {  	s18 =	rddreg [dreg:$0x13];
	v17 =	vadd.f32 v22, v17;
	v33 =	vadd.f32 v33, v25;
	v25 =	vld [tilespmem:$0x50A0]  }
0x122: {  	v29 =	vld.idx.msk [tilespmem:v16+s18+$0x0], $0xffff;
	s18 =	rddreg [dreg:$0x15];
	v23 =	vmax.f32 v23, $0.0e+00;
	v24 =	vadd.f32 v30, v34;
	v34 =	vmul.f32 v32, v14  }
0x123: {  	v30 =	vld.idx.msk [tilespmem:v16+s18+$0x0], $0xffff;
	v20 =	vmul.f32 v23, v20;
	v22 =	vmax.f32 v33, $0.0e+00;
	v33 =	vbroadcast v0, $0x4  }
0x124: {  	v23 =	vld [tilespmem:$0x47C0];
	v22 =	vmul.f32 v22, v27;
	v24 =	vadd.f32 v24, v34;
	v26 =	vmul.f32 v28, v13  }
0x125: {  	s17 =	rddreg [dreg:$0x14];
	v32 =	vld [tilespmem:$0x4DC0];
	v19 =	vadd.f32 v20, v19;
	v34 =	vmul.f32 v33, v15;
	v33 =	vbroadcast v4, $0x4  }
0x126: {  	v21 =	vadd.f32 v22, v21;
	v22 =	vadd.f32 v26, v24;
	v24 =	vmul.f32 v25, v12;
	v25 =	vld.idx.msk [tilespmem:v16+s17+$0x0], $0xffff  }
0x127: {  	v20 =	vld [tilespmem:$0x47D0];
	v26 =	vadd.f32 v29, v34;
	v34 =	vmul.f32 v33, v14;
	v33 =	vbroadcast v1, $0x4  }
0x128: {  	v31 =	vbroadcast v2, $0x4;
	v29 =	vbroadcast v5, $0x4;
	v22 =	vadd.f32 v24, v22;
	v24 =	vld [tilespmem:$0x4AC0]  }
0x129: {  	v27 =	vld [tilespmem:$0x50B0];
	v23 =	vmul.f32 v23, v13;
	v26 =	vadd.f32 v26, v34;
	v28 =	vmul.f32 v33, v15  }
0x12a: {  	v31 =	vmul.f32 v31, v15;
	v33 =	vld [tilespmem:$0x4AD0];
	v34 =	vbroadcast v6, $0x4  }
0x12b: {  	v23 =	vadd.f32 v23, v26;
	v25 =	vadd.f32 v25, v28;
	v26 =	vmul.f32 v29, v14  }
0x12c: {  	v30 =	vadd.f32 v30, v31;
	v20 =	vmul.f32 v20, v12;
	v28 =	vld [tilespmem:$0x4DD0];
	v34 =	vmul.f32 v34, v14  }
0x12d: {  	v31 =	vld [tilespmem:$0x4DE0];
	v22 =	vmax.f32 v22, $0.0e+00;
	v25 =	vadd.f32 v25, v26;
	v24 =	vmul.f32 v24, v13  }
0x12e: {  	s18 =	rddreg [dreg:$0x16];
	v29 =	vld [tilespmem:$0x47E0];
	v22 =	vmul.f32 v22, v27;
	v20 =	vadd.f32 v20, v23;
	v23 =	vadd.f32 v30, v34  }
0x12f: {  	v26 =	vmul.f32 v32, v13;
	v30 =	vld.idx.msk [tilespmem:v16+s18+$0x0], $0xffff;
	v24 =	vadd.f32 v24, v25;
	v25 =	vmul.f32 v33, v12  }
0x130: {  	v27 =	vld [tilespmem:$0x4AE0];
	v32 =	vbroadcast v3, $0x4;
	v18 =	vadd.f32 v22, v18  }
0x131: {  	v23 =	vadd.f32 v26, v23;
	v26 =	vmul.f32 v28, v12;
	v28 =	vld [tilespmem:$0x50C0];
	v24 =	vadd.f32 v25, v24  }
0x132: {  	v20 =	vmax.f32 v20, $0.0e+00;
	v25 =	vmul.f32 v32, v15;
	v32 =	vbroadcast v7, $0x4  }
0x133: {  	s18 =	rddreg [dreg:$0x17];
	v20 =	vmul.f32 v20, v29;
	v34 =	vadd.f32 v26, v23;
	v23 =	vld [tilespmem:$0x50D0];
	v24 =	vmax.f32 v24, $0.0e+00  }
0x134: {  	v29 =	vld.idx.msk [tilespmem:v16+s18+$0x0], $0xffff;
	v25 =	vadd.f32 v30, v25;
	v33 =	vmul.f32 v32, v14;
	v32 =	vbroadcast v5, $0x5  }
0x135: {  	v24 =	vmul.f32 v24, v27;
	v22 =	vmax.f32 v34, $0.0e+00;
	v27 =	vld [tilespmem:$0x47F0];
	v34 =	vbroadcast v0, $0x5  }
0x136: {  	v22 =	vmul.f32 v22, v31;
	v25 =	vadd.f32 v25, v33;
	v33 =	vmul.f32 v28, v13;
	v28 =	vld [tilespmem:$0x4800]  }
0x137: {  	v17 =	vadd.f32 v20, v17;
	v20 =	vld [tilespmem:$0x50E0];
	v30 =	vmul.f32 v34, v15;
	v34 =	vbroadcast v4, $0x5  }
0x138: {  	s17 =	rddreg [dreg:$0x18];
	v31 =	vbroadcast v2, $0x5;
	v33 =	vadd.f32 v33, v25;
	v23 =	vmul.f32 v23, v12;
	v25 =	vld [tilespmem:$0x4810]  }
0x139: {  	s18 =	rddreg [dreg:$0x19];
	v21 =	vadd.f32 v22, v21;
	v22 =	vadd.f32 v29, v30;
	v34 =	vmul.f32 v34, v14;
	v29 =	vld.idx.msk [tilespmem:v16+s17+$0x0], $0xffff  }
0x13a: {  	v19 =	vadd.f32 v24, v19;
	v30 =	vld.idx.msk [tilespmem:v16+s18+$0x0], $0xffff;
	v23 =	vadd.f32 v23, v33;
	v33 =	vbroadcast v1, $0x5  }
0x13b: {  	v24 =	vmul.f32 v27, v13;
	v22 =	vadd.f32 v22, v34;
	v26 =	vmul.f32 v28, v12;
	v28 =	vld [tilespmem:$0x4AF0]  }
0x13c: {  	v31 =	vmul.f32 v31, v15;
	v27 =	vmul.f32 v33, v15;
	v33 =	vld [tilespmem:$0x4DF0]  }
0x13d: {  	v34 =	vbroadcast v6, $0x5;
	v23 =	vmax.f32 v23, $0.0e+00;
	v22 =	vadd.f32 v24, v22;
	v24 =	vld [tilespmem:$0x4B00]  }
0x13e: {  	v20 =	vmul.f32 v23, v20;
	v23 =	vadd.f32 v29, v27;
	v27 =	vmul.f32 v32, v14;
	v29 =	vld [tilespmem:$0x4E00]  }
0x13f: {  	v22 =	vadd.f32 v26, v22;
	v26 =	vadd.f32 v30, v31;
	v30 =	vmul.f32 v34, v14  }
0x140: {  	s18 =	rddreg [dreg:$0x1a];
	v18 =	vadd.f32 v20, v18;
	v20 =	vld [tilespmem:$0x4B10];
	v23 =	vadd.f32 v23, v27;
	v34 =	vmul.f32 v28, v13  }
0x141: {  	v22 =	vmax.f32 v22, $0.0e+00;
	v26 =	vadd.f32 v26, v30;
	v33 =	vmul.f32 v33, v13;
	v30 =	vld.idx.msk [tilespmem:v16+s18+$0x0], $0xffff  }
0x142: {  	v27 =	vld [tilespmem:$0x4E10];
	v23 =	vadd.f32 v34, v23;
	v24 =	vmul.f32 v24, v12;
	v34 =	vbroadcast v3, $0x5  }
0x143: {  	v28 =	vld [tilespmem:$0x50F0];
	v22 =	vmul.f32 v22, v25;
	v25 =	vadd.f32 v33, v26;
	v33 =	vmul.f32 v29, v12  }
0x144: {  	v32 =	vbroadcast v7, $0x5;
	v23 =	vadd.f32 v24, v23;
	v34 =	vmul.f32 v34, v15  }
0x145: {  	s18 =	rddreg [dreg:$0x1b];
	v17 =	vadd.f32 v22, v17;
	v33 =	vadd.f32 v33, v25;
	v25 =	vld [tilespmem:$0x5100]  }
0x146: {  	v29 =	vld.idx.msk [tilespmem:v16+s18+$0x0], $0xffff;
	s18 =	rddreg [dreg:$0x1d];
	v23 =	vmax.f32 v23, $0.0e+00;
	v24 =	vadd.f32 v30, v34;
	v34 =	vmul.f32 v32, v14  }
0x147: {  	v30 =	vld.idx.msk [tilespmem:v16+s18+$0x0], $0xffff;
	v20 =	vmul.f32 v23, v20;
	v22 =	vmax.f32 v33, $0.0e+00;
	v33 =	vbroadcast v0, $0x6  }
0x148: {  	v26 =	vmul.f32 v28, v13;
	v23 =	vld [tilespmem:$0x4820];
	v22 =	vmul.f32 v22, v27;
	v24 =	vadd.f32 v24, v34  }
0x149: {  	s17 =	rddreg [dreg:$0x1c];
	v32 =	vld [tilespmem:$0x4E20];
	v19 =	vadd.f32 v20, v19;
	v34 =	vmul.f32 v33, v15;
	v33 =	vbroadcast v4, $0x6  }
0x14a: {  	v21 =	vadd.f32 v22, v21;
	v22 =	vadd.f32 v26, v24;
	v24 =	vmul.f32 v25, v12;
	v25 =	vld.idx.msk [tilespmem:v16+s17+$0x0], $0xffff  }
0x14b: {  	v20 =	vld [tilespmem:$0x4830];
	v26 =	vadd.f32 v29, v34;
	v34 =	vmul.f32 v33, v14;
	v33 =	vbroadcast v1, $0x6  }
0x14c: {  	v31 =	vbroadcast v2, $0x6;
	v29 =	vbroadcast v5, $0x6;
	v22 =	vadd.f32 v24, v22;
	v24 =	vld [tilespmem:$0x4B20]  }
0x14d: {  	v27 =	vld [tilespmem:$0x5110];
	v23 =	vmul.f32 v23, v13;
	v26 =	vadd.f32 v26, v34;
	v28 =	vmul.f32 v33, v15  }
0x14e: {  	v31 =	vmul.f32 v31, v15;
	v33 =	vld [tilespmem:$0x4B30];
	v34 =	vbroadcast v6, $0x6  }
0x14f: {  	v23 =	vadd.f32 v23, v26;
	v25 =	vadd.f32 v25, v28;
	v26 =	vmul.f32 v29, v14  }
0x150: {  	v30 =	vadd.f32 v30, v31;
	v20 =	vmul.f32 v20, v12;
	v28 =	vld [tilespmem:$0x4E30];
	v34 =	vmul.f32 v34, v14  }
0x151: {  	v31 =	vld [tilespmem:$0x4E40];
	v22 =	vmax.f32 v22, $0.0e+00;
	v25 =	vadd.f32 v25, v26;
	v24 =	vmul.f32 v24, v13  }
0x152: {  	s18 =	rddreg [dreg:$0x1e];
	v29 =	vld [tilespmem:$0x4840];
	v22 =	vmul.f32 v22, v27;
	v20 =	vadd.f32 v20, v23;
	v23 =	vadd.f32 v30, v34  }
0x153: {  	v26 =	vmul.f32 v32, v13;
	v30 =	vld.idx.msk [tilespmem:v16+s18+$0x0], $0xffff;
	v24 =	vadd.f32 v24, v25;
	v25 =	vmul.f32 v33, v12  }
0x154: {  	v27 =	vld [tilespmem:$0x4B40];
	v32 =	vbroadcast v3, $0x6;
	v18 =	vadd.f32 v22, v18  }
0x155: {  	v23 =	vadd.f32 v26, v23;
	v26 =	vmul.f32 v28, v12;
	v28 =	vld [tilespmem:$0x5120];
	v24 =	vadd.f32 v25, v24  }
0x156: {  	v20 =	vmax.f32 v20, $0.0e+00;
	v25 =	vmul.f32 v32, v15;
	v32 =	vbroadcast v7, $0x6  }
0x157: {  	s18 =	rddreg [dreg:$0x1f];
	v20 =	vmul.f32 v20, v29;
	v34 =	vadd.f32 v26, v23;
	v23 =	vld [tilespmem:$0x5130];
	v24 =	vmax.f32 v24, $0.0e+00  }
0x158: {  	v29 =	vld.idx.msk [tilespmem:v16+s18+$0x0], $0xffff;
	v25 =	vadd.f32 v30, v25;
	v33 =	vmul.f32 v32, v14;
	v32 =	vbroadcast v5, $0x7  }
0x159: {  	v24 =	vmul.f32 v24, v27;
	v22 =	vmax.f32 v34, $0.0e+00;
	v27 =	vld [tilespmem:$0x4850];
	v34 =	vbroadcast v0, $0x7  }
0x15a: {  	s17 =	sld [smem:$0x7DD];
	v22 =	vmul.f32 v22, v31;
	v25 =	vadd.f32 v25, v33;
	v33 =	vmul.f32 v28, v13;
	v28 =	vld [tilespmem:$0x4860]  }
0x15b: {  	s18 =	sld [smem:$0x7DE];
	v17 =	vadd.f32 v20, v17;
	v20 =	vld [tilespmem:$0x5140];
	v30 =	vmul.f32 v34, v15;
	v34 =	vbroadcast v4, $0x7  }
0x15c: {  	v31 =	vbroadcast v2, $0x7;
	v33 =	vadd.f32 v33, v25;
	v23 =	vmul.f32 v23, v12;
	v25 =	vld [tilespmem:$0x4870]  }
0x15d: {  	v21 =	vadd.f32 v22, v21;
	v22 =	vadd.f32 v29, v30;
	v34 =	vmul.f32 v34, v14;
	v29 =	vld.idx.msk [tilespmem:v16+s17+$0x0], $0xffff  }
0x15e: {  	v19 =	vadd.f32 v24, v19;
	v30 =	vld.idx.msk [tilespmem:v16+s18+$0x0], $0xffff;
	v23 =	vadd.f32 v23, v33;
	v33 =	vbroadcast v1, $0x7  }
0x15f: {  	v24 =	vmul.f32 v27, v13;
	v22 =	vadd.f32 v22, v34;
	v26 =	vmul.f32 v28, v12;
	v28 =	vld [tilespmem:$0x4B50]  }
0x160: {  	v31 =	vmul.f32 v31, v15;
	v27 =	vmul.f32 v33, v15;
	v33 =	vld [tilespmem:$0x4E50]  }
0x161: {  	v34 =	vbroadcast v6, $0x7;
	v23 =	vmax.f32 v23, $0.0e+00;
	v22 =	vadd.f32 v24, v22;
	v24 =	vld [tilespmem:$0x4B60]  }
0x162: {  	s18 =	sld [smem:$0x7DF];
	v20 =	vmul.f32 v23, v20;
	v23 =	vadd.f32 v29, v27;
	v27 =	vmul.f32 v32, v14;
	v29 =	vld [tilespmem:$0x4E60]  }
0x163: {  	v22 =	vadd.f32 v26, v22;
	v26 =	vadd.f32 v30, v31;
	v30 =	vmul.f32 v34, v14  }
0x164: {  	v18 =	vadd.f32 v20, v18;
	v20 =	vld [tilespmem:$0x4B70];
	v23 =	vadd.f32 v23, v27;
	v34 =	vmul.f32 v28, v13  }
0x165: {  	v22 =	vmax.f32 v22, $0.0e+00;
	v26 =	vadd.f32 v26, v30;
	v33 =	vmul.f32 v33, v13;
	v30 =	vld.idx.msk [tilespmem:v16+s18+$0x0], $0xffff  }
0x166: {  	v27 =	vld [tilespmem:$0x4E70];
	v23 =	vadd.f32 v34, v23;
	v24 =	vmul.f32 v24, v12;
	v34 =	vbroadcast v3, $0x7  }
0x167: {  	v28 =	vld [tilespmem:$0x5150];
	s18 =	sld [smem:$0x7E0];
	v22 =	vmul.f32 v22, v25;
	v25 =	vadd.f32 v33, v26;
	v33 =	vmul.f32 v29, v12  }
0x168: {  	v32 =	vbroadcast v7, $0x7;
	v23 =	vadd.f32 v24, v23;
	v34 =	vmul.f32 v34, v15  }
0x169: {  	v17 =	vadd.f32 v22, v17;
	v33 =	vadd.f32 v33, v25;
	v25 =	vld [tilespmem:$0x5160]  }
0x16a: {  	v29 =	vld.idx.msk [tilespmem:v16+s18+$0x0], $0xffff;
	s18 =	sld [smem:$0x7E3];
	v23 =	vmax.f32 v23, $0.0e+00;
	v24 =	vadd.f32 v30, v34;
	v34 =	vmul.f32 v32, v14  }
0x16b: {  	s17 =	sld [smem:$0x7E1];
	v32 =	vld [tilespmem:$0x4E80];
	v20 =	vmul.f32 v23, v20;
	v22 =	vmax.f32 v33, $0.0e+00;
	v33 =	vbroadcast v0, $0x8  }
0x16c: {  	v26 =	vmul.f32 v28, v13;
	v23 =	vld [tilespmem:$0x4880];
	v22 =	vmul.f32 v22, v27;
	v24 =	vadd.f32 v24, v34  }
0x16d: {  	v30 =	vld.idx.msk [tilespmem:v16+s18+$0x0], $0xffff;
	v19 =	vadd.f32 v20, v19;
	v34 =	vmul.f32 v33, v15;
	v33 =	vbroadcast v4, $0x8  }
0x16e: {  	v21 =	vadd.f32 v22, v21;
	v22 =	vadd.f32 v26, v24;
	v24 =	vmul.f32 v25, v12;
	v25 =	vld.idx.msk [tilespmem:v16+s17+$0x0], $0xffff  }
0x16f: {  	v20 =	vld [tilespmem:$0x4890];
	v26 =	vadd.f32 v29, v34;
	v34 =	vmul.f32 v33, v14;
	v33 =	vbroadcast v1, $0x8  }
0x170: {  	v31 =	vbroadcast v2, $0x8;
	v29 =	vbroadcast v5, $0x8;
	v22 =	vadd.f32 v24, v22;
	v24 =	vld [tilespmem:$0x4B80]  }
0x171: {  	v27 =	vld [tilespmem:$0x5170];
	v23 =	vmul.f32 v23, v13;
	v26 =	vadd.f32 v26, v34;
	v28 =	vmul.f32 v33, v15  }
0x172: {  	v31 =	vmul.f32 v31, v15;
	v33 =	vld [tilespmem:$0x4B90];
	v34 =	vbroadcast v6, $0x8  }
0x173: {  	v23 =	vadd.f32 v23, v26;
	v25 =	vadd.f32 v25, v28;
	v26 =	vmul.f32 v29, v14  }
0x174: {  	s18 =	sld [smem:$0x7E5];
	v30 =	vadd.f32 v30, v31;
	v20 =	vmul.f32 v20, v12;
	v28 =	vld [tilespmem:$0x4E90];
	v34 =	vmul.f32 v34, v14  }
0x175: {  	v31 =	vld [tilespmem:$0x4EA0];
	v22 =	vmax.f32 v22, $0.0e+00;
	v25 =	vadd.f32 v25, v26;
	v24 =	vmul.f32 v24, v13  }
0x176: {  	v29 =	vld [tilespmem:$0x48A0];
	v22 =	vmul.f32 v22, v27;
	v20 =	vadd.f32 v20, v23;
	v23 =	vadd.f32 v30, v34  }
0x177: {  	v26 =	vmul.f32 v32, v13;
	v30 =	vld.idx.msk [tilespmem:v16+s18+$0x0], $0xffff;
	v24 =	vadd.f32 v24, v25;
	v25 =	vmul.f32 v33, v12  }
0x178: {  	v27 =	vld [tilespmem:$0x4BA0];
	v32 =	vbroadcast v3, $0x8;
	v18 =	vadd.f32 v22, v18  }
0x179: {  	s18 =	sld [smem:$0x7E7];
	v23 =	vadd.f32 v26, v23;
	v26 =	vmul.f32 v28, v12;
	v28 =	vld [tilespmem:$0x5180];
	v24 =	vadd.f32 v25, v24  }
0x17a: {  	v20 =	vmax.f32 v20, $0.0e+00;
	v25 =	vmul.f32 v32, v15;
	v32 =	vbroadcast v7, $0x8  }
0x17b: {  	v20 =	vmul.f32 v20, v29;
	v34 =	vadd.f32 v26, v23;
	v23 =	vld [tilespmem:$0x5190];
	v24 =	vmax.f32 v24, $0.0e+00  }
0x17c: {  	v29 =	vld.idx.msk [tilespmem:v16+s18+$0x0], $0xffff;
	v25 =	vadd.f32 v30, v25;
	v33 =	vmul.f32 v32, v14;
	v32 =	vbroadcast v5, $0x9  }
0x17d: {  	v24 =	vmul.f32 v24, v27;
	v22 =	vmax.f32 v34, $0.0e+00;
	v27 =	vld [tilespmem:$0x48B0];
	v34 =	vbroadcast v0, $0x9  }
0x17e: {  	s17 =	sld [smem:$0x7E9];
	v22 =	vmul.f32 v22, v31;
	v25 =	vadd.f32 v25, v33;
	v33 =	vmul.f32 v28, v13;
	v28 =	vld [tilespmem:$0x48C0]  }
0x17f: {  	s18 =	sld [smem:$0x7EB];
	v17 =	vadd.f32 v20, v17;
	v20 =	vld [tilespmem:$0x51A0];
	v30 =	vmul.f32 v34, v15;
	v34 =	vbroadcast v4, $0x9  }
0x180: {  	v31 =	vbroadcast v2, $0x9;
	v33 =	vadd.f32 v33, v25;
	v23 =	vmul.f32 v23, v12;
	v25 =	vld [tilespmem:$0x48D0]  }
0x181: {  	v21 =	vadd.f32 v22, v21;
	v22 =	vadd.f32 v29, v30;
	v34 =	vmul.f32 v34, v14;
	v29 =	vld.idx.msk [tilespmem:v16+s17+$0x0], $0xffff  }
0x182: {  	v19 =	vadd.f32 v24, v19;
	v30 =	vld.idx.msk [tilespmem:v16+s18+$0x0], $0xffff;
	v23 =	vadd.f32 v23, v33;
	v33 =	vbroadcast v1, $0x9  }
0x183: {  	v24 =	vmul.f32 v27, v13;
	v22 =	vadd.f32 v22, v34;
	v26 =	vmul.f32 v28, v12;
	v28 =	vld [tilespmem:$0x4BB0]  }
0x184: {  	v31 =	vmul.f32 v31, v15;
	v27 =	vmul.f32 v33, v15;
	v33 =	vld [tilespmem:$0x4EB0]  }
0x185: {  	v34 =	vbroadcast v6, $0x9;
	v23 =	vmax.f32 v23, $0.0e+00;
	v22 =	vadd.f32 v24, v22;
	v24 =	vld [tilespmem:$0x4BC0]  }
0x186: {  	s18 =	sld [smem:$0x7ED];
	v20 =	vmul.f32 v23, v20;
	v23 =	vadd.f32 v29, v27;
	v27 =	vmul.f32 v32, v14;
	v29 =	vld [tilespmem:$0x4EC0]  }
0x187: {  	v22 =	vadd.f32 v26, v22;
	v26 =	vadd.f32 v30, v31;
	v30 =	vmul.f32 v34, v14  }
0x188: {  	v18 =	vadd.f32 v20, v18;
	v20 =	vld [tilespmem:$0x4BD0];
	v23 =	vadd.f32 v23, v27;
	v34 =	vmul.f32 v28, v13  }
0x189: {  	v22 =	vmax.f32 v22, $0.0e+00;
	v26 =	vadd.f32 v26, v30;
	v33 =	vmul.f32 v33, v13;
	v30 =	vld.idx.msk [tilespmem:v16+s18+$0x0], $0xffff  }
0x18a: {  	v27 =	vld [tilespmem:$0x4ED0];
	v23 =	vadd.f32 v34, v23;
	v24 =	vmul.f32 v24, v12;
	v34 =	vbroadcast v3, $0x9  }
0x18b: {  	v28 =	vld [tilespmem:$0x51B0];
	s18 =	sld [smem:$0x7EF];
	v22 =	vmul.f32 v22, v25;
	v25 =	vadd.f32 v33, v26;
	v33 =	vmul.f32 v29, v12  }
0x18c: {  	v32 =	vbroadcast v7, $0x9;
	v23 =	vadd.f32 v24, v23;
	v34 =	vmul.f32 v34, v15  }
0x18d: {  	v17 =	vadd.f32 v22, v17;
	v33 =	vadd.f32 v33, v25;
	v25 =	vld [tilespmem:$0x51C0]  }
0x18e: {  	v29 =	vld.idx.msk [tilespmem:v16+s18+$0x0], $0xffff;
	s18 =	sld [smem:$0x7F3];
	v23 =	vmax.f32 v23, $0.0e+00;
	v24 =	vadd.f32 v30, v34;
	v34 =	vmul.f32 v32, v14  }
0x18f: {  	s17 =	sld [smem:$0x7F1];
	v32 =	vld [tilespmem:$0x4EE0];
	v20 =	vmul.f32 v23, v20;
	v22 =	vmax.f32 v33, $0.0e+00;
	v33 =	vbroadcast v0, $0xA  }
0x190: {  	v26 =	vmul.f32 v28, v13;
	v23 =	vld [tilespmem:$0x48E0];
	v22 =	vmul.f32 v22, v27;
	v24 =	vadd.f32 v24, v34  }
0x191: {  	v30 =	vld.idx.msk [tilespmem:v16+s18+$0x0], $0xffff;
	v19 =	vadd.f32 v20, v19;
	v34 =	vmul.f32 v33, v15;
	v33 =	vbroadcast v4, $0xA  }
0x192: {  	v21 =	vadd.f32 v22, v21;
	v22 =	vadd.f32 v26, v24;
	v24 =	vmul.f32 v25, v12;
	v25 =	vld.idx.msk [tilespmem:v16+s17+$0x0], $0xffff  }
0x193: {  	v20 =	vld [tilespmem:$0x48F0];
	v26 =	vadd.f32 v29, v34;
	v34 =	vmul.f32 v33, v14;
	v33 =	vbroadcast v1, $0xA  }
0x194: {  	v31 =	vbroadcast v2, $0xA;
	v29 =	vbroadcast v5, $0xA;
	v22 =	vadd.f32 v24, v22;
	v24 =	vld [tilespmem:$0x4BE0]  }
0x195: {  	v27 =	vld [tilespmem:$0x51D0];
	v23 =	vmul.f32 v23, v13;
	v26 =	vadd.f32 v26, v34;
	v28 =	vmul.f32 v33, v15  }
0x196: {  	v31 =	vmul.f32 v31, v15;
	v33 =	vld [tilespmem:$0x4BF0];
	v34 =	vbroadcast v6, $0xA  }
0x197: {  	v23 =	vadd.f32 v23, v26;
	v25 =	vadd.f32 v25, v28;
	v26 =	vmul.f32 v29, v14  }
0x198: {  	s18 =	sld [smem:$0x7F5];
	v30 =	vadd.f32 v30, v31;
	v20 =	vmul.f32 v20, v12;
	v28 =	vld [tilespmem:$0x4EF0];
	v34 =	vmul.f32 v34, v14  }
0x199: {  	v31 =	vld [tilespmem:$0x4F00];
	v22 =	vmax.f32 v22, $0.0e+00;
	v25 =	vadd.f32 v25, v26;
	v24 =	vmul.f32 v24, v13  }
0x19a: {  	v29 =	vld [tilespmem:$0x4900];
	v22 =	vmul.f32 v22, v27;
	v20 =	vadd.f32 v20, v23;
	v23 =	vadd.f32 v30, v34  }
0x19b: {  	v26 =	vmul.f32 v32, v13;
	v30 =	vld.idx.msk [tilespmem:v16+s18+$0x0], $0xffff;
	v24 =	vadd.f32 v24, v25;
	v25 =	vmul.f32 v33, v12  }
0x19c: {  	v27 =	vld [tilespmem:$0x4C00];
	v32 =	vbroadcast v3, $0xA;
	v18 =	vadd.f32 v22, v18  }
0x19d: {  	s18 =	sld [smem:$0x7F6];
	v23 =	vadd.f32 v26, v23;
	v26 =	vmul.f32 v28, v12;
	v28 =	vld [tilespmem:$0x51E0];
	v24 =	vadd.f32 v25, v24  }
0x19e: {  	v20 =	vmax.f32 v20, $0.0e+00;
	v25 =	vmul.f32 v32, v15;
	v32 =	vbroadcast v7, $0xA  }
0x19f: {  	v20 =	vmul.f32 v20, v29;
	v34 =	vadd.f32 v26, v23;
	v23 =	vld [tilespmem:$0x51F0];
	v24 =	vmax.f32 v24, $0.0e+00  }
0x1a0: {  	v29 =	vld.idx.msk [tilespmem:v16+s18+$0x0], $0xffff;
	v25 =	vadd.f32 v30, v25;
	v33 =	vmul.f32 v32, v14;
	v32 =	vbroadcast v5, $0xB  }
0x1a1: {  	v24 =	vmul.f32 v24, v27;
	v22 =	vmax.f32 v34, $0.0e+00;
	v27 =	vld [tilespmem:$0x4910];
	v34 =	vbroadcast v0, $0xB  }
0x1a2: {  	s17 =	sld [smem:$0x7F7];
	v22 =	vmul.f32 v22, v31;
	v25 =	vadd.f32 v25, v33;
	v33 =	vmul.f32 v28, v13;
	v28 =	vld [tilespmem:$0x4920]  }
0x1a3: {  	s18 =	sld [smem:$0x7F8];
	v17 =	vadd.f32 v20, v17;
	v20 =	vld [tilespmem:$0x5200];
	v30 =	vmul.f32 v34, v15;
	v34 =	vbroadcast v4, $0xB  }
0x1a4: {  	v31 =	vbroadcast v2, $0xB;
	v33 =	vadd.f32 v33, v25;
	v23 =	vmul.f32 v23, v12;
	v25 =	vld [tilespmem:$0x4930]  }
0x1a5: {  	v21 =	vadd.f32 v22, v21;
	v22 =	vadd.f32 v29, v30;
	v34 =	vmul.f32 v34, v14;
	v29 =	vld.idx.msk [tilespmem:v16+s17+$0x0], $0xffff  }
0x1a6: {  	v19 =	vadd.f32 v24, v19;
	v30 =	vld.idx.msk [tilespmem:v16+s18+$0x0], $0xffff;
	v23 =	vadd.f32 v23, v33;
	v33 =	vbroadcast v1, $0xB  }
0x1a7: {  	v24 =	vmul.f32 v27, v13;
	v22 =	vadd.f32 v22, v34;
	v26 =	vmul.f32 v28, v12;
	v28 =	vld [tilespmem:$0x4C10]  }
0x1a8: {  	v31 =	vmul.f32 v31, v15;
	v27 =	vmul.f32 v33, v15;
	v33 =	vld [tilespmem:$0x4F10]  }
0x1a9: {  	v34 =	vbroadcast v6, $0xB;
	v23 =	vmax.f32 v23, $0.0e+00;
	v22 =	vadd.f32 v24, v22;
	v24 =	vld [tilespmem:$0x4C20]  }
0x1aa: {  	s18 =	sld [smem:$0x7F9];
	v20 =	vmul.f32 v23, v20;
	v23 =	vadd.f32 v29, v27;
	v27 =	vmul.f32 v32, v14;
	v29 =	vld [tilespmem:$0x4F20]  }
0x1ab: {  	v22 =	vadd.f32 v26, v22;
	v26 =	vadd.f32 v30, v31;
	v30 =	vmul.f32 v34, v14  }
0x1ac: {  	v18 =	vadd.f32 v20, v18;
	v20 =	vld [tilespmem:$0x4C30];
	v23 =	vadd.f32 v23, v27;
	v34 =	vmul.f32 v28, v13  }
0x1ad: {  	v22 =	vmax.f32 v22, $0.0e+00;
	v26 =	vadd.f32 v26, v30;
	v33 =	vmul.f32 v33, v13;
	v30 =	vld.idx.msk [tilespmem:v16+s18+$0x0], $0xffff  }
0x1ae: {  	v27 =	vld [tilespmem:$0x4F30];
	v23 =	vadd.f32 v34, v23;
	v24 =	vmul.f32 v24, v12;
	v34 =	vbroadcast v3, $0xB  }
0x1af: {  	s17 =	sld [smem:$0x7FA];
	v28 =	vld [tilespmem:$0x5210];
	v22 =	vmul.f32 v22, v25;
	v25 =	vadd.f32 v33, v26;
	v32 =	vmul.f32 v29, v12  }
0x1b0: {  	v23 =	vadd.f32 v24, v23;
	v33 =	vmul.f32 v34, v15;
	v34 =	vbroadcast v7, $0xB  }
0x1b1: {  	s18 =	sld [smem:$0x7FB];
	v17 =	vadd.f32 v22, v17;
	v32 =	vadd.f32 v32, v25;
	v25 =	vld [tilespmem:$0x5220]  }
0x1b2: {  	v26 =	vld.idx.msk [tilespmem:v16+s17+$0x0], $0xffff;
	v23 =	vmax.f32 v23, $0.0e+00;
	v24 =	vadd.f32 v30, v33;
	v29 =	vmul.f32 v34, v14  }
0x1b3: {  	v33 =	vbroadcast v0, $0xC;
	v20 =	vmul.f32 v23, v20;
	v22 =	vmax.f32 v32, $0.0e+00;
	v23 =	vld [tilespmem:$0x4940]  }
0x1b4: {  	v22 =	vmul.f32 v22, v27;
	v24 =	vadd.f32 v24, v29;
	v27 =	vmul.f32 v28, v13;
	v28 =	vld.idx.msk [tilespmem:v16+s18+$0x0], $0xffff;
	s18 =	sld [smem:$0x7FC]  }
0x1b5: {  	v34 =	vmul.f32 v33, v15;
	v33 =	vbroadcast v4, $0xC;
	v19 =	vadd.f32 v20, v19;
	v20 =	vld [tilespmem:$0x5230]  }
0x1b6: {  	v21 =	vadd.f32 v22, v21;
	v22 =	vadd.f32 v27, v24;
	v24 =	vmul.f32 v25, v12;
	v25 =	vld [tilespmem:$0x4950]  }
0x1b7: {  	v26 =	vadd.f32 v26, v34;
	v34 =	vmul.f32 v33, v14;
	v33 =	vbroadcast v1, $0xC;
	v30 =	vld.idx.msk [tilespmem:v16+s18+$0x0], $0xffff  }
0x1b8: {  	v31 =	vbroadcast v2, $0xC;
	v29 =	vbroadcast v5, $0xC;
	v22 =	vadd.f32 v24, v22;
	v24 =	vld [tilespmem:$0x4C40]  }
0x1b9: {  	v32 =	vld [tilespmem:$0x4F40];
	v23 =	vmul.f32 v23, v13;
	v26 =	vadd.f32 v26, v34;
	v27 =	vmul.f32 v33, v15  }
0x1ba: {  	v31 =	vmul.f32 v31, v15;
	v33 =	vld [tilespmem:$0x4C50];
	v34 =	vbroadcast v6, $0xC;
	v22 =	vmax.f32 v22, $0.0e+00  }
0x1bb: {  	s18 =	sld [smem:$0x7FD];
	v23 =	vadd.f32 v23, v26;
	v26 =	vadd.f32 v28, v27;
	v27 =	vmul.f32 v29, v14;
	v28 =	vld [tilespmem:$0x4F50]  }
0x1bc: {  	v29 =	vld [tilespmem:$0x4960];
	v34 =	vmul.f32 v34, v14;
	v25 =	vmul.f32 v25, v12;
	v30 =	vadd.f32 v30, v31  }
0x1bd: {  	v20 =	vmul.f32 v22, v20;
	v22 =	vld [tilespmem:$0x4C60];
	v26 =	vadd.f32 v26, v27;
	v24 =	vmul.f32 v24, v13  }
0x1be: {  	v27 =	vmul.f32 v32, v13;
	v23 =	vadd.f32 v25, v23;
	v25 =	vadd.f32 v30, v34;
	v30 =	vld.idx.msk [tilespmem:v16+s18+$0x0], $0xffff  }
0x1bf: {  	v31 =	vld [tilespmem:$0x4F60];
	v32 =	vbroadcast v3, $0xC;
	v24 =	vadd.f32 v24, v26;
	v26 =	vmul.f32 v33, v12  }
0x1c0: {  	v23 =	vmax.f32 v23, $0.0e+00;
	v25 =	vadd.f32 v27, v25;
	v27 =	vmul.f32 v28, v12;
	v28 =	vld [tilespmem:$0x5240]  }
0x1c1: {  	v24 =	vadd.f32 v26, v24;
	v26 =	vmul.f32 v32, v15;
	v32 =	vbroadcast v7, $0xC  }
0x1c2: {  	v18 =	vadd.f32 v20, v18;
	v20 =	vmul.f32 v23, v29;
	v34 =	vadd.f32 v27, v25;
	v25 =	vld [tilespmem:$0x5250]  }
0x1c3: {  	v29 =	vld.idx.msk [tilespmem:v16+s31+$0x0], $0xffff;
	v24 =	vmax.f32 v24, $0.0e+00;
	v26 =	vadd.f32 v30, v26;
	v33 =	vmul.f32 v32, v14  }
0x1c4: {  	v22 =	vmul.f32 v24, v22;
	v23 =	vmax.f32 v34, $0.0e+00;
	v34 =	vbroadcast v0, $0xD  }
0x1c5: {  	v24 =	vld [tilespmem:$0x4970];
	v23 =	vmul.f32 v23, v31;
	v26 =	vadd.f32 v26, v33;
	v33 =	vmul.f32 v28, v13  }
0x1c6: {  	v17 =	vadd.f32 v20, v17;
	v28 =	vld [tilespmem:$0x4980];
	v30 =	vmul.f32 v34, v15;
	v34 =	vbroadcast v4, $0xD  }
0x1c7: {  	v20 =	vld [tilespmem:$0x5260];
	v32 =	vbroadcast v5, $0xD;
	v33 =	vadd.f32 v33, v26;
	v25 =	vmul.f32 v25, v12  }
0x1c8: {  	v21 =	vadd.f32 v23, v21;
	v23 =	vadd.f32 v29, v30;
	v34 =	vmul.f32 v34, v14;
	v29 =	vld.idx.msk [tilespmem:v16+s0+$0x0], $0xffff  }
0x1c9: {  	v19 =	vadd.f32 v22, v19;
	v26 =	vld [tilespmem:$0x4990];
	v22 =	vadd.f32 v25, v33;
	v33 =	vbroadcast v1, $0xD  }
0x1ca: {  	v31 =	vbroadcast v2, $0xD;
	v30 =	vld.idx.msk [tilespmem:v16+s3+$0x0], $0xffff;
	v24 =	vmul.f32 v24, v13;
	v23 =	vadd.f32 v23, v34  }
0x1cb: {  	v27 =	vmul.f32 v28, v12;
	v28 =	vld [tilespmem:$0x4C70];
	v25 =	vmul.f32 v33, v15  }
0x1cc: {  	v31 =	vmul.f32 v31, v15;
	v22 =	vmax.f32 v22, $0.0e+00;
	v33 =	vld [tilespmem:$0x4F70];
	v23 =	vadd.f32 v24, v23  }
0x1cd: {  	v34 =	vbroadcast v6, $0xD;
	v24 =	vld [tilespmem:$0x4C80];
	v20 =	vmul.f32 v22, v20;
	v22 =	vadd.f32 v29, v25  }
0x1ce: {  	v25 =	vmul.f32 v32, v14;
	v29 =	vld [tilespmem:$0x4F80];
	v32 =	vbroadcast v7, $0xD;
	v23 =	vadd.f32 v27, v23  }
0x1cf: {  	v27 =	vadd.f32 v30, v31;
	v30 =	vmul.f32 v34, v14;
	v18 =	vadd.f32 v20, v18  }
0x1d0: {  	v20 =	vld [tilespmem:$0x4C90];
	v31 =	vbroadcast v2, $0xE;
	v22 =	vadd.f32 v22, v25;
	v34 =	vmul.f32 v28, v13  }
0x1d1: {  	v23 =	vmax.f32 v23, $0.0e+00;
	v27 =	vadd.f32 v27, v30;
	v33 =	vmul.f32 v33, v13;
	v30 =	vld.idx.msk [tilespmem:v16+s1+$0x0], $0xffff  }
0x1d2: {  	v25 =	vld [tilespmem:$0x4F90];
	v22 =	vadd.f32 v34, v22;
	v24 =	vmul.f32 v24, v12;
	v34 =	vbroadcast v3, $0xD  }
0x1d3: {  	v28 =	vld [tilespmem:$0x5270];
	v23 =	vmul.f32 v23, v26;
	v26 =	vadd.f32 v33, v27;
	v33 =	vmul.f32 v29, v12  }
0x1d4: {  	v22 =	vadd.f32 v24, v22;
	v34 =	vmul.f32 v34, v15  }
0x1d5: {  	v31 =	vmul.f32 v31, v15;
	v27 =	vmul.f32 v32, v14;
	v33 =	vadd.f32 v33, v26;
	v26 =	vld [tilespmem:$0x5280]  }
0x1d6: {  	v29 =	vld.idx.msk [tilespmem:v16+s23+$0x0], $0xffff;
	v17 =	vadd.f32 v23, v17;
	v22 =	vmax.f32 v22, $0.0e+00;
	v24 =	vadd.f32 v30, v34  }
0x1d7: {  	v23 =	vld [tilespmem:$0x49A0];
	v20 =	vmul.f32 v22, v20;
	v34 =	vmax.f32 v33, $0.0e+00;
	v33 =	vbroadcast v0, $0xE  }
0x1d8: {  	v32 =	vld [tilespmem:$0x4FA0];
	v22 =	vmul.f32 v34, v25;
	v24 =	vadd.f32 v24, v27;
	v27 =	vmul.f32 v28, v13  }
0x1d9: {  	v30 =	vld.idx.msk [tilespmem:v16+s28+$0x0], $0xffff;
	v19 =	vadd.f32 v20, v19;
	v34 =	vmul.f32 v33, v15;
	v33 =	vbroadcast v4, $0xE  }
0x1da: {  	v21 =	vadd.f32 v22, v21;
	v22 =	vadd.f32 v27, v24;
	v24 =	vmul.f32 v26, v12;
	v26 =	vld.idx.msk [tilespmem:v16+s24+$0x0], $0xffff  }
0x1db: {  	v20 =	vld [tilespmem:$0x49B0];
	v27 =	vadd.f32 v29, v34;
	v34 =	vmul.f32 v33, v14;
	v33 =	vbroadcast v1, $0xE  }
0x1dc: {  	v25 =	vld [tilespmem:$0x5290];
	v23 =	vmul.f32 v23, v13;
	v29 =	vbroadcast v5, $0xE  }
0x1dd: {  	v22 =	vadd.f32 v24, v22;
	v24 =	vld [tilespmem:$0x4CA0];
	v27 =	vadd.f32 v27, v34;
	v28 =	vmul.f32 v33, v15  }
0x1de: {  	v30 =	vadd.f32 v30, v31;
	v33 =	vld [tilespmem:$0x4CB0];
	v34 =	vbroadcast v6, $0xE  }
0x1df: {  	v23 =	vadd.f32 v23, v27;
	v26 =	vadd.f32 v26, v28;
	v27 =	vmul.f32 v29, v14;
	v28 =	vld [tilespmem:$0x4FB0]  }
0x1e0: {  	v22 =	vmax.f32 v22, $0.0e+00;
	v20 =	vmul.f32 v20, v12;
	v29 =	vld [tilespmem:$0x49C0];
	v34 =	vmul.f32 v34, v14  }
0x1e1: {  	v22 =	vmul.f32 v22, v25;
	v26 =	vadd.f32 v26, v27  }
0x1e2: {  	v31 =	vld [tilespmem:$0x4FC0];
	v24 =	vmul.f32 v24, v13;
	v20 =	vadd.f32 v20, v23;
	v23 =	vadd.f32 v30, v34  }
0x1e3: {  	v27 =	vmul.f32 v32, v13;
	v30 =	vld.idx.msk [tilespmem:v16+s4+$0x0], $0xffff;
	v32 =	vbroadcast v3, $0xE;
	v18 =	vadd.f32 v22, v18  }
0x1e4: {  	v25 =	vld [tilespmem:$0x4CC0];
	v24 =	vadd.f32 v24, v26;
	v26 =	vmul.f32 v33, v12;
	v20 =	vmax.f32 v20, $0.0e+00  }
0x1e5: {  	v23 =	vadd.f32 v27, v23;
	v27 =	vmul.f32 v28, v12;
	v28 =	vld [tilespmem:$0x52A0];
	v20 =	vmul.f32 v20, v29  }
0x1e6: {  	v29 =	vld.idx.msk [tilespmem:v16+s5+$0x0], $0xffff;
	v24 =	vadd.f32 v26, v24;
	v26 =	vmul.f32 v32, v15;
	v32 =	vbroadcast v7, $0xE  }
0x1e7: {  	v34 =	vadd.f32 v27, v23;
	v23 =	vld [tilespmem:$0x52B0];
	v17 =	vadd.f32 v20, v17;
	v20 =	vbroadcast v0, $0xF  }
0x1e8: {  	v24 =	vmax.f32 v24, $0.0e+00;
	v26 =	vadd.f32 v30, v26;
	v32 =	vmul.f32 v32, v14  }
0x1e9: {  	v27 =	vld [tilespmem:$0x49E0];
	v33 =	vmul.f32 v24, v25;
	v22 =	vmax.f32 v34, $0.0e+00;
	v20 =	vmul.f32 v20, v15  }
0x1ea: {  	v30 =	vld.idx.msk [tilespmem:v16+s6+$0x0], $0xffff;
	v22 =	vmul.f32 v22, v31;
	v25 =	vadd.f32 v26, v32;
	v34 =	vmul.f32 v28, v13  }
0x1eb: {  	v24 =	vld [tilespmem:$0x49D0];
	v19 =	vadd.f32 v33, v19;
	v33 =	vbroadcast v4, $0xF;
	v20 =	vadd.f32 v29, v20  }
0x1ec: {  	v26 =	vld [tilespmem:$0x4CD0];
	v25 =	vadd.f32 v34, v25;
	v23 =	vmul.f32 v23, v12;
	v34 =	vbroadcast v1, $0xF  }
0x1ed: {  	v32 =	vld.idx.msk [tilespmem:v16+s7+$0x0], $0xffff;
	v29 =	vbroadcast v2, $0xF;
	v21 =	vadd.f32 v22, v21;
	v22 =	vmul.f32 v33, v14  }
0x1ee: {  	v31 =	vbroadcast v5, $0xF;
	v16 =	vld.idx.msk [tilespmem:v16+s8+$0x0], $0xffff;
	v23 =	vadd.f32 v23, v25;
	v25 =	vmul.f32 v34, v15  }
0x1ef: {  	v28 =	vld [tilespmem:$0x4CE0];
	v33 =	vbroadcast v3, $0xF;
	v20 =	vadd.f32 v20, v22;
	v22 =	vmul.f32 v29, v15  }
0x1f0: {  	v29 =	vbroadcast v6, $0xF;
	v25 =	vadd.f32 v30, v25;
	v30 =	vmul.f32 v31, v14;
	v31 =	vld [tilespmem:$0x4FD0]  }
0x1f1: {  	v34 =	vld [tilespmem:$0x52D0];
	v15 =	vmul.f32 v33, v15;
	v33 =	vbroadcast v7, $0xF  }
0x1f2: {  	v24 =	vmul.f32 v24, v13;
	v22 =	vadd.f32 v32, v22;
	v29 =	vmul.f32 v29, v14;
	v32 =	vld [tilespmem:$0x52E0]  }
0x1f3: {  	v15 =	vadd.f32 v16, v15;
	v14 =	vmul.f32 v33, v14;
	v25 =	vadd.f32 v25, v30;
	v30 =	vld [tilespmem:$0x4FE0]  }
0x1f4: {  	v26 =	vmul.f32 v26, v13;
	v20 =	vadd.f32 v24, v20;
	v16 =	vld [tilespmem:$0x52C0];
	v22 =	vadd.f32 v22, v29  }
0x1f5: {  	v14 =	vadd.f32 v15, v14;
	v15 =	vmul.f32 v27, v12;
	v27 =	vld [tilespmem:$0x4CF0];
	v33 =	vmul.f32 v31, v13  }
0x1f6: {  	v24 =	vadd.f32 v26, v25;
	v25 =	vld [tilespmem:$0x49F0];
	v13 =	vmul.f32 v34, v13  }
0x1f7: {  	v28 =	vmul.f32 v28, v12;
	v26 =	vld [tilespmem:$0x4FF0];
	v15 =	vadd.f32 v15, v20;
	v22 =	vadd.f32 v33, v22  }
0x1f8: {  	v34 =	vld [tilespmem:$0x52F0];
	v33 =	vmul.f32 v30, v12;
	v13 =	vadd.f32 v13, v14;
	v12 =	vmul.f32 v32, v12  }
0x1f9: {  	v24 =	vadd.f32 v28, v24;
	v28 =	vmax.f32 v23, $0.0e+00  }
0x1fa: {  	v15 =	vmax.f32 v15, $0.0e+00;
	v22 =	vadd.f32 v33, v22;
	v12 =	vadd.f32 v12, v13  }
0x1fb: {  	v29 =	vmax.f32 v24, $0.0e+00;
	v13 =	vmul.f32 v28, v16;
	v15 =	vmul.f32 v15, v25  }
0x1fc: {  	p1 =	sne.s32 s11, $0x1;
	v16 =	vmul.f32 v29, v27;
	v30 =	vmax.f32 v22, $0.0e+00;
	v12 =	vmax.f32 v12, $0.0e+00  }
.Ltmp0:
0x1fd: {  	v13 =	vadd.f32 v13, v18;
	v31 =	vmul.f32 v30, v26;
	v12 =	vmul.f32 v12, v34;
	(pc) =	sbr.rel @p1 .LBB2_2-.Ltmp0, $4  }
0x1fe: {  	v32 =	vadd.f32 v15, v17;
	v33 =	vadd.f32 v16, v19  }
0x1ff: {  	v34 =	vadd.f32 v31, v21;
	v12 =	vadd.f32 v12, v13  }
0x200: {  	s16 =	sadd.s32 $0x10, s16;
	s12 =	sadd.s32 $0x10, s12;
	s13 =	sadd.s32 $0x10, s13;
	v11 =	vadd.f32 v32, v11;
	v10 =	vadd.f32 v33, v10  }
0x201: {  	s14 =	sadd.s32 $0x10, s14;
	s11 =	sadd.s32 $0xFFFFFFFF, s11;
	s15 =	sadd.s32 $0x10, s15;
	v8 =	vadd.f32 v34, v8;
	v60 =	vadd.f32 v12, v60  }
0x202: {  	v0 =	vadd.f32 v10, v11;
	_ =	sdelay $0x1  }
0x203: {  	v0 =	vadd.f32 v8, v0;
	_ =	sdelay $0x1  }
0x204: {  	v0 =	vadd.f32 v60, v0;
	_ =	sdelay $0x1  }
0x205: {  	v0 =	vadd.f32 v53, v0;
	_ =	sdelay $0x1  }
0x206: {  	s10 =	sadd.s32 $0x1, s10;
	v0 =	vmul.f32 $3.808798790e-04, v0  }
0x207: {  	p1 =	sne.s32 s10, s22  }
.Ltmp1:
0x208: {  	s11 =	simm.s32 $0x5480;
	[tilespmem:$0x5480] =	vst v0;
	(pc) =	sbr.rel @p1 .LBB2_1-.Ltmp1, $4  }
0x209: {  	[hbm4b:s21+s2] =	stream.linear.scatter [tilespmem:s11], [sflag:$0x2], $0x80, $0x38;
	[tilespmem:$0x5500] =	vst v63  }
0x20a: {  	_ =	swait.ge [sflag:s9], $0x80  }
0x20b: {  	[sflag:s9] =	ssyncset.done $0x0  }
0x20c: {  	[sflag:s9] =	ssyncadd.s32 $0xFFFFFF80  }
0x20d: {  	_ =	sfence.sel $0x180000  }
0x20e: {  	[bflag:$0x0] =	sbarrier.arrive $0xFFFF  }
0x20f: {  	_ =	strace $0x90000047  }
0x210: {  	s0 =	stileid.u32;
	[bflag:$0x2] =	sbarrier.arrive $0xFFFF  }
0x211: {  	p0 =	sne.s32 s0, $0x0;
	s0 =	rddreg [dreg:$0x3]  }
0x212: {  	s0 =	sadd.s32 @!p0 $0x100000, s0  }
0x213: {  	[sflag:s0] =	ssyncadd.tile.s32 @!p0 $0x1;
	_ =	shalt  }
.Lfunc_end2:
_tile_overlayer_lowered:
.L_overlay_start_2:
0x214: {  	(tag) =	ssettag $0x2  }
0x215: {  	s0 =	rddreg [dreg:$0x0];
	s2 =	stileid.u32  }
0x216: {  	s1 =	rddreg [dreg:$0x1];
	p0 =	sne.s32 s2, $0x0  }
0x217: {  	s3 =	rddreg [dreg:$0x2];
	[bflag:$0x3] =	sbarrier.arrive $0xFFFF;
	s2 =	simm.s32 @!p0 $0x1C02  }
0x218: {  	[timem:s3], [sflag:s2] =	dma.local @!p0 [hbm:s0], s1  }
0x219: {  	s0 =	simm.s32 @!p0 $0x2  }
0x21a: {  	_ =	swait.ge @!p0 [sflag:s0], s1  }
0x21b: {  	s1 =	ssub.s32 @!p0 $0x0, s1;
	[sflag:s0] =	ssyncset.done @!p0 $0x0  }
0x21c: {  	[sflag:s0] =	ssyncadd.s32 @!p0 s1  }
0x21d: {  	[bflag:$0x3] =	sbarrier.arrive $0xFFFF  }
0x21e: {  	_ =	shalt  }

</sc_bundles>
